<compile_context>
chip_gen: v7x
topology: tpu7x:2x2x1
jax: 0.10.2.dev20260603
libtpu: 0.0.44.dev20260713+nightly
codegen_flags: <defaults>
</compile_context>

<pallas_src>
import functools

import jax
import jax.numpy as jnp
from jax import lax
from jax.experimental import pallas as pl
from jax.experimental.pallas import tpu as pltpu
from jax.experimental.pallas import tpu_sc as plsc

SEQ = 16384
NE = 64
NG = 8
GSZ = NE // NG
TOPK = 8
TOPKG = 4
SCALE = 2.5
LANES = 16

_INFO = plsc.get_sparse_core_info()
NC = _INFO.num_cores
NS = _INFO.num_subcores
NW = NC * NS
TPW = SEQ // NW
NT = TPW // LANES


def _top2_combine(x1, x2, y1, y2):
    return jnp.maximum(x1, y1), jnp.maximum(jnp.minimum(x1, y1),
                                            jnp.maximum(x2, y2))


def _tree(vs, op):
    vs = list(vs)
    while len(vs) > 1:
        nxt = [op(vs[i], vs[i + 1]) for i in range(0, len(vs) - 1, 2)]
        if len(vs) % 2:
            nxt.append(vs[-1])
        vs = nxt
    return vs[0]


def _max_tree(vs):
    return _tree(vs, jnp.maximum)


def _min_tree(vs):
    return _tree(vs, jnp.minimum)


def _sum_tree(vs):
    return _tree(vs, lambda a, b: a + b)


def _argmax_tree(vs):
    pairs = [(v, jnp.full((LANES,), i, jnp.int32)) for i, v in enumerate(vs)]
    while len(pairs) > 1:
        nxt = []
        for i in range(0, len(pairs) - 1, 2):
            (a, ai), (b, bi) = pairs[i], pairs[i + 1]
            ge = a >= b
            nxt.append((jnp.where(ge, a, b), jnp.where(ge, ai, bi)))
        if len(pairs) % 2:
            nxt.append(pairs[-1])
        pairs = nxt
    return pairs[0]


def _router_body(lgt_hbm, bias_hbm, rwt_hbm, twt_hbm, tit_hbm, hist_hbm,
                 chunk, scm_t, bias_vm, oidx, ow, counts):
    c = lax.axis_index("c")
    s = lax.axis_index("s")
    wid = s * NC + c

    pltpu.sync_copy(lgt_hbm.at[wid], chunk)
    pltpu.sync_copy(bias_hbm, bias_vm)

    lane = lax.iota(jnp.int32, LANES)
    zeros = jnp.zeros((LANES,), jnp.float32)
    ones = jnp.ones((LANES,), jnp.float32)
    neg_inf = jnp.full((LANES,), -jnp.inf, jnp.float32)
    big = jnp.full((LANES,), NG, jnp.int32)
    bigj = jnp.full((LANES,), GSZ, jnp.int32)
    for i in range(NE // LANES):
        counts[pl.ds(i * LANES, LANES)] = zeros

    def tile_body(t, carry):
        t16 = t * LANES

        gs = []
        gtop = []
        gsum = []
        for g in range(NG):
            es = [g * GSZ + j for j in range(GSZ)]
            bs = [bias_vm[pl.ds(e * LANES, LANES)] for e in es]
            xs = [chunk[e, pl.ds(t16, LANES)] for e in es]
            ex = [jnp.exp(-x) for x in xs]
            dn = [1.0 + v for v in ex]
            rc = [1.0 / d for d in dn]
            scl = [rc[j] + bs[j] for j in range(GSZ)]
            for j in range(GSZ):
                scm_t[pl.ds(es[j] * LANES, LANES)] = scl[j]
            p1 = [jnp.maximum(scl[2 * k], scl[2 * k + 1]) for k in range(4)]
            p2 = [jnp.minimum(scl[2 * k], scl[2 * k + 1]) for k in range(4)]
            a1, a2 = _top2_combine(p1[0], p2[0], p1[1], p2[1])
            b1, b2 = _top2_combine(p1[2], p2[2], p1[3], p2[3])
            g1, g2 = _top2_combine(a1, a2, b1, b2)
            gs.append(g1 + g2)
            gtop.append(g1)
            gsum.append(_sum_tree(scl))

        chosen = [None] * NG
        for _ in range(TOPKG):
            _, gi = _argmax_tree(gs)
            for g in range(NG):
                hit = gi == g
                chosen[g] = hit if chosen[g] is None else (chosen[g] | hit)
                gs[g] = jnp.where(hit, neg_inf, gs[g])

        rsum = _sum_tree([jnp.where(chosen[g], gsum[g], 0.0)
                          for g in range(NG)])
        rcp = 1.0 / rsum

        gmax = [jnp.where(chosen[g], gtop[g], 0.0) for g in range(NG)]
        for g in range(NG):
            rg = jnp.where(chosen[g], rcp, 0.0)
            raw = [scm_t[pl.ds((g * GSZ + j) * LANES, LANES)]
                   for j in range(GSZ)]
            rws = [v * rg for v in raw]
            for j in range(GSZ):
                chunk[g * GSZ + j, pl.ds(t16, LANES)] = rws[j]

        wvs = []
        for r in range(TOPK):
            cur, gsel = _argmax_tree(gmax)
            grow = gsel * (GSZ * LANES) + lane
            cand = [plsc.load_gather(scm_t, [grow + j * LANES])
                    for j in range(GSZ)]
            jsel = _min_tree([
                jnp.where(cand[j] == cur,
                          jnp.full((LANES,), j, jnp.int32), bigj)
                for j in range(GSZ)])
            esel = gsel * GSZ + jsel
            eoff = grow + jsel * LANES
            wvs.append(plsc.load_gather(scm_t, [eoff])
                       - plsc.load_gather(bias_vm, [eoff]))
            plsc.store_scatter(scm_t, [eoff], neg_inf)
            newg = _max_tree([
                jnp.where(jsel == j, neg_inf, cand[j]) for j in range(GSZ)])
            for g in range(NG):
                gmax[g] = jnp.where(gsel == g, newg, gmax[g])
            oidx[r, pl.ds(t16, LANES)] = esel
            plsc.addupdate_scatter(counts, [esel], ones)

        factor = SCALE / (_sum_tree(wvs) + 1e-20)
        for r in range(TOPK):
            ow[r, pl.ds(t16, LANES)] = wvs[r] * factor
        return carry

    lax.fori_loop(0, NT, tile_body, 0, unroll=False)

    pltpu.sync_copy(chunk, rwt_hbm.at[wid])
    pltpu.sync_copy(oidx, tit_hbm.at[wid])
    pltpu.sync_copy(ow, twt_hbm.at[wid])
    pltpu.sync_copy(counts, hist_hbm.at[wid])


_router = functools.partial(
    pl.kernel,
    out_type=[
        jax.ShapeDtypeStruct((NW, NE, TPW), jnp.float32),
        jax.ShapeDtypeStruct((NW, TOPK, TPW), jnp.float32),
        jax.ShapeDtypeStruct((NW, TOPK, TPW), jnp.int32),
        jax.ShapeDtypeStruct((NW, NE), jnp.float32),
    ],
    mesh=plsc.VectorSubcoreMesh(core_axis_name="c", subcore_axis_name="s"),
    compiler_params=pltpu.CompilerParams(needs_layout_passes=False,
                                         use_tc_tiling_on_sc=False),
    scratch_types=[
        pltpu.VMEM((NE, TPW), jnp.float32),
        pltpu.VMEM((NE * LANES,), jnp.float32),
        pltpu.VMEM((NE * LANES,), jnp.float32),
        pltpu.VMEM((TOPK, TPW), jnp.int32),
        pltpu.VMEM((TOPK, TPW), jnp.float32),
        pltpu.VMEM((NE,), jnp.float32),
    ],
)(_router_body)


@jax.jit
def kernel(logits, e_score_correction_bias):
    bias_b = jnp.broadcast_to(
        e_score_correction_bias.astype(jnp.float32)[:, None],
        (NE, LANES)).reshape(-1)
    lgt = jnp.transpose(logits.reshape(NW, TPW, NE), (0, 2, 1))
    rwt, twt, tit, hist = _router(lgt, bias_b)
    rw = jnp.transpose(rwt, (0, 2, 1)).reshape(SEQ, NE)
    tw = jnp.transpose(twt, (0, 2, 1)).reshape(SEQ, TOPK)
    ti = jnp.transpose(tit, (0, 2, 1)).reshape(SEQ, TOPK)
    return (logits, rw, tw, ti, hist.sum(axis=0))

# --- scband reference (transcript-rebuilt; emitter-appended) ---
"""Pipeline reference for scband-no-aux-router-52647709114691 (READ-ONLY COPY).

The authoritative reference and input builder live on the scoring server;
editing this copy changes nothing except your own understanding.
"""

import jax, jax.numpy as jnp
import numpy as np

N_EXPERTS = 64
TOP_K = 8
N_GROUP = 8
TOPK_GROUP = 4
SCALE = 2.5
SEQ = 16384


def setup_inputs(seed: int = 0) -> dict:
    key = jax.random.key(seed)
    k1, k2 = jax.random.split(key)
    logits = jax.random.normal(k1, (SEQ, N_EXPERTS), dtype=jnp.float32)
    e_score_correction_bias = jax.random.normal(k2, (N_EXPERTS,), dtype=jnp.float32) * 0.01
    return {"logits": logits, "e_score_correction_bias": e_score_correction_bias}


def reference(logits, e_score_correction_bias):
    scores = jax.nn.sigmoid(logits)
    scores_for_choice = scores + e_score_correction_bias[None, :]
    seq_len = scores_for_choice.shape[0]
    # group-limited routing: n_group != topk_group branch
    gs = scores_for_choice.reshape(seq_len, N_GROUP, N_EXPERTS // N_GROUP)
    top2_vals, _ = jax.lax.top_k(gs, 2)
    group_scores = top2_vals.sum(axis=-1)
    _, group_idx = jax.lax.top_k(group_scores, TOPK_GROUP)
    group_mask = jnp.zeros((seq_len, N_GROUP), dtype=jnp.float32)
    group_mask = group_mask.at[jnp.arange(seq_len)[:, None], group_idx].set(1.0)
    # expand each group flag across its experts (contiguous per group)
    score_mask = jnp.repeat(group_mask, N_EXPERTS // N_GROUP, axis=1)
    scores_for_choice = jnp.where(score_mask > 0, scores_for_choice, 0.0)
    _, topk_idx = jax.lax.top_k(scores_for_choice, TOP_K)
    topk_weight = jnp.take_along_axis(scores, topk_idx, axis=1)
    router_weights = scores_for_choice / jnp.sum(scores_for_choice, axis=-1, keepdims=True)
    denominator = topk_weight.sum(axis=-1, keepdims=True) + 1e-20
    topk_weight = topk_weight / denominator
    topk_weight = topk_weight * SCALE
    tokens_per_expert = jnp.bincount(topk_idx.reshape(-1), length=N_EXPERTS).astype(jnp.float32)
    return (logits, router_weights, topk_weight, topk_idx, tokens_per_expert)

if __name__ == "__main__":
    import jax
    _d = setup_inputs()
    print(jax.jit(kernel)(*tuple(_d.values())))

</pallas_src>

<mosaic_0001>
#map = affine_map<(d0, d1) -> (0, 0, 0)>
#map1 = affine_map<(d0, d1) -> (0)>
#map2 = affine_map<(d0, d1) -> (0, 0)>
module attributes {stable_mosaic.version = 14 : i64} {
  func.func @_router_body(%arg0: i32, %arg1: i32, %arg2: memref<32x64x512xf32, #tpu.memory_space<hbm>>, %arg3: memref<1024xf32, #tpu.memory_space<hbm>>, %arg4: memref<32x64x512xf32, #tpu.memory_space<hbm>>, %arg5: memref<32x8x512xf32, #tpu.memory_space<hbm>>, %arg6: memref<32x8x512xi32, #tpu.memory_space<hbm>>, %arg7: memref<32x64xf32, #tpu.memory_space<hbm>>, %arg8: memref<64x512xf32, #tpu.memory_space<vmem>>, %arg9: memref<1024xf32, #tpu.memory_space<vmem>>, %arg10: memref<1024xf32, #tpu.memory_space<vmem>>, %arg11: memref<8x512xi32, #tpu.memory_space<vmem>>, %arg12: memref<8x512xf32, #tpu.memory_space<vmem>>, %arg13: memref<64xf32, #tpu.memory_space<vmem>>) attributes {dimension_semantics = [#tpu.dimension_semantics<core_parallel>, #tpu.dimension_semantics<subcore_parallel>], iteration_bounds = array<i64: 2, 16>, scalar_prefetch = 0 : i64, scratch_operands = 6 : i64, tpu.core_type = #tpu.core_type<sc_vector_subcore>, window_params = [{transform_indices = #map}, {transform_indices = #map1}, {transform_indices = #map}, {transform_indices = #map}, {transform_indices = #map}, {transform_indices = #map2}]} {
    %mul3A = arith.constant 2 : i32
    %mul3A_0 = arith.muli %arg1, %mul3A : i32
    %add3A = arith.addi %mul3A_0, %arg0 : i32
    "tpu.region"() ({
      %run_scoped3A = tpu.sem_alloc : memref<!tpu.dma_semaphore, #tpu.memory_space<semaphore_mem>>
      %dma_start3A = arith.constant 0 : i32
      %dma_start3A_22 = arith.constant 0 : i32
      %dma_start3A_23 = tpu.memref_slice %arg2[%add3A, %dma_start3A, %dma_start3A_22] : memref<32x64x512xf32, #tpu.memory_space<hbm>> -> memref<1x64x512xf32, #tpu.memory_space<hbm>>
      %dma_start3A_24 = tpu.memref_squeeze %dma_start3A_23 : memref<1x64x512xf32, #tpu.memory_space<hbm>> -> memref<64x512xf32, #tpu.memory_space<hbm>>
      %dma_start3A_25 = arith.constant 0 : i32
      %dma_start3A_26 = arith.constant 0 : i32
      %dma_start3A_27 = tpu.memref_slice %arg2[%add3A, %dma_start3A_25, %dma_start3A_26] : memref<32x64x512xf32, #tpu.memory_space<hbm>> -> memref<1x64x512xf32, #tpu.memory_space<hbm>>
      %dma_start3A_28 = tpu.memref_squeeze %dma_start3A_27 : memref<1x64x512xf32, #tpu.memory_space<hbm>> -> memref<64x512xf32, #tpu.memory_space<hbm>>
      tpu.enqueue_dma source(%dma_start3A_28 : memref<64x512xf32, #tpu.memory_space<hbm>>) target(%arg8 : memref<64x512xf32, #tpu.memory_space<vmem>>) target_semaphore(%run_scoped3A : memref<!tpu.dma_semaphore, #tpu.memory_space<semaphore_mem>>)
      %dma_wait3A = arith.constant 0 : i32
      %dma_wait3A_29 = arith.constant 0 : i32
      %dma_wait3A_30 = tpu.memref_slice %arg2[%add3A, %dma_wait3A, %dma_wait3A_29] : memref<32x64x512xf32, #tpu.memory_space<hbm>> -> memref<1x64x512xf32, #tpu.memory_space<hbm>>
      %dma_wait3A_31 = tpu.memref_squeeze %dma_wait3A_30 : memref<1x64x512xf32, #tpu.memory_space<hbm>> -> memref<64x512xf32, #tpu.memory_space<hbm>>
      %dma_wait3A_32 = arith.constant 0 : i32
      %dma_wait3A_33 = arith.constant 0 : i32
      %dma_wait3A_34 = tpu.memref_slice %arg2[%add3A, %dma_wait3A_32, %dma_wait3A_33] : memref<32x64x512xf32, #tpu.memory_space<hbm>> -> memref<1x64x512xf32, #tpu.memory_space<hbm>>
      %dma_wait3A_35 = tpu.memref_squeeze %dma_wait3A_34 : memref<1x64x512xf32, #tpu.memory_space<hbm>> -> memref<64x512xf32, #tpu.memory_space<hbm>>
      tpu.wait_dma2 semaphore(%run_scoped3A : memref<!tpu.dma_semaphore, #tpu.memory_space<semaphore_mem>>) src(%dma_wait3A_35 : memref<64x512xf32, #tpu.memory_space<hbm>>) dst(%arg8 : memref<64x512xf32, #tpu.memory_space<vmem>>)
      tpu.yield
    }) : () -> ()
    "tpu.region"() ({
      %run_scoped3A = tpu.sem_alloc : memref<!tpu.dma_semaphore, #tpu.memory_space<semaphore_mem>>
      tpu.enqueue_dma source(%arg3 : memref<1024xf32, #tpu.memory_space<hbm>>) target(%arg10 : memref<1024xf32, #tpu.memory_space<vmem>>) target_semaphore(%run_scoped3A : memref<!tpu.dma_semaphore, #tpu.memory_space<semaphore_mem>>)
      tpu.wait_dma2 semaphore(%run_scoped3A : memref<!tpu.dma_semaphore, #tpu.memory_space<semaphore_mem>>) src(%arg3 : memref<1024xf32, #tpu.memory_space<hbm>>) dst(%arg10 : memref<1024xf32, #tpu.memory_space<vmem>>)
      tpu.yield
    }) : () -> ()
    %iota3A = tpu.iota {dimensions = array<i32: 0>} : vector<16xi32>
    %broadcast_in_dim3A = arith.constant 0.000000e+00 : f32
    %broadcast_in_dim3A_1 = vector.broadcast %broadcast_in_dim3A : f32 to vector<16xf32>
    %broadcast_in_dim3A_2 = arith.constant 1.000000e+00 : f32
    %broadcast_in_dim3A_3 = vector.broadcast %broadcast_in_dim3A_2 : f32 to vector<16xf32>
    %broadcast_in_dim3A_4 = arith.constant 0xFF800000 : f32
    %broadcast_in_dim3A_5 = vector.broadcast %broadcast_in_dim3A_4 : f32 to vector<16xf32>
    %broadcast_in_dim3A_6 = arith.constant 8 : i32
    %broadcast_in_dim3A_7 = vector.broadcast %broadcast_in_dim3A_6 : i32 to vector<16xi32>
    %broadcast_in_dim3A_8 = arith.constant 8 : i32
    %broadcast_in_dim3A_9 = vector.broadcast %broadcast_in_dim3A_8 : i32 to vector<16xi32>
    %swap3A = arith.constant 0 : index
    %swap3A_10 = tpu.vector_load %arg13[%swap3A] {strides = array<i32>} : memref<64xf32, #tpu.memory_space<vmem>>, vector<16xf32>,
    tpu.vector_store %arg13[%swap3A], %broadcast_in_dim3A_1 {strides = array<i32>} : memref<64xf32, #tpu.memory_space<vmem>>, vector<16xf32>,
    %swap3A_11 = arith.constant 16 : index
    %swap3A_12 = tpu.vector_load %arg13[%swap3A_11] {strides = array<i32>} : memref<64xf32, #tpu.memory_space<vmem>>, vector<16xf32>,
    tpu.vector_store %arg13[%swap3A_11], %broadcast_in_dim3A_1 {strides = array<i32>} : memref<64xf32, #tpu.memory_space<vmem>>, vector<16xf32>,
    %swap3A_13 = arith.constant 32 : index
    %swap3A_14 = tpu.vector_load %arg13[%swap3A_13] {strides = array<i32>} : memref<64xf32, #tpu.memory_space<vmem>>, vector<16xf32>,
    tpu.vector_store %arg13[%swap3A_13], %broadcast_in_dim3A_1 {strides = array<i32>} : memref<64xf32, #tpu.memory_space<vmem>>, vector<16xf32>,
    %swap3A_15 = arith.constant 48 : index
    %swap3A_16 = tpu.vector_load %arg13[%swap3A_15] {strides = array<i32>} : memref<64xf32, #tpu.memory_space<vmem>>, vector<16xf32>,
    tpu.vector_store %arg13[%swap3A_15], %broadcast_in_dim3A_1 {strides = array<i32>} : memref<64xf32, #tpu.memory_space<vmem>>, vector<16xf32>,
    %scan3A = arith.constant 0 : i32
    %scan3A_17 = arith.constant 0 : i32
    %scan3A_18 = arith.constant 32 : i32
    %scan3A_19 = arith.addi %scan3A_17, %scan3A_18 : i32
    %scan3A_20 = arith.constant 1 : i32
    scf.for %scan3A_22 = %scan3A_17 to %scan3A_19 step %scan3A_20  : i32 {
      %mul3A_23 = arith.constant 16 : i32
      %mul3A_24 = arith.muli %scan3A_22, %mul3A_23 : i32
      %get3A = arith.constant 0 : index
      %get3A_25 = tpu.vector_load %arg10[%get3A] {strides = array<i32>} : memref<1024xf32, #tpu.memory_space<vmem>>, vector<16xf32>,
      %get3A_26 = arith.constant 16 : index
      %get3A_27 = tpu.vector_load %arg10[%get3A_26] {strides = array<i32>} : memref<1024xf32, #tpu.memory_space<vmem>>, vector<16xf32>,
      %get3A_28 = arith.constant 32 : index
      %get3A_29 = tpu.vector_load %arg10[%get3A_28] {strides = array<i32>} : memref<1024xf32, #tpu.memory_space<vmem>>, vector<16xf32>,
      %get3A_30 = arith.constant 48 : index
      %get3A_31 = tpu.vector_load %arg10[%get3A_30] {strides = array<i32>} : memref<1024xf32, #tpu.memory_space<vmem>>, vector<16xf32>,
      %get3A_32 = arith.constant 64 : index
      %get3A_33 = tpu.vector_load %arg10[%get3A_32] {strides = array<i32>} : memref<1024xf32, #tpu.memory_space<vmem>>, vector<16xf32>,
      %get3A_34 = arith.constant 80 : index
      %get3A_35 = tpu.vector_load %arg10[%get3A_34] {strides = array<i32>} : memref<1024xf32, #tpu.memory_space<vmem>>, vector<16xf32>,
      %get3A_36 = arith.constant 96 : index
      %get3A_37 = tpu.vector_load %arg10[%get3A_36] {strides = array<i32>} : memref<1024xf32, #tpu.memory_space<vmem>>, vector<16xf32>,
      %get3A_38 = arith.constant 112 : index
      %get3A_39 = tpu.vector_load %arg10[%get3A_38] {strides = array<i32>} : memref<1024xf32, #tpu.memory_space<vmem>>, vector<16xf32>,
      %get3A_40 = arith.constant 0 : i32
      %get3A_41 = arith.index_cast %get3A_40 : i32 to index
      %get3A_42 = arith.index_cast %mul3A_24 : i32 to index
      %get3A_43 = tpu.vector_load %arg8[%get3A_41, %get3A_42] {strides = array<i32>} : memref<64x512xf32, #tpu.memory_space<vmem>>, vector<16xf32>,
      %get3A_44 = arith.constant 1 : i32
      %get3A_45 = arith.index_cast %get3A_44 : i32 to index
      %get3A_46 = arith.index_cast %mul3A_24 : i32 to index
      %get3A_47 = tpu.vector_load %arg8[%get3A_45, %get3A_46] {strides = array<i32>} : memref<64x512xf32, #tpu.memory_space<vmem>>, vector<16xf32>,
      %get3A_48 = arith.constant 2 : i32
      %get3A_49 = arith.index_cast %get3A_48 : i32 to index
      %get3A_50 = arith.index_cast %mul3A_24 : i32 to index
      %get3A_51 = tpu.vector_load %arg8[%get3A_49, %get3A_50] {strides = array<i32>} : memref<64x512xf32, #tpu.memory_space<vmem>>, vector<16xf32>,
      %get3A_52 = arith.constant 3 : i32
      %get3A_53 = arith.index_cast %get3A_52 : i32 to index
      %get3A_54 = arith.index_cast %mul3A_24 : i32 to index
      %get3A_55 = tpu.vector_load %arg8[%get3A_53, %get3A_54] {strides = array<i32>} : memref<64x512xf32, #tpu.memory_space<vmem>>, vector<16xf32>,
      %get3A_56 = arith.constant 4 : i32
      %get3A_57 = arith.index_cast %get3A_56 : i32 to index
      %get3A_58 = arith.index_cast %mul3A_24 : i32 to index
      %get3A_59 = tpu.vector_load %arg8[%get3A_57, %get3A_58] {strides = array<i32>} : memref<64x512xf32, #tpu.memory_space<vmem>>, vector<16xf32>,
      %get3A_60 = arith.constant 5 : i32
      %get3A_61 = arith.index_cast %get3A_60 : i32 to index
      %get3A_62 = arith.index_cast %mul3A_24 : i32 to index
      %get3A_63 = tpu.vector_load %arg8[%get3A_61, %get3A_62] {strides = array<i32>} : memref<64x512xf32, #tpu.memory_space<vmem>>, vector<16xf32>,
      %get3A_64 = arith.constant 6 : i32
      %get3A_65 = arith.index_cast %get3A_64 : i32 to index
      %get3A_66 = arith.index_cast %mul3A_24 : i32 to index
      %get3A_67 = tpu.vector_load %arg8[%get3A_65, %get3A_66] {strides = array<i32>} : memref<64x512xf32, #tpu.memory_space<vmem>>, vector<16xf32>,
      %get3A_68 = arith.constant 7 : i32
      %get3A_69 = arith.index_cast %get3A_68 : i32 to index
      %get3A_70 = arith.index_cast %mul3A_24 : i32 to index
      %get3A_71 = tpu.vector_load %arg8[%get3A_69, %get3A_70] {strides = array<i32>} : memref<64x512xf32, #tpu.memory_space<vmem>>, vector<16xf32>,
      %neg3A = arith.constant 0.000000e+00 : f32
      %neg3A_72 = vector.broadcast %neg3A : f32 to vector<16xf32>
      %neg3A_73 = arith.subf %neg3A_72, %get3A_43 : vector<16xf32>
      %exp3A = math.exp %neg3A_73 : vector<16xf32>
      %neg3A_74 = arith.constant 0.000000e+00 : f32
      %neg3A_75 = vector.broadcast %neg3A_74 : f32 to vector<16xf32>
      %neg3A_76 = arith.subf %neg3A_75, %get3A_47 : vector<16xf32>
      %exp3A_77 = math.exp %neg3A_76 : vector<16xf32>
      %neg3A_78 = arith.constant 0.000000e+00 : f32
      %neg3A_79 = vector.broadcast %neg3A_78 : f32 to vector<16xf32>
      %neg3A_80 = arith.subf %neg3A_79, %get3A_51 : vector<16xf32>
      %exp3A_81 = math.exp %neg3A_80 : vector<16xf32>
      %neg3A_82 = arith.constant 0.000000e+00 : f32
      %neg3A_83 = vector.broadcast %neg3A_82 : f32 to vector<16xf32>
      %neg3A_84 = arith.subf %neg3A_83, %get3A_55 : vector<16xf32>
      %exp3A_85 = math.exp %neg3A_84 : vector<16xf32>
      %neg3A_86 = arith.constant 0.000000e+00 : f32
      %neg3A_87 = vector.broadcast %neg3A_86 : f32 to vector<16xf32>
      %neg3A_88 = arith.subf %neg3A_87, %get3A_59 : vector<16xf32>
      %exp3A_89 = math.exp %neg3A_88 : vector<16xf32>
      %neg3A_90 = arith.constant 0.000000e+00 : f32
      %neg3A_91 = vector.broadcast %neg3A_90 : f32 to vector<16xf32>
      %neg3A_92 = arith.subf %neg3A_91, %get3A_63 : vector<16xf32>
      %exp3A_93 = math.exp %neg3A_92 : vector<16xf32>
      %neg3A_94 = arith.constant 0.000000e+00 : f32
      %neg3A_95 = vector.broadcast %neg3A_94 : f32 to vector<16xf32>
      %neg3A_96 = arith.subf %neg3A_95, %get3A_67 : vector<16xf32>
      %exp3A_97 = math.exp %neg3A_96 : vector<16xf32>
      %neg3A_98 = arith.constant 0.000000e+00 : f32
      %neg3A_99 = vector.broadcast %neg3A_98 : f32 to vector<16xf32>
      %neg3A_100 = arith.subf %neg3A_99, %get3A_71 : vector<16xf32>
      %exp3A_101 = math.exp %neg3A_100 : vector<16xf32>
      %add3A_102 = arith.constant 1.000000e+00 : f32
      %add3A_103 = vector.broadcast %add3A_102 : f32 to vector<16xf32>
      %add3A_104 = arith.addf %add3A_103, %exp3A : vector<16xf32>
      %add3A_105 = arith.constant 1.000000e+00 : f32
      %add3A_106 = vector.broadcast %add3A_105 : f32 to vector<16xf32>
      %add3A_107 = arith.addf %add3A_106, %exp3A_77 : vector<16xf32>
      %add3A_108 = arith.constant 1.000000e+00 : f32
      %add3A_109 = vector.broadcast %add3A_108 : f32 to vector<16xf32>
      %add3A_110 = arith.addf %add3A_109, %exp3A_81 : vector<16xf32>
      %add3A_111 = arith.constant 1.000000e+00 : f32
      %add3A_112 = vector.broadcast %add3A_111 : f32 to vector<16xf32>
      %add3A_113 = arith.addf %add3A_112, %exp3A_85 : vector<16xf32>
      %add3A_114 = arith.constant 1.000000e+00 : f32
      %add3A_115 = vector.broadcast %add3A_114 : f32 to vector<16xf32>
      %add3A_116 = arith.addf %add3A_115, %exp3A_89 : vector<16xf32>
      %add3A_117 = arith.constant 1.000000e+00 : f32
      %add3A_118 = vector.broadcast %add3A_117 : f32 to vector<16xf32>
      %add3A_119 = arith.addf %add3A_118, %exp3A_93 : vector<16xf32>
      %add3A_120 = arith.constant 1.000000e+00 : f32
      %add3A_121 = vector.broadcast %add3A_120 : f32 to vector<16xf32>
      %add3A_122 = arith.addf %add3A_121, %exp3A_97 : vector<16xf32>
      %add3A_123 = arith.constant 1.000000e+00 : f32
      %add3A_124 = vector.broadcast %add3A_123 : f32 to vector<16xf32>
      %add3A_125 = arith.addf %add3A_124, %exp3A_101 : vector<16xf32>
      %div3A = arith.constant 1.000000e+00 : f32
      %div3A_126 = vector.broadcast %div3A : f32 to vector<16xf32>
      %div3A_127 = arith.divf %div3A_126, %add3A_104 : vector<16xf32>
      %div3A_128 = arith.constant 1.000000e+00 : f32
      %div3A_129 = vector.broadcast %div3A_128 : f32 to vector<16xf32>
      %div3A_130 = arith.divf %div3A_129, %add3A_107 : vector<16xf32>
      %div3A_131 = arith.constant 1.000000e+00 : f32
      %div3A_132 = vector.broadcast %div3A_131 : f32 to vector<16xf32>
      %div3A_133 = arith.divf %div3A_132, %add3A_110 : vector<16xf32>
      %div3A_134 = arith.constant 1.000000e+00 : f32
      %div3A_135 = vector.broadcast %div3A_134 : f32 to vector<16xf32>
      %div3A_136 = arith.divf %div3A_135, %add3A_113 : vector<16xf32>
      %div3A_137 = arith.constant 1.000000e+00 : f32
      %div3A_138 = vector.broadcast %div3A_137 : f32 to vector<16xf32>
      %div3A_139 = arith.divf %div3A_138, %add3A_116 : vector<16xf32>
      %div3A_140 = arith.constant 1.000000e+00 : f32
      %div3A_141 = vector.broadcast %div3A_140 : f32 to vector<16xf32>
      %div3A_142 = arith.divf %div3A_141, %add3A_119 : vector<16xf32>
      %div3A_143 = arith.constant 1.000000e+00 : f32
      %div3A_144 = vector.broadcast %div3A_143 : f32 to vector<16xf32>
      %div3A_145 = arith.divf %div3A_144, %add3A_122 : vector<16xf32>
      %div3A_146 = arith.constant 1.000000e+00 : f32
      %div3A_147 = vector.broadcast %div3A_146 : f32 to vector<16xf32>
      %div3A_148 = arith.divf %div3A_147, %add3A_125 : vector<16xf32>
      %add3A_149 = arith.addf %div3A_127, %get3A_25 : vector<16xf32>
      %add3A_150 = arith.addf %div3A_130, %get3A_27 : vector<16xf32>
      %add3A_151 = arith.addf %div3A_133, %get3A_29 : vector<16xf32>
      %add3A_152 = arith.addf %div3A_136, %get3A_31 : vector<16xf32>
      %add3A_153 = arith.addf %div3A_139, %get3A_33 : vector<16xf32>
      %add3A_154 = arith.addf %div3A_142, %get3A_35 : vector<16xf32>
      %add3A_155 = arith.addf %div3A_145, %get3A_37 : vector<16xf32>
      %add3A_156 = arith.addf %div3A_148, %get3A_39 : vector<16xf32>
      %swap3A_157 = arith.constant 0 : index
      %swap3A_158 = tpu.vector_load %arg9[%swap3A_157] {strides = array<i32>} : memref<1024xf32, #tpu.memory_space<vmem>>, vector<16xf32>,
      tpu.vector_store %arg9[%swap3A_157], %add3A_149 {strides = array<i32>} : memref<1024xf32, #tpu.memory_space<vmem>>, vector<16xf32>,
      %swap3A_159 = arith.constant 16 : index
      %swap3A_160 = tpu.vector_load %arg9[%swap3A_159] {strides = array<i32>} : memref<1024xf32, #tpu.memory_space<vmem>>, vector<16xf32>,
      tpu.vector_store %arg9[%swap3A_159], %add3A_150 {strides = array<i32>} : memref<1024xf32, #tpu.memory_space<vmem>>, vector<16xf32>,
      %swap3A_161 = arith.constant 32 : index
      %swap3A_162 = tpu.vector_load %arg9[%swap3A_161] {strides = array<i32>} : memref<1024xf32, #tpu.memory_space<vmem>>, vector<16xf32>,
      tpu.vector_store %arg9[%swap3A_161], %add3A_151 {strides = array<i32>} : memref<1024xf32, #tpu.memory_space<vmem>>, vector<16xf32>,
      %swap3A_163 = arith.constant 48 : index
      %swap3A_164 = tpu.vector_load %arg9[%swap3A_163] {strides = array<i32>} : memref<1024xf32, #tpu.memory_space<vmem>>, vector<16xf32>,
      tpu.vector_store %arg9[%swap3A_163], %add3A_152 {strides = array<i32>} : memref<1024xf32, #tpu.memory_space<vmem>>, vector<16xf32>,
      %swap3A_165 = arith.constant 64 : index
      %swap3A_166 = tpu.vector_load %arg9[%swap3A_165] {strides = array<i32>} : memref<1024xf32, #tpu.memory_space<vmem>>, vector<16xf32>,
      tpu.vector_store %arg9[%swap3A_165], %add3A_153 {strides = array<i32>} : memref<1024xf32, #tpu.memory_space<vmem>>, vector<16xf32>,
      %swap3A_167 = arith.constant 80 : index
      %swap3A_168 = tpu.vector_load %arg9[%swap3A_167] {strides = array<i32>} : memref<1024xf32, #tpu.memory_space<vmem>>, vector<16xf32>,
      tpu.vector_store %arg9[%swap3A_167], %add3A_154 {strides = array<i32>} : memref<1024xf32, #tpu.memory_space<vmem>>, vector<16xf32>,
      %swap3A_169 = arith.constant 96 : index
      %swap3A_170 = tpu.vector_load %arg9[%swap3A_169] {strides = array<i32>} : memref<1024xf32, #tpu.memory_space<vmem>>, vector<16xf32>,
      tpu.vector_store %arg9[%swap3A_169], %add3A_155 {strides = array<i32>} : memref<1024xf32, #tpu.memory_space<vmem>>, vector<16xf32>,
      %swap3A_171 = arith.constant 112 : index
      %swap3A_172 = tpu.vector_load %arg9[%swap3A_171] {strides = array<i32>} : memref<1024xf32, #tpu.memory_space<vmem>>, vector<16xf32>,
      tpu.vector_store %arg9[%swap3A_171], %add3A_156 {strides = array<i32>} : memref<1024xf32, #tpu.memory_space<vmem>>, vector<16xf32>,
      %max3A = arith.maximumf %add3A_149, %add3A_150 : vector<16xf32>
      %max3A_173 = arith.maximumf %add3A_151, %add3A_152 : vector<16xf32>
      %max3A_174 = arith.maximumf %add3A_153, %add3A_154 : vector<16xf32>
      %max3A_175 = arith.maximumf %add3A_155, %add3A_156 : vector<16xf32>
      %min3A = arith.minimumf %add3A_149, %add3A_150 : vector<16xf32>
      %min3A_176 = arith.minimumf %add3A_151, %add3A_152 : vector<16xf32>
      %min3A_177 = arith.minimumf %add3A_153, %add3A_154 : vector<16xf32>
      %min3A_178 = arith.minimumf %add3A_155, %add3A_156 : vector<16xf32>
      %max3A_179 = arith.maximumf %max3A, %max3A_173 : vector<16xf32>
      %min3A_180 = arith.minimumf %max3A, %max3A_173 : vector<16xf32>
      %max3A_181 = arith.maximumf %min3A, %min3A_176 : vector<16xf32>
      %max3A_182 = arith.maximumf %min3A_180, %max3A_181 : vector<16xf32>
      %max3A_183 = arith.maximumf %max3A_174, %max3A_175 : vector<16xf32>
      %min3A_184 = arith.minimumf %max3A_174, %max3A_175 : vector<16xf32>
      %max3A_185 = arith.maximumf %min3A_177, %min3A_178 : vector<16xf32>
      %max3A_186 = arith.maximumf %min3A_184, %max3A_185 : vector<16xf32>
      %max3A_187 = arith.maximumf %max3A_179, %max3A_183 : vector<16xf32>
      %min3A_188 = arith.minimumf %max3A_179, %max3A_183 : vector<16xf32>
      %max3A_189 = arith.maximumf %max3A_182, %max3A_186 : vector<16xf32>
      %max3A_190 = arith.maximumf %min3A_188, %max3A_189 : vector<16xf32>
      %add3A_191 = arith.addf %max3A_187, %max3A_190 : vector<16xf32>
      %add3A_192 = arith.addf %add3A_149, %add3A_150 : vector<16xf32>
      %add3A_193 = arith.addf %add3A_151, %add3A_152 : vector<16xf32>
      %add3A_194 = arith.addf %add3A_153, %add3A_154 : vector<16xf32>
      %add3A_195 = arith.addf %add3A_155, %add3A_156 : vector<16xf32>
      %add3A_196 = arith.addf %add3A_192, %add3A_193 : vector<16xf32>
      %add3A_197 = arith.addf %add3A_194, %add3A_195 : vector<16xf32>
      %add3A_198 = arith.addf %add3A_196, %add3A_197 : vector<16xf32>
      %get3A_199 = arith.constant 128 : index
      %get3A_200 = tpu.vector_load %arg10[%get3A_199] {strides = array<i32>} : memref<1024xf32, #tpu.memory_space<vmem>>, vector<16xf32>,
      %get3A_201 = arith.constant 144 : index
      %get3A_202 = tpu.vector_load %arg10[%get3A_201] {strides = array<i32>} : memref<1024xf32, #tpu.memory_space<vmem>>, vector<16xf32>,
      %get3A_203 = arith.constant 160 : index
      %get3A_204 = tpu.vector_load %arg10[%get3A_203] {strides = array<i32>} : memref<1024xf32, #tpu.memory_space<vmem>>, vector<16xf32>,
      %get3A_205 = arith.constant 176 : index
      %get3A_206 = tpu.vector_load %arg10[%get3A_205] {strides = array<i32>} : memref<1024xf32, #tpu.memory_space<vmem>>, vector<16xf32>,
      %get3A_207 = arith.constant 192 : index
      %get3A_208 = tpu.vector_load %arg10[%get3A_207] {strides = array<i32>} : memref<1024xf32, #tpu.memory_space<vmem>>, vector<16xf32>,
      %get3A_209 = arith.constant 208 : index
      %get3A_210 = tpu.vector_load %arg10[%get3A_209] {strides = array<i32>} : memref<1024xf32, #tpu.memory_space<vmem>>, vector<16xf32>,
      %get3A_211 = arith.constant 224 : index
      %get3A_212 = tpu.vector_load %arg10[%get3A_211] {strides = array<i32>} : memref<1024xf32, #tpu.memory_space<vmem>>, vector<16xf32>,
      %get3A_213 = arith.constant 240 : index
      %get3A_214 = tpu.vector_load %arg10[%get3A_213] {strides = array<i32>} : memref<1024xf32, #tpu.memory_space<vmem>>, vector<16xf32>,
      %get3A_215 = arith.constant 8 : i32
      %get3A_216 = arith.index_cast %get3A_215 : i32 to index
      %get3A_217 = arith.index_cast %mul3A_24 : i32 to index
      %get3A_218 = tpu.vector_load %arg8[%get3A_216, %get3A_217] {strides = array<i32>} : memref<64x512xf32, #tpu.memory_space<vmem>>, vector<16xf32>,
      %get3A_219 = arith.constant 9 : i32
      %get3A_220 = arith.index_cast %get3A_219 : i32 to index
      %get3A_221 = arith.index_cast %mul3A_24 : i32 to index
      %get3A_222 = tpu.vector_load %arg8[%get3A_220, %get3A_221] {strides = array<i32>} : memref<64x512xf32, #tpu.memory_space<vmem>>, vector<16xf32>,
      %get3A_223 = arith.constant 10 : i32
      %get3A_224 = arith.index_cast %get3A_223 : i32 to index
      %get3A_225 = arith.index_cast %mul3A_24 : i32 to index
      %get3A_226 = tpu.vector_load %arg8[%get3A_224, %get3A_225] {strides = array<i32>} : memref<64x512xf32, #tpu.memory_space<vmem>>, vector<16xf32>,
      %get3A_227 = arith.constant 11 : i32
      %get3A_228 = arith.index_cast %get3A_227 : i32 to index
      %get3A_229 = arith.index_cast %mul3A_24 : i32 to index
      %get3A_230 = tpu.vector_load %arg8[%get3A_228, %get3A_229] {strides = array<i32>} : memref<64x512xf32, #tpu.memory_space<vmem>>, vector<16xf32>,
      %get3A_231 = arith.constant 12 : i32
      %get3A_232 = arith.index_cast %get3A_231 : i32 to index
      %get3A_233 = arith.index_cast %mul3A_24 : i32 to index
      %get3A_234 = tpu.vector_load %arg8[%get3A_232, %get3A_233] {strides = array<i32>} : memref<64x512xf32, #tpu.memory_space<vmem>>, vector<16xf32>,
      %get3A_235 = arith.constant 13 : i32
      %get3A_236 = arith.index_cast %get3A_235 : i32 to index
      %get3A_237 = arith.index_cast %mul3A_24 : i32 to index
      %get3A_238 = tpu.vector_load %arg8[%get3A_236, %get3A_237] {strides = array<i32>} : memref<64x512xf32, #tpu.memory_space<vmem>>, vector<16xf32>,
      %get3A_239 = arith.constant 14 : i32
      %get3A_240 = arith.index_cast %get3A_239 : i32 to index
      %get3A_241 = arith.index_cast %mul3A_24 : i32 to index
      %get3A_242 = tpu.vector_load %arg8[%get3A_240, %get3A_241] {strides = array<i32>} : memref<64x512xf32, #tpu.memory_space<vmem>>, vector<16xf32>,
      %get3A_243 = arith.constant 15 : i32
      %get3A_244 = arith.index_cast %get3A_243 : i32 to index
      %get3A_245 = arith.index_cast %mul3A_24 : i32 to index
      %get3A_246 = tpu.vector_load %arg8[%get3A_244, %get3A_245] {strides = array<i32>} : memref<64x512xf32, #tpu.memory_space<vmem>>, vector<16xf32>,
      %neg3A_247 = arith.constant 0.000000e+00 : f32
      %neg3A_248 = vector.broadcast %neg3A_247 : f32 to vector<16xf32>
      %neg3A_249 = arith.subf %neg3A_248, %get3A_218 : vector<16xf32>
      %exp3A_250 = math.exp %neg3A_249 : vector<16xf32>
      %neg3A_251 = arith.constant 0.000000e+00 : f32
      %neg3A_252 = vector.broadcast %neg3A_251 : f32 to vector<16xf32>
      %neg3A_253 = arith.subf %neg3A_252, %get3A_222 : vector<16xf32>
      %exp3A_254 = math.exp %neg3A_253 : vector<16xf32>
      %neg3A_255 = arith.constant 0.000000e+00 : f32
      %neg3A_256 = vector.broadcast %neg3A_255 : f32 to vector<16xf32>
      %neg3A_257 = arith.subf %neg3A_256, %get3A_226 : vector<16xf32>
      %exp3A_258 = math.exp %neg3A_257 : vector<16xf32>
      %neg3A_259 = arith.constant 0.000000e+00 : f32
      %neg3A_260 = vector.broadcast %neg3A_259 : f32 to vector<16xf32>
      %neg3A_261 = arith.subf %neg3A_260, %get3A_230 : vector<16xf32>
      %exp3A_262 = math.exp %neg3A_261 : vector<16xf32>
      %neg3A_263 = arith.constant 0.000000e+00 : f32
      %neg3A_264 = vector.broadcast %neg3A_263 : f32 to vector<16xf32>
      %neg3A_265 = arith.subf %neg3A_264, %get3A_234 : vector<16xf32>
      %exp3A_266 = math.exp %neg3A_265 : vector<16xf32>
      %neg3A_267 = arith.constant 0.000000e+00 : f32
      %neg3A_268 = vector.broadcast %neg3A_267 : f32 to vector<16xf32>
      %neg3A_269 = arith.subf %neg3A_268, %get3A_238 : vector<16xf32>
      %exp3A_270 = math.exp %neg3A_269 : vector<16xf32>
      %neg3A_271 = arith.constant 0.000000e+00 : f32
      %neg3A_272 = vector.broadcast %neg3A_271 : f32 to vector<16xf32>
      %neg3A_273 = arith.subf %neg3A_272, %get3A_242 : vector<16xf32>
      %exp3A_274 = math.exp %neg3A_273 : vector<16xf32>
      %neg3A_275 = arith.constant 0.000000e+00 : f32
      %neg3A_276 = vector.broadcast %neg3A_275 : f32 to vector<16xf32>
      %neg3A_277 = arith.subf %neg3A_276, %get3A_246 : vector<16xf32>
      %exp3A_278 = math.exp %neg3A_277 : vector<16xf32>
      %add3A_279 = arith.constant 1.000000e+00 : f32
      %add3A_280 = vector.broadcast %add3A_279 : f32 to vector<16xf32>
      %add3A_281 = arith.addf %add3A_280, %exp3A_250 : vector<16xf32>
      %add3A_282 = arith.constant 1.000000e+00 : f32
      %add3A_283 = vector.broadcast %add3A_282 : f32 to vector<16xf32>
      %add3A_284 = arith.addf %add3A_283, %exp3A_254 : vector<16xf32>
      %add3A_285 = arith.constant 1.000000e+00 : f32
      %add3A_286 = vector.broadcast %add3A_285 : f32 to vector<16xf32>
      %add3A_287 = arith.addf %add3A_286, %exp3A_258 : vector<16xf32>
      %add3A_288 = arith.constant 1.000000e+00 : f32
      %add3A_289 = vector.broadcast %add3A_288 : f32 to vector<16xf32>
      %add3A_290 = arith.addf %add3A_289, %exp3A_262 : vector<16xf32>
      %add3A_291 = arith.constant 1.000000e+00 : f32
      %add3A_292 = vector.broadcast %add3A_291 : f32 to vector<16xf32>
      %add3A_293 = arith.addf %add3A_292, %exp3A_266 : vector<16xf32>
      %add3A_294 = arith.constant 1.000000e+00 : f32
      %add3A_295 = vector.broadcast %add3A_294 : f32 to vector<16xf32>
      %add3A_296 = arith.addf %add3A_295, %exp3A_270 : vector<16xf32>
      %add3A_297 = arith.constant 1.000000e+00 : f32
      %add3A_298 = vector.broadcast %add3A_297 : f32 to vector<16xf32>
      %add3A_299 = arith.addf %add3A_298, %exp3A_274 : vector<16xf32>
      %add3A_300 = arith.constant 1.000000e+00 : f32
      %add3A_301 = vector.broadcast %add3A_300 : f32 to vector<16xf32>
      %add3A_302 = arith.addf %add3A_301, %exp3A_278 : vector<16xf32>
      %div3A_303 = arith.constant 1.000000e+00 : f32
      %div3A_304 = vector.broadcast %div3A_303 : f32 to vector<16xf32>
      %div3A_305 = arith.divf %div3A_304, %add3A_281 : vector<16xf32>
      %div3A_306 = arith.constant 1.000000e+00 : f32
      %div3A_307 = vector.broadcast %div3A_306 : f32 to vector<16xf32>
      %div3A_308 = arith.divf %div3A_307, %add3A_284 : vector<16xf32>
      %div3A_309 = arith.constant 1.000000e+00 : f32
      %div3A_310 = vector.broadcast %div3A_309 : f32 to vector<16xf32>
      %div3A_311 = arith.divf %div3A_310, %add3A_287 : vector<16xf32>
      %div3A_312 = arith.constant 1.000000e+00 : f32
      %div3A_313 = vector.broadcast %div3A_312 : f32 to vector<16xf32>
      %div3A_314 = arith.divf %div3A_313, %add3A_290 : vector<16xf32>
      %div3A_315 = arith.constant 1.000000e+00 : f32
      %div3A_316 = vector.broadcast %div3A_315 : f32 to vector<16xf32>
      %div3A_317 = arith.divf %div3A_316, %add3A_293 : vector<16xf32>
      %div3A_318 = arith.constant 1.000000e+00 : f32
      %div3A_319 = vector.broadcast %div3A_318 : f32 to vector<16xf32>
      %div3A_320 = arith.divf %div3A_319, %add3A_296 : vector<16xf32>
      %div3A_321 = arith.constant 1.000000e+00 : f32
      %div3A_322 = vector.broadcast %div3A_321 : f32 to vector<16xf32>
      %div3A_323 = arith.divf %div3A_322, %add3A_299 : vector<16xf32>
      %div3A_324 = arith.constant 1.000000e+00 : f32
      %div3A_325 = vector.broadcast %div3A_324 : f32 to vector<16xf32>
      %div3A_326 = arith.divf %div3A_325, %add3A_302 : vector<16xf32>
      %add3A_327 = arith.addf %div3A_305, %get3A_200 : vector<16xf32>
      %add3A_328 = arith.addf %div3A_308, %get3A_202 : vector<16xf32>
      %add3A_329 = arith.addf %div3A_311, %get3A_204 : vector<16xf32>
      %add3A_330 = arith.addf %div3A_314, %get3A_206 : vector<16xf32>
      %add3A_331 = arith.addf %div3A_317, %get3A_208 : vector<16xf32>
      %add3A_332 = arith.addf %div3A_320, %get3A_210 : vector<16xf32>
      %add3A_333 = arith.addf %div3A_323, %get3A_212 : vector<16xf32>
      %add3A_334 = arith.addf %div3A_326, %get3A_214 : vector<16xf32>
      %swap3A_335 = arith.constant 128 : index
      %swap3A_336 = tpu.vector_load %arg9[%swap3A_335] {strides = array<i32>} : memref<1024xf32, #tpu.memory_space<vmem>>, vector<16xf32>,
      tpu.vector_store %arg9[%swap3A_335], %add3A_327 {strides = array<i32>} : memref<1024xf32, #tpu.memory_space<vmem>>, vector<16xf32>,
      %swap3A_337 = arith.constant 144 : index
      %swap3A_338 = tpu.vector_load %arg9[%swap3A_337] {strides = array<i32>} : memref<1024xf32, #tpu.memory_space<vmem>>, vector<16xf32>,
      tpu.vector_store %arg9[%swap3A_337], %add3A_328 {strides = array<i32>} : memref<1024xf32, #tpu.memory_space<vmem>>, vector<16xf32>,
      %swap3A_339 = arith.constant 160 : index
      %swap3A_340 = tpu.vector_load %arg9[%swap3A_339] {strides = array<i32>} : memref<1024xf32, #tpu.memory_space<vmem>>, vector<16xf32>,
      tpu.vector_store %arg9[%swap3A_339], %add3A_329 {strides = array<i32>} : memref<1024xf32, #tpu.memory_space<vmem>>, vector<16xf32>,
      %swap3A_341 = arith.constant 176 : index
      %swap3A_342 = tpu.vector_load %arg9[%swap3A_341] {strides = array<i32>} : memref<1024xf32, #tpu.memory_space<vmem>>, vector<16xf32>,
      tpu.vector_store %arg9[%swap3A_341], %add3A_330 {strides = array<i32>} : memref<1024xf32, #tpu.memory_space<vmem>>, vector<16xf32>,
      %swap3A_343 = arith.constant 192 : index
      %swap3A_344 = tpu.vector_load %arg9[%swap3A_343] {strides = array<i32>} : memref<1024xf32, #tpu.memory_space<vmem>>, vector<16xf32>,
      tpu.vector_store %arg9[%swap3A_343], %add3A_331 {strides = array<i32>} : memref<1024xf32, #tpu.memory_space<vmem>>, vector<16xf32>,
      %swap3A_345 = arith.constant 208 : index
      %swap3A_346 = tpu.vector_load %arg9[%swap3A_345] {strides = array<i32>} : memref<1024xf32, #tpu.memory_space<vmem>>, vector<16xf32>,
      tpu.vector_store %arg9[%swap3A_345], %add3A_332 {strides = array<i32>} : memref<1024xf32, #tpu.memory_space<vmem>>, vector<16xf32>,
      %swap3A_347 = arith.constant 224 : index
      %swap3A_348 = tpu.vector_load %arg9[%swap3A_347] {strides = array<i32>} : memref<1024xf32, #tpu.memory_space<vmem>>, vector<16xf32>,
      tpu.vector_store %arg9[%swap3A_347], %add3A_333 {strides = array<i32>} : memref<1024xf32, #tpu.memory_space<vmem>>, vector<16xf32>,
      %swap3A_349 = arith.constant 240 : index
      %swap3A_350 = tpu.vector_load %arg9[%swap3A_349] {strides = array<i32>} : memref<1024xf32, #tpu.memory_space<vmem>>, vector<16xf32>,
      tpu.vector_store %arg9[%swap3A_349], %add3A_334 {strides = array<i32>} : memref<1024xf32, #tpu.memory_space<vmem>>, vector<16xf32>,
      %max3A_351 = arith.maximumf %add3A_327, %add3A_328 : vector<16xf32>
      %max3A_352 = arith.maximumf %add3A_329, %add3A_330 : vector<16xf32>
      %max3A_353 = arith.maximumf %add3A_331, %add3A_332 : vector<16xf32>
      %max3A_354 = arith.maximumf %add3A_333, %add3A_334 : vector<16xf32>
      %min3A_355 = arith.minimumf %add3A_327, %add3A_328 : vector<16xf32>
      %min3A_356 = arith.minimumf %add3A_329, %add3A_330 : vector<16xf32>
      %min3A_357 = arith.minimumf %add3A_331, %add3A_332 : vector<16xf32>
      %min3A_358 = arith.minimumf %add3A_333, %add3A_334 : vector<16xf32>
      %max3A_359 = arith.maximumf %max3A_351, %max3A_352 : vector<16xf32>
      %min3A_360 = arith.minimumf %max3A_351, %max3A_352 : vector<16xf32>
      %max3A_361 = arith.maximumf %min3A_355, %min3A_356 : vector<16xf32>
      %max3A_362 = arith.maximumf %min3A_360, %max3A_361 : vector<16xf32>
      %max3A_363 = arith.maximumf %max3A_353, %max3A_354 : vector<16xf32>
      %min3A_364 = arith.minimumf %max3A_353, %max3A_354 : vector<16xf32>
      %max3A_365 = arith.maximumf %min3A_357, %min3A_358 : vector<16xf32>
      %max3A_366 = arith.maximumf %min3A_364, %max3A_365 : vector<16xf32>
      %max3A_367 = arith.maximumf %max3A_359, %max3A_363 : vector<16xf32>
      %min3A_368 = arith.minimumf %max3A_359, %max3A_363 : vector<16xf32>
      %max3A_369 = arith.maximumf %max3A_362, %max3A_366 : vector<16xf32>
      %max3A_370 = arith.maximumf %min3A_368, %max3A_369 : vector<16xf32>
      %add3A_371 = arith.addf %max3A_367, %max3A_370 : vector<16xf32>
      %add3A_372 = arith.addf %add3A_327, %add3A_328 : vector<16xf32>
      %add3A_373 = arith.addf %add3A_329, %add3A_330 : vector<16xf32>
      %add3A_374 = arith.addf %add3A_331, %add3A_332 : vector<16xf32>
      %add3A_375 = arith.addf %add3A_333, %add3A_334 : vector<16xf32>
      %add3A_376 = arith.addf %add3A_372, %add3A_373 : vector<16xf32>
      %add3A_377 = arith.addf %add3A_374, %add3A_375 : vector<16xf32>
      %add3A_378 = arith.addf %add3A_376, %add3A_377 : vector<16xf32>
      %get3A_379 = arith.constant 256 : index
      %get3A_380 = tpu.vector_load %arg10[%get3A_379] {strides = array<i32>} : memref<1024xf32, #tpu.memory_space<vmem>>, vector<16xf32>,
      %get3A_381 = arith.constant 272 : index
      %get3A_382 = tpu.vector_load %arg10[%get3A_381] {strides = array<i32>} : memref<1024xf32, #tpu.memory_space<vmem>>, vector<16xf32>,
      %get3A_383 = arith.constant 288 : index
      %get3A_384 = tpu.vector_load %arg10[%get3A_383] {strides = array<i32>} : memref<1024xf32, #tpu.memory_space<vmem>>, vector<16xf32>,
      %get3A_385 = arith.constant 304 : index
      %get3A_386 = tpu.vector_load %arg10[%get3A_385] {strides = array<i32>} : memref<1024xf32, #tpu.memory_space<vmem>>, vector<16xf32>,
      %get3A_387 = arith.constant 320 : index
      %get3A_388 = tpu.vector_load %arg10[%get3A_387] {strides = array<i32>} : memref<1024xf32, #tpu.memory_space<vmem>>, vector<16xf32>,
      %get3A_389 = arith.constant 336 : index
      %get3A_390 = tpu.vector_load %arg10[%get3A_389] {strides = array<i32>} : memref<1024xf32, #tpu.memory_space<vmem>>, vector<16xf32>,
      %get3A_391 = arith.constant 352 : index
      %get3A_392 = tpu.vector_load %arg10[%get3A_391] {strides = array<i32>} : memref<1024xf32, #tpu.memory_space<vmem>>, vector<16xf32>,
      %get3A_393 = arith.constant 368 : index
      %get3A_394 = tpu.vector_load %arg10[%get3A_393] {strides = array<i32>} : memref<1024xf32, #tpu.memory_space<vmem>>, vector<16xf32>,
      %get3A_395 = arith.constant 16 : i32
      %get3A_396 = arith.index_cast %get3A_395 : i32 to index
      %get3A_397 = arith.index_cast %mul3A_24 : i32 to index
      %get3A_398 = tpu.vector_load %arg8[%get3A_396, %get3A_397] {strides = array<i32>} : memref<64x512xf32, #tpu.memory_space<vmem>>, vector<16xf32>,
      %get3A_399 = arith.constant 17 : i32
      %get3A_400 = arith.index_cast %get3A_399 : i32 to index
      %get3A_401 = arith.index_cast %mul3A_24 : i32 to index
      %get3A_402 = tpu.vector_load %arg8[%get3A_400, %get3A_401] {strides = array<i32>} : memref<64x512xf32, #tpu.memory_space<vmem>>, vector<16xf32>,
      %get3A_403 = arith.constant 18 : i32
      %get3A_404 = arith.index_cast %get3A_403 : i32 to index
      %get3A_405 = arith.index_cast %mul3A_24 : i32 to index
      %get3A_406 = tpu.vector_load %arg8[%get3A_404, %get3A_405] {strides = array<i32>} : memref<64x512xf32, #tpu.memory_space<vmem>>, vector<16xf32>,
      %get3A_407 = arith.constant 19 : i32
      %get3A_408 = arith.index_cast %get3A_407 : i32 to index
      %get3A_409 = arith.index_cast %mul3A_24 : i32 to index
      %get3A_410 = tpu.vector_load %arg8[%get3A_408, %get3A_409] {strides = array<i32>} : memref<64x512xf32, #tpu.memory_space<vmem>>, vector<16xf32>,
      %get3A_411 = arith.constant 20 : i32
      %get3A_412 = arith.index_cast %get3A_411 : i32 to index
      %get3A_413 = arith.index_cast %mul3A_24 : i32 to index
      %get3A_414 = tpu.vector_load %arg8[%get3A_412, %get3A_413] {strides = array<i32>} : memref<64x512xf32, #tpu.memory_space<vmem>>, vector<16xf32>,
      %get3A_415 = arith.constant 21 : i32
      %get3A_416 = arith.index_cast %get3A_415 : i32 to index
      %get3A_417 = arith.index_cast %mul3A_24 : i32 to index
      %get3A_418 = tpu.vector_load %arg8[%get3A_416, %get3A_417] {strides = array<i32>} : memref<64x512xf32, #tpu.memory_space<vmem>>, vector<16xf32>,
      %get3A_419 = arith.constant 22 : i32
      %get3A_420 = arith.index_cast %get3A_419 : i32 to index
      %get3A_421 = arith.index_cast %mul3A_24 : i32 to index
      %get3A_422 = tpu.vector_load %arg8[%get3A_420, %get3A_421] {strides = array<i32>} : memref<64x512xf32, #tpu.memory_space<vmem>>, vector<16xf32>,
      %get3A_423 = arith.constant 23 : i32
      %get3A_424 = arith.index_cast %get3A_423 : i32 to index
      %get3A_425 = arith.index_cast %mul3A_24 : i32 to index
      %get3A_426 = tpu.vector_load %arg8[%get3A_424, %get3A_425] {strides = array<i32>} : memref<64x512xf32, #tpu.memory_space<vmem>>, vector<16xf32>,
      %neg3A_427 = arith.constant 0.000000e+00 : f32
      %neg3A_428 = vector.broadcast %neg3A_427 : f32 to vector<16xf32>
      %neg3A_429 = arith.subf %neg3A_428, %get3A_398 : vector<16xf32>
      %exp3A_430 = math.exp %neg3A_429 : vector<16xf32>
      %neg3A_431 = arith.constant 0.000000e+00 : f32
      %neg3A_432 = vector.broadcast %neg3A_431 : f32 to vector<16xf32>
      %neg3A_433 = arith.subf %neg3A_432, %get3A_402 : vector<16xf32>
      %exp3A_434 = math.exp %neg3A_433 : vector<16xf32>
      %neg3A_435 = arith.constant 0.000000e+00 : f32
      %neg3A_436 = vector.broadcast %neg3A_435 : f32 to vector<16xf32>
      %neg3A_437 = arith.subf %neg3A_436, %get3A_406 : vector<16xf32>
      %exp3A_438 = math.exp %neg3A_437 : vector<16xf32>
      %neg3A_439 = arith.constant 0.000000e+00 : f32
      %neg3A_440 = vector.broadcast %neg3A_439 : f32 to vector<16xf32>
      %neg3A_441 = arith.subf %neg3A_440, %get3A_410 : vector<16xf32>
      %exp3A_442 = math.exp %neg3A_441 : vector<16xf32>
      %neg3A_443 = arith.constant 0.000000e+00 : f32
      %neg3A_444 = vector.broadcast %neg3A_443 : f32 to vector<16xf32>
      %neg3A_445 = arith.subf %neg3A_444, %get3A_414 : vector<16xf32>
      %exp3A_446 = math.exp %neg3A_445 : vector<16xf32>
      %neg3A_447 = arith.constant 0.000000e+00 : f32
      %neg3A_448 = vector.broadcast %neg3A_447 : f32 to vector<16xf32>
      %neg3A_449 = arith.subf %neg3A_448, %get3A_418 : vector<16xf32>
      %exp3A_450 = math.exp %neg3A_449 : vector<16xf32>
      %neg3A_451 = arith.constant 0.000000e+00 : f32
      %neg3A_452 = vector.broadcast %neg3A_451 : f32 to vector<16xf32>
      %neg3A_453 = arith.subf %neg3A_452, %get3A_422 : vector<16xf32>
      %exp3A_454 = math.exp %neg3A_453 : vector<16xf32>
      %neg3A_455 = arith.constant 0.000000e+00 : f32
      %neg3A_456 = vector.broadcast %neg3A_455 : f32 to vector<16xf32>
      %neg3A_457 = arith.subf %neg3A_456, %get3A_426 : vector<16xf32>
      %exp3A_458 = math.exp %neg3A_457 : vector<16xf32>
      %add3A_459 = arith.constant 1.000000e+00 : f32
      %add3A_460 = vector.broadcast %add3A_459 : f32 to vector<16xf32>
      %add3A_461 = arith.addf %add3A_460, %exp3A_430 : vector<16xf32>
      %add3A_462 = arith.constant 1.000000e+00 : f32
      %add3A_463 = vector.broadcast %add3A_462 : f32 to vector<16xf32>
      %add3A_464 = arith.addf %add3A_463, %exp3A_434 : vector<16xf32>
      %add3A_465 = arith.constant 1.000000e+00 : f32
      %add3A_466 = vector.broadcast %add3A_465 : f32 to vector<16xf32>
      %add3A_467 = arith.addf %add3A_466, %exp3A_438 : vector<16xf32>
      %add3A_468 = arith.constant 1.000000e+00 : f32
      %add3A_469 = vector.broadcast %add3A_468 : f32 to vector<16xf32>
      %add3A_470 = arith.addf %add3A_469, %exp3A_442 : vector<16xf32>
      %add3A_471 = arith.constant 1.000000e+00 : f32
      %add3A_472 = vector.broadcast %add3A_471 : f32 to vector<16xf32>
      %add3A_473 = arith.addf %add3A_472, %exp3A_446 : vector<16xf32>
      %add3A_474 = arith.constant 1.000000e+00 : f32
      %add3A_475 = vector.broadcast %add3A_474 : f32 to vector<16xf32>
      %add3A_476 = arith.addf %add3A_475, %exp3A_450 : vector<16xf32>
      %add3A_477 = arith.constant 1.000000e+00 : f32
      %add3A_478 = vector.broadcast %add3A_477 : f32 to vector<16xf32>
      %add3A_479 = arith.addf %add3A_478, %exp3A_454 : vector<16xf32>
      %add3A_480 = arith.constant 1.000000e+00 : f32
      %add3A_481 = vector.broadcast %add3A_480 : f32 to vector<16xf32>
      %add3A_482 = arith.addf %add3A_481, %exp3A_458 : vector<16xf32>
      %div3A_483 = arith.constant 1.000000e+00 : f32
      %div3A_484 = vector.broadcast %div3A_483 : f32 to vector<16xf32>
      %div3A_485 = arith.divf %div3A_484, %add3A_461 : vector<16xf32>
      %div3A_486 = arith.constant 1.000000e+00 : f32
      %div3A_487 = vector.broadcast %div3A_486 : f32 to vector<16xf32>
      %div3A_488 = arith.divf %div3A_487, %add3A_464 : vector<16xf32>
      %div3A_489 = arith.constant 1.000000e+00 : f32
      %div3A_490 = vector.broadcast %div3A_489 : f32 to vector<16xf32>
      %div3A_491 = arith.divf %div3A_490, %add3A_467 : vector<16xf32>
      %div3A_492 = arith.constant 1.000000e+00 : f32
      %div3A_493 = vector.broadcast %div3A_492 : f32 to vector<16xf32>
      %div3A_494 = arith.divf %div3A_493, %add3A_470 : vector<16xf32>
      %div3A_495 = arith.constant 1.000000e+00 : f32
      %div3A_496 = vector.broadcast %div3A_495 : f32 to vector<16xf32>
      %div3A_497 = arith.divf %div3A_496, %add3A_473 : vector<16xf32>
      %div3A_498 = arith.constant 1.000000e+00 : f32
      %div3A_499 = vector.broadcast %div3A_498 : f32 to vector<16xf32>
      %div3A_500 = arith.divf %div3A_499, %add3A_476 : vector<16xf32>
      %div3A_501 = arith.constant 1.000000e+00 : f32
      %div3A_502 = vector.broadcast %div3A_501 : f32 to vector<16xf32>
      %div3A_503 = arith.divf %div3A_502, %add3A_479 : vector<16xf32>
      %div3A_504 = arith.constant 1.000000e+00 : f32
      %div3A_505 = vector.broadcast %div3A_504 : f32 to vector<16xf32>
      %div3A_506 = arith.divf %div3A_505, %add3A_482 : vector<16xf32>
      %add3A_507 = arith.addf %div3A_485, %get3A_380 : vector<16xf32>
      %add3A_508 = arith.addf %div3A_488, %get3A_382 : vector<16xf32>
      %add3A_509 = arith.addf %div3A_491, %get3A_384 : vector<16xf32>
      %add3A_510 = arith.addf %div3A_494, %get3A_386 : vector<16xf32>
      %add3A_511 = arith.addf %div3A_497, %get3A_388 : vector<16xf32>
      %add3A_512 = arith.addf %div3A_500, %get3A_390 : vector<16xf32>
      %add3A_513 = arith.addf %div3A_503, %get3A_392 : vector<16xf32>
      %add3A_514 = arith.addf %div3A_506, %get3A_394 : vector<16xf32>
      %swap3A_515 = arith.constant 256 : index
      %swap3A_516 = tpu.vector_load %arg9[%swap3A_515] {strides = array<i32>} : memref<1024xf32, #tpu.memory_space<vmem>>, vector<16xf32>,
      tpu.vector_store %arg9[%swap3A_515], %add3A_507 {strides = array<i32>} : memref<1024xf32, #tpu.memory_space<vmem>>, vector<16xf32>,
      %swap3A_517 = arith.constant 272 : index
      %swap3A_518 = tpu.vector_load %arg9[%swap3A_517] {strides = array<i32>} : memref<1024xf32, #tpu.memory_space<vmem>>, vector<16xf32>,
      tpu.vector_store %arg9[%swap3A_517], %add3A_508 {strides = array<i32>} : memref<1024xf32, #tpu.memory_space<vmem>>, vector<16xf32>,
      %swap3A_519 = arith.constant 288 : index
      %swap3A_520 = tpu.vector_load %arg9[%swap3A_519] {strides = array<i32>} : memref<1024xf32, #tpu.memory_space<vmem>>, vector<16xf32>,
      tpu.vector_store %arg9[%swap3A_519], %add3A_509 {strides = array<i32>} : memref<1024xf32, #tpu.memory_space<vmem>>, vector<16xf32>,
      %swap3A_521 = arith.constant 304 : index
      %swap3A_522 = tpu.vector_load %arg9[%swap3A_521] {strides = array<i32>} : memref<1024xf32, #tpu.memory_space<vmem>>, vector<16xf32>,
      tpu.vector_store %arg9[%swap3A_521], %add3A_510 {strides = array<i32>} : memref<1024xf32, #tpu.memory_space<vmem>>, vector<16xf32>,
      %swap3A_523 = arith.constant 320 : index
      %swap3A_524 = tpu.vector_load %arg9[%swap3A_523] {strides = array<i32>} : memref<1024xf32, #tpu.memory_space<vmem>>, vector<16xf32>,
      tpu.vector_store %arg9[%swap3A_523], %add3A_511 {strides = array<i32>} : memref<1024xf32, #tpu.memory_space<vmem>>, vector<16xf32>,
      %swap3A_525 = arith.constant 336 : index
      %swap3A_526 = tpu.vector_load %arg9[%swap3A_525] {strides = array<i32>} : memref<1024xf32, #tpu.memory_space<vmem>>, vector<16xf32>,
      tpu.vector_store %arg9[%swap3A_525], %add3A_512 {strides = array<i32>} : memref<1024xf32, #tpu.memory_space<vmem>>, vector<16xf32>,
      %swap3A_527 = arith.constant 352 : index
      %swap3A_528 = tpu.vector_load %arg9[%swap3A_527] {strides = array<i32>} : memref<1024xf32, #tpu.memory_space<vmem>>, vector<16xf32>,
      tpu.vector_store %arg9[%swap3A_527], %add3A_513 {strides = array<i32>} : memref<1024xf32, #tpu.memory_space<vmem>>, vector<16xf32>,
      %swap3A_529 = arith.constant 368 : index
      %swap3A_530 = tpu.vector_load %arg9[%swap3A_529] {strides = array<i32>} : memref<1024xf32, #tpu.memory_space<vmem>>, vector<16xf32>,
      tpu.vector_store %arg9[%swap3A_529], %add3A_514 {strides = array<i32>} : memref<1024xf32, #tpu.memory_space<vmem>>, vector<16xf32>,
      %max3A_531 = arith.maximumf %add3A_507, %add3A_508 : vector<16xf32>
      %max3A_532 = arith.maximumf %add3A_509, %add3A_510 : vector<16xf32>
      %max3A_533 = arith.maximumf %add3A_511, %add3A_512 : vector<16xf32>
      %max3A_534 = arith.maximumf %add3A_513, %add3A_514 : vector<16xf32>
      %min3A_535 = arith.minimumf %add3A_507, %add3A_508 : vector<16xf32>
      %min3A_536 = arith.minimumf %add3A_509, %add3A_510 : vector<16xf32>
      %min3A_537 = arith.minimumf %add3A_511, %add3A_512 : vector<16xf32>
      %min3A_538 = arith.minimumf %add3A_513, %add3A_514 : vector<16xf32>
      %max3A_539 = arith.maximumf %max3A_531, %max3A_532 : vector<16xf32>
      %min3A_540 = arith.minimumf %max3A_531, %max3A_532 : vector<16xf32>
      %max3A_541 = arith.maximumf %min3A_535, %min3A_536 : vector<16xf32>
      %max3A_542 = arith.maximumf %min3A_540, %max3A_541 : vector<16xf32>
      %max3A_543 = arith.maximumf %max3A_533, %max3A_534 : vector<16xf32>
      %min3A_544 = arith.minimumf %max3A_533, %max3A_534 : vector<16xf32>
      %max3A_545 = arith.maximumf %min3A_537, %min3A_538 : vector<16xf32>
      %max3A_546 = arith.maximumf %min3A_544, %max3A_545 : vector<16xf32>
      %max3A_547 = arith.maximumf %max3A_539, %max3A_543 : vector<16xf32>
      %min3A_548 = arith.minimumf %max3A_539, %max3A_543 : vector<16xf32>
      %max3A_549 = arith.maximumf %max3A_542, %max3A_546 : vector<16xf32>
      %max3A_550 = arith.maximumf %min3A_548, %max3A_549 : vector<16xf32>
      %add3A_551 = arith.addf %max3A_547, %max3A_550 : vector<16xf32>
      %add3A_552 = arith.addf %add3A_507, %add3A_508 : vector<16xf32>
      %add3A_553 = arith.addf %add3A_509, %add3A_510 : vector<16xf32>
      %add3A_554 = arith.addf %add3A_511, %add3A_512 : vector<16xf32>
      %add3A_555 = arith.addf %add3A_513, %add3A_514 : vector<16xf32>
      %add3A_556 = arith.addf %add3A_552, %add3A_553 : vector<16xf32>
      %add3A_557 = arith.addf %add3A_554, %add3A_555 : vector<16xf32>
      %add3A_558 = arith.addf %add3A_556, %add3A_557 : vector<16xf32>
      %get3A_559 = arith.constant 384 : index
      %get3A_560 = tpu.vector_load %arg10[%get3A_559] {strides = array<i32>} : memref<1024xf32, #tpu.memory_space<vmem>>, vector<16xf32>,
      %get3A_561 = arith.constant 400 : index
      %get3A_562 = tpu.vector_load %arg10[%get3A_561] {strides = array<i32>} : memref<1024xf32, #tpu.memory_space<vmem>>, vector<16xf32>,
      %get3A_563 = arith.constant 416 : index
      %get3A_564 = tpu.vector_load %arg10[%get3A_563] {strides = array<i32>} : memref<1024xf32, #tpu.memory_space<vmem>>, vector<16xf32>,
      %get3A_565 = arith.constant 432 : index
      %get3A_566 = tpu.vector_load %arg10[%get3A_565] {strides = array<i32>} : memref<1024xf32, #tpu.memory_space<vmem>>, vector<16xf32>,
      %get3A_567 = arith.constant 448 : index
      %get3A_568 = tpu.vector_load %arg10[%get3A_567] {strides = array<i32>} : memref<1024xf32, #tpu.memory_space<vmem>>, vector<16xf32>,
      %get3A_569 = arith.constant 464 : index
      %get3A_570 = tpu.vector_load %arg10[%get3A_569] {strides = array<i32>} : memref<1024xf32, #tpu.memory_space<vmem>>, vector<16xf32>,
      %get3A_571 = arith.constant 480 : index
      %get3A_572 = tpu.vector_load %arg10[%get3A_571] {strides = array<i32>} : memref<1024xf32, #tpu.memory_space<vmem>>, vector<16xf32>,
      %get3A_573 = arith.constant 496 : index
      %get3A_574 = tpu.vector_load %arg10[%get3A_573] {strides = array<i32>} : memref<1024xf32, #tpu.memory_space<vmem>>, vector<16xf32>,
      %get3A_575 = arith.constant 24 : i32
      %get3A_576 = arith.index_cast %get3A_575 : i32 to index
      %get3A_577 = arith.index_cast %mul3A_24 : i32 to index
      %get3A_578 = tpu.vector_load %arg8[%get3A_576, %get3A_577] {strides = array<i32>} : memref<64x512xf32, #tpu.memory_space<vmem>>, vector<16xf32>,
      %get3A_579 = arith.constant 25 : i32
      %get3A_580 = arith.index_cast %get3A_579 : i32 to index
      %get3A_581 = arith.index_cast %mul3A_24 : i32 to index
      %get3A_582 = tpu.vector_load %arg8[%get3A_580, %get3A_581] {strides = array<i32>} : memref<64x512xf32, #tpu.memory_space<vmem>>, vector<16xf32>,
      %get3A_583 = arith.constant 26 : i32
      %get3A_584 = arith.index_cast %get3A_583 : i32 to index
      %get3A_585 = arith.index_cast %mul3A_24 : i32 to index
      %get3A_586 = tpu.vector_load %arg8[%get3A_584, %get3A_585] {strides = array<i32>} : memref<64x512xf32, #tpu.memory_space<vmem>>, vector<16xf32>,
      %get3A_587 = arith.constant 27 : i32
      %get3A_588 = arith.index_cast %get3A_587 : i32 to index
      %get3A_589 = arith.index_cast %mul3A_24 : i32 to index
      %get3A_590 = tpu.vector_load %arg8[%get3A_588, %get3A_589] {strides = array<i32>} : memref<64x512xf32, #tpu.memory_space<vmem>>, vector<16xf32>,
      %get3A_591 = arith.constant 28 : i32
      %get3A_592 = arith.index_cast %get3A_591 : i32 to index
      %get3A_593 = arith.index_cast %mul3A_24 : i32 to index
      %get3A_594 = tpu.vector_load %arg8[%get3A_592, %get3A_593] {strides = array<i32>} : memref<64x512xf32, #tpu.memory_space<vmem>>, vector<16xf32>,
      %get3A_595 = arith.constant 29 : i32
      %get3A_596 = arith.index_cast %get3A_595 : i32 to index
      %get3A_597 = arith.index_cast %mul3A_24 : i32 to index
      %get3A_598 = tpu.vector_load %arg8[%get3A_596, %get3A_597] {strides = array<i32>} : memref<64x512xf32, #tpu.memory_space<vmem>>, vector<16xf32>,
      %get3A_599 = arith.constant 30 : i32
      %get3A_600 = arith.index_cast %get3A_599 : i32 to index
      %get3A_601 = arith.index_cast %mul3A_24 : i32 to index
      %get3A_602 = tpu.vector_load %arg8[%get3A_600, %get3A_601] {strides = array<i32>} : memref<64x512xf32, #tpu.memory_space<vmem>>, vector<16xf32>,
      %get3A_603 = arith.constant 31 : i32
      %get3A_604 = arith.index_cast %get3A_603 : i32 to index
      %get3A_605 = arith.index_cast %mul3A_24 : i32 to index
      %get3A_606 = tpu.vector_load %arg8[%get3A_604, %get3A_605] {strides = array<i32>} : memref<64x512xf32, #tpu.memory_space<vmem>>, vector<16xf32>,
      %neg3A_607 = arith.constant 0.000000e+00 : f32
      %neg3A_608 = vector.broadcast %neg3A_607 : f32 to vector<16xf32>
      %neg3A_609 = arith.subf %neg3A_608, %get3A_578 : vector<16xf32>
      %exp3A_610 = math.exp %neg3A_609 : vector<16xf32>
      %neg3A_611 = arith.constant 0.000000e+00 : f32
      %neg3A_612 = vector.broadcast %neg3A_611 : f32 to vector<16xf32>
      %neg3A_613 = arith.subf %neg3A_612, %get3A_582 : vector<16xf32>
      %exp3A_614 = math.exp %neg3A_613 : vector<16xf32>
      %neg3A_615 = arith.constant 0.000000e+00 : f32
      %neg3A_616 = vector.broadcast %neg3A_615 : f32 to vector<16xf32>
      %neg3A_617 = arith.subf %neg3A_616, %get3A_586 : vector<16xf32>
      %exp3A_618 = math.exp %neg3A_617 : vector<16xf32>
      %neg3A_619 = arith.constant 0.000000e+00 : f32
      %neg3A_620 = vector.broadcast %neg3A_619 : f32 to vector<16xf32>
      %neg3A_621 = arith.subf %neg3A_620, %get3A_590 : vector<16xf32>
      %exp3A_622 = math.exp %neg3A_621 : vector<16xf32>
      %neg3A_623 = arith.constant 0.000000e+00 : f32
      %neg3A_624 = vector.broadcast %neg3A_623 : f32 to vector<16xf32>
      %neg3A_625 = arith.subf %neg3A_624, %get3A_594 : vector<16xf32>
      %exp3A_626 = math.exp %neg3A_625 : vector<16xf32>
      %neg3A_627 = arith.constant 0.000000e+00 : f32
      %neg3A_628 = vector.broadcast %neg3A_627 : f32 to vector<16xf32>
      %neg3A_629 = arith.subf %neg3A_628, %get3A_598 : vector<16xf32>
      %exp3A_630 = math.exp %neg3A_629 : vector<16xf32>
      %neg3A_631 = arith.constant 0.000000e+00 : f32
      %neg3A_632 = vector.broadcast %neg3A_631 : f32 to vector<16xf32>
      %neg3A_633 = arith.subf %neg3A_632, %get3A_602 : vector<16xf32>
      %exp3A_634 = math.exp %neg3A_633 : vector<16xf32>
      %neg3A_635 = arith.constant 0.000000e+00 : f32
      %neg3A_636 = vector.broadcast %neg3A_635 : f32 to vector<16xf32>
      %neg3A_637 = arith.subf %neg3A_636, %get3A_606 : vector<16xf32>
      %exp3A_638 = math.exp %neg3A_637 : vector<16xf32>
      %add3A_639 = arith.constant 1.000000e+00 : f32
      %add3A_640 = vector.broadcast %add3A_639 : f32 to vector<16xf32>
      %add3A_641 = arith.addf %add3A_640, %exp3A_610 : vector<16xf32>
      %add3A_642 = arith.constant 1.000000e+00 : f32
      %add3A_643 = vector.broadcast %add3A_642 : f32 to vector<16xf32>
      %add3A_644 = arith.addf %add3A_643, %exp3A_614 : vector<16xf32>
      %add3A_645 = arith.constant 1.000000e+00 : f32
      %add3A_646 = vector.broadcast %add3A_645 : f32 to vector<16xf32>
      %add3A_647 = arith.addf %add3A_646, %exp3A_618 : vector<16xf32>
      %add3A_648 = arith.constant 1.000000e+00 : f32
      %add3A_649 = vector.broadcast %add3A_648 : f32 to vector<16xf32>
      %add3A_650 = arith.addf %add3A_649, %exp3A_622 : vector<16xf32>
      %add3A_651 = arith.constant 1.000000e+00 : f32
      %add3A_652 = vector.broadcast %add3A_651 : f32 to vector<16xf32>
      %add3A_653 = arith.addf %add3A_652, %exp3A_626 : vector<16xf32>
      %add3A_654 = arith.constant 1.000000e+00 : f32
      %add3A_655 = vector.broadcast %add3A_654 : f32 to vector<16xf32>
      %add3A_656 = arith.addf %add3A_655, %exp3A_630 : vector<16xf32>
      %add3A_657 = arith.constant 1.000000e+00 : f32
      %add3A_658 = vector.broadcast %add3A_657 : f32 to vector<16xf32>
      %add3A_659 = arith.addf %add3A_658, %exp3A_634 : vector<16xf32>
      %add3A_660 = arith.constant 1.000000e+00 : f32
      %add3A_661 = vector.broadcast %add3A_660 : f32 to vector<16xf32>
      %add3A_662 = arith.addf %add3A_661, %exp3A_638 : vector<16xf32>
      %div3A_663 = arith.constant 1.000000e+00 : f32
      %div3A_664 = vector.broadcast %div3A_663 : f32 to vector<16xf32>
      %div3A_665 = arith.divf %div3A_664, %add3A_641 : vector<16xf32>
      %div3A_666 = arith.constant 1.000000e+00 : f32
      %div3A_667 = vector.broadcast %div3A_666 : f32 to vector<16xf32>
      %div3A_668 = arith.divf %div3A_667, %add3A_644 : vector<16xf32>
      %div3A_669 = arith.constant 1.000000e+00 : f32
      %div3A_670 = vector.broadcast %div3A_669 : f32 to vector<16xf32>
      %div3A_671 = arith.divf %div3A_670, %add3A_647 : vector<16xf32>
      %div3A_672 = arith.constant 1.000000e+00 : f32
      %div3A_673 = vector.broadcast %div3A_672 : f32 to vector<16xf32>
      %div3A_674 = arith.divf %div3A_673, %add3A_650 : vector<16xf32>
      %div3A_675 = arith.constant 1.000000e+00 : f32
      %div3A_676 = vector.broadcast %div3A_675 : f32 to vector<16xf32>
      %div3A_677 = arith.divf %div3A_676, %add3A_653 : vector<16xf32>
      %div3A_678 = arith.constant 1.000000e+00 : f32
      %div3A_679 = vector.broadcast %div3A_678 : f32 to vector<16xf32>
      %div3A_680 = arith.divf %div3A_679, %add3A_656 : vector<16xf32>
      %div3A_681 = arith.constant 1.000000e+00 : f32
      %div3A_682 = vector.broadcast %div3A_681 : f32 to vector<16xf32>
      %div3A_683 = arith.divf %div3A_682, %add3A_659 : vector<16xf32>
      %div3A_684 = arith.constant 1.000000e+00 : f32
      %div3A_685 = vector.broadcast %div3A_684 : f32 to vector<16xf32>
      %div3A_686 = arith.divf %div3A_685, %add3A_662 : vector<16xf32>
      %add3A_687 = arith.addf %div3A_665, %get3A_560 : vector<16xf32>
      %add3A_688 = arith.addf %div3A_668, %get3A_562 : vector<16xf32>
      %add3A_689 = arith.addf %div3A_671, %get3A_564 : vector<16xf32>
      %add3A_690 = arith.addf %div3A_674, %get3A_566 : vector<16xf32>
      %add3A_691 = arith.addf %div3A_677, %get3A_568 : vector<16xf32>
      %add3A_692 = arith.addf %div3A_680, %get3A_570 : vector<16xf32>
      %add3A_693 = arith.addf %div3A_683, %get3A_572 : vector<16xf32>
      %add3A_694 = arith.addf %div3A_686, %get3A_574 : vector<16xf32>
      %swap3A_695 = arith.constant 384 : index
      %swap3A_696 = tpu.vector_load %arg9[%swap3A_695] {strides = array<i32>} : memref<1024xf32, #tpu.memory_space<vmem>>, vector<16xf32>,
      tpu.vector_store %arg9[%swap3A_695], %add3A_687 {strides = array<i32>} : memref<1024xf32, #tpu.memory_space<vmem>>, vector<16xf32>,
      %swap3A_697 = arith.constant 400 : index
      %swap3A_698 = tpu.vector_load %arg9[%swap3A_697] {strides = array<i32>} : memref<1024xf32, #tpu.memory_space<vmem>>, vector<16xf32>,
      tpu.vector_store %arg9[%swap3A_697], %add3A_688 {strides = array<i32>} : memref<1024xf32, #tpu.memory_space<vmem>>, vector<16xf32>,
      %swap3A_699 = arith.constant 416 : index
      %swap3A_700 = tpu.vector_load %arg9[%swap3A_699] {strides = array<i32>} : memref<1024xf32, #tpu.memory_space<vmem>>, vector<16xf32>,
      tpu.vector_store %arg9[%swap3A_699], %add3A_689 {strides = array<i32>} : memref<1024xf32, #tpu.memory_space<vmem>>, vector<16xf32>,
      %swap3A_701 = arith.constant 432 : index
      %swap3A_702 = tpu.vector_load %arg9[%swap3A_701] {strides = array<i32>} : memref<1024xf32, #tpu.memory_space<vmem>>, vector<16xf32>,
      tpu.vector_store %arg9[%swap3A_701], %add3A_690 {strides = array<i32>} : memref<1024xf32, #tpu.memory_space<vmem>>, vector<16xf32>,
      %swap3A_703 = arith.constant 448 : index
      %swap3A_704 = tpu.vector_load %arg9[%swap3A_703] {strides = array<i32>} : memref<1024xf32, #tpu.memory_space<vmem>>, vector<16xf32>,
      tpu.vector_store %arg9[%swap3A_703], %add3A_691 {strides = array<i32>} : memref<1024xf32, #tpu.memory_space<vmem>>, vector<16xf32>,
      %swap3A_705 = arith.constant 464 : index
      %swap3A_706 = tpu.vector_load %arg9[%swap3A_705] {strides = array<i32>} : memref<1024xf32, #tpu.memory_space<vmem>>, vector<16xf32>,
      tpu.vector_store %arg9[%swap3A_705], %add3A_692 {strides = array<i32>} : memref<1024xf32, #tpu.memory_space<vmem>>, vector<16xf32>,
      %swap3A_707 = arith.constant 480 : index
      %swap3A_708 = tpu.vector_load %arg9[%swap3A_707] {strides = array<i32>} : memref<1024xf32, #tpu.memory_space<vmem>>, vector<16xf32>,
      tpu.vector_store %arg9[%swap3A_707], %add3A_693 {strides = array<i32>} : memref<1024xf32, #tpu.memory_space<vmem>>, vector<16xf32>,
      %swap3A_709 = arith.constant 496 : index
      %swap3A_710 = tpu.vector_load %arg9[%swap3A_709] {strides = array<i32>} : memref<1024xf32, #tpu.memory_space<vmem>>, vector<16xf32>,
      tpu.vector_store %arg9[%swap3A_709], %add3A_694 {strides = array<i32>} : memref<1024xf32, #tpu.memory_space<vmem>>, vector<16xf32>,
      %max3A_711 = arith.maximumf %add3A_687, %add3A_688 : vector<16xf32>
      %max3A_712 = arith.maximumf %add3A_689, %add3A_690 : vector<16xf32>
      %max3A_713 = arith.maximumf %add3A_691, %add3A_692 : vector<16xf32>
      %max3A_714 = arith.maximumf %add3A_693, %add3A_694 : vector<16xf32>
      %min3A_715 = arith.minimumf %add3A_687, %add3A_688 : vector<16xf32>
      %min3A_716 = arith.minimumf %add3A_689, %add3A_690 : vector<16xf32>
      %min3A_717 = arith.minimumf %add3A_691, %add3A_692 : vector<16xf32>
      %min3A_718 = arith.minimumf %add3A_693, %add3A_694 : vector<16xf32>
      %max3A_719 = arith.maximumf %max3A_711, %max3A_712 : vector<16xf32>
      %min3A_720 = arith.minimumf %max3A_711, %max3A_712 : vector<16xf32>
      %max3A_721 = arith.maximumf %min3A_715, %min3A_716 : vector<16xf32>
      %max3A_722 = arith.maximumf %min3A_720, %max3A_721 : vector<16xf32>
      %max3A_723 = arith.maximumf %max3A_713, %max3A_714 : vector<16xf32>
      %min3A_724 = arith.minimumf %max3A_713, %max3A_714 : vector<16xf32>
      %max3A_725 = arith.maximumf %min3A_717, %min3A_718 : vector<16xf32>
      %max3A_726 = arith.maximumf %min3A_724, %max3A_725 : vector<16xf32>
      %max3A_727 = arith.maximumf %max3A_719, %max3A_723 : vector<16xf32>
      %min3A_728 = arith.minimumf %max3A_719, %max3A_723 : vector<16xf32>
      %max3A_729 = arith.maximumf %max3A_722, %max3A_726 : vector<16xf32>
      %max3A_730 = arith.maximumf %min3A_728, %max3A_729 : vector<16xf32>
      %add3A_731 = arith.addf %max3A_727, %max3A_730 : vector<16xf32>
      %add3A_732 = arith.addf %add3A_687, %add3A_688 : vector<16xf32>
      %add3A_733 = arith.addf %add3A_689, %add3A_690 : vector<16xf32>
      %add3A_734 = arith.addf %add3A_691, %add3A_692 : vector<16xf32>
      %add3A_735 = arith.addf %add3A_693, %add3A_694 : vector<16xf32>
      %add3A_736 = arith.addf %add3A_732, %add3A_733 : vector<16xf32>
      %add3A_737 = arith.addf %add3A_734, %add3A_735 : vector<16xf32>
      %add3A_738 = arith.addf %add3A_736, %add3A_737 : vector<16xf32>
      %get3A_739 = arith.constant 512 : index
      %get3A_740 = tpu.vector_load %arg10[%get3A_739] {strides = array<i32>} : memref<1024xf32, #tpu.memory_space<vmem>>, vector<16xf32>,
      %get3A_741 = arith.constant 528 : index
      %get3A_742 = tpu.vector_load %arg10[%get3A_741] {strides = array<i32>} : memref<1024xf32, #tpu.memory_space<vmem>>, vector<16xf32>,
      %get3A_743 = arith.constant 544 : index
      %get3A_744 = tpu.vector_load %arg10[%get3A_743] {strides = array<i32>} : memref<1024xf32, #tpu.memory_space<vmem>>, vector<16xf32>,
      %get3A_745 = arith.constant 560 : index
      %get3A_746 = tpu.vector_load %arg10[%get3A_745] {strides = array<i32>} : memref<1024xf32, #tpu.memory_space<vmem>>, vector<16xf32>,
      %get3A_747 = arith.constant 576 : index
      %get3A_748 = tpu.vector_load %arg10[%get3A_747] {strides = array<i32>} : memref<1024xf32, #tpu.memory_space<vmem>>, vector<16xf32>,
      %get3A_749 = arith.constant 592 : index
      %get3A_750 = tpu.vector_load %arg10[%get3A_749] {strides = array<i32>} : memref<1024xf32, #tpu.memory_space<vmem>>, vector<16xf32>,
      %get3A_751 = arith.constant 608 : index
      %get3A_752 = tpu.vector_load %arg10[%get3A_751] {strides = array<i32>} : memref<1024xf32, #tpu.memory_space<vmem>>, vector<16xf32>,
      %get3A_753 = arith.constant 624 : index
      %get3A_754 = tpu.vector_load %arg10[%get3A_753] {strides = array<i32>} : memref<1024xf32, #tpu.memory_space<vmem>>, vector<16xf32>,
      %get3A_755 = arith.constant 32 : i32
      %get3A_756 = arith.index_cast %get3A_755 : i32 to index
      %get3A_757 = arith.index_cast %mul3A_24 : i32 to index
      %get3A_758 = tpu.vector_load %arg8[%get3A_756, %get3A_757] {strides = array<i32>} : memref<64x512xf32, #tpu.memory_space<vmem>>, vector<16xf32>,
      %get3A_759 = arith.constant 33 : i32
      %get3A_760 = arith.index_cast %get3A_759 : i32 to index
      %get3A_761 = arith.index_cast %mul3A_24 : i32 to index
      %get3A_762 = tpu.vector_load %arg8[%get3A_760, %get3A_761] {strides = array<i32>} : memref<64x512xf32, #tpu.memory_space<vmem>>, vector<16xf32>,
      %get3A_763 = arith.constant 34 : i32
      %get3A_764 = arith.index_cast %get3A_763 : i32 to index
      %get3A_765 = arith.index_cast %mul3A_24 : i32 to index
      %get3A_766 = tpu.vector_load %arg8[%get3A_764, %get3A_765] {strides = array<i32>} : memref<64x512xf32, #tpu.memory_space<vmem>>, vector<16xf32>,
      %get3A_767 = arith.constant 35 : i32
      %get3A_768 = arith.index_cast %get3A_767 : i32 to index
      %get3A_769 = arith.index_cast %mul3A_24 : i32 to index
      %get3A_770 = tpu.vector_load %arg8[%get3A_768, %get3A_769] {strides = array<i32>} : memref<64x512xf32, #tpu.memory_space<vmem>>, vector<16xf32>,
      %get3A_771 = arith.constant 36 : i32
      %get3A_772 = arith.index_cast %get3A_771 : i32 to index
      %get3A_773 = arith.index_cast %mul3A_24 : i32 to index
      %get3A_774 = tpu.vector_load %arg8[%get3A_772, %get3A_773] {strides = array<i32>} : memref<64x512xf32, #tpu.memory_space<vmem>>, vector<16xf32>,
      %get3A_775 = arith.constant 37 : i32
      %get3A_776 = arith.index_cast %get3A_775 : i32 to index
      %get3A_777 = arith.index_cast %mul3A_24 : i32 to index
      %get3A_778 = tpu.vector_load %arg8[%get3A_776, %get3A_777] {strides = array<i32>} : memref<64x512xf32, #tpu.memory_space<vmem>>, vector<16xf32>,
      %get3A_779 = arith.constant 38 : i32
      %get3A_780 = arith.index_cast %get3A_779 : i32 to index
      %get3A_781 = arith.index_cast %mul3A_24 : i32 to index
      %get3A_782 = tpu.vector_load %arg8[%get3A_780, %get3A_781] {strides = array<i32>} : memref<64x512xf32, #tpu.memory_space<vmem>>, vector<16xf32>,
      %get3A_783 = arith.constant 39 : i32
      %get3A_784 = arith.index_cast %get3A_783 : i32 to index
      %get3A_785 = arith.index_cast %mul3A_24 : i32 to index
      %get3A_786 = tpu.vector_load %arg8[%get3A_784, %get3A_785] {strides = array<i32>} : memref<64x512xf32, #tpu.memory_space<vmem>>, vector<16xf32>,
      %neg3A_787 = arith.constant 0.000000e+00 : f32
      %neg3A_788 = vector.broadcast %neg3A_787 : f32 to vector<16xf32>
      %neg3A_789 = arith.subf %neg3A_788, %get3A_758 : vector<16xf32>
      %exp3A_790 = math.exp %neg3A_789 : vector<16xf32>
      %neg3A_791 = arith.constant 0.000000e+00 : f32
      %neg3A_792 = vector.broadcast %neg3A_791 : f32 to vector<16xf32>
      %neg3A_793 = arith.subf %neg3A_792, %get3A_762 : vector<16xf32>
      %exp3A_794 = math.exp %neg3A_793 : vector<16xf32>
      %neg3A_795 = arith.constant 0.000000e+00 : f32
      %neg3A_796 = vector.broadcast %neg3A_795 : f32 to vector<16xf32>
      %neg3A_797 = arith.subf %neg3A_796, %get3A_766 : vector<16xf32>
      %exp3A_798 = math.exp %neg3A_797 : vector<16xf32>
      %neg3A_799 = arith.constant 0.000000e+00 : f32
      %neg3A_800 = vector.broadcast %neg3A_799 : f32 to vector<16xf32>
      %neg3A_801 = arith.subf %neg3A_800, %get3A_770 : vector<16xf32>
      %exp3A_802 = math.exp %neg3A_801 : vector<16xf32>
      %neg3A_803 = arith.constant 0.000000e+00 : f32
      %neg3A_804 = vector.broadcast %neg3A_803 : f32 to vector<16xf32>
      %neg3A_805 = arith.subf %neg3A_804, %get3A_774 : vector<16xf32>
      %exp3A_806 = math.exp %neg3A_805 : vector<16xf32>
      %neg3A_807 = arith.constant 0.000000e+00 : f32
      %neg3A_808 = vector.broadcast %neg3A_807 : f32 to vector<16xf32>
      %neg3A_809 = arith.subf %neg3A_808, %get3A_778 : vector<16xf32>
      %exp3A_810 = math.exp %neg3A_809 : vector<16xf32>
      %neg3A_811 = arith.constant 0.000000e+00 : f32
      %neg3A_812 = vector.broadcast %neg3A_811 : f32 to vector<16xf32>
      %neg3A_813 = arith.subf %neg3A_812, %get3A_782 : vector<16xf32>
      %exp3A_814 = math.exp %neg3A_813 : vector<16xf32>
      %neg3A_815 = arith.constant 0.000000e+00 : f32
      %neg3A_816 = vector.broadcast %neg3A_815 : f32 to vector<16xf32>
      %neg3A_817 = arith.subf %neg3A_816, %get3A_786 : vector<16xf32>
      %exp3A_818 = math.exp %neg3A_817 : vector<16xf32>
      %add3A_819 = arith.constant 1.000000e+00 : f32
      %add3A_820 = vector.broadcast %add3A_819 : f32 to vector<16xf32>
      %add3A_821 = arith.addf %add3A_820, %exp3A_790 : vector<16xf32>
      %add3A_822 = arith.constant 1.000000e+00 : f32
      %add3A_823 = vector.broadcast %add3A_822 : f32 to vector<16xf32>
      %add3A_824 = arith.addf %add3A_823, %exp3A_794 : vector<16xf32>
      %add3A_825 = arith.constant 1.000000e+00 : f32
      %add3A_826 = vector.broadcast %add3A_825 : f32 to vector<16xf32>
      %add3A_827 = arith.addf %add3A_826, %exp3A_798 : vector<16xf32>
      %add3A_828 = arith.constant 1.000000e+00 : f32
      %add3A_829 = vector.broadcast %add3A_828 : f32 to vector<16xf32>
      %add3A_830 = arith.addf %add3A_829, %exp3A_802 : vector<16xf32>
      %add3A_831 = arith.constant 1.000000e+00 : f32
      %add3A_832 = vector.broadcast %add3A_831 : f32 to vector<16xf32>
      %add3A_833 = arith.addf %add3A_832, %exp3A_806 : vector<16xf32>
      %add3A_834 = arith.constant 1.000000e+00 : f32
      %add3A_835 = vector.broadcast %add3A_834 : f32 to vector<16xf32>
      %add3A_836 = arith.addf %add3A_835, %exp3A_810 : vector<16xf32>
      %add3A_837 = arith.constant 1.000000e+00 : f32
      %add3A_838 = vector.broadcast %add3A_837 : f32 to vector<16xf32>
      %add3A_839 = arith.addf %add3A_838, %exp3A_814 : vector<16xf32>
      %add3A_840 = arith.constant 1.000000e+00 : f32
      %add3A_841 = vector.broadcast %add3A_840 : f32 to vector<16xf32>
      %add3A_842 = arith.addf %add3A_841, %exp3A_818 : vector<16xf32>
      %div3A_843 = arith.constant 1.000000e+00 : f32
      %div3A_844 = vector.broadcast %div3A_843 : f32 to vector<16xf32>
      %div3A_845 = arith.divf %div3A_844, %add3A_821 : vector<16xf32>
      %div3A_846 = arith.constant 1.000000e+00 : f32
      %div3A_847 = vector.broadcast %div3A_846 : f32 to vector<16xf32>
      %div3A_848 = arith.divf %div3A_847, %add3A_824 : vector<16xf32>
      %div3A_849 = arith.constant 1.000000e+00 : f32
      %div3A_850 = vector.broadcast %div3A_849 : f32 to vector<16xf32>
      %div3A_851 = arith.divf %div3A_850, %add3A_827 : vector<16xf32>
      %div3A_852 = arith.constant 1.000000e+00 : f32
      %div3A_853 = vector.broadcast %div3A_852 : f32 to vector<16xf32>
      %div3A_854 = arith.divf %div3A_853, %add3A_830 : vector<16xf32>
      %div3A_855 = arith.constant 1.000000e+00 : f32
      %div3A_856 = vector.broadcast %div3A_855 : f32 to vector<16xf32>
      %div3A_857 = arith.divf %div3A_856, %add3A_833 : vector<16xf32>
      %div3A_858 = arith.constant 1.000000e+00 : f32
      %div3A_859 = vector.broadcast %div3A_858 : f32 to vector<16xf32>
      %div3A_860 = arith.divf %div3A_859, %add3A_836 : vector<16xf32>
      %div3A_861 = arith.constant 1.000000e+00 : f32
      %div3A_862 = vector.broadcast %div3A_861 : f32 to vector<16xf32>
      %div3A_863 = arith.divf %div3A_862, %add3A_839 : vector<16xf32>
      %div3A_864 = arith.constant 1.000000e+00 : f32
      %div3A_865 = vector.broadcast %div3A_864 : f32 to vector<16xf32>
      %div3A_866 = arith.divf %div3A_865, %add3A_842 : vector<16xf32>
      %add3A_867 = arith.addf %div3A_845, %get3A_740 : vector<16xf32>
      %add3A_868 = arith.addf %div3A_848, %get3A_742 : vector<16xf32>
      %add3A_869 = arith.addf %div3A_851, %get3A_744 : vector<16xf32>
      %add3A_870 = arith.addf %div3A_854, %get3A_746 : vector<16xf32>
      %add3A_871 = arith.addf %div3A_857, %get3A_748 : vector<16xf32>
      %add3A_872 = arith.addf %div3A_860, %get3A_750 : vector<16xf32>
      %add3A_873 = arith.addf %div3A_863, %get3A_752 : vector<16xf32>
      %add3A_874 = arith.addf %div3A_866, %get3A_754 : vector<16xf32>
      %swap3A_875 = arith.constant 512 : index
      %swap3A_876 = tpu.vector_load %arg9[%swap3A_875] {strides = array<i32>} : memref<1024xf32, #tpu.memory_space<vmem>>, vector<16xf32>,
      tpu.vector_store %arg9[%swap3A_875], %add3A_867 {strides = array<i32>} : memref<1024xf32, #tpu.memory_space<vmem>>, vector<16xf32>,
      %swap3A_877 = arith.constant 528 : index
      %swap3A_878 = tpu.vector_load %arg9[%swap3A_877] {strides = array<i32>} : memref<1024xf32, #tpu.memory_space<vmem>>, vector<16xf32>,
      tpu.vector_store %arg9[%swap3A_877], %add3A_868 {strides = array<i32>} : memref<1024xf32, #tpu.memory_space<vmem>>, vector<16xf32>,
      %swap3A_879 = arith.constant 544 : index
      %swap3A_880 = tpu.vector_load %arg9[%swap3A_879] {strides = array<i32>} : memref<1024xf32, #tpu.memory_space<vmem>>, vector<16xf32>,
      tpu.vector_store %arg9[%swap3A_879], %add3A_869 {strides = array<i32>} : memref<1024xf32, #tpu.memory_space<vmem>>, vector<16xf32>,
      %swap3A_881 = arith.constant 560 : index
      %swap3A_882 = tpu.vector_load %arg9[%swap3A_881] {strides = array<i32>} : memref<1024xf32, #tpu.memory_space<vmem>>, vector<16xf32>,
      tpu.vector_store %arg9[%swap3A_881], %add3A_870 {strides = array<i32>} : memref<1024xf32, #tpu.memory_space<vmem>>, vector<16xf32>,
      %swap3A_883 = arith.constant 576 : index
      %swap3A_884 = tpu.vector_load %arg9[%swap3A_883] {strides = array<i32>} : memref<1024xf32, #tpu.memory_space<vmem>>, vector<16xf32>,
      tpu.vector_store %arg9[%swap3A_883], %add3A_871 {strides = array<i32>} : memref<1024xf32, #tpu.memory_space<vmem>>, vector<16xf32>,
      %swap3A_885 = arith.constant 592 : index
      %swap3A_886 = tpu.vector_load %arg9[%swap3A_885] {strides = array<i32>} : memref<1024xf32, #tpu.memory_space<vmem>>, vector<16xf32>,
      tpu.vector_store %arg9[%swap3A_885], %add3A_872 {strides = array<i32>} : memref<1024xf32, #tpu.memory_space<vmem>>, vector<16xf32>,
      %swap3A_887 = arith.constant 608 : index
      %swap3A_888 = tpu.vector_load %arg9[%swap3A_887] {strides = array<i32>} : memref<1024xf32, #tpu.memory_space<vmem>>, vector<16xf32>,
      tpu.vector_store %arg9[%swap3A_887], %add3A_873 {strides = array<i32>} : memref<1024xf32, #tpu.memory_space<vmem>>, vector<16xf32>,
      %swap3A_889 = arith.constant 624 : index
      %swap3A_890 = tpu.vector_load %arg9[%swap3A_889] {strides = array<i32>} : memref<1024xf32, #tpu.memory_space<vmem>>, vector<16xf32>,
      tpu.vector_store %arg9[%swap3A_889], %add3A_874 {strides = array<i32>} : memref<1024xf32, #tpu.memory_space<vmem>>, vector<16xf32>,
      %max3A_891 = arith.maximumf %add3A_867, %add3A_868 : vector<16xf32>
      %max3A_892 = arith.maximumf %add3A_869, %add3A_870 : vector<16xf32>
      %max3A_893 = arith.maximumf %add3A_871, %add3A_872 : vector<16xf32>
      %max3A_894 = arith.maximumf %add3A_873, %add3A_874 : vector<16xf32>
      %min3A_895 = arith.minimumf %add3A_867, %add3A_868 : vector<16xf32>
      %min3A_896 = arith.minimumf %add3A_869, %add3A_870 : vector<16xf32>
      %min3A_897 = arith.minimumf %add3A_871, %add3A_872 : vector<16xf32>
      %min3A_898 = arith.minimumf %add3A_873, %add3A_874 : vector<16xf32>
      %max3A_899 = arith.maximumf %max3A_891, %max3A_892 : vector<16xf32>
      %min3A_900 = arith.minimumf %max3A_891, %max3A_892 : vector<16xf32>
      %max3A_901 = arith.maximumf %min3A_895, %min3A_896 : vector<16xf32>
      %max3A_902 = arith.maximumf %min3A_900, %max3A_901 : vector<16xf32>
      %max3A_903 = arith.maximumf %max3A_893, %max3A_894 : vector<16xf32>
      %min3A_904 = arith.minimumf %max3A_893, %max3A_894 : vector<16xf32>
      %max3A_905 = arith.maximumf %min3A_897, %min3A_898 : vector<16xf32>
      %max3A_906 = arith.maximumf %min3A_904, %max3A_905 : vector<16xf32>
      %max3A_907 = arith.maximumf %max3A_899, %max3A_903 : vector<16xf32>
      %min3A_908 = arith.minimumf %max3A_899, %max3A_903 : vector<16xf32>
      %max3A_909 = arith.maximumf %max3A_902, %max3A_906 : vector<16xf32>
      %max3A_910 = arith.maximumf %min3A_908, %max3A_909 : vector<16xf32>
      %add3A_911 = arith.addf %max3A_907, %max3A_910 : vector<16xf32>
      %add3A_912 = arith.addf %add3A_867, %add3A_868 : vector<16xf32>
      %add3A_913 = arith.addf %add3A_869, %add3A_870 : vector<16xf32>
      %add3A_914 = arith.addf %add3A_871, %add3A_872 : vector<16xf32>
      %add3A_915 = arith.addf %add3A_873, %add3A_874 : vector<16xf32>
      %add3A_916 = arith.addf %add3A_912, %add3A_913 : vector<16xf32>
      %add3A_917 = arith.addf %add3A_914, %add3A_915 : vector<16xf32>
      %add3A_918 = arith.addf %add3A_916, %add3A_917 : vector<16xf32>
      %get3A_919 = arith.constant 640 : index
      %get3A_920 = tpu.vector_load %arg10[%get3A_919] {strides = array<i32>} : memref<1024xf32, #tpu.memory_space<vmem>>, vector<16xf32>,
      %get3A_921 = arith.constant 656 : index
      %get3A_922 = tpu.vector_load %arg10[%get3A_921] {strides = array<i32>} : memref<1024xf32, #tpu.memory_space<vmem>>, vector<16xf32>,
      %get3A_923 = arith.constant 672 : index
      %get3A_924 = tpu.vector_load %arg10[%get3A_923] {strides = array<i32>} : memref<1024xf32, #tpu.memory_space<vmem>>, vector<16xf32>,
      %get3A_925 = arith.constant 688 : index
      %get3A_926 = tpu.vector_load %arg10[%get3A_925] {strides = array<i32>} : memref<1024xf32, #tpu.memory_space<vmem>>, vector<16xf32>,
      %get3A_927 = arith.constant 704 : index
      %get3A_928 = tpu.vector_load %arg10[%get3A_927] {strides = array<i32>} : memref<1024xf32, #tpu.memory_space<vmem>>, vector<16xf32>,
      %get3A_929 = arith.constant 720 : index
      %get3A_930 = tpu.vector_load %arg10[%get3A_929] {strides = array<i32>} : memref<1024xf32, #tpu.memory_space<vmem>>, vector<16xf32>,
      %get3A_931 = arith.constant 736 : index
      %get3A_932 = tpu.vector_load %arg10[%get3A_931] {strides = array<i32>} : memref<1024xf32, #tpu.memory_space<vmem>>, vector<16xf32>,
      %get3A_933 = arith.constant 752 : index
      %get3A_934 = tpu.vector_load %arg10[%get3A_933] {strides = array<i32>} : memref<1024xf32, #tpu.memory_space<vmem>>, vector<16xf32>,
      %get3A_935 = arith.constant 40 : i32
      %get3A_936 = arith.index_cast %get3A_935 : i32 to index
      %get3A_937 = arith.index_cast %mul3A_24 : i32 to index
      %get3A_938 = tpu.vector_load %arg8[%get3A_936, %get3A_937] {strides = array<i32>} : memref<64x512xf32, #tpu.memory_space<vmem>>, vector<16xf32>,
      %get3A_939 = arith.constant 41 : i32
      %get3A_940 = arith.index_cast %get3A_939 : i32 to index
      %get3A_941 = arith.index_cast %mul3A_24 : i32 to index
      %get3A_942 = tpu.vector_load %arg8[%get3A_940, %get3A_941] {strides = array<i32>} : memref<64x512xf32, #tpu.memory_space<vmem>>, vector<16xf32>,
      %get3A_943 = arith.constant 42 : i32
      %get3A_944 = arith.index_cast %get3A_943 : i32 to index
      %get3A_945 = arith.index_cast %mul3A_24 : i32 to index
      %get3A_946 = tpu.vector_load %arg8[%get3A_944, %get3A_945] {strides = array<i32>} : memref<64x512xf32, #tpu.memory_space<vmem>>, vector<16xf32>,
      %get3A_947 = arith.constant 43 : i32
      %get3A_948 = arith.index_cast %get3A_947 : i32 to index
      %get3A_949 = arith.index_cast %mul3A_24 : i32 to index
      %get3A_950 = tpu.vector_load %arg8[%get3A_948, %get3A_949] {strides = array<i32>} : memref<64x512xf32, #tpu.memory_space<vmem>>, vector<16xf32>,
      %get3A_951 = arith.constant 44 : i32
      %get3A_952 = arith.index_cast %get3A_951 : i32 to index
      %get3A_953 = arith.index_cast %mul3A_24 : i32 to index
      %get3A_954 = tpu.vector_load %arg8[%get3A_952, %get3A_953] {strides = array<i32>} : memref<64x512xf32, #tpu.memory_space<vmem>>, vector<16xf32>,
      %get3A_955 = arith.constant 45 : i32
      %get3A_956 = arith.index_cast %get3A_955 : i32 to index
      %get3A_957 = arith.index_cast %mul3A_24 : i32 to index
      %get3A_958 = tpu.vector_load %arg8[%get3A_956, %get3A_957] {strides = array<i32>} : memref<64x512xf32, #tpu.memory_space<vmem>>, vector<16xf32>,
      %get3A_959 = arith.constant 46 : i32
      %get3A_960 = arith.index_cast %get3A_959 : i32 to index
      %get3A_961 = arith.index_cast %mul3A_24 : i32 to index
      %get3A_962 = tpu.vector_load %arg8[%get3A_960, %get3A_961] {strides = array<i32>} : memref<64x512xf32, #tpu.memory_space<vmem>>, vector<16xf32>,
      %get3A_963 = arith.constant 47 : i32
      %get3A_964 = arith.index_cast %get3A_963 : i32 to index
      %get3A_965 = arith.index_cast %mul3A_24 : i32 to index
      %get3A_966 = tpu.vector_load %arg8[%get3A_964, %get3A_965] {strides = array<i32>} : memref<64x512xf32, #tpu.memory_space<vmem>>, vector<16xf32>,
      %neg3A_967 = arith.constant 0.000000e+00 : f32
      %neg3A_968 = vector.broadcast %neg3A_967 : f32 to vector<16xf32>
      %neg3A_969 = arith.subf %neg3A_968, %get3A_938 : vector<16xf32>
      %exp3A_970 = math.exp %neg3A_969 : vector<16xf32>
      %neg3A_971 = arith.constant 0.000000e+00 : f32
      %neg3A_972 = vector.broadcast %neg3A_971 : f32 to vector<16xf32>
      %neg3A_973 = arith.subf %neg3A_972, %get3A_942 : vector<16xf32>
      %exp3A_974 = math.exp %neg3A_973 : vector<16xf32>
      %neg3A_975 = arith.constant 0.000000e+00 : f32
      %neg3A_976 = vector.broadcast %neg3A_975 : f32 to vector<16xf32>
      %neg3A_977 = arith.subf %neg3A_976, %get3A_946 : vector<16xf32>
      %exp3A_978 = math.exp %neg3A_977 : vector<16xf32>
      %neg3A_979 = arith.constant 0.000000e+00 : f32
      %neg3A_980 = vector.broadcast %neg3A_979 : f32 to vector<16xf32>
      %neg3A_981 = arith.subf %neg3A_980, %get3A_950 : vector<16xf32>
      %exp3A_982 = math.exp %neg3A_981 : vector<16xf32>
      %neg3A_983 = arith.constant 0.000000e+00 : f32
      %neg3A_984 = vector.broadcast %neg3A_983 : f32 to vector<16xf32>
      %neg3A_985 = arith.subf %neg3A_984, %get3A_954 : vector<16xf32>
      %exp3A_986 = math.exp %neg3A_985 : vector<16xf32>
      %neg3A_987 = arith.constant 0.000000e+00 : f32
      %neg3A_988 = vector.broadcast %neg3A_987 : f32 to vector<16xf32>
      %neg3A_989 = arith.subf %neg3A_988, %get3A_958 : vector<16xf32>
      %exp3A_990 = math.exp %neg3A_989 : vector<16xf32>
      %neg3A_991 = arith.constant 0.000000e+00 : f32
      %neg3A_992 = vector.broadcast %neg3A_991 : f32 to vector<16xf32>
      %neg3A_993 = arith.subf %neg3A_992, %get3A_962 : vector<16xf32>
      %exp3A_994 = math.exp %neg3A_993 : vector<16xf32>
      %neg3A_995 = arith.constant 0.000000e+00 : f32
      %neg3A_996 = vector.broadcast %neg3A_995 : f32 to vector<16xf32>
      %neg3A_997 = arith.subf %neg3A_996, %get3A_966 : vector<16xf32>
      %exp3A_998 = math.exp %neg3A_997 : vector<16xf32>
      %add3A_999 = arith.constant 1.000000e+00 : f32
      %add3A_1000 = vector.broadcast %add3A_999 : f32 to vector<16xf32>
      %add3A_1001 = arith.addf %add3A_1000, %exp3A_970 : vector<16xf32>
      %add3A_1002 = arith.constant 1.000000e+00 : f32
      %add3A_1003 = vector.broadcast %add3A_1002 : f32 to vector<16xf32>
      %add3A_1004 = arith.addf %add3A_1003, %exp3A_974 : vector<16xf32>
      %add3A_1005 = arith.constant 1.000000e+00 : f32
      %add3A_1006 = vector.broadcast %add3A_1005 : f32 to vector<16xf32>
      %add3A_1007 = arith.addf %add3A_1006, %exp3A_978 : vector<16xf32>
      %add3A_1008 = arith.constant 1.000000e+00 : f32
      %add3A_1009 = vector.broadcast %add3A_1008 : f32 to vector<16xf32>
      %add3A_1010 = arith.addf %add3A_1009, %exp3A_982 : vector<16xf32>
      %add3A_1011 = arith.constant 1.000000e+00 : f32
      %add3A_1012 = vector.broadcast %add3A_1011 : f32 to vector<16xf32>
      %add3A_1013 = arith.addf %add3A_1012, %exp3A_986 : vector<16xf32>
      %add3A_1014 = arith.constant 1.000000e+00 : f32
      %add3A_1015 = vector.broadcast %add3A_1014 : f32 to vector<16xf32>
      %add3A_1016 = arith.addf %add3A_1015, %exp3A_990 : vector<16xf32>
      %add3A_1017 = arith.constant 1.000000e+00 : f32
      %add3A_1018 = vector.broadcast %add3A_1017 : f32 to vector<16xf32>
      %add3A_1019 = arith.addf %add3A_1018, %exp3A_994 : vector<16xf32>
      %add3A_1020 = arith.constant 1.000000e+00 : f32
      %add3A_1021 = vector.broadcast %add3A_1020 : f32 to vector<16xf32>
      %add3A_1022 = arith.addf %add3A_1021, %exp3A_998 : vector<16xf32>
      %div3A_1023 = arith.constant 1.000000e+00 : f32
      %div3A_1024 = vector.broadcast %div3A_1023 : f32 to vector<16xf32>
      %div3A_1025 = arith.divf %div3A_1024, %add3A_1001 : vector<16xf32>
      %div3A_1026 = arith.constant 1.000000e+00 : f32
      %div3A_1027 = vector.broadcast %div3A_1026 : f32 to vector<16xf32>
      %div3A_1028 = arith.divf %div3A_1027, %add3A_1004 : vector<16xf32>
      %div3A_1029 = arith.constant 1.000000e+00 : f32
      %div3A_1030 = vector.broadcast %div3A_1029 : f32 to vector<16xf32>
      %div3A_1031 = arith.divf %div3A_1030, %add3A_1007 : vector<16xf32>
      %div3A_1032 = arith.constant 1.000000e+00 : f32
      %div3A_1033 = vector.broadcast %div3A_1032 : f32 to vector<16xf32>
      %div3A_1034 = arith.divf %div3A_1033, %add3A_1010 : vector<16xf32>
      %div3A_1035 = arith.constant 1.000000e+00 : f32
      %div3A_1036 = vector.broadcast %div3A_1035 : f32 to vector<16xf32>
      %div3A_1037 = arith.divf %div3A_1036, %add3A_1013 : vector<16xf32>
      %div3A_1038 = arith.constant 1.000000e+00 : f32
      %div3A_1039 = vector.broadcast %div3A_1038 : f32 to vector<16xf32>
      %div3A_1040 = arith.divf %div3A_1039, %add3A_1016 : vector<16xf32>
      %div3A_1041 = arith.constant 1.000000e+00 : f32
      %div3A_1042 = vector.broadcast %div3A_1041 : f32 to vector<16xf32>
      %div3A_1043 = arith.divf %div3A_1042, %add3A_1019 : vector<16xf32>
      %div3A_1044 = arith.constant 1.000000e+00 : f32
      %div3A_1045 = vector.broadcast %div3A_1044 : f32 to vector<16xf32>
      %div3A_1046 = arith.divf %div3A_1045, %add3A_1022 : vector<16xf32>
      %add3A_1047 = arith.addf %div3A_1025, %get3A_920 : vector<16xf32>
      %add3A_1048 = arith.addf %div3A_1028, %get3A_922 : vector<16xf32>
      %add3A_1049 = arith.addf %div3A_1031, %get3A_924 : vector<16xf32>
      %add3A_1050 = arith.addf %div3A_1034, %get3A_926 : vector<16xf32>
      %add3A_1051 = arith.addf %div3A_1037, %get3A_928 : vector<16xf32>
      %add3A_1052 = arith.addf %div3A_1040, %get3A_930 : vector<16xf32>
      %add3A_1053 = arith.addf %div3A_1043, %get3A_932 : vector<16xf32>
      %add3A_1054 = arith.addf %div3A_1046, %get3A_934 : vector<16xf32>
      %swap3A_1055 = arith.constant 640 : index
      %swap3A_1056 = tpu.vector_load %arg9[%swap3A_1055] {strides = array<i32>} : memref<1024xf32, #tpu.memory_space<vmem>>, vector<16xf32>,
      tpu.vector_store %arg9[%swap3A_1055], %add3A_1047 {strides = array<i32>} : memref<1024xf32, #tpu.memory_space<vmem>>, vector<16xf32>,
      %swap3A_1057 = arith.constant 656 : index
      %swap3A_1058 = tpu.vector_load %arg9[%swap3A_1057] {strides = array<i32>} : memref<1024xf32, #tpu.memory_space<vmem>>, vector<16xf32>,
      tpu.vector_store %arg9[%swap3A_1057], %add3A_1048 {strides = array<i32>} : memref<1024xf32, #tpu.memory_space<vmem>>, vector<16xf32>,
      %swap3A_1059 = arith.constant 672 : index
      %swap3A_1060 = tpu.vector_load %arg9[%swap3A_1059] {strides = array<i32>} : memref<1024xf32, #tpu.memory_space<vmem>>, vector<16xf32>,
      tpu.vector_store %arg9[%swap3A_1059], %add3A_1049 {strides = array<i32>} : memref<1024xf32, #tpu.memory_space<vmem>>, vector<16xf32>,
      %swap3A_1061 = arith.constant 688 : index
      %swap3A_1062 = tpu.vector_load %arg9[%swap3A_1061] {strides = array<i32>} : memref<1024xf32, #tpu.memory_space<vmem>>, vector<16xf32>,
      tpu.vector_store %arg9[%swap3A_1061], %add3A_1050 {strides = array<i32>} : memref<1024xf32, #tpu.memory_space<vmem>>, vector<16xf32>,
      %swap3A_1063 = arith.constant 704 : index
      %swap3A_1064 = tpu.vector_load %arg9[%swap3A_1063] {strides = array<i32>} : memref<1024xf32, #tpu.memory_space<vmem>>, vector<16xf32>,
      tpu.vector_store %arg9[%swap3A_1063], %add3A_1051 {strides = array<i32>} : memref<1024xf32, #tpu.memory_space<vmem>>, vector<16xf32>,
      %swap3A_1065 = arith.constant 720 : index
      %swap3A_1066 = tpu.vector_load %arg9[%swap3A_1065] {strides = array<i32>} : memref<1024xf32, #tpu.memory_space<vmem>>, vector<16xf32>,
      tpu.vector_store %arg9[%swap3A_1065], %add3A_1052 {strides = array<i32>} : memref<1024xf32, #tpu.memory_space<vmem>>, vector<16xf32>,
      %swap3A_1067 = arith.constant 736 : index
      %swap3A_1068 = tpu.vector_load %arg9[%swap3A_1067] {strides = array<i32>} : memref<1024xf32, #tpu.memory_space<vmem>>, vector<16xf32>,
      tpu.vector_store %arg9[%swap3A_1067], %add3A_1053 {strides = array<i32>} : memref<1024xf32, #tpu.memory_space<vmem>>, vector<16xf32>,
      %swap3A_1069 = arith.constant 752 : index
      %swap3A_1070 = tpu.vector_load %arg9[%swap3A_1069] {strides = array<i32>} : memref<1024xf32, #tpu.memory_space<vmem>>, vector<16xf32>,
      tpu.vector_store %arg9[%swap3A_1069], %add3A_1054 {strides = array<i32>} : memref<1024xf32, #tpu.memory_space<vmem>>, vector<16xf32>,
      %max3A_1071 = arith.maximumf %add3A_1047, %add3A_1048 : vector<16xf32>
      %max3A_1072 = arith.maximumf %add3A_1049, %add3A_1050 : vector<16xf32>
      %max3A_1073 = arith.maximumf %add3A_1051, %add3A_1052 : vector<16xf32>
      %max3A_1074 = arith.maximumf %add3A_1053, %add3A_1054 : vector<16xf32>
      %min3A_1075 = arith.minimumf %add3A_1047, %add3A_1048 : vector<16xf32>
      %min3A_1076 = arith.minimumf %add3A_1049, %add3A_1050 : vector<16xf32>
      %min3A_1077 = arith.minimumf %add3A_1051, %add3A_1052 : vector<16xf32>
      %min3A_1078 = arith.minimumf %add3A_1053, %add3A_1054 : vector<16xf32>
      %max3A_1079 = arith.maximumf %max3A_1071, %max3A_1072 : vector<16xf32>
      %min3A_1080 = arith.minimumf %max3A_1071, %max3A_1072 : vector<16xf32>
      %max3A_1081 = arith.maximumf %min3A_1075, %min3A_1076 : vector<16xf32>
      %max3A_1082 = arith.maximumf %min3A_1080, %max3A_1081 : vector<16xf32>
      %max3A_1083 = arith.maximumf %max3A_1073, %max3A_1074 : vector<16xf32>
      %min3A_1084 = arith.minimumf %max3A_1073, %max3A_1074 : vector<16xf32>
      %max3A_1085 = arith.maximumf %min3A_1077, %min3A_1078 : vector<16xf32>
      %max3A_1086 = arith.maximumf %min3A_1084, %max3A_1085 : vector<16xf32>
      %max3A_1087 = arith.maximumf %max3A_1079, %max3A_1083 : vector<16xf32>
      %min3A_1088 = arith.minimumf %max3A_1079, %max3A_1083 : vector<16xf32>
      %max3A_1089 = arith.maximumf %max3A_1082, %max3A_1086 : vector<16xf32>
      %max3A_1090 = arith.maximumf %min3A_1088, %max3A_1089 : vector<16xf32>
      %add3A_1091 = arith.addf %max3A_1087, %max3A_1090 : vector<16xf32>
      %add3A_1092 = arith.addf %add3A_1047, %add3A_1048 : vector<16xf32>
      %add3A_1093 = arith.addf %add3A_1049, %add3A_1050 : vector<16xf32>
      %add3A_1094 = arith.addf %add3A_1051, %add3A_1052 : vector<16xf32>
      %add3A_1095 = arith.addf %add3A_1053, %add3A_1054 : vector<16xf32>
      %add3A_1096 = arith.addf %add3A_1092, %add3A_1093 : vector<16xf32>
      %add3A_1097 = arith.addf %add3A_1094, %add3A_1095 : vector<16xf32>
      %add3A_1098 = arith.addf %add3A_1096, %add3A_1097 : vector<16xf32>
      %get3A_1099 = arith.constant 768 : index
      %get3A_1100 = tpu.vector_load %arg10[%get3A_1099] {strides = array<i32>} : memref<1024xf32, #tpu.memory_space<vmem>>, vector<16xf32>,
      %get3A_1101 = arith.constant 784 : index
      %get3A_1102 = tpu.vector_load %arg10[%get3A_1101] {strides = array<i32>} : memref<1024xf32, #tpu.memory_space<vmem>>, vector<16xf32>,
      %get3A_1103 = arith.constant 800 : index
      %get3A_1104 = tpu.vector_load %arg10[%get3A_1103] {strides = array<i32>} : memref<1024xf32, #tpu.memory_space<vmem>>, vector<16xf32>,
      %get3A_1105 = arith.constant 816 : index
      %get3A_1106 = tpu.vector_load %arg10[%get3A_1105] {strides = array<i32>} : memref<1024xf32, #tpu.memory_space<vmem>>, vector<16xf32>,
      %get3A_1107 = arith.constant 832 : index
      %get3A_1108 = tpu.vector_load %arg10[%get3A_1107] {strides = array<i32>} : memref<1024xf32, #tpu.memory_space<vmem>>, vector<16xf32>,
      %get3A_1109 = arith.constant 848 : index
      %get3A_1110 = tpu.vector_load %arg10[%get3A_1109] {strides = array<i32>} : memref<1024xf32, #tpu.memory_space<vmem>>, vector<16xf32>,
      %get3A_1111 = arith.constant 864 : index
      %get3A_1112 = tpu.vector_load %arg10[%get3A_1111] {strides = array<i32>} : memref<1024xf32, #tpu.memory_space<vmem>>, vector<16xf32>,
      %get3A_1113 = arith.constant 880 : index
      %get3A_1114 = tpu.vector_load %arg10[%get3A_1113] {strides = array<i32>} : memref<1024xf32, #tpu.memory_space<vmem>>, vector<16xf32>,
      %get3A_1115 = arith.constant 48 : i32
      %get3A_1116 = arith.index_cast %get3A_1115 : i32 to index
      %get3A_1117 = arith.index_cast %mul3A_24 : i32 to index
      %get3A_1118 = tpu.vector_load %arg8[%get3A_1116, %get3A_1117] {strides = array<i32>} : memref<64x512xf32, #tpu.memory_space<vmem>>, vector<16xf32>,
      %get3A_1119 = arith.constant 49 : i32
      %get3A_1120 = arith.index_cast %get3A_1119 : i32 to index
      %get3A_1121 = arith.index_cast %mul3A_24 : i32 to index
      %get3A_1122 = tpu.vector_load %arg8[%get3A_1120, %get3A_1121] {strides = array<i32>} : memref<64x512xf32, #tpu.memory_space<vmem>>, vector<16xf32>,
      %get3A_1123 = arith.constant 50 : i32
      %get3A_1124 = arith.index_cast %get3A_1123 : i32 to index
      %get3A_1125 = arith.index_cast %mul3A_24 : i32 to index
      %get3A_1126 = tpu.vector_load %arg8[%get3A_1124, %get3A_1125] {strides = array<i32>} : memref<64x512xf32, #tpu.memory_space<vmem>>, vector<16xf32>,
      %get3A_1127 = arith.constant 51 : i32
      %get3A_1128 = arith.index_cast %get3A_1127 : i32 to index
      %get3A_1129 = arith.index_cast %mul3A_24 : i32 to index
      %get3A_1130 = tpu.vector_load %arg8[%get3A_1128, %get3A_1129] {strides = array<i32>} : memref<64x512xf32, #tpu.memory_space<vmem>>, vector<16xf32>,
      %get3A_1131 = arith.constant 52 : i32
      %get3A_1132 = arith.index_cast %get3A_1131 : i32 to index
      %get3A_1133 = arith.index_cast %mul3A_24 : i32 to index
      %get3A_1134 = tpu.vector_load %arg8[%get3A_1132, %get3A_1133] {strides = array<i32>} : memref<64x512xf32, #tpu.memory_space<vmem>>, vector<16xf32>,
      %get3A_1135 = arith.constant 53 : i32
      %get3A_1136 = arith.index_cast %get3A_1135 : i32 to index
      %get3A_1137 = arith.index_cast %mul3A_24 : i32 to index
      %get3A_1138 = tpu.vector_load %arg8[%get3A_1136, %get3A_1137] {strides = array<i32>} : memref<64x512xf32, #tpu.memory_space<vmem>>, vector<16xf32>,
      %get3A_1139 = arith.constant 54 : i32
      %get3A_1140 = arith.index_cast %get3A_1139 : i32 to index
      %get3A_1141 = arith.index_cast %mul3A_24 : i32 to index
      %get3A_1142 = tpu.vector_load %arg8[%get3A_1140, %get3A_1141] {strides = array<i32>} : memref<64x512xf32, #tpu.memory_space<vmem>>, vector<16xf32>,
      %get3A_1143 = arith.constant 55 : i32
      %get3A_1144 = arith.index_cast %get3A_1143 : i32 to index
      %get3A_1145 = arith.index_cast %mul3A_24 : i32 to index
      %get3A_1146 = tpu.vector_load %arg8[%get3A_1144, %get3A_1145] {strides = array<i32>} : memref<64x512xf32, #tpu.memory_space<vmem>>, vector<16xf32>,
      %neg3A_1147 = arith.constant 0.000000e+00 : f32
      %neg3A_1148 = vector.broadcast %neg3A_1147 : f32 to vector<16xf32>
      %neg3A_1149 = arith.subf %neg3A_1148, %get3A_1118 : vector<16xf32>
      %exp3A_1150 = math.exp %neg3A_1149 : vector<16xf32>
      %neg3A_1151 = arith.constant 0.000000e+00 : f32
      %neg3A_1152 = vector.broadcast %neg3A_1151 : f32 to vector<16xf32>
      %neg3A_1153 = arith.subf %neg3A_1152, %get3A_1122 : vector<16xf32>
      %exp3A_1154 = math.exp %neg3A_1153 : vector<16xf32>
      %neg3A_1155 = arith.constant 0.000000e+00 : f32
      %neg3A_1156 = vector.broadcast %neg3A_1155 : f32 to vector<16xf32>
      %neg3A_1157 = arith.subf %neg3A_1156, %get3A_1126 : vector<16xf32>
      %exp3A_1158 = math.exp %neg3A_1157 : vector<16xf32>
      %neg3A_1159 = arith.constant 0.000000e+00 : f32
      %neg3A_1160 = vector.broadcast %neg3A_1159 : f32 to vector<16xf32>
      %neg3A_1161 = arith.subf %neg3A_1160, %get3A_1130 : vector<16xf32>
      %exp3A_1162 = math.exp %neg3A_1161 : vector<16xf32>
      %neg3A_1163 = arith.constant 0.000000e+00 : f32
      %neg3A_1164 = vector.broadcast %neg3A_1163 : f32 to vector<16xf32>
      %neg3A_1165 = arith.subf %neg3A_1164, %get3A_1134 : vector<16xf32>
      %exp3A_1166 = math.exp %neg3A_1165 : vector<16xf32>
      %neg3A_1167 = arith.constant 0.000000e+00 : f32
      %neg3A_1168 = vector.broadcast %neg3A_1167 : f32 to vector<16xf32>
      %neg3A_1169 = arith.subf %neg3A_1168, %get3A_1138 : vector<16xf32>
      %exp3A_1170 = math.exp %neg3A_1169 : vector<16xf32>
      %neg3A_1171 = arith.constant 0.000000e+00 : f32
      %neg3A_1172 = vector.broadcast %neg3A_1171 : f32 to vector<16xf32>
      %neg3A_1173 = arith.subf %neg3A_1172, %get3A_1142 : vector<16xf32>
      %exp3A_1174 = math.exp %neg3A_1173 : vector<16xf32>
      %neg3A_1175 = arith.constant 0.000000e+00 : f32
      %neg3A_1176 = vector.broadcast %neg3A_1175 : f32 to vector<16xf32>
      %neg3A_1177 = arith.subf %neg3A_1176, %get3A_1146 : vector<16xf32>
      %exp3A_1178 = math.exp %neg3A_1177 : vector<16xf32>
      %add3A_1179 = arith.constant 1.000000e+00 : f32
      %add3A_1180 = vector.broadcast %add3A_1179 : f32 to vector<16xf32>
      %add3A_1181 = arith.addf %add3A_1180, %exp3A_1150 : vector<16xf32>
      %add3A_1182 = arith.constant 1.000000e+00 : f32
      %add3A_1183 = vector.broadcast %add3A_1182 : f32 to vector<16xf32>
      %add3A_1184 = arith.addf %add3A_1183, %exp3A_1154 : vector<16xf32>
      %add3A_1185 = arith.constant 1.000000e+00 : f32
      %add3A_1186 = vector.broadcast %add3A_1185 : f32 to vector<16xf32>
      %add3A_1187 = arith.addf %add3A_1186, %exp3A_1158 : vector<16xf32>
      %add3A_1188 = arith.constant 1.000000e+00 : f32
      %add3A_1189 = vector.broadcast %add3A_1188 : f32 to vector<16xf32>
      %add3A_1190 = arith.addf %add3A_1189, %exp3A_1162 : vector<16xf32>
      %add3A_1191 = arith.constant 1.000000e+00 : f32
      %add3A_1192 = vector.broadcast %add3A_1191 : f32 to vector<16xf32>
      %add3A_1193 = arith.addf %add3A_1192, %exp3A_1166 : vector<16xf32>
      %add3A_1194 = arith.constant 1.000000e+00 : f32
      %add3A_1195 = vector.broadcast %add3A_1194 : f32 to vector<16xf32>
      %add3A_1196 = arith.addf %add3A_1195, %exp3A_1170 : vector<16xf32>
      %add3A_1197 = arith.constant 1.000000e+00 : f32
      %add3A_1198 = vector.broadcast %add3A_1197 : f32 to vector<16xf32>
      %add3A_1199 = arith.addf %add3A_1198, %exp3A_1174 : vector<16xf32>
      %add3A_1200 = arith.constant 1.000000e+00 : f32
      %add3A_1201 = vector.broadcast %add3A_1200 : f32 to vector<16xf32>
      %add3A_1202 = arith.addf %add3A_1201, %exp3A_1178 : vector<16xf32>
      %div3A_1203 = arith.constant 1.000000e+00 : f32
      %div3A_1204 = vector.broadcast %div3A_1203 : f32 to vector<16xf32>
      %div3A_1205 = arith.divf %div3A_1204, %add3A_1181 : vector<16xf32>
      %div3A_1206 = arith.constant 1.000000e+00 : f32
      %div3A_1207 = vector.broadcast %div3A_1206 : f32 to vector<16xf32>
      %div3A_1208 = arith.divf %div3A_1207, %add3A_1184 : vector<16xf32>
      %div3A_1209 = arith.constant 1.000000e+00 : f32
      %div3A_1210 = vector.broadcast %div3A_1209 : f32 to vector<16xf32>
      %div3A_1211 = arith.divf %div3A_1210, %add3A_1187 : vector<16xf32>
      %div3A_1212 = arith.constant 1.000000e+00 : f32
      %div3A_1213 = vector.broadcast %div3A_1212 : f32 to vector<16xf32>
      %div3A_1214 = arith.divf %div3A_1213, %add3A_1190 : vector<16xf32>
      %div3A_1215 = arith.constant 1.000000e+00 : f32
      %div3A_1216 = vector.broadcast %div3A_1215 : f32 to vector<16xf32>
      %div3A_1217 = arith.divf %div3A_1216, %add3A_1193 : vector<16xf32>
      %div3A_1218 = arith.constant 1.000000e+00 : f32
      %div3A_1219 = vector.broadcast %div3A_1218 : f32 to vector<16xf32>
      %div3A_1220 = arith.divf %div3A_1219, %add3A_1196 : vector<16xf32>
      %div3A_1221 = arith.constant 1.000000e+00 : f32
      %div3A_1222 = vector.broadcast %div3A_1221 : f32 to vector<16xf32>
      %div3A_1223 = arith.divf %div3A_1222, %add3A_1199 : vector<16xf32>
      %div3A_1224 = arith.constant 1.000000e+00 : f32
      %div3A_1225 = vector.broadcast %div3A_1224 : f32 to vector<16xf32>
      %div3A_1226 = arith.divf %div3A_1225, %add3A_1202 : vector<16xf32>
      %add3A_1227 = arith.addf %div3A_1205, %get3A_1100 : vector<16xf32>
      %add3A_1228 = arith.addf %div3A_1208, %get3A_1102 : vector<16xf32>
      %add3A_1229 = arith.addf %div3A_1211, %get3A_1104 : vector<16xf32>
      %add3A_1230 = arith.addf %div3A_1214, %get3A_1106 : vector<16xf32>
      %add3A_1231 = arith.addf %div3A_1217, %get3A_1108 : vector<16xf32>
      %add3A_1232 = arith.addf %div3A_1220, %get3A_1110 : vector<16xf32>
      %add3A_1233 = arith.addf %div3A_1223, %get3A_1112 : vector<16xf32>
      %add3A_1234 = arith.addf %div3A_1226, %get3A_1114 : vector<16xf32>
      %swap3A_1235 = arith.constant 768 : index
      %swap3A_1236 = tpu.vector_load %arg9[%swap3A_1235] {strides = array<i32>} : memref<1024xf32, #tpu.memory_space<vmem>>, vector<16xf32>,
      tpu.vector_store %arg9[%swap3A_1235], %add3A_1227 {strides = array<i32>} : memref<1024xf32, #tpu.memory_space<vmem>>, vector<16xf32>,
      %swap3A_1237 = arith.constant 784 : index
      %swap3A_1238 = tpu.vector_load %arg9[%swap3A_1237] {strides = array<i32>} : memref<1024xf32, #tpu.memory_space<vmem>>, vector<16xf32>,
      tpu.vector_store %arg9[%swap3A_1237], %add3A_1228 {strides = array<i32>} : memref<1024xf32, #tpu.memory_space<vmem>>, vector<16xf32>,
      %swap3A_1239 = arith.constant 800 : index
      %swap3A_1240 = tpu.vector_load %arg9[%swap3A_1239] {strides = array<i32>} : memref<1024xf32, #tpu.memory_space<vmem>>, vector<16xf32>,
      tpu.vector_store %arg9[%swap3A_1239], %add3A_1229 {strides = array<i32>} : memref<1024xf32, #tpu.memory_space<vmem>>, vector<16xf32>,
      %swap3A_1241 = arith.constant 816 : index
      %swap3A_1242 = tpu.vector_load %arg9[%swap3A_1241] {strides = array<i32>} : memref<1024xf32, #tpu.memory_space<vmem>>, vector<16xf32>,
      tpu.vector_store %arg9[%swap3A_1241], %add3A_1230 {strides = array<i32>} : memref<1024xf32, #tpu.memory_space<vmem>>, vector<16xf32>,
      %swap3A_1243 = arith.constant 832 : index
      %swap3A_1244 = tpu.vector_load %arg9[%swap3A_1243] {strides = array<i32>} : memref<1024xf32, #tpu.memory_space<vmem>>, vector<16xf32>,
      tpu.vector_store %arg9[%swap3A_1243], %add3A_1231 {strides = array<i32>} : memref<1024xf32, #tpu.memory_space<vmem>>, vector<16xf32>,
      %swap3A_1245 = arith.constant 848 : index
      %swap3A_1246 = tpu.vector_load %arg9[%swap3A_1245] {strides = array<i32>} : memref<1024xf32, #tpu.memory_space<vmem>>, vector<16xf32>,
      tpu.vector_store %arg9[%swap3A_1245], %add3A_1232 {strides = array<i32>} : memref<1024xf32, #tpu.memory_space<vmem>>, vector<16xf32>,
      %swap3A_1247 = arith.constant 864 : index
      %swap3A_1248 = tpu.vector_load %arg9[%swap3A_1247] {strides = array<i32>} : memref<1024xf32, #tpu.memory_space<vmem>>, vector<16xf32>,
      tpu.vector_store %arg9[%swap3A_1247], %add3A_1233 {strides = array<i32>} : memref<1024xf32, #tpu.memory_space<vmem>>, vector<16xf32>,
      %swap3A_1249 = arith.constant 880 : index
      %swap3A_1250 = tpu.vector_load %arg9[%swap3A_1249] {strides = array<i32>} : memref<1024xf32, #tpu.memory_space<vmem>>, vector<16xf32>,
      tpu.vector_store %arg9[%swap3A_1249], %add3A_1234 {strides = array<i32>} : memref<1024xf32, #tpu.memory_space<vmem>>, vector<16xf32>,
      %max3A_1251 = arith.maximumf %add3A_1227, %add3A_1228 : vector<16xf32>
      %max3A_1252 = arith.maximumf %add3A_1229, %add3A_1230 : vector<16xf32>
      %max3A_1253 = arith.maximumf %add3A_1231, %add3A_1232 : vector<16xf32>
      %max3A_1254 = arith.maximumf %add3A_1233, %add3A_1234 : vector<16xf32>
      %min3A_1255 = arith.minimumf %add3A_1227, %add3A_1228 : vector<16xf32>
      %min3A_1256 = arith.minimumf %add3A_1229, %add3A_1230 : vector<16xf32>
      %min3A_1257 = arith.minimumf %add3A_1231, %add3A_1232 : vector<16xf32>
      %min3A_1258 = arith.minimumf %add3A_1233, %add3A_1234 : vector<16xf32>
      %max3A_1259 = arith.maximumf %max3A_1251, %max3A_1252 : vector<16xf32>
      %min3A_1260 = arith.minimumf %max3A_1251, %max3A_1252 : vector<16xf32>
      %max3A_1261 = arith.maximumf %min3A_1255, %min3A_1256 : vector<16xf32>
      %max3A_1262 = arith.maximumf %min3A_1260, %max3A_1261 : vector<16xf32>
      %max3A_1263 = arith.maximumf %max3A_1253, %max3A_1254 : vector<16xf32>
      %min3A_1264 = arith.minimumf %max3A_1253, %max3A_1254 : vector<16xf32>
      %max3A_1265 = arith.maximumf %min3A_1257, %min3A_1258 : vector<16xf32>
      %max3A_1266 = arith.maximumf %min3A_1264, %max3A_1265 : vector<16xf32>
      %max3A_1267 = arith.maximumf %max3A_1259, %max3A_1263 : vector<16xf32>
      %min3A_1268 = arith.minimumf %max3A_1259, %max3A_1263 : vector<16xf32>
      %max3A_1269 = arith.maximumf %max3A_1262, %max3A_1266 : vector<16xf32>
      %max3A_1270 = arith.maximumf %min3A_1268, %max3A_1269 : vector<16xf32>
      %add3A_1271 = arith.addf %max3A_1267, %max3A_1270 : vector<16xf32>
      %add3A_1272 = arith.addf %add3A_1227, %add3A_1228 : vector<16xf32>
      %add3A_1273 = arith.addf %add3A_1229, %add3A_1230 : vector<16xf32>
      %add3A_1274 = arith.addf %add3A_1231, %add3A_1232 : vector<16xf32>
      %add3A_1275 = arith.addf %add3A_1233, %add3A_1234 : vector<16xf32>
      %add3A_1276 = arith.addf %add3A_1272, %add3A_1273 : vector<16xf32>
      %add3A_1277 = arith.addf %add3A_1274, %add3A_1275 : vector<16xf32>
      %add3A_1278 = arith.addf %add3A_1276, %add3A_1277 : vector<16xf32>
      %get3A_1279 = arith.constant 896 : index
      %get3A_1280 = tpu.vector_load %arg10[%get3A_1279] {strides = array<i32>} : memref<1024xf32, #tpu.memory_space<vmem>>, vector<16xf32>,
      %get3A_1281 = arith.constant 912 : index
      %get3A_1282 = tpu.vector_load %arg10[%get3A_1281] {strides = array<i32>} : memref<1024xf32, #tpu.memory_space<vmem>>, vector<16xf32>,
      %get3A_1283 = arith.constant 928 : index
      %get3A_1284 = tpu.vector_load %arg10[%get3A_1283] {strides = array<i32>} : memref<1024xf32, #tpu.memory_space<vmem>>, vector<16xf32>,
      %get3A_1285 = arith.constant 944 : index
      %get3A_1286 = tpu.vector_load %arg10[%get3A_1285] {strides = array<i32>} : memref<1024xf32, #tpu.memory_space<vmem>>, vector<16xf32>,
      %get3A_1287 = arith.constant 960 : index
      %get3A_1288 = tpu.vector_load %arg10[%get3A_1287] {strides = array<i32>} : memref<1024xf32, #tpu.memory_space<vmem>>, vector<16xf32>,
      %get3A_1289 = arith.constant 976 : index
      %get3A_1290 = tpu.vector_load %arg10[%get3A_1289] {strides = array<i32>} : memref<1024xf32, #tpu.memory_space<vmem>>, vector<16xf32>,
      %get3A_1291 = arith.constant 992 : index
      %get3A_1292 = tpu.vector_load %arg10[%get3A_1291] {strides = array<i32>} : memref<1024xf32, #tpu.memory_space<vmem>>, vector<16xf32>,
      %get3A_1293 = arith.constant 1008 : index
      %get3A_1294 = tpu.vector_load %arg10[%get3A_1293] {strides = array<i32>} : memref<1024xf32, #tpu.memory_space<vmem>>, vector<16xf32>,
      %get3A_1295 = arith.constant 56 : i32
      %get3A_1296 = arith.index_cast %get3A_1295 : i32 to index
      %get3A_1297 = arith.index_cast %mul3A_24 : i32 to index
      %get3A_1298 = tpu.vector_load %arg8[%get3A_1296, %get3A_1297] {strides = array<i32>} : memref<64x512xf32, #tpu.memory_space<vmem>>, vector<16xf32>,
      %get3A_1299 = arith.constant 57 : i32
      %get3A_1300 = arith.index_cast %get3A_1299 : i32 to index
      %get3A_1301 = arith.index_cast %mul3A_24 : i32 to index
      %get3A_1302 = tpu.vector_load %arg8[%get3A_1300, %get3A_1301] {strides = array<i32>} : memref<64x512xf32, #tpu.memory_space<vmem>>, vector<16xf32>,
      %get3A_1303 = arith.constant 58 : i32
      %get3A_1304 = arith.index_cast %get3A_1303 : i32 to index
      %get3A_1305 = arith.index_cast %mul3A_24 : i32 to index
      %get3A_1306 = tpu.vector_load %arg8[%get3A_1304, %get3A_1305] {strides = array<i32>} : memref<64x512xf32, #tpu.memory_space<vmem>>, vector<16xf32>,
      %get3A_1307 = arith.constant 59 : i32
      %get3A_1308 = arith.index_cast %get3A_1307 : i32 to index
      %get3A_1309 = arith.index_cast %mul3A_24 : i32 to index
      %get3A_1310 = tpu.vector_load %arg8[%get3A_1308, %get3A_1309] {strides = array<i32>} : memref<64x512xf32, #tpu.memory_space<vmem>>, vector<16xf32>,
      %get3A_1311 = arith.constant 60 : i32
      %get3A_1312 = arith.index_cast %get3A_1311 : i32 to index
      %get3A_1313 = arith.index_cast %mul3A_24 : i32 to index
      %get3A_1314 = tpu.vector_load %arg8[%get3A_1312, %get3A_1313] {strides = array<i32>} : memref<64x512xf32, #tpu.memory_space<vmem>>, vector<16xf32>,
      %get3A_1315 = arith.constant 61 : i32
      %get3A_1316 = arith.index_cast %get3A_1315 : i32 to index
      %get3A_1317 = arith.index_cast %mul3A_24 : i32 to index
      %get3A_1318 = tpu.vector_load %arg8[%get3A_1316, %get3A_1317] {strides = array<i32>} : memref<64x512xf32, #tpu.memory_space<vmem>>, vector<16xf32>,
      %get3A_1319 = arith.constant 62 : i32
      %get3A_1320 = arith.index_cast %get3A_1319 : i32 to index
      %get3A_1321 = arith.index_cast %mul3A_24 : i32 to index
      %get3A_1322 = tpu.vector_load %arg8[%get3A_1320, %get3A_1321] {strides = array<i32>} : memref<64x512xf32, #tpu.memory_space<vmem>>, vector<16xf32>,
      %get3A_1323 = arith.constant 63 : i32
      %get3A_1324 = arith.index_cast %get3A_1323 : i32 to index
      %get3A_1325 = arith.index_cast %mul3A_24 : i32 to index
      %get3A_1326 = tpu.vector_load %arg8[%get3A_1324, %get3A_1325] {strides = array<i32>} : memref<64x512xf32, #tpu.memory_space<vmem>>, vector<16xf32>,
      %neg3A_1327 = arith.constant 0.000000e+00 : f32
      %neg3A_1328 = vector.broadcast %neg3A_1327 : f32 to vector<16xf32>
      %neg3A_1329 = arith.subf %neg3A_1328, %get3A_1298 : vector<16xf32>
      %exp3A_1330 = math.exp %neg3A_1329 : vector<16xf32>
      %neg3A_1331 = arith.constant 0.000000e+00 : f32
      %neg3A_1332 = vector.broadcast %neg3A_1331 : f32 to vector<16xf32>
      %neg3A_1333 = arith.subf %neg3A_1332, %get3A_1302 : vector<16xf32>
      %exp3A_1334 = math.exp %neg3A_1333 : vector<16xf32>
      %neg3A_1335 = arith.constant 0.000000e+00 : f32
      %neg3A_1336 = vector.broadcast %neg3A_1335 : f32 to vector<16xf32>
      %neg3A_1337 = arith.subf %neg3A_1336, %get3A_1306 : vector<16xf32>
      %exp3A_1338 = math.exp %neg3A_1337 : vector<16xf32>
      %neg3A_1339 = arith.constant 0.000000e+00 : f32
      %neg3A_1340 = vector.broadcast %neg3A_1339 : f32 to vector<16xf32>
      %neg3A_1341 = arith.subf %neg3A_1340, %get3A_1310 : vector<16xf32>
      %exp3A_1342 = math.exp %neg3A_1341 : vector<16xf32>
      %neg3A_1343 = arith.constant 0.000000e+00 : f32
      %neg3A_1344 = vector.broadcast %neg3A_1343 : f32 to vector<16xf32>
      %neg3A_1345 = arith.subf %neg3A_1344, %get3A_1314 : vector<16xf32>
      %exp3A_1346 = math.exp %neg3A_1345 : vector<16xf32>
      %neg3A_1347 = arith.constant 0.000000e+00 : f32
      %neg3A_1348 = vector.broadcast %neg3A_1347 : f32 to vector<16xf32>
      %neg3A_1349 = arith.subf %neg3A_1348, %get3A_1318 : vector<16xf32>
      %exp3A_1350 = math.exp %neg3A_1349 : vector<16xf32>
      %neg3A_1351 = arith.constant 0.000000e+00 : f32
      %neg3A_1352 = vector.broadcast %neg3A_1351 : f32 to vector<16xf32>
      %neg3A_1353 = arith.subf %neg3A_1352, %get3A_1322 : vector<16xf32>
      %exp3A_1354 = math.exp %neg3A_1353 : vector<16xf32>
      %neg3A_1355 = arith.constant 0.000000e+00 : f32
      %neg3A_1356 = vector.broadcast %neg3A_1355 : f32 to vector<16xf32>
      %neg3A_1357 = arith.subf %neg3A_1356, %get3A_1326 : vector<16xf32>
      %exp3A_1358 = math.exp %neg3A_1357 : vector<16xf32>
      %add3A_1359 = arith.constant 1.000000e+00 : f32
      %add3A_1360 = vector.broadcast %add3A_1359 : f32 to vector<16xf32>
      %add3A_1361 = arith.addf %add3A_1360, %exp3A_1330 : vector<16xf32>
      %add3A_1362 = arith.constant 1.000000e+00 : f32
      %add3A_1363 = vector.broadcast %add3A_1362 : f32 to vector<16xf32>
      %add3A_1364 = arith.addf %add3A_1363, %exp3A_1334 : vector<16xf32>
      %add3A_1365 = arith.constant 1.000000e+00 : f32
      %add3A_1366 = vector.broadcast %add3A_1365 : f32 to vector<16xf32>
      %add3A_1367 = arith.addf %add3A_1366, %exp3A_1338 : vector<16xf32>
      %add3A_1368 = arith.constant 1.000000e+00 : f32
      %add3A_1369 = vector.broadcast %add3A_1368 : f32 to vector<16xf32>
      %add3A_1370 = arith.addf %add3A_1369, %exp3A_1342 : vector<16xf32>
      %add3A_1371 = arith.constant 1.000000e+00 : f32
      %add3A_1372 = vector.broadcast %add3A_1371 : f32 to vector<16xf32>
      %add3A_1373 = arith.addf %add3A_1372, %exp3A_1346 : vector<16xf32>
      %add3A_1374 = arith.constant 1.000000e+00 : f32
      %add3A_1375 = vector.broadcast %add3A_1374 : f32 to vector<16xf32>
      %add3A_1376 = arith.addf %add3A_1375, %exp3A_1350 : vector<16xf32>
      %add3A_1377 = arith.constant 1.000000e+00 : f32
      %add3A_1378 = vector.broadcast %add3A_1377 : f32 to vector<16xf32>
      %add3A_1379 = arith.addf %add3A_1378, %exp3A_1354 : vector<16xf32>
      %add3A_1380 = arith.constant 1.000000e+00 : f32
      %add3A_1381 = vector.broadcast %add3A_1380 : f32 to vector<16xf32>
      %add3A_1382 = arith.addf %add3A_1381, %exp3A_1358 : vector<16xf32>
      %div3A_1383 = arith.constant 1.000000e+00 : f32
      %div3A_1384 = vector.broadcast %div3A_1383 : f32 to vector<16xf32>
      %div3A_1385 = arith.divf %div3A_1384, %add3A_1361 : vector<16xf32>
      %div3A_1386 = arith.constant 1.000000e+00 : f32
      %div3A_1387 = vector.broadcast %div3A_1386 : f32 to vector<16xf32>
      %div3A_1388 = arith.divf %div3A_1387, %add3A_1364 : vector<16xf32>
      %div3A_1389 = arith.constant 1.000000e+00 : f32
      %div3A_1390 = vector.broadcast %div3A_1389 : f32 to vector<16xf32>
      %div3A_1391 = arith.divf %div3A_1390, %add3A_1367 : vector<16xf32>
      %div3A_1392 = arith.constant 1.000000e+00 : f32
      %div3A_1393 = vector.broadcast %div3A_1392 : f32 to vector<16xf32>
      %div3A_1394 = arith.divf %div3A_1393, %add3A_1370 : vector<16xf32>
      %div3A_1395 = arith.constant 1.000000e+00 : f32
      %div3A_1396 = vector.broadcast %div3A_1395 : f32 to vector<16xf32>
      %div3A_1397 = arith.divf %div3A_1396, %add3A_1373 : vector<16xf32>
      %div3A_1398 = arith.constant 1.000000e+00 : f32
      %div3A_1399 = vector.broadcast %div3A_1398 : f32 to vector<16xf32>
      %div3A_1400 = arith.divf %div3A_1399, %add3A_1376 : vector<16xf32>
      %div3A_1401 = arith.constant 1.000000e+00 : f32
      %div3A_1402 = vector.broadcast %div3A_1401 : f32 to vector<16xf32>
      %div3A_1403 = arith.divf %div3A_1402, %add3A_1379 : vector<16xf32>
      %div3A_1404 = arith.constant 1.000000e+00 : f32
      %div3A_1405 = vector.broadcast %div3A_1404 : f32 to vector<16xf32>
      %div3A_1406 = arith.divf %div3A_1405, %add3A_1382 : vector<16xf32>
      %add3A_1407 = arith.addf %div3A_1385, %get3A_1280 : vector<16xf32>
      %add3A_1408 = arith.addf %div3A_1388, %get3A_1282 : vector<16xf32>
      %add3A_1409 = arith.addf %div3A_1391, %get3A_1284 : vector<16xf32>
      %add3A_1410 = arith.addf %div3A_1394, %get3A_1286 : vector<16xf32>
      %add3A_1411 = arith.addf %div3A_1397, %get3A_1288 : vector<16xf32>
      %add3A_1412 = arith.addf %div3A_1400, %get3A_1290 : vector<16xf32>
      %add3A_1413 = arith.addf %div3A_1403, %get3A_1292 : vector<16xf32>
      %add3A_1414 = arith.addf %div3A_1406, %get3A_1294 : vector<16xf32>
      %swap3A_1415 = arith.constant 896 : index
      %swap3A_1416 = tpu.vector_load %arg9[%swap3A_1415] {strides = array<i32>} : memref<1024xf32, #tpu.memory_space<vmem>>, vector<16xf32>,
      tpu.vector_store %arg9[%swap3A_1415], %add3A_1407 {strides = array<i32>} : memref<1024xf32, #tpu.memory_space<vmem>>, vector<16xf32>,
      %swap3A_1417 = arith.constant 912 : index
      %swap3A_1418 = tpu.vector_load %arg9[%swap3A_1417] {strides = array<i32>} : memref<1024xf32, #tpu.memory_space<vmem>>, vector<16xf32>,
      tpu.vector_store %arg9[%swap3A_1417], %add3A_1408 {strides = array<i32>} : memref<1024xf32, #tpu.memory_space<vmem>>, vector<16xf32>,
      %swap3A_1419 = arith.constant 928 : index
      %swap3A_1420 = tpu.vector_load %arg9[%swap3A_1419] {strides = array<i32>} : memref<1024xf32, #tpu.memory_space<vmem>>, vector<16xf32>,
      tpu.vector_store %arg9[%swap3A_1419], %add3A_1409 {strides = array<i32>} : memref<1024xf32, #tpu.memory_space<vmem>>, vector<16xf32>,
      %swap3A_1421 = arith.constant 944 : index
      %swap3A_1422 = tpu.vector_load %arg9[%swap3A_1421] {strides = array<i32>} : memref<1024xf32, #tpu.memory_space<vmem>>, vector<16xf32>,
      tpu.vector_store %arg9[%swap3A_1421], %add3A_1410 {strides = array<i32>} : memref<1024xf32, #tpu.memory_space<vmem>>, vector<16xf32>,
      %swap3A_1423 = arith.constant 960 : index
      %swap3A_1424 = tpu.vector_load %arg9[%swap3A_1423] {strides = array<i32>} : memref<1024xf32, #tpu.memory_space<vmem>>, vector<16xf32>,
      tpu.vector_store %arg9[%swap3A_1423], %add3A_1411 {strides = array<i32>} : memref<1024xf32, #tpu.memory_space<vmem>>, vector<16xf32>,
      %swap3A_1425 = arith.constant 976 : index
      %swap3A_1426 = tpu.vector_load %arg9[%swap3A_1425] {strides = array<i32>} : memref<1024xf32, #tpu.memory_space<vmem>>, vector<16xf32>,
      tpu.vector_store %arg9[%swap3A_1425], %add3A_1412 {strides = array<i32>} : memref<1024xf32, #tpu.memory_space<vmem>>, vector<16xf32>,
      %swap3A_1427 = arith.constant 992 : index
      %swap3A_1428 = tpu.vector_load %arg9[%swap3A_1427] {strides = array<i32>} : memref<1024xf32, #tpu.memory_space<vmem>>, vector<16xf32>,
      tpu.vector_store %arg9[%swap3A_1427], %add3A_1413 {strides = array<i32>} : memref<1024xf32, #tpu.memory_space<vmem>>, vector<16xf32>,
      %swap3A_1429 = arith.constant 1008 : index
      %swap3A_1430 = tpu.vector_load %arg9[%swap3A_1429] {strides = array<i32>} : memref<1024xf32, #tpu.memory_space<vmem>>, vector<16xf32>,
      tpu.vector_store %arg9[%swap3A_1429], %add3A_1414 {strides = array<i32>} : memref<1024xf32, #tpu.memory_space<vmem>>, vector<16xf32>,
      %max3A_1431 = arith.maximumf %add3A_1407, %add3A_1408 : vector<16xf32>
      %max3A_1432 = arith.maximumf %add3A_1409, %add3A_1410 : vector<16xf32>
      %max3A_1433 = arith.maximumf %add3A_1411, %add3A_1412 : vector<16xf32>
      %max3A_1434 = arith.maximumf %add3A_1413, %add3A_1414 : vector<16xf32>
      %min3A_1435 = arith.minimumf %add3A_1407, %add3A_1408 : vector<16xf32>
      %min3A_1436 = arith.minimumf %add3A_1409, %add3A_1410 : vector<16xf32>
      %min3A_1437 = arith.minimumf %add3A_1411, %add3A_1412 : vector<16xf32>
      %min3A_1438 = arith.minimumf %add3A_1413, %add3A_1414 : vector<16xf32>
      %max3A_1439 = arith.maximumf %max3A_1431, %max3A_1432 : vector<16xf32>
      %min3A_1440 = arith.minimumf %max3A_1431, %max3A_1432 : vector<16xf32>
      %max3A_1441 = arith.maximumf %min3A_1435, %min3A_1436 : vector<16xf32>
      %max3A_1442 = arith.maximumf %min3A_1440, %max3A_1441 : vector<16xf32>
      %max3A_1443 = arith.maximumf %max3A_1433, %max3A_1434 : vector<16xf32>
      %min3A_1444 = arith.minimumf %max3A_1433, %max3A_1434 : vector<16xf32>
      %max3A_1445 = arith.maximumf %min3A_1437, %min3A_1438 : vector<16xf32>
      %max3A_1446 = arith.maximumf %min3A_1444, %max3A_1445 : vector<16xf32>
      %max3A_1447 = arith.maximumf %max3A_1439, %max3A_1443 : vector<16xf32>
      %min3A_1448 = arith.minimumf %max3A_1439, %max3A_1443 : vector<16xf32>
      %max3A_1449 = arith.maximumf %max3A_1442, %max3A_1446 : vector<16xf32>
      %max3A_1450 = arith.maximumf %min3A_1448, %max3A_1449 : vector<16xf32>
      %add3A_1451 = arith.addf %max3A_1447, %max3A_1450 : vector<16xf32>
      %add3A_1452 = arith.addf %add3A_1407, %add3A_1408 : vector<16xf32>
      %add3A_1453 = arith.addf %add3A_1409, %add3A_1410 : vector<16xf32>
      %add3A_1454 = arith.addf %add3A_1411, %add3A_1412 : vector<16xf32>
      %add3A_1455 = arith.addf %add3A_1413, %add3A_1414 : vector<16xf32>
      %add3A_1456 = arith.addf %add3A_1452, %add3A_1453 : vector<16xf32>
      %add3A_1457 = arith.addf %add3A_1454, %add3A_1455 : vector<16xf32>
      %add3A_1458 = arith.addf %add3A_1456, %add3A_1457 : vector<16xf32>
      %broadcast_in_dim3A_1459 = arith.constant 0 : i32
      %broadcast_in_dim3A_1460 = vector.broadcast %broadcast_in_dim3A_1459 : i32 to vector<16xi32>
      %broadcast_in_dim3A_1461 = arith.constant 1 : i32
      %broadcast_in_dim3A_1462 = vector.broadcast %broadcast_in_dim3A_1461 : i32 to vector<16xi32>
      %broadcast_in_dim3A_1463 = arith.constant 2 : i32
      %broadcast_in_dim3A_1464 = vector.broadcast %broadcast_in_dim3A_1463 : i32 to vector<16xi32>
      %broadcast_in_dim3A_1465 = arith.constant 3 : i32
      %broadcast_in_dim3A_1466 = vector.broadcast %broadcast_in_dim3A_1465 : i32 to vector<16xi32>
      %broadcast_in_dim3A_1467 = arith.constant 4 : i32
      %broadcast_in_dim3A_1468 = vector.broadcast %broadcast_in_dim3A_1467 : i32 to vector<16xi32>
      %broadcast_in_dim3A_1469 = arith.constant 5 : i32
      %broadcast_in_dim3A_1470 = vector.broadcast %broadcast_in_dim3A_1469 : i32 to vector<16xi32>
      %broadcast_in_dim3A_1471 = arith.constant 6 : i32
      %broadcast_in_dim3A_1472 = vector.broadcast %broadcast_in_dim3A_1471 : i32 to vector<16xi32>
      %broadcast_in_dim3A_1473 = arith.constant 7 : i32
      %broadcast_in_dim3A_1474 = vector.broadcast %broadcast_in_dim3A_1473 : i32 to vector<16xi32>
      %ge3A = arith.cmpf oge, %add3A_191, %add3A_371 : vector<16xf32>
      %select_n3A = arith.select %ge3A, %add3A_191, %add3A_371 : vector<16xi1>, vector<16xf32>
      %select_n3A_1475 = arith.select %ge3A, %broadcast_in_dim3A_1460, %broadcast_in_dim3A_1462 : vector<16xi1>, vector<16xi32>
      %ge3A_1476 = arith.cmpf oge, %add3A_551, %add3A_731 : vector<16xf32>
      %select_n3A_1477 = arith.select %ge3A_1476, %add3A_551, %add3A_731 : vector<16xi1>, vector<16xf32>
      %select_n3A_1478 = arith.select %ge3A_1476, %broadcast_in_dim3A_1464, %broadcast_in_dim3A_1466 : vector<16xi1>, vector<16xi32>
      %ge3A_1479 = arith.cmpf oge, %add3A_911, %add3A_1091 : vector<16xf32>
      %select_n3A_1480 = arith.select %ge3A_1479, %add3A_911, %add3A_1091 : vector<16xi1>, vector<16xf32>
      %select_n3A_1481 = arith.select %ge3A_1479, %broadcast_in_dim3A_1468, %broadcast_in_dim3A_1470 : vector<16xi1>, vector<16xi32>
      %ge3A_1482 = arith.cmpf oge, %add3A_1271, %add3A_1451 : vector<16xf32>
      %select_n3A_1483 = arith.select %ge3A_1482, %add3A_1271, %add3A_1451 : vector<16xi1>, vector<16xf32>
      %select_n3A_1484 = arith.select %ge3A_1482, %broadcast_in_dim3A_1472, %broadcast_in_dim3A_1474 : vector<16xi1>, vector<16xi32>
      %ge3A_1485 = arith.cmpf oge, %select_n3A, %select_n3A_1477 : vector<16xf32>
      %select_n3A_1486 = arith.select %ge3A_1485, %select_n3A, %select_n3A_1477 : vector<16xi1>, vector<16xf32>
      %select_n3A_1487 = arith.select %ge3A_1485, %select_n3A_1475, %select_n3A_1478 : vector<16xi1>, vector<16xi32>
      %ge3A_1488 = arith.cmpf oge, %select_n3A_1480, %select_n3A_1483 : vector<16xf32>
      %select_n3A_1489 = arith.select %ge3A_1488, %select_n3A_1480, %select_n3A_1483 : vector<16xi1>, vector<16xf32>
      %select_n3A_1490 = arith.select %ge3A_1488, %select_n3A_1481, %select_n3A_1484 : vector<16xi1>, vector<16xi32>
      %ge3A_1491 = arith.cmpf oge, %select_n3A_1486, %select_n3A_1489 : vector<16xf32>
      %select_n3A_1492 = arith.select %ge3A_1491, %select_n3A_1486, %select_n3A_1489 : vector<16xi1>, vector<16xf32>
      %select_n3A_1493 = arith.select %ge3A_1491, %select_n3A_1487, %select_n3A_1490 : vector<16xi1>, vector<16xi32>
      %eq3A = arith.constant 0 : i32
      %eq3A_1494 = vector.broadcast %eq3A : i32 to vector<16xi32>
      %eq3A_1495 = arith.cmpi eq, %select_n3A_1493, %eq3A_1494 : vector<16xi32>
      %select_n3A_1496 = arith.select %eq3A_1495, %broadcast_in_dim3A_5, %add3A_191 : vector<16xi1>, vector<16xf32>
      %eq3A_1497 = arith.constant 1 : i32
      %eq3A_1498 = vector.broadcast %eq3A_1497 : i32 to vector<16xi32>
      %eq3A_1499 = arith.cmpi eq, %select_n3A_1493, %eq3A_1498 : vector<16xi32>
      %select_n3A_1500 = arith.select %eq3A_1499, %broadcast_in_dim3A_5, %add3A_371 : vector<16xi1>, vector<16xf32>
      %eq3A_1501 = arith.constant 2 : i32
      %eq3A_1502 = vector.broadcast %eq3A_1501 : i32 to vector<16xi32>
      %eq3A_1503 = arith.cmpi eq, %select_n3A_1493, %eq3A_1502 : vector<16xi32>
      %select_n3A_1504 = arith.select %eq3A_1503, %broadcast_in_dim3A_5, %add3A_551 : vector<16xi1>, vector<16xf32>
      %eq3A_1505 = arith.constant 3 : i32
      %eq3A_1506 = vector.broadcast %eq3A_1505 : i32 to vector<16xi32>
      %eq3A_1507 = arith.cmpi eq, %select_n3A_1493, %eq3A_1506 : vector<16xi32>
      %select_n3A_1508 = arith.select %eq3A_1507, %broadcast_in_dim3A_5, %add3A_731 : vector<16xi1>, vector<16xf32>
      %eq3A_1509 = arith.constant 4 : i32
      %eq3A_1510 = vector.broadcast %eq3A_1509 : i32 to vector<16xi32>
      %eq3A_1511 = arith.cmpi eq, %select_n3A_1493, %eq3A_1510 : vector<16xi32>
      %select_n3A_1512 = arith.select %eq3A_1511, %broadcast_in_dim3A_5, %add3A_911 : vector<16xi1>, vector<16xf32>
      %eq3A_1513 = arith.constant 5 : i32
      %eq3A_1514 = vector.broadcast %eq3A_1513 : i32 to vector<16xi32>
      %eq3A_1515 = arith.cmpi eq, %select_n3A_1493, %eq3A_1514 : vector<16xi32>
      %select_n3A_1516 = arith.select %eq3A_1515, %broadcast_in_dim3A_5, %add3A_1091 : vector<16xi1>, vector<16xf32>
      %eq3A_1517 = arith.constant 6 : i32
      %eq3A_1518 = vector.broadcast %eq3A_1517 : i32 to vector<16xi32>
      %eq3A_1519 = arith.cmpi eq, %select_n3A_1493, %eq3A_1518 : vector<16xi32>
      %select_n3A_1520 = arith.select %eq3A_1519, %broadcast_in_dim3A_5, %add3A_1271 : vector<16xi1>, vector<16xf32>
      %eq3A_1521 = arith.constant 7 : i32
      %eq3A_1522 = vector.broadcast %eq3A_1521 : i32 to vector<16xi32>
      %eq3A_1523 = arith.cmpi eq, %select_n3A_1493, %eq3A_1522 : vector<16xi32>
      %select_n3A_1524 = arith.select %eq3A_1523, %broadcast_in_dim3A_5, %add3A_1451 : vector<16xi1>, vector<16xf32>
      %broadcast_in_dim3A_1525 = arith.constant 0 : i32
      %broadcast_in_dim3A_1526 = vector.broadcast %broadcast_in_dim3A_1525 : i32 to vector<16xi32>
      %broadcast_in_dim3A_1527 = arith.constant 1 : i32
      %broadcast_in_dim3A_1528 = vector.broadcast %broadcast_in_dim3A_1527 : i32 to vector<16xi32>
      %broadcast_in_dim3A_1529 = arith.constant 2 : i32
      %broadcast_in_dim3A_1530 = vector.broadcast %broadcast_in_dim3A_1529 : i32 to vector<16xi32>
      %broadcast_in_dim3A_1531 = arith.constant 3 : i32
      %broadcast_in_dim3A_1532 = vector.broadcast %broadcast_in_dim3A_1531 : i32 to vector<16xi32>
      %broadcast_in_dim3A_1533 = arith.constant 4 : i32
      %broadcast_in_dim3A_1534 = vector.broadcast %broadcast_in_dim3A_1533 : i32 to vector<16xi32>
      %broadcast_in_dim3A_1535 = arith.constant 5 : i32
      %broadcast_in_dim3A_1536 = vector.broadcast %broadcast_in_dim3A_1535 : i32 to vector<16xi32>
      %broadcast_in_dim3A_1537 = arith.constant 6 : i32
      %broadcast_in_dim3A_1538 = vector.broadcast %broadcast_in_dim3A_1537 : i32 to vector<16xi32>
      %broadcast_in_dim3A_1539 = arith.constant 7 : i32
      %broadcast_in_dim3A_1540 = vector.broadcast %broadcast_in_dim3A_1539 : i32 to vector<16xi32>
      %ge3A_1541 = arith.cmpf oge, %select_n3A_1496, %select_n3A_1500 : vector<16xf32>
      %select_n3A_1542 = arith.select %ge3A_1541, %select_n3A_1496, %select_n3A_1500 : vector<16xi1>, vector<16xf32>
      %select_n3A_1543 = arith.select %ge3A_1541, %broadcast_in_dim3A_1526, %broadcast_in_dim3A_1528 : vector<16xi1>, vector<16xi32>
      %ge3A_1544 = arith.cmpf oge, %select_n3A_1504, %select_n3A_1508 : vector<16xf32>
      %select_n3A_1545 = arith.select %ge3A_1544, %select_n3A_1504, %select_n3A_1508 : vector<16xi1>, vector<16xf32>
      %select_n3A_1546 = arith.select %ge3A_1544, %broadcast_in_dim3A_1530, %broadcast_in_dim3A_1532 : vector<16xi1>, vector<16xi32>
      %ge3A_1547 = arith.cmpf oge, %select_n3A_1512, %select_n3A_1516 : vector<16xf32>
      %select_n3A_1548 = arith.select %ge3A_1547, %select_n3A_1512, %select_n3A_1516 : vector<16xi1>, vector<16xf32>
      %select_n3A_1549 = arith.select %ge3A_1547, %broadcast_in_dim3A_1534, %broadcast_in_dim3A_1536 : vector<16xi1>, vector<16xi32>
      %ge3A_1550 = arith.cmpf oge, %select_n3A_1520, %select_n3A_1524 : vector<16xf32>
      %select_n3A_1551 = arith.select %ge3A_1550, %select_n3A_1520, %select_n3A_1524 : vector<16xi1>, vector<16xf32>
      %select_n3A_1552 = arith.select %ge3A_1550, %broadcast_in_dim3A_1538, %broadcast_in_dim3A_1540 : vector<16xi1>, vector<16xi32>
      %ge3A_1553 = arith.cmpf oge, %select_n3A_1542, %select_n3A_1545 : vector<16xf32>
      %select_n3A_1554 = arith.select %ge3A_1553, %select_n3A_1542, %select_n3A_1545 : vector<16xi1>, vector<16xf32>
      %select_n3A_1555 = arith.select %ge3A_1553, %select_n3A_1543, %select_n3A_1546 : vector<16xi1>, vector<16xi32>
      %ge3A_1556 = arith.cmpf oge, %select_n3A_1548, %select_n3A_1551 : vector<16xf32>
      %select_n3A_1557 = arith.select %ge3A_1556, %select_n3A_1548, %select_n3A_1551 : vector<16xi1>, vector<16xf32>
      %select_n3A_1558 = arith.select %ge3A_1556, %select_n3A_1549, %select_n3A_1552 : vector<16xi1>, vector<16xi32>
      %ge3A_1559 = arith.cmpf oge, %select_n3A_1554, %select_n3A_1557 : vector<16xf32>
      %select_n3A_1560 = arith.select %ge3A_1559, %select_n3A_1554, %select_n3A_1557 : vector<16xi1>, vector<16xf32>
      %select_n3A_1561 = arith.select %ge3A_1559, %select_n3A_1555, %select_n3A_1558 : vector<16xi1>, vector<16xi32>
      %eq3A_1562 = arith.constant 0 : i32
      %eq3A_1563 = vector.broadcast %eq3A_1562 : i32 to vector<16xi32>
      %eq3A_1564 = arith.cmpi eq, %select_n3A_1561, %eq3A_1563 : vector<16xi32>
      %or3A = arith.ori %eq3A_1495, %eq3A_1564 : vector<16xi1>
      %select_n3A_1565 = arith.select %eq3A_1564, %broadcast_in_dim3A_5, %select_n3A_1496 : vector<16xi1>, vector<16xf32>
      %eq3A_1566 = arith.constant 1 : i32
      %eq3A_1567 = vector.broadcast %eq3A_1566 : i32 to vector<16xi32>
      %eq3A_1568 = arith.cmpi eq, %select_n3A_1561, %eq3A_1567 : vector<16xi32>
      %or3A_1569 = arith.ori %eq3A_1499, %eq3A_1568 : vector<16xi1>
      %select_n3A_1570 = arith.select %eq3A_1568, %broadcast_in_dim3A_5, %select_n3A_1500 : vector<16xi1>, vector<16xf32>
      %eq3A_1571 = arith.constant 2 : i32
      %eq3A_1572 = vector.broadcast %eq3A_1571 : i32 to vector<16xi32>
      %eq3A_1573 = arith.cmpi eq, %select_n3A_1561, %eq3A_1572 : vector<16xi32>
      %or3A_1574 = arith.ori %eq3A_1503, %eq3A_1573 : vector<16xi1>
      %select_n3A_1575 = arith.select %eq3A_1573, %broadcast_in_dim3A_5, %select_n3A_1504 : vector<16xi1>, vector<16xf32>
      %eq3A_1576 = arith.constant 3 : i32
      %eq3A_1577 = vector.broadcast %eq3A_1576 : i32 to vector<16xi32>
      %eq3A_1578 = arith.cmpi eq, %select_n3A_1561, %eq3A_1577 : vector<16xi32>
      %or3A_1579 = arith.ori %eq3A_1507, %eq3A_1578 : vector<16xi1>
      %select_n3A_1580 = arith.select %eq3A_1578, %broadcast_in_dim3A_5, %select_n3A_1508 : vector<16xi1>, vector<16xf32>
      %eq3A_1581 = arith.constant 4 : i32
      %eq3A_1582 = vector.broadcast %eq3A_1581 : i32 to vector<16xi32>
      %eq3A_1583 = arith.cmpi eq, %select_n3A_1561, %eq3A_1582 : vector<16xi32>
      %or3A_1584 = arith.ori %eq3A_1511, %eq3A_1583 : vector<16xi1>
      %select_n3A_1585 = arith.select %eq3A_1583, %broadcast_in_dim3A_5, %select_n3A_1512 : vector<16xi1>, vector<16xf32>
      %eq3A_1586 = arith.constant 5 : i32
      %eq3A_1587 = vector.broadcast %eq3A_1586 : i32 to vector<16xi32>
      %eq3A_1588 = arith.cmpi eq, %select_n3A_1561, %eq3A_1587 : vector<16xi32>
      %or3A_1589 = arith.ori %eq3A_1515, %eq3A_1588 : vector<16xi1>
      %select_n3A_1590 = arith.select %eq3A_1588, %broadcast_in_dim3A_5, %select_n3A_1516 : vector<16xi1>, vector<16xf32>
      %eq3A_1591 = arith.constant 6 : i32
      %eq3A_1592 = vector.broadcast %eq3A_1591 : i32 to vector<16xi32>
      %eq3A_1593 = arith.cmpi eq, %select_n3A_1561, %eq3A_1592 : vector<16xi32>
      %or3A_1594 = arith.ori %eq3A_1519, %eq3A_1593 : vector<16xi1>
      %select_n3A_1595 = arith.select %eq3A_1593, %broadcast_in_dim3A_5, %select_n3A_1520 : vector<16xi1>, vector<16xf32>
      %eq3A_1596 = arith.constant 7 : i32
      %eq3A_1597 = vector.broadcast %eq3A_1596 : i32 to vector<16xi32>
      %eq3A_1598 = arith.cmpi eq, %select_n3A_1561, %eq3A_1597 : vector<16xi32>
      %or3A_1599 = arith.ori %eq3A_1523, %eq3A_1598 : vector<16xi1>
      %select_n3A_1600 = arith.select %eq3A_1598, %broadcast_in_dim3A_5, %select_n3A_1524 : vector<16xi1>, vector<16xf32>
      %broadcast_in_dim3A_1601 = arith.constant 0 : i32
      %broadcast_in_dim3A_1602 = vector.broadcast %broadcast_in_dim3A_1601 : i32 to vector<16xi32>
      %broadcast_in_dim3A_1603 = arith.constant 1 : i32
      %broadcast_in_dim3A_1604 = vector.broadcast %broadcast_in_dim3A_1603 : i32 to vector<16xi32>
      %broadcast_in_dim3A_1605 = arith.constant 2 : i32
      %broadcast_in_dim3A_1606 = vector.broadcast %broadcast_in_dim3A_1605 : i32 to vector<16xi32>
      %broadcast_in_dim3A_1607 = arith.constant 3 : i32
      %broadcast_in_dim3A_1608 = vector.broadcast %broadcast_in_dim3A_1607 : i32 to vector<16xi32>
      %broadcast_in_dim3A_1609 = arith.constant 4 : i32
      %broadcast_in_dim3A_1610 = vector.broadcast %broadcast_in_dim3A_1609 : i32 to vector<16xi32>
      %broadcast_in_dim3A_1611 = arith.constant 5 : i32
      %broadcast_in_dim3A_1612 = vector.broadcast %broadcast_in_dim3A_1611 : i32 to vector<16xi32>
      %broadcast_in_dim3A_1613 = arith.constant 6 : i32
      %broadcast_in_dim3A_1614 = vector.broadcast %broadcast_in_dim3A_1613 : i32 to vector<16xi32>
      %broadcast_in_dim3A_1615 = arith.constant 7 : i32
      %broadcast_in_dim3A_1616 = vector.broadcast %broadcast_in_dim3A_1615 : i32 to vector<16xi32>
      %ge3A_1617 = arith.cmpf oge, %select_n3A_1565, %select_n3A_1570 : vector<16xf32>
      %select_n3A_1618 = arith.select %ge3A_1617, %select_n3A_1565, %select_n3A_1570 : vector<16xi1>, vector<16xf32>
      %select_n3A_1619 = arith.select %ge3A_1617, %broadcast_in_dim3A_1602, %broadcast_in_dim3A_1604 : vector<16xi1>, vector<16xi32>
      %ge3A_1620 = arith.cmpf oge, %select_n3A_1575, %select_n3A_1580 : vector<16xf32>
      %select_n3A_1621 = arith.select %ge3A_1620, %select_n3A_1575, %select_n3A_1580 : vector<16xi1>, vector<16xf32>
      %select_n3A_1622 = arith.select %ge3A_1620, %broadcast_in_dim3A_1606, %broadcast_in_dim3A_1608 : vector<16xi1>, vector<16xi32>
      %ge3A_1623 = arith.cmpf oge, %select_n3A_1585, %select_n3A_1590 : vector<16xf32>
      %select_n3A_1624 = arith.select %ge3A_1623, %select_n3A_1585, %select_n3A_1590 : vector<16xi1>, vector<16xf32>
      %select_n3A_1625 = arith.select %ge3A_1623, %broadcast_in_dim3A_1610, %broadcast_in_dim3A_1612 : vector<16xi1>, vector<16xi32>
      %ge3A_1626 = arith.cmpf oge, %select_n3A_1595, %select_n3A_1600 : vector<16xf32>
      %select_n3A_1627 = arith.select %ge3A_1626, %select_n3A_1595, %select_n3A_1600 : vector<16xi1>, vector<16xf32>
      %select_n3A_1628 = arith.select %ge3A_1626, %broadcast_in_dim3A_1614, %broadcast_in_dim3A_1616 : vector<16xi1>, vector<16xi32>
      %ge3A_1629 = arith.cmpf oge, %select_n3A_1618, %select_n3A_1621 : vector<16xf32>
      %select_n3A_1630 = arith.select %ge3A_1629, %select_n3A_1618, %select_n3A_1621 : vector<16xi1>, vector<16xf32>
      %select_n3A_1631 = arith.select %ge3A_1629, %select_n3A_1619, %select_n3A_1622 : vector<16xi1>, vector<16xi32>
      %ge3A_1632 = arith.cmpf oge, %select_n3A_1624, %select_n3A_1627 : vector<16xf32>
      %select_n3A_1633 = arith.select %ge3A_1632, %select_n3A_1624, %select_n3A_1627 : vector<16xi1>, vector<16xf32>
      %select_n3A_1634 = arith.select %ge3A_1632, %select_n3A_1625, %select_n3A_1628 : vector<16xi1>, vector<16xi32>
      %ge3A_1635 = arith.cmpf oge, %select_n3A_1630, %select_n3A_1633 : vector<16xf32>
      %select_n3A_1636 = arith.select %ge3A_1635, %select_n3A_1630, %select_n3A_1633 : vector<16xi1>, vector<16xf32>
      %select_n3A_1637 = arith.select %ge3A_1635, %select_n3A_1631, %select_n3A_1634 : vector<16xi1>, vector<16xi32>
      %eq3A_1638 = arith.constant 0 : i32
      %eq3A_1639 = vector.broadcast %eq3A_1638 : i32 to vector<16xi32>
      %eq3A_1640 = arith.cmpi eq, %select_n3A_1637, %eq3A_1639 : vector<16xi32>
      %or3A_1641 = arith.ori %or3A, %eq3A_1640 : vector<16xi1>
      %select_n3A_1642 = arith.select %eq3A_1640, %broadcast_in_dim3A_5, %select_n3A_1565 : vector<16xi1>, vector<16xf32>
      %eq3A_1643 = arith.constant 1 : i32
      %eq3A_1644 = vector.broadcast %eq3A_1643 : i32 to vector<16xi32>
      %eq3A_1645 = arith.cmpi eq, %select_n3A_1637, %eq3A_1644 : vector<16xi32>
      %or3A_1646 = arith.ori %or3A_1569, %eq3A_1645 : vector<16xi1>
      %select_n3A_1647 = arith.select %eq3A_1645, %broadcast_in_dim3A_5, %select_n3A_1570 : vector<16xi1>, vector<16xf32>
      %eq3A_1648 = arith.constant 2 : i32
      %eq3A_1649 = vector.broadcast %eq3A_1648 : i32 to vector<16xi32>
      %eq3A_1650 = arith.cmpi eq, %select_n3A_1637, %eq3A_1649 : vector<16xi32>
      %or3A_1651 = arith.ori %or3A_1574, %eq3A_1650 : vector<16xi1>
      %select_n3A_1652 = arith.select %eq3A_1650, %broadcast_in_dim3A_5, %select_n3A_1575 : vector<16xi1>, vector<16xf32>
      %eq3A_1653 = arith.constant 3 : i32
      %eq3A_1654 = vector.broadcast %eq3A_1653 : i32 to vector<16xi32>
      %eq3A_1655 = arith.cmpi eq, %select_n3A_1637, %eq3A_1654 : vector<16xi32>
      %or3A_1656 = arith.ori %or3A_1579, %eq3A_1655 : vector<16xi1>
      %select_n3A_1657 = arith.select %eq3A_1655, %broadcast_in_dim3A_5, %select_n3A_1580 : vector<16xi1>, vector<16xf32>
      %eq3A_1658 = arith.constant 4 : i32
      %eq3A_1659 = vector.broadcast %eq3A_1658 : i32 to vector<16xi32>
      %eq3A_1660 = arith.cmpi eq, %select_n3A_1637, %eq3A_1659 : vector<16xi32>
      %or3A_1661 = arith.ori %or3A_1584, %eq3A_1660 : vector<16xi1>
      %select_n3A_1662 = arith.select %eq3A_1660, %broadcast_in_dim3A_5, %select_n3A_1585 : vector<16xi1>, vector<16xf32>
      %eq3A_1663 = arith.constant 5 : i32
      %eq3A_1664 = vector.broadcast %eq3A_1663 : i32 to vector<16xi32>
      %eq3A_1665 = arith.cmpi eq, %select_n3A_1637, %eq3A_1664 : vector<16xi32>
      %or3A_1666 = arith.ori %or3A_1589, %eq3A_1665 : vector<16xi1>
      %select_n3A_1667 = arith.select %eq3A_1665, %broadcast_in_dim3A_5, %select_n3A_1590 : vector<16xi1>, vector<16xf32>
      %eq3A_1668 = arith.constant 6 : i32
      %eq3A_1669 = vector.broadcast %eq3A_1668 : i32 to vector<16xi32>
      %eq3A_1670 = arith.cmpi eq, %select_n3A_1637, %eq3A_1669 : vector<16xi32>
      %or3A_1671 = arith.ori %or3A_1594, %eq3A_1670 : vector<16xi1>
      %select_n3A_1672 = arith.select %eq3A_1670, %broadcast_in_dim3A_5, %select_n3A_1595 : vector<16xi1>, vector<16xf32>
      %eq3A_1673 = arith.constant 7 : i32
      %eq3A_1674 = vector.broadcast %eq3A_1673 : i32 to vector<16xi32>
      %eq3A_1675 = arith.cmpi eq, %select_n3A_1637, %eq3A_1674 : vector<16xi32>
      %or3A_1676 = arith.ori %or3A_1599, %eq3A_1675 : vector<16xi1>
      %select_n3A_1677 = arith.select %eq3A_1675, %broadcast_in_dim3A_5, %select_n3A_1600 : vector<16xi1>, vector<16xf32>
      %broadcast_in_dim3A_1678 = arith.constant 0 : i32
      %broadcast_in_dim3A_1679 = vector.broadcast %broadcast_in_dim3A_1678 : i32 to vector<16xi32>
      %broadcast_in_dim3A_1680 = arith.constant 1 : i32
      %broadcast_in_dim3A_1681 = vector.broadcast %broadcast_in_dim3A_1680 : i32 to vector<16xi32>
      %broadcast_in_dim3A_1682 = arith.constant 2 : i32
      %broadcast_in_dim3A_1683 = vector.broadcast %broadcast_in_dim3A_1682 : i32 to vector<16xi32>
      %broadcast_in_dim3A_1684 = arith.constant 3 : i32
      %broadcast_in_dim3A_1685 = vector.broadcast %broadcast_in_dim3A_1684 : i32 to vector<16xi32>
      %broadcast_in_dim3A_1686 = arith.constant 4 : i32
      %broadcast_in_dim3A_1687 = vector.broadcast %broadcast_in_dim3A_1686 : i32 to vector<16xi32>
      %broadcast_in_dim3A_1688 = arith.constant 5 : i32
      %broadcast_in_dim3A_1689 = vector.broadcast %broadcast_in_dim3A_1688 : i32 to vector<16xi32>
      %broadcast_in_dim3A_1690 = arith.constant 6 : i32
      %broadcast_in_dim3A_1691 = vector.broadcast %broadcast_in_dim3A_1690 : i32 to vector<16xi32>
      %broadcast_in_dim3A_1692 = arith.constant 7 : i32
      %broadcast_in_dim3A_1693 = vector.broadcast %broadcast_in_dim3A_1692 : i32 to vector<16xi32>
      %ge3A_1694 = arith.cmpf oge, %select_n3A_1642, %select_n3A_1647 : vector<16xf32>
      %select_n3A_1695 = arith.select %ge3A_1694, %select_n3A_1642, %select_n3A_1647 : vector<16xi1>, vector<16xf32>
      %select_n3A_1696 = arith.select %ge3A_1694, %broadcast_in_dim3A_1679, %broadcast_in_dim3A_1681 : vector<16xi1>, vector<16xi32>
      %ge3A_1697 = arith.cmpf oge, %select_n3A_1652, %select_n3A_1657 : vector<16xf32>
      %select_n3A_1698 = arith.select %ge3A_1697, %select_n3A_1652, %select_n3A_1657 : vector<16xi1>, vector<16xf32>
      %select_n3A_1699 = arith.select %ge3A_1697, %broadcast_in_dim3A_1683, %broadcast_in_dim3A_1685 : vector<16xi1>, vector<16xi32>
      %ge3A_1700 = arith.cmpf oge, %select_n3A_1662, %select_n3A_1667 : vector<16xf32>
      %select_n3A_1701 = arith.select %ge3A_1700, %select_n3A_1662, %select_n3A_1667 : vector<16xi1>, vector<16xf32>
      %select_n3A_1702 = arith.select %ge3A_1700, %broadcast_in_dim3A_1687, %broadcast_in_dim3A_1689 : vector<16xi1>, vector<16xi32>
      %ge3A_1703 = arith.cmpf oge, %select_n3A_1672, %select_n3A_1677 : vector<16xf32>
      %select_n3A_1704 = arith.select %ge3A_1703, %select_n3A_1672, %select_n3A_1677 : vector<16xi1>, vector<16xf32>
      %select_n3A_1705 = arith.select %ge3A_1703, %broadcast_in_dim3A_1691, %broadcast_in_dim3A_1693 : vector<16xi1>, vector<16xi32>
      %ge3A_1706 = arith.cmpf oge, %select_n3A_1695, %select_n3A_1698 : vector<16xf32>
      %select_n3A_1707 = arith.select %ge3A_1706, %select_n3A_1695, %select_n3A_1698 : vector<16xi1>, vector<16xf32>
      %select_n3A_1708 = arith.select %ge3A_1706, %select_n3A_1696, %select_n3A_1699 : vector<16xi1>, vector<16xi32>
      %ge3A_1709 = arith.cmpf oge, %select_n3A_1701, %select_n3A_1704 : vector<16xf32>
      %select_n3A_1710 = arith.select %ge3A_1709, %select_n3A_1701, %select_n3A_1704 : vector<16xi1>, vector<16xf32>
      %select_n3A_1711 = arith.select %ge3A_1709, %select_n3A_1702, %select_n3A_1705 : vector<16xi1>, vector<16xi32>
      %ge3A_1712 = arith.cmpf oge, %select_n3A_1707, %select_n3A_1710 : vector<16xf32>
      %select_n3A_1713 = arith.select %ge3A_1712, %select_n3A_1707, %select_n3A_1710 : vector<16xi1>, vector<16xf32>
      %select_n3A_1714 = arith.select %ge3A_1712, %select_n3A_1708, %select_n3A_1711 : vector<16xi1>, vector<16xi32>
      %eq3A_1715 = arith.constant 0 : i32
      %eq3A_1716 = vector.broadcast %eq3A_1715 : i32 to vector<16xi32>
      %eq3A_1717 = arith.cmpi eq, %select_n3A_1714, %eq3A_1716 : vector<16xi32>
      %or3A_1718 = arith.ori %or3A_1641, %eq3A_1717 : vector<16xi1>
      %select_n3A_1719 = arith.select %eq3A_1717, %broadcast_in_dim3A_5, %select_n3A_1642 : vector<16xi1>, vector<16xf32>
      %eq3A_1720 = arith.constant 1 : i32
      %eq3A_1721 = vector.broadcast %eq3A_1720 : i32 to vector<16xi32>
      %eq3A_1722 = arith.cmpi eq, %select_n3A_1714, %eq3A_1721 : vector<16xi32>
      %or3A_1723 = arith.ori %or3A_1646, %eq3A_1722 : vector<16xi1>
      %select_n3A_1724 = arith.select %eq3A_1722, %broadcast_in_dim3A_5, %select_n3A_1647 : vector<16xi1>, vector<16xf32>
      %eq3A_1725 = arith.constant 2 : i32
      %eq3A_1726 = vector.broadcast %eq3A_1725 : i32 to vector<16xi32>
      %eq3A_1727 = arith.cmpi eq, %select_n3A_1714, %eq3A_1726 : vector<16xi32>
      %or3A_1728 = arith.ori %or3A_1651, %eq3A_1727 : vector<16xi1>
      %select_n3A_1729 = arith.select %eq3A_1727, %broadcast_in_dim3A_5, %select_n3A_1652 : vector<16xi1>, vector<16xf32>
      %eq3A_1730 = arith.constant 3 : i32
      %eq3A_1731 = vector.broadcast %eq3A_1730 : i32 to vector<16xi32>
      %eq3A_1732 = arith.cmpi eq, %select_n3A_1714, %eq3A_1731 : vector<16xi32>
      %or3A_1733 = arith.ori %or3A_1656, %eq3A_1732 : vector<16xi1>
      %select_n3A_1734 = arith.select %eq3A_1732, %broadcast_in_dim3A_5, %select_n3A_1657 : vector<16xi1>, vector<16xf32>
      %eq3A_1735 = arith.constant 4 : i32
      %eq3A_1736 = vector.broadcast %eq3A_1735 : i32 to vector<16xi32>
      %eq3A_1737 = arith.cmpi eq, %select_n3A_1714, %eq3A_1736 : vector<16xi32>
      %or3A_1738 = arith.ori %or3A_1661, %eq3A_1737 : vector<16xi1>
      %select_n3A_1739 = arith.select %eq3A_1737, %broadcast_in_dim3A_5, %select_n3A_1662 : vector<16xi1>, vector<16xf32>
      %eq3A_1740 = arith.constant 5 : i32
      %eq3A_1741 = vector.broadcast %eq3A_1740 : i32 to vector<16xi32>
      %eq3A_1742 = arith.cmpi eq, %select_n3A_1714, %eq3A_1741 : vector<16xi32>
      %or3A_1743 = arith.ori %or3A_1666, %eq3A_1742 : vector<16xi1>
      %select_n3A_1744 = arith.select %eq3A_1742, %broadcast_in_dim3A_5, %select_n3A_1667 : vector<16xi1>, vector<16xf32>
      %eq3A_1745 = arith.constant 6 : i32
      %eq3A_1746 = vector.broadcast %eq3A_1745 : i32 to vector<16xi32>
      %eq3A_1747 = arith.cmpi eq, %select_n3A_1714, %eq3A_1746 : vector<16xi32>
      %or3A_1748 = arith.ori %or3A_1671, %eq3A_1747 : vector<16xi1>
      %select_n3A_1749 = arith.select %eq3A_1747, %broadcast_in_dim3A_5, %select_n3A_1672 : vector<16xi1>, vector<16xf32>
      %eq3A_1750 = arith.constant 7 : i32
      %eq3A_1751 = vector.broadcast %eq3A_1750 : i32 to vector<16xi32>
      %eq3A_1752 = arith.cmpi eq, %select_n3A_1714, %eq3A_1751 : vector<16xi32>
      %or3A_1753 = arith.ori %or3A_1676, %eq3A_1752 : vector<16xi1>
      %select_n3A_1754 = arith.select %eq3A_1752, %broadcast_in_dim3A_5, %select_n3A_1677 : vector<16xi1>, vector<16xf32>
      %jit3A = arith.constant 0.000000e+00 : f32
      %broadcast_in_dim3A_1755 = vector.broadcast %jit3A : f32 to vector<16xf32>
      %select_n3A_1756 = arith.select %or3A_1718, %add3A_198, %broadcast_in_dim3A_1755 : vector<16xi1>, vector<16xf32>
      %jit3A_1757 = arith.constant 0.000000e+00 : f32
      %broadcast_in_dim3A_1758 = vector.broadcast %jit3A_1757 : f32 to vector<16xf32>
      %select_n3A_1759 = arith.select %or3A_1723, %add3A_378, %broadcast_in_dim3A_1758 : vector<16xi1>, vector<16xf32>
      %jit3A_1760 = arith.constant 0.000000e+00 : f32
      %broadcast_in_dim3A_1761 = vector.broadcast %jit3A_1760 : f32 to vector<16xf32>
      %select_n3A_1762 = arith.select %or3A_1728, %add3A_558, %broadcast_in_dim3A_1761 : vector<16xi1>, vector<16xf32>
      %jit3A_1763 = arith.constant 0.000000e+00 : f32
      %broadcast_in_dim3A_1764 = vector.broadcast %jit3A_1763 : f32 to vector<16xf32>
      %select_n3A_1765 = arith.select %or3A_1733, %add3A_738, %broadcast_in_dim3A_1764 : vector<16xi1>, vector<16xf32>
      %jit3A_1766 = arith.constant 0.000000e+00 : f32
      %broadcast_in_dim3A_1767 = vector.broadcast %jit3A_1766 : f32 to vector<16xf32>
      %select_n3A_1768 = arith.select %or3A_1738, %add3A_918, %broadcast_in_dim3A_1767 : vector<16xi1>, vector<16xf32>
      %jit3A_1769 = arith.constant 0.000000e+00 : f32
      %broadcast_in_dim3A_1770 = vector.broadcast %jit3A_1769 : f32 to vector<16xf32>
      %select_n3A_1771 = arith.select %or3A_1743, %add3A_1098, %broadcast_in_dim3A_1770 : vector<16xi1>, vector<16xf32>
      %jit3A_1772 = arith.constant 0.000000e+00 : f32
      %broadcast_in_dim3A_1773 = vector.broadcast %jit3A_1772 : f32 to vector<16xf32>
      %select_n3A_1774 = arith.select %or3A_1748, %add3A_1278, %broadcast_in_dim3A_1773 : vector<16xi1>, vector<16xf32>
      %jit3A_1775 = arith.constant 0.000000e+00 : f32
      %broadcast_in_dim3A_1776 = vector.broadcast %jit3A_1775 : f32 to vector<16xf32>
      %select_n3A_1777 = arith.select %or3A_1753, %add3A_1458, %broadcast_in_dim3A_1776 : vector<16xi1>, vector<16xf32>
      %add3A_1778 = arith.addf %select_n3A_1756, %select_n3A_1759 : vector<16xf32>
      %add3A_1779 = arith.addf %select_n3A_1762, %select_n3A_1765 : vector<16xf32>
      %add3A_1780 = arith.addf %select_n3A_1768, %select_n3A_1771 : vector<16xf32>
      %add3A_1781 = arith.addf %select_n3A_1774, %select_n3A_1777 : vector<16xf32>
      %add3A_1782 = arith.addf %add3A_1778, %add3A_1779 : vector<16xf32>
      %add3A_1783 = arith.addf %add3A_1780, %add3A_1781 : vector<16xf32>
      %add3A_1784 = arith.addf %add3A_1782, %add3A_1783 : vector<16xf32>
      %div3A_1785 = arith.constant 1.000000e+00 : f32
      %div3A_1786 = vector.broadcast %div3A_1785 : f32 to vector<16xf32>
      %div3A_1787 = arith.divf %div3A_1786, %add3A_1784 : vector<16xf32>
      %jit3A_1788 = arith.constant 0.000000e+00 : f32
      %broadcast_in_dim3A_1789 = vector.broadcast %jit3A_1788 : f32 to vector<16xf32>
      %select_n3A_1790 = arith.select %or3A_1718, %max3A_187, %broadcast_in_dim3A_1789 : vector<16xi1>, vector<16xf32>
      %jit3A_1791 = arith.constant 0.000000e+00 : f32
      %broadcast_in_dim3A_1792 = vector.broadcast %jit3A_1791 : f32 to vector<16xf32>
      %select_n3A_1793 = arith.select %or3A_1723, %max3A_367, %broadcast_in_dim3A_1792 : vector<16xi1>, vector<16xf32>
      %jit3A_1794 = arith.constant 0.000000e+00 : f32
      %broadcast_in_dim3A_1795 = vector.broadcast %jit3A_1794 : f32 to vector<16xf32>
      %select_n3A_1796 = arith.select %or3A_1728, %max3A_547, %broadcast_in_dim3A_1795 : vector<16xi1>, vector<16xf32>
      %jit3A_1797 = arith.constant 0.000000e+00 : f32
      %broadcast_in_dim3A_1798 = vector.broadcast %jit3A_1797 : f32 to vector<16xf32>
      %select_n3A_1799 = arith.select %or3A_1733, %max3A_727, %broadcast_in_dim3A_1798 : vector<16xi1>, vector<16xf32>
      %jit3A_1800 = arith.constant 0.000000e+00 : f32
      %broadcast_in_dim3A_1801 = vector.broadcast %jit3A_1800 : f32 to vector<16xf32>
      %select_n3A_1802 = arith.select %or3A_1738, %max3A_907, %broadcast_in_dim3A_1801 : vector<16xi1>, vector<16xf32>
      %jit3A_1803 = arith.constant 0.000000e+00 : f32
      %broadcast_in_dim3A_1804 = vector.broadcast %jit3A_1803 : f32 to vector<16xf32>
      %select_n3A_1805 = arith.select %or3A_1743, %max3A_1087, %broadcast_in_dim3A_1804 : vector<16xi1>, vector<16xf32>
      %jit3A_1806 = arith.constant 0.000000e+00 : f32
      %broadcast_in_dim3A_1807 = vector.broadcast %jit3A_1806 : f32 to vector<16xf32>
      %select_n3A_1808 = arith.select %or3A_1748, %max3A_1267, %broadcast_in_dim3A_1807 : vector<16xi1>, vector<16xf32>
      %jit3A_1809 = arith.constant 0.000000e+00 : f32
      %broadcast_in_dim3A_1810 = vector.broadcast %jit3A_1809 : f32 to vector<16xf32>
      %select_n3A_1811 = arith.select %or3A_1753, %max3A_1447, %broadcast_in_dim3A_1810 : vector<16xi1>, vector<16xf32>
      %jit3A_1812 = arith.constant 0.000000e+00 : f32
      %broadcast_in_dim3A_1813 = vector.broadcast %jit3A_1812 : f32 to vector<16xf32>
      %select_n3A_1814 = arith.select %or3A_1718, %div3A_1787, %broadcast_in_dim3A_1813 : vector<16xi1>, vector<16xf32>
      %get3A_1815 = arith.constant 0 : index
      %get3A_1816 = tpu.vector_load %arg9[%get3A_1815] {strides = array<i32>} : memref<1024xf32, #tpu.memory_space<vmem>>, vector<16xf32>,
      %get3A_1817 = arith.constant 16 : index
      %get3A_1818 = tpu.vector_load %arg9[%get3A_1817] {strides = array<i32>} : memref<1024xf32, #tpu.memory_space<vmem>>, vector<16xf32>,
      %get3A_1819 = arith.constant 32 : index
      %get3A_1820 = tpu.vector_load %arg9[%get3A_1819] {strides = array<i32>} : memref<1024xf32, #tpu.memory_space<vmem>>, vector<16xf32>,
      %get3A_1821 = arith.constant 48 : index
      %get3A_1822 = tpu.vector_load %arg9[%get3A_1821] {strides = array<i32>} : memref<1024xf32, #tpu.memory_space<vmem>>, vector<16xf32>,
      %get3A_1823 = arith.constant 64 : index
      %get3A_1824 = tpu.vector_load %arg9[%get3A_1823] {strides = array<i32>} : memref<1024xf32, #tpu.memory_space<vmem>>, vector<16xf32>,
      %get3A_1825 = arith.constant 80 : index
      %get3A_1826 = tpu.vector_load %arg9[%get3A_1825] {strides = array<i32>} : memref<1024xf32, #tpu.memory_space<vmem>>, vector<16xf32>,
      %get3A_1827 = arith.constant 96 : index
      %get3A_1828 = tpu.vector_load %arg9[%get3A_1827] {strides = array<i32>} : memref<1024xf32, #tpu.memory_space<vmem>>, vector<16xf32>,
      %get3A_1829 = arith.constant 112 : index
      %get3A_1830 = tpu.vector_load %arg9[%get3A_1829] {strides = array<i32>} : memref<1024xf32, #tpu.memory_space<vmem>>, vector<16xf32>,
      %mul3A_1831 = arith.mulf %get3A_1816, %select_n3A_1814 : vector<16xf32>
      %mul3A_1832 = arith.mulf %get3A_1818, %select_n3A_1814 : vector<16xf32>
      %mul3A_1833 = arith.mulf %get3A_1820, %select_n3A_1814 : vector<16xf32>
      %mul3A_1834 = arith.mulf %get3A_1822, %select_n3A_1814 : vector<16xf32>
      %mul3A_1835 = arith.mulf %get3A_1824, %select_n3A_1814 : vector<16xf32>
      %mul3A_1836 = arith.mulf %get3A_1826, %select_n3A_1814 : vector<16xf32>
      %mul3A_1837 = arith.mulf %get3A_1828, %select_n3A_1814 : vector<16xf32>
      %mul3A_1838 = arith.mulf %get3A_1830, %select_n3A_1814 : vector<16xf32>
      %swap3A_1839 = arith.constant 0 : i32
      %swap3A_1840 = arith.index_cast %swap3A_1839 : i32 to index
      %swap3A_1841 = arith.index_cast %mul3A_24 : i32 to index
      %swap3A_1842 = tpu.vector_load %arg8[%swap3A_1840, %swap3A_1841] {strides = array<i32>} : memref<64x512xf32, #tpu.memory_space<vmem>>, vector<16xf32>,
      tpu.vector_store %arg8[%swap3A_1840, %swap3A_1841], %mul3A_1831 {strides = array<i32>} : memref<64x512xf32, #tpu.memory_space<vmem>>, vector<16xf32>,
      %swap3A_1843 = arith.constant 1 : i32
      %swap3A_1844 = arith.index_cast %swap3A_1843 : i32 to index
      %swap3A_1845 = arith.index_cast %mul3A_24 : i32 to index
      %swap3A_1846 = tpu.vector_load %arg8[%swap3A_1844, %swap3A_1845] {strides = array<i32>} : memref<64x512xf32, #tpu.memory_space<vmem>>, vector<16xf32>,
      tpu.vector_store %arg8[%swap3A_1844, %swap3A_1845], %mul3A_1832 {strides = array<i32>} : memref<64x512xf32, #tpu.memory_space<vmem>>, vector<16xf32>,
      %swap3A_1847 = arith.constant 2 : i32
      %swap3A_1848 = arith.index_cast %swap3A_1847 : i32 to index
      %swap3A_1849 = arith.index_cast %mul3A_24 : i32 to index
      %swap3A_1850 = tpu.vector_load %arg8[%swap3A_1848, %swap3A_1849] {strides = array<i32>} : memref<64x512xf32, #tpu.memory_space<vmem>>, vector<16xf32>,
      tpu.vector_store %arg8[%swap3A_1848, %swap3A_1849], %mul3A_1833 {strides = array<i32>} : memref<64x512xf32, #tpu.memory_space<vmem>>, vector<16xf32>,
      %swap3A_1851 = arith.constant 3 : i32
      %swap3A_1852 = arith.index_cast %swap3A_1851 : i32 to index
      %swap3A_1853 = arith.index_cast %mul3A_24 : i32 to index
      %swap3A_1854 = tpu.vector_load %arg8[%swap3A_1852, %swap3A_1853] {strides = array<i32>} : memref<64x512xf32, #tpu.memory_space<vmem>>, vector<16xf32>,
      tpu.vector_store %arg8[%swap3A_1852, %swap3A_1853], %mul3A_1834 {strides = array<i32>} : memref<64x512xf32, #tpu.memory_space<vmem>>, vector<16xf32>,
      %swap3A_1855 = arith.constant 4 : i32
      %swap3A_1856 = arith.index_cast %swap3A_1855 : i32 to index
      %swap3A_1857 = arith.index_cast %mul3A_24 : i32 to index
      %swap3A_1858 = tpu.vector_load %arg8[%swap3A_1856, %swap3A_1857] {strides = array<i32>} : memref<64x512xf32, #tpu.memory_space<vmem>>, vector<16xf32>,
      tpu.vector_store %arg8[%swap3A_1856, %swap3A_1857], %mul3A_1835 {strides = array<i32>} : memref<64x512xf32, #tpu.memory_space<vmem>>, vector<16xf32>,
      %swap3A_1859 = arith.constant 5 : i32
      %swap3A_1860 = arith.index_cast %swap3A_1859 : i32 to index
      %swap3A_1861 = arith.index_cast %mul3A_24 : i32 to index
      %swap3A_1862 = tpu.vector_load %arg8[%swap3A_1860, %swap3A_1861] {strides = array<i32>} : memref<64x512xf32, #tpu.memory_space<vmem>>, vector<16xf32>,
      tpu.vector_store %arg8[%swap3A_1860, %swap3A_1861], %mul3A_1836 {strides = array<i32>} : memref<64x512xf32, #tpu.memory_space<vmem>>, vector<16xf32>,
      %swap3A_1863 = arith.constant 6 : i32
      %swap3A_1864 = arith.index_cast %swap3A_1863 : i32 to index
      %swap3A_1865 = arith.index_cast %mul3A_24 : i32 to index
      %swap3A_1866 = tpu.vector_load %arg8[%swap3A_1864, %swap3A_1865] {strides = array<i32>} : memref<64x512xf32, #tpu.memory_space<vmem>>, vector<16xf32>,
      tpu.vector_store %arg8[%swap3A_1864, %swap3A_1865], %mul3A_1837 {strides = array<i32>} : memref<64x512xf32, #tpu.memory_space<vmem>>, vector<16xf32>,
      %swap3A_1867 = arith.constant 7 : i32
      %swap3A_1868 = arith.index_cast %swap3A_1867 : i32 to index
      %swap3A_1869 = arith.index_cast %mul3A_24 : i32 to index
      %swap3A_1870 = tpu.vector_load %arg8[%swap3A_1868, %swap3A_1869] {strides = array<i32>} : memref<64x512xf32, #tpu.memory_space<vmem>>, vector<16xf32>,
      tpu.vector_store %arg8[%swap3A_1868, %swap3A_1869], %mul3A_1838 {strides = array<i32>} : memref<64x512xf32, #tpu.memory_space<vmem>>, vector<16xf32>,
      %jit3A_1871 = arith.constant 0.000000e+00 : f32
      %broadcast_in_dim3A_1872 = vector.broadcast %jit3A_1871 : f32 to vector<16xf32>
      %select_n3A_1873 = arith.select %or3A_1723, %div3A_1787, %broadcast_in_dim3A_1872 : vector<16xi1>, vector<16xf32>
      %get3A_1874 = arith.constant 128 : index
      %get3A_1875 = tpu.vector_load %arg9[%get3A_1874] {strides = array<i32>} : memref<1024xf32, #tpu.memory_space<vmem>>, vector<16xf32>,
      %get3A_1876 = arith.constant 144 : index
      %get3A_1877 = tpu.vector_load %arg9[%get3A_1876] {strides = array<i32>} : memref<1024xf32, #tpu.memory_space<vmem>>, vector<16xf32>,
      %get3A_1878 = arith.constant 160 : index
      %get3A_1879 = tpu.vector_load %arg9[%get3A_1878] {strides = array<i32>} : memref<1024xf32, #tpu.memory_space<vmem>>, vector<16xf32>,
      %get3A_1880 = arith.constant 176 : index
      %get3A_1881 = tpu.vector_load %arg9[%get3A_1880] {strides = array<i32>} : memref<1024xf32, #tpu.memory_space<vmem>>, vector<16xf32>,
      %get3A_1882 = arith.constant 192 : index
      %get3A_1883 = tpu.vector_load %arg9[%get3A_1882] {strides = array<i32>} : memref<1024xf32, #tpu.memory_space<vmem>>, vector<16xf32>,
      %get3A_1884 = arith.constant 208 : index
      %get3A_1885 = tpu.vector_load %arg9[%get3A_1884] {strides = array<i32>} : memref<1024xf32, #tpu.memory_space<vmem>>, vector<16xf32>,
      %get3A_1886 = arith.constant 224 : index
      %get3A_1887 = tpu.vector_load %arg9[%get3A_1886] {strides = array<i32>} : memref<1024xf32, #tpu.memory_space<vmem>>, vector<16xf32>,
      %get3A_1888 = arith.constant 240 : index
      %get3A_1889 = tpu.vector_load %arg9[%get3A_1888] {strides = array<i32>} : memref<1024xf32, #tpu.memory_space<vmem>>, vector<16xf32>,
      %mul3A_1890 = arith.mulf %get3A_1875, %select_n3A_1873 : vector<16xf32>
      %mul3A_1891 = arith.mulf %get3A_1877, %select_n3A_1873 : vector<16xf32>
      %mul3A_1892 = arith.mulf %get3A_1879, %select_n3A_1873 : vector<16xf32>
      %mul3A_1893 = arith.mulf %get3A_1881, %select_n3A_1873 : vector<16xf32>
      %mul3A_1894 = arith.mulf %get3A_1883, %select_n3A_1873 : vector<16xf32>
      %mul3A_1895 = arith.mulf %get3A_1885, %select_n3A_1873 : vector<16xf32>
      %mul3A_1896 = arith.mulf %get3A_1887, %select_n3A_1873 : vector<16xf32>
      %mul3A_1897 = arith.mulf %get3A_1889, %select_n3A_1873 : vector<16xf32>
      %swap3A_1898 = arith.constant 8 : i32
      %swap3A_1899 = arith.index_cast %swap3A_1898 : i32 to index
      %swap3A_1900 = arith.index_cast %mul3A_24 : i32 to index
      %swap3A_1901 = tpu.vector_load %arg8[%swap3A_1899, %swap3A_1900] {strides = array<i32>} : memref<64x512xf32, #tpu.memory_space<vmem>>, vector<16xf32>,
      tpu.vector_store %arg8[%swap3A_1899, %swap3A_1900], %mul3A_1890 {strides = array<i32>} : memref<64x512xf32, #tpu.memory_space<vmem>>, vector<16xf32>,
      %swap3A_1902 = arith.constant 9 : i32
      %swap3A_1903 = arith.index_cast %swap3A_1902 : i32 to index
      %swap3A_1904 = arith.index_cast %mul3A_24 : i32 to index
      %swap3A_1905 = tpu.vector_load %arg8[%swap3A_1903, %swap3A_1904] {strides = array<i32>} : memref<64x512xf32, #tpu.memory_space<vmem>>, vector<16xf32>,
      tpu.vector_store %arg8[%swap3A_1903, %swap3A_1904], %mul3A_1891 {strides = array<i32>} : memref<64x512xf32, #tpu.memory_space<vmem>>, vector<16xf32>,
      %swap3A_1906 = arith.constant 10 : i32
      %swap3A_1907 = arith.index_cast %swap3A_1906 : i32 to index
      %swap3A_1908 = arith.index_cast %mul3A_24 : i32 to index
      %swap3A_1909 = tpu.vector_load %arg8[%swap3A_1907, %swap3A_1908] {strides = array<i32>} : memref<64x512xf32, #tpu.memory_space<vmem>>, vector<16xf32>,
      tpu.vector_store %arg8[%swap3A_1907, %swap3A_1908], %mul3A_1892 {strides = array<i32>} : memref<64x512xf32, #tpu.memory_space<vmem>>, vector<16xf32>,
      %swap3A_1910 = arith.constant 11 : i32
      %swap3A_1911 = arith.index_cast %swap3A_1910 : i32 to index
      %swap3A_1912 = arith.index_cast %mul3A_24 : i32 to index
      %swap3A_1913 = tpu.vector_load %arg8[%swap3A_1911, %swap3A_1912] {strides = array<i32>} : memref<64x512xf32, #tpu.memory_space<vmem>>, vector<16xf32>,
      tpu.vector_store %arg8[%swap3A_1911, %swap3A_1912], %mul3A_1893 {strides = array<i32>} : memref<64x512xf32, #tpu.memory_space<vmem>>, vector<16xf32>,
      %swap3A_1914 = arith.constant 12 : i32
      %swap3A_1915 = arith.index_cast %swap3A_1914 : i32 to index
      %swap3A_1916 = arith.index_cast %mul3A_24 : i32 to index
      %swap3A_1917 = tpu.vector_load %arg8[%swap3A_1915, %swap3A_1916] {strides = array<i32>} : memref<64x512xf32, #tpu.memory_space<vmem>>, vector<16xf32>,
      tpu.vector_store %arg8[%swap3A_1915, %swap3A_1916], %mul3A_1894 {strides = array<i32>} : memref<64x512xf32, #tpu.memory_space<vmem>>, vector<16xf32>,
      %swap3A_1918 = arith.constant 13 : i32
      %swap3A_1919 = arith.index_cast %swap3A_1918 : i32 to index
      %swap3A_1920 = arith.index_cast %mul3A_24 : i32 to index
      %swap3A_1921 = tpu.vector_load %arg8[%swap3A_1919, %swap3A_1920] {strides = array<i32>} : memref<64x512xf32, #tpu.memory_space<vmem>>, vector<16xf32>,
      tpu.vector_store %arg8[%swap3A_1919, %swap3A_1920], %mul3A_1895 {strides = array<i32>} : memref<64x512xf32, #tpu.memory_space<vmem>>, vector<16xf32>,
      %swap3A_1922 = arith.constant 14 : i32
      %swap3A_1923 = arith.index_cast %swap3A_1922 : i32 to index
      %swap3A_1924 = arith.index_cast %mul3A_24 : i32 to index
      %swap3A_1925 = tpu.vector_load %arg8[%swap3A_1923, %swap3A_1924] {strides = array<i32>} : memref<64x512xf32, #tpu.memory_space<vmem>>, vector<16xf32>,
      tpu.vector_store %arg8[%swap3A_1923, %swap3A_1924], %mul3A_1896 {strides = array<i32>} : memref<64x512xf32, #tpu.memory_space<vmem>>, vector<16xf32>,
      %swap3A_1926 = arith.constant 15 : i32
      %swap3A_1927 = arith.index_cast %swap3A_1926 : i32 to index
      %swap3A_1928 = arith.index_cast %mul3A_24 : i32 to index
      %swap3A_1929 = tpu.vector_load %arg8[%swap3A_1927, %swap3A_1928] {strides = array<i32>} : memref<64x512xf32, #tpu.memory_space<vmem>>, vector<16xf32>,
      tpu.vector_store %arg8[%swap3A_1927, %swap3A_1928], %mul3A_1897 {strides = array<i32>} : memref<64x512xf32, #tpu.memory_space<vmem>>, vector<16xf32>,
      %jit3A_1930 = arith.constant 0.000000e+00 : f32
      %broadcast_in_dim3A_1931 = vector.broadcast %jit3A_1930 : f32 to vector<16xf32>
      %select_n3A_1932 = arith.select %or3A_1728, %div3A_1787, %broadcast_in_dim3A_1931 : vector<16xi1>, vector<16xf32>
      %get3A_1933 = arith.constant 256 : index
      %get3A_1934 = tpu.vector_load %arg9[%get3A_1933] {strides = array<i32>} : memref<1024xf32, #tpu.memory_space<vmem>>, vector<16xf32>,
      %get3A_1935 = arith.constant 272 : index
      %get3A_1936 = tpu.vector_load %arg9[%get3A_1935] {strides = array<i32>} : memref<1024xf32, #tpu.memory_space<vmem>>, vector<16xf32>,
      %get3A_1937 = arith.constant 288 : index
      %get3A_1938 = tpu.vector_load %arg9[%get3A_1937] {strides = array<i32>} : memref<1024xf32, #tpu.memory_space<vmem>>, vector<16xf32>,
      %get3A_1939 = arith.constant 304 : index
      %get3A_1940 = tpu.vector_load %arg9[%get3A_1939] {strides = array<i32>} : memref<1024xf32, #tpu.memory_space<vmem>>, vector<16xf32>,
      %get3A_1941 = arith.constant 320 : index
      %get3A_1942 = tpu.vector_load %arg9[%get3A_1941] {strides = array<i32>} : memref<1024xf32, #tpu.memory_space<vmem>>, vector<16xf32>,
      %get3A_1943 = arith.constant 336 : index
      %get3A_1944 = tpu.vector_load %arg9[%get3A_1943] {strides = array<i32>} : memref<1024xf32, #tpu.memory_space<vmem>>, vector<16xf32>,
      %get3A_1945 = arith.constant 352 : index
      %get3A_1946 = tpu.vector_load %arg9[%get3A_1945] {strides = array<i32>} : memref<1024xf32, #tpu.memory_space<vmem>>, vector<16xf32>,
      %get3A_1947 = arith.constant 368 : index
      %get3A_1948 = tpu.vector_load %arg9[%get3A_1947] {strides = array<i32>} : memref<1024xf32, #tpu.memory_space<vmem>>, vector<16xf32>,
      %mul3A_1949 = arith.mulf %get3A_1934, %select_n3A_1932 : vector<16xf32>
      %mul3A_1950 = arith.mulf %get3A_1936, %select_n3A_1932 : vector<16xf32>
      %mul3A_1951 = arith.mulf %get3A_1938, %select_n3A_1932 : vector<16xf32>
      %mul3A_1952 = arith.mulf %get3A_1940, %select_n3A_1932 : vector<16xf32>
      %mul3A_1953 = arith.mulf %get3A_1942, %select_n3A_1932 : vector<16xf32>
      %mul3A_1954 = arith.mulf %get3A_1944, %select_n3A_1932 : vector<16xf32>
      %mul3A_1955 = arith.mulf %get3A_1946, %select_n3A_1932 : vector<16xf32>
      %mul3A_1956 = arith.mulf %get3A_1948, %select_n3A_1932 : vector<16xf32>
      %swap3A_1957 = arith.constant 16 : i32
      %swap3A_1958 = arith.index_cast %swap3A_1957 : i32 to index
      %swap3A_1959 = arith.index_cast %mul3A_24 : i32 to index
      %swap3A_1960 = tpu.vector_load %arg8[%swap3A_1958, %swap3A_1959] {strides = array<i32>} : memref<64x512xf32, #tpu.memory_space<vmem>>, vector<16xf32>,
      tpu.vector_store %arg8[%swap3A_1958, %swap3A_1959], %mul3A_1949 {strides = array<i32>} : memref<64x512xf32, #tpu.memory_space<vmem>>, vector<16xf32>,
      %swap3A_1961 = arith.constant 17 : i32
      %swap3A_1962 = arith.index_cast %swap3A_1961 : i32 to index
      %swap3A_1963 = arith.index_cast %mul3A_24 : i32 to index
      %swap3A_1964 = tpu.vector_load %arg8[%swap3A_1962, %swap3A_1963] {strides = array<i32>} : memref<64x512xf32, #tpu.memory_space<vmem>>, vector<16xf32>,
      tpu.vector_store %arg8[%swap3A_1962, %swap3A_1963], %mul3A_1950 {strides = array<i32>} : memref<64x512xf32, #tpu.memory_space<vmem>>, vector<16xf32>,
      %swap3A_1965 = arith.constant 18 : i32
      %swap3A_1966 = arith.index_cast %swap3A_1965 : i32 to index
      %swap3A_1967 = arith.index_cast %mul3A_24 : i32 to index
      %swap3A_1968 = tpu.vector_load %arg8[%swap3A_1966, %swap3A_1967] {strides = array<i32>} : memref<64x512xf32, #tpu.memory_space<vmem>>, vector<16xf32>,
      tpu.vector_store %arg8[%swap3A_1966, %swap3A_1967], %mul3A_1951 {strides = array<i32>} : memref<64x512xf32, #tpu.memory_space<vmem>>, vector<16xf32>,
      %swap3A_1969 = arith.constant 19 : i32
      %swap3A_1970 = arith.index_cast %swap3A_1969 : i32 to index
      %swap3A_1971 = arith.index_cast %mul3A_24 : i32 to index
      %swap3A_1972 = tpu.vector_load %arg8[%swap3A_1970, %swap3A_1971] {strides = array<i32>} : memref<64x512xf32, #tpu.memory_space<vmem>>, vector<16xf32>,
      tpu.vector_store %arg8[%swap3A_1970, %swap3A_1971], %mul3A_1952 {strides = array<i32>} : memref<64x512xf32, #tpu.memory_space<vmem>>, vector<16xf32>,
      %swap3A_1973 = arith.constant 20 : i32
      %swap3A_1974 = arith.index_cast %swap3A_1973 : i32 to index
      %swap3A_1975 = arith.index_cast %mul3A_24 : i32 to index
      %swap3A_1976 = tpu.vector_load %arg8[%swap3A_1974, %swap3A_1975] {strides = array<i32>} : memref<64x512xf32, #tpu.memory_space<vmem>>, vector<16xf32>,
      tpu.vector_store %arg8[%swap3A_1974, %swap3A_1975], %mul3A_1953 {strides = array<i32>} : memref<64x512xf32, #tpu.memory_space<vmem>>, vector<16xf32>,
      %swap3A_1977 = arith.constant 21 : i32
      %swap3A_1978 = arith.index_cast %swap3A_1977 : i32 to index
      %swap3A_1979 = arith.index_cast %mul3A_24 : i32 to index
      %swap3A_1980 = tpu.vector_load %arg8[%swap3A_1978, %swap3A_1979] {strides = array<i32>} : memref<64x512xf32, #tpu.memory_space<vmem>>, vector<16xf32>,
      tpu.vector_store %arg8[%swap3A_1978, %swap3A_1979], %mul3A_1954 {strides = array<i32>} : memref<64x512xf32, #tpu.memory_space<vmem>>, vector<16xf32>,
      %swap3A_1981 = arith.constant 22 : i32
      %swap3A_1982 = arith.index_cast %swap3A_1981 : i32 to index
      %swap3A_1983 = arith.index_cast %mul3A_24 : i32 to index
      %swap3A_1984 = tpu.vector_load %arg8[%swap3A_1982, %swap3A_1983] {strides = array<i32>} : memref<64x512xf32, #tpu.memory_space<vmem>>, vector<16xf32>,
      tpu.vector_store %arg8[%swap3A_1982, %swap3A_1983], %mul3A_1955 {strides = array<i32>} : memref<64x512xf32, #tpu.memory_space<vmem>>, vector<16xf32>,
      %swap3A_1985 = arith.constant 23 : i32
      %swap3A_1986 = arith.index_cast %swap3A_1985 : i32 to index
      %swap3A_1987 = arith.index_cast %mul3A_24 : i32 to index
      %swap3A_1988 = tpu.vector_load %arg8[%swap3A_1986, %swap3A_1987] {strides = array<i32>} : memref<64x512xf32, #tpu.memory_space<vmem>>, vector<16xf32>,
      tpu.vector_store %arg8[%swap3A_1986, %swap3A_1987], %mul3A_1956 {strides = array<i32>} : memref<64x512xf32, #tpu.memory_space<vmem>>, vector<16xf32>,
      %jit3A_1989 = arith.constant 0.000000e+00 : f32
      %broadcast_in_dim3A_1990 = vector.broadcast %jit3A_1989 : f32 to vector<16xf32>
      %select_n3A_1991 = arith.select %or3A_1733, %div3A_1787, %broadcast_in_dim3A_1990 : vector<16xi1>, vector<16xf32>
      %get3A_1992 = arith.constant 384 : index
      %get3A_1993 = tpu.vector_load %arg9[%get3A_1992] {strides = array<i32>} : memref<1024xf32, #tpu.memory_space<vmem>>, vector<16xf32>,
      %get3A_1994 = arith.constant 400 : index
      %get3A_1995 = tpu.vector_load %arg9[%get3A_1994] {strides = array<i32>} : memref<1024xf32, #tpu.memory_space<vmem>>, vector<16xf32>,
      %get3A_1996 = arith.constant 416 : index
      %get3A_1997 = tpu.vector_load %arg9[%get3A_1996] {strides = array<i32>} : memref<1024xf32, #tpu.memory_space<vmem>>, vector<16xf32>,
      %get3A_1998 = arith.constant 432 : index
      %get3A_1999 = tpu.vector_load %arg9[%get3A_1998] {strides = array<i32>} : memref<1024xf32, #tpu.memory_space<vmem>>, vector<16xf32>,
      %get3A_2000 = arith.constant 448 : index
      %get3A_2001 = tpu.vector_load %arg9[%get3A_2000] {strides = array<i32>} : memref<1024xf32, #tpu.memory_space<vmem>>, vector<16xf32>,
      %get3A_2002 = arith.constant 464 : index
      %get3A_2003 = tpu.vector_load %arg9[%get3A_2002] {strides = array<i32>} : memref<1024xf32, #tpu.memory_space<vmem>>, vector<16xf32>,
      %get3A_2004 = arith.constant 480 : index
      %get3A_2005 = tpu.vector_load %arg9[%get3A_2004] {strides = array<i32>} : memref<1024xf32, #tpu.memory_space<vmem>>, vector<16xf32>,
      %get3A_2006 = arith.constant 496 : index
      %get3A_2007 = tpu.vector_load %arg9[%get3A_2006] {strides = array<i32>} : memref<1024xf32, #tpu.memory_space<vmem>>, vector<16xf32>,
      %mul3A_2008 = arith.mulf %get3A_1993, %select_n3A_1991 : vector<16xf32>
      %mul3A_2009 = arith.mulf %get3A_1995, %select_n3A_1991 : vector<16xf32>
      %mul3A_2010 = arith.mulf %get3A_1997, %select_n3A_1991 : vector<16xf32>
      %mul3A_2011 = arith.mulf %get3A_1999, %select_n3A_1991 : vector<16xf32>
      %mul3A_2012 = arith.mulf %get3A_2001, %select_n3A_1991 : vector<16xf32>
      %mul3A_2013 = arith.mulf %get3A_2003, %select_n3A_1991 : vector<16xf32>
      %mul3A_2014 = arith.mulf %get3A_2005, %select_n3A_1991 : vector<16xf32>
      %mul3A_2015 = arith.mulf %get3A_2007, %select_n3A_1991 : vector<16xf32>
      %swap3A_2016 = arith.constant 24 : i32
      %swap3A_2017 = arith.index_cast %swap3A_2016 : i32 to index
      %swap3A_2018 = arith.index_cast %mul3A_24 : i32 to index
      %swap3A_2019 = tpu.vector_load %arg8[%swap3A_2017, %swap3A_2018] {strides = array<i32>} : memref<64x512xf32, #tpu.memory_space<vmem>>, vector<16xf32>,
      tpu.vector_store %arg8[%swap3A_2017, %swap3A_2018], %mul3A_2008 {strides = array<i32>} : memref<64x512xf32, #tpu.memory_space<vmem>>, vector<16xf32>,
      %swap3A_2020 = arith.constant 25 : i32
      %swap3A_2021 = arith.index_cast %swap3A_2020 : i32 to index
      %swap3A_2022 = arith.index_cast %mul3A_24 : i32 to index
      %swap3A_2023 = tpu.vector_load %arg8[%swap3A_2021, %swap3A_2022] {strides = array<i32>} : memref<64x512xf32, #tpu.memory_space<vmem>>, vector<16xf32>,
      tpu.vector_store %arg8[%swap3A_2021, %swap3A_2022], %mul3A_2009 {strides = array<i32>} : memref<64x512xf32, #tpu.memory_space<vmem>>, vector<16xf32>,
      %swap3A_2024 = arith.constant 26 : i32
      %swap3A_2025 = arith.index_cast %swap3A_2024 : i32 to index
      %swap3A_2026 = arith.index_cast %mul3A_24 : i32 to index
      %swap3A_2027 = tpu.vector_load %arg8[%swap3A_2025, %swap3A_2026] {strides = array<i32>} : memref<64x512xf32, #tpu.memory_space<vmem>>, vector<16xf32>,
      tpu.vector_store %arg8[%swap3A_2025, %swap3A_2026], %mul3A_2010 {strides = array<i32>} : memref<64x512xf32, #tpu.memory_space<vmem>>, vector<16xf32>,
      %swap3A_2028 = arith.constant 27 : i32
      %swap3A_2029 = arith.index_cast %swap3A_2028 : i32 to index
      %swap3A_2030 = arith.index_cast %mul3A_24 : i32 to index
      %swap3A_2031 = tpu.vector_load %arg8[%swap3A_2029, %swap3A_2030] {strides = array<i32>} : memref<64x512xf32, #tpu.memory_space<vmem>>, vector<16xf32>,
      tpu.vector_store %arg8[%swap3A_2029, %swap3A_2030], %mul3A_2011 {strides = array<i32>} : memref<64x512xf32, #tpu.memory_space<vmem>>, vector<16xf32>,
      %swap3A_2032 = arith.constant 28 : i32
      %swap3A_2033 = arith.index_cast %swap3A_2032 : i32 to index
      %swap3A_2034 = arith.index_cast %mul3A_24 : i32 to index
      %swap3A_2035 = tpu.vector_load %arg8[%swap3A_2033, %swap3A_2034] {strides = array<i32>} : memref<64x512xf32, #tpu.memory_space<vmem>>, vector<16xf32>,
      tpu.vector_store %arg8[%swap3A_2033, %swap3A_2034], %mul3A_2012 {strides = array<i32>} : memref<64x512xf32, #tpu.memory_space<vmem>>, vector<16xf32>,
      %swap3A_2036 = arith.constant 29 : i32
      %swap3A_2037 = arith.index_cast %swap3A_2036 : i32 to index
      %swap3A_2038 = arith.index_cast %mul3A_24 : i32 to index
      %swap3A_2039 = tpu.vector_load %arg8[%swap3A_2037, %swap3A_2038] {strides = array<i32>} : memref<64x512xf32, #tpu.memory_space<vmem>>, vector<16xf32>,
      tpu.vector_store %arg8[%swap3A_2037, %swap3A_2038], %mul3A_2013 {strides = array<i32>} : memref<64x512xf32, #tpu.memory_space<vmem>>, vector<16xf32>,
      %swap3A_2040 = arith.constant 30 : i32
      %swap3A_2041 = arith.index_cast %swap3A_2040 : i32 to index
      %swap3A_2042 = arith.index_cast %mul3A_24 : i32 to index
      %swap3A_2043 = tpu.vector_load %arg8[%swap3A_2041, %swap3A_2042] {strides = array<i32>} : memref<64x512xf32, #tpu.memory_space<vmem>>, vector<16xf32>,
      tpu.vector_store %arg8[%swap3A_2041, %swap3A_2042], %mul3A_2014 {strides = array<i32>} : memref<64x512xf32, #tpu.memory_space<vmem>>, vector<16xf32>,
      %swap3A_2044 = arith.constant 31 : i32
      %swap3A_2045 = arith.index_cast %swap3A_2044 : i32 to index
      %swap3A_2046 = arith.index_cast %mul3A_24 : i32 to index
      %swap3A_2047 = tpu.vector_load %arg8[%swap3A_2045, %swap3A_2046] {strides = array<i32>} : memref<64x512xf32, #tpu.memory_space<vmem>>, vector<16xf32>,
      tpu.vector_store %arg8[%swap3A_2045, %swap3A_2046], %mul3A_2015 {strides = array<i32>} : memref<64x512xf32, #tpu.memory_space<vmem>>, vector<16xf32>,
      %jit3A_2048 = arith.constant 0.000000e+00 : f32
      %broadcast_in_dim3A_2049 = vector.broadcast %jit3A_2048 : f32 to vector<16xf32>
      %select_n3A_2050 = arith.select %or3A_1738, %div3A_1787, %broadcast_in_dim3A_2049 : vector<16xi1>, vector<16xf32>
      %get3A_2051 = arith.constant 512 : index
      %get3A_2052 = tpu.vector_load %arg9[%get3A_2051] {strides = array<i32>} : memref<1024xf32, #tpu.memory_space<vmem>>, vector<16xf32>,
      %get3A_2053 = arith.constant 528 : index
      %get3A_2054 = tpu.vector_load %arg9[%get3A_2053] {strides = array<i32>} : memref<1024xf32, #tpu.memory_space<vmem>>, vector<16xf32>,
      %get3A_2055 = arith.constant 544 : index
      %get3A_2056 = tpu.vector_load %arg9[%get3A_2055] {strides = array<i32>} : memref<1024xf32, #tpu.memory_space<vmem>>, vector<16xf32>,
      %get3A_2057 = arith.constant 560 : index
      %get3A_2058 = tpu.vector_load %arg9[%get3A_2057] {strides = array<i32>} : memref<1024xf32, #tpu.memory_space<vmem>>, vector<16xf32>,
      %get3A_2059 = arith.constant 576 : index
      %get3A_2060 = tpu.vector_load %arg9[%get3A_2059] {strides = array<i32>} : memref<1024xf32, #tpu.memory_space<vmem>>, vector<16xf32>,
      %get3A_2061 = arith.constant 592 : index
      %get3A_2062 = tpu.vector_load %arg9[%get3A_2061] {strides = array<i32>} : memref<1024xf32, #tpu.memory_space<vmem>>, vector<16xf32>,
      %get3A_2063 = arith.constant 608 : index
      %get3A_2064 = tpu.vector_load %arg9[%get3A_2063] {strides = array<i32>} : memref<1024xf32, #tpu.memory_space<vmem>>, vector<16xf32>,
      %get3A_2065 = arith.constant 624 : index
      %get3A_2066 = tpu.vector_load %arg9[%get3A_2065] {strides = array<i32>} : memref<1024xf32, #tpu.memory_space<vmem>>, vector<16xf32>,
      %mul3A_2067 = arith.mulf %get3A_2052, %select_n3A_2050 : vector<16xf32>
      %mul3A_2068 = arith.mulf %get3A_2054, %select_n3A_2050 : vector<16xf32>
      %mul3A_2069 = arith.mulf %get3A_2056, %select_n3A_2050 : vector<16xf32>
      %mul3A_2070 = arith.mulf %get3A_2058, %select_n3A_2050 : vector<16xf32>
      %mul3A_2071 = arith.mulf %get3A_2060, %select_n3A_2050 : vector<16xf32>
      %mul3A_2072 = arith.mulf %get3A_2062, %select_n3A_2050 : vector<16xf32>
      %mul3A_2073 = arith.mulf %get3A_2064, %select_n3A_2050 : vector<16xf32>
      %mul3A_2074 = arith.mulf %get3A_2066, %select_n3A_2050 : vector<16xf32>
      %swap3A_2075 = arith.constant 32 : i32
      %swap3A_2076 = arith.index_cast %swap3A_2075 : i32 to index
      %swap3A_2077 = arith.index_cast %mul3A_24 : i32 to index
      %swap3A_2078 = tpu.vector_load %arg8[%swap3A_2076, %swap3A_2077] {strides = array<i32>} : memref<64x512xf32, #tpu.memory_space<vmem>>, vector<16xf32>,
      tpu.vector_store %arg8[%swap3A_2076, %swap3A_2077], %mul3A_2067 {strides = array<i32>} : memref<64x512xf32, #tpu.memory_space<vmem>>, vector<16xf32>,
      %swap3A_2079 = arith.constant 33 : i32
      %swap3A_2080 = arith.index_cast %swap3A_2079 : i32 to index
      %swap3A_2081 = arith.index_cast %mul3A_24 : i32 to index
      %swap3A_2082 = tpu.vector_load %arg8[%swap3A_2080, %swap3A_2081] {strides = array<i32>} : memref<64x512xf32, #tpu.memory_space<vmem>>, vector<16xf32>,
      tpu.vector_store %arg8[%swap3A_2080, %swap3A_2081], %mul3A_2068 {strides = array<i32>} : memref<64x512xf32, #tpu.memory_space<vmem>>, vector<16xf32>,
      %swap3A_2083 = arith.constant 34 : i32
      %swap3A_2084 = arith.index_cast %swap3A_2083 : i32 to index
      %swap3A_2085 = arith.index_cast %mul3A_24 : i32 to index
      %swap3A_2086 = tpu.vector_load %arg8[%swap3A_2084, %swap3A_2085] {strides = array<i32>} : memref<64x512xf32, #tpu.memory_space<vmem>>, vector<16xf32>,
      tpu.vector_store %arg8[%swap3A_2084, %swap3A_2085], %mul3A_2069 {strides = array<i32>} : memref<64x512xf32, #tpu.memory_space<vmem>>, vector<16xf32>,
      %swap3A_2087 = arith.constant 35 : i32
      %swap3A_2088 = arith.index_cast %swap3A_2087 : i32 to index
      %swap3A_2089 = arith.index_cast %mul3A_24 : i32 to index
      %swap3A_2090 = tpu.vector_load %arg8[%swap3A_2088, %swap3A_2089] {strides = array<i32>} : memref<64x512xf32, #tpu.memory_space<vmem>>, vector<16xf32>,
      tpu.vector_store %arg8[%swap3A_2088, %swap3A_2089], %mul3A_2070 {strides = array<i32>} : memref<64x512xf32, #tpu.memory_space<vmem>>, vector<16xf32>,
      %swap3A_2091 = arith.constant 36 : i32
      %swap3A_2092 = arith.index_cast %swap3A_2091 : i32 to index
      %swap3A_2093 = arith.index_cast %mul3A_24 : i32 to index
      %swap3A_2094 = tpu.vector_load %arg8[%swap3A_2092, %swap3A_2093] {strides = array<i32>} : memref<64x512xf32, #tpu.memory_space<vmem>>, vector<16xf32>,
      tpu.vector_store %arg8[%swap3A_2092, %swap3A_2093], %mul3A_2071 {strides = array<i32>} : memref<64x512xf32, #tpu.memory_space<vmem>>, vector<16xf32>,
      %swap3A_2095 = arith.constant 37 : i32
      %swap3A_2096 = arith.index_cast %swap3A_2095 : i32 to index
      %swap3A_2097 = arith.index_cast %mul3A_24 : i32 to index
      %swap3A_2098 = tpu.vector_load %arg8[%swap3A_2096, %swap3A_2097] {strides = array<i32>} : memref<64x512xf32, #tpu.memory_space<vmem>>, vector<16xf32>,
      tpu.vector_store %arg8[%swap3A_2096, %swap3A_2097], %mul3A_2072 {strides = array<i32>} : memref<64x512xf32, #tpu.memory_space<vmem>>, vector<16xf32>,
      %swap3A_2099 = arith.constant 38 : i32
      %swap3A_2100 = arith.index_cast %swap3A_2099 : i32 to index
      %swap3A_2101 = arith.index_cast %mul3A_24 : i32 to index
      %swap3A_2102 = tpu.vector_load %arg8[%swap3A_2100, %swap3A_2101] {strides = array<i32>} : memref<64x512xf32, #tpu.memory_space<vmem>>, vector<16xf32>,
      tpu.vector_store %arg8[%swap3A_2100, %swap3A_2101], %mul3A_2073 {strides = array<i32>} : memref<64x512xf32, #tpu.memory_space<vmem>>, vector<16xf32>,
      %swap3A_2103 = arith.constant 39 : i32
      %swap3A_2104 = arith.index_cast %swap3A_2103 : i32 to index
      %swap3A_2105 = arith.index_cast %mul3A_24 : i32 to index
      %swap3A_2106 = tpu.vector_load %arg8[%swap3A_2104, %swap3A_2105] {strides = array<i32>} : memref<64x512xf32, #tpu.memory_space<vmem>>, vector<16xf32>,
      tpu.vector_store %arg8[%swap3A_2104, %swap3A_2105], %mul3A_2074 {strides = array<i32>} : memref<64x512xf32, #tpu.memory_space<vmem>>, vector<16xf32>,
      %jit3A_2107 = arith.constant 0.000000e+00 : f32
      %broadcast_in_dim3A_2108 = vector.broadcast %jit3A_2107 : f32 to vector<16xf32>
      %select_n3A_2109 = arith.select %or3A_1743, %div3A_1787, %broadcast_in_dim3A_2108 : vector<16xi1>, vector<16xf32>
      %get3A_2110 = arith.constant 640 : index
      %get3A_2111 = tpu.vector_load %arg9[%get3A_2110] {strides = array<i32>} : memref<1024xf32, #tpu.memory_space<vmem>>, vector<16xf32>,
      %get3A_2112 = arith.constant 656 : index
      %get3A_2113 = tpu.vector_load %arg9[%get3A_2112] {strides = array<i32>} : memref<1024xf32, #tpu.memory_space<vmem>>, vector<16xf32>,
      %get3A_2114 = arith.constant 672 : index
      %get3A_2115 = tpu.vector_load %arg9[%get3A_2114] {strides = array<i32>} : memref<1024xf32, #tpu.memory_space<vmem>>, vector<16xf32>,
      %get3A_2116 = arith.constant 688 : index
      %get3A_2117 = tpu.vector_load %arg9[%get3A_2116] {strides = array<i32>} : memref<1024xf32, #tpu.memory_space<vmem>>, vector<16xf32>,
      %get3A_2118 = arith.constant 704 : index
      %get3A_2119 = tpu.vector_load %arg9[%get3A_2118] {strides = array<i32>} : memref<1024xf32, #tpu.memory_space<vmem>>, vector<16xf32>,
      %get3A_2120 = arith.constant 720 : index
      %get3A_2121 = tpu.vector_load %arg9[%get3A_2120] {strides = array<i32>} : memref<1024xf32, #tpu.memory_space<vmem>>, vector<16xf32>,
      %get3A_2122 = arith.constant 736 : index
      %get3A_2123 = tpu.vector_load %arg9[%get3A_2122] {strides = array<i32>} : memref<1024xf32, #tpu.memory_space<vmem>>, vector<16xf32>,
      %get3A_2124 = arith.constant 752 : index
      %get3A_2125 = tpu.vector_load %arg9[%get3A_2124] {strides = array<i32>} : memref<1024xf32, #tpu.memory_space<vmem>>, vector<16xf32>,
      %mul3A_2126 = arith.mulf %get3A_2111, %select_n3A_2109 : vector<16xf32>
      %mul3A_2127 = arith.mulf %get3A_2113, %select_n3A_2109 : vector<16xf32>
      %mul3A_2128 = arith.mulf %get3A_2115, %select_n3A_2109 : vector<16xf32>
      %mul3A_2129 = arith.mulf %get3A_2117, %select_n3A_2109 : vector<16xf32>
      %mul3A_2130 = arith.mulf %get3A_2119, %select_n3A_2109 : vector<16xf32>
      %mul3A_2131 = arith.mulf %get3A_2121, %select_n3A_2109 : vector<16xf32>
      %mul3A_2132 = arith.mulf %get3A_2123, %select_n3A_2109 : vector<16xf32>
      %mul3A_2133 = arith.mulf %get3A_2125, %select_n3A_2109 : vector<16xf32>
      %swap3A_2134 = arith.constant 40 : i32
      %swap3A_2135 = arith.index_cast %swap3A_2134 : i32 to index
      %swap3A_2136 = arith.index_cast %mul3A_24 : i32 to index
      %swap3A_2137 = tpu.vector_load %arg8[%swap3A_2135, %swap3A_2136] {strides = array<i32>} : memref<64x512xf32, #tpu.memory_space<vmem>>, vector<16xf32>,
      tpu.vector_store %arg8[%swap3A_2135, %swap3A_2136], %mul3A_2126 {strides = array<i32>} : memref<64x512xf32, #tpu.memory_space<vmem>>, vector<16xf32>,
      %swap3A_2138 = arith.constant 41 : i32
      %swap3A_2139 = arith.index_cast %swap3A_2138 : i32 to index
      %swap3A_2140 = arith.index_cast %mul3A_24 : i32 to index
      %swap3A_2141 = tpu.vector_load %arg8[%swap3A_2139, %swap3A_2140] {strides = array<i32>} : memref<64x512xf32, #tpu.memory_space<vmem>>, vector<16xf32>,
      tpu.vector_store %arg8[%swap3A_2139, %swap3A_2140], %mul3A_2127 {strides = array<i32>} : memref<64x512xf32, #tpu.memory_space<vmem>>, vector<16xf32>,
      %swap3A_2142 = arith.constant 42 : i32
      %swap3A_2143 = arith.index_cast %swap3A_2142 : i32 to index
      %swap3A_2144 = arith.index_cast %mul3A_24 : i32 to index
      %swap3A_2145 = tpu.vector_load %arg8[%swap3A_2143, %swap3A_2144] {strides = array<i32>} : memref<64x512xf32, #tpu.memory_space<vmem>>, vector<16xf32>,
      tpu.vector_store %arg8[%swap3A_2143, %swap3A_2144], %mul3A_2128 {strides = array<i32>} : memref<64x512xf32, #tpu.memory_space<vmem>>, vector<16xf32>,
      %swap3A_2146 = arith.constant 43 : i32
      %swap3A_2147 = arith.index_cast %swap3A_2146 : i32 to index
      %swap3A_2148 = arith.index_cast %mul3A_24 : i32 to index
      %swap3A_2149 = tpu.vector_load %arg8[%swap3A_2147, %swap3A_2148] {strides = array<i32>} : memref<64x512xf32, #tpu.memory_space<vmem>>, vector<16xf32>,
      tpu.vector_store %arg8[%swap3A_2147, %swap3A_2148], %mul3A_2129 {strides = array<i32>} : memref<64x512xf32, #tpu.memory_space<vmem>>, vector<16xf32>,
      %swap3A_2150 = arith.constant 44 : i32
      %swap3A_2151 = arith.index_cast %swap3A_2150 : i32 to index
      %swap3A_2152 = arith.index_cast %mul3A_24 : i32 to index
      %swap3A_2153 = tpu.vector_load %arg8[%swap3A_2151, %swap3A_2152] {strides = array<i32>} : memref<64x512xf32, #tpu.memory_space<vmem>>, vector<16xf32>,
      tpu.vector_store %arg8[%swap3A_2151, %swap3A_2152], %mul3A_2130 {strides = array<i32>} : memref<64x512xf32, #tpu.memory_space<vmem>>, vector<16xf32>,
      %swap3A_2154 = arith.constant 45 : i32
      %swap3A_2155 = arith.index_cast %swap3A_2154 : i32 to index
      %swap3A_2156 = arith.index_cast %mul3A_24 : i32 to index
      %swap3A_2157 = tpu.vector_load %arg8[%swap3A_2155, %swap3A_2156] {strides = array<i32>} : memref<64x512xf32, #tpu.memory_space<vmem>>, vector<16xf32>,
      tpu.vector_store %arg8[%swap3A_2155, %swap3A_2156], %mul3A_2131 {strides = array<i32>} : memref<64x512xf32, #tpu.memory_space<vmem>>, vector<16xf32>,
      %swap3A_2158 = arith.constant 46 : i32
      %swap3A_2159 = arith.index_cast %swap3A_2158 : i32 to index
      %swap3A_2160 = arith.index_cast %mul3A_24 : i32 to index
      %swap3A_2161 = tpu.vector_load %arg8[%swap3A_2159, %swap3A_2160] {strides = array<i32>} : memref<64x512xf32, #tpu.memory_space<vmem>>, vector<16xf32>,
      tpu.vector_store %arg8[%swap3A_2159, %swap3A_2160], %mul3A_2132 {strides = array<i32>} : memref<64x512xf32, #tpu.memory_space<vmem>>, vector<16xf32>,
      %swap3A_2162 = arith.constant 47 : i32
      %swap3A_2163 = arith.index_cast %swap3A_2162 : i32 to index
      %swap3A_2164 = arith.index_cast %mul3A_24 : i32 to index
      %swap3A_2165 = tpu.vector_load %arg8[%swap3A_2163, %swap3A_2164] {strides = array<i32>} : memref<64x512xf32, #tpu.memory_space<vmem>>, vector<16xf32>,
      tpu.vector_store %arg8[%swap3A_2163, %swap3A_2164], %mul3A_2133 {strides = array<i32>} : memref<64x512xf32, #tpu.memory_space<vmem>>, vector<16xf32>,
      %jit3A_2166 = arith.constant 0.000000e+00 : f32
      %broadcast_in_dim3A_2167 = vector.broadcast %jit3A_2166 : f32 to vector<16xf32>
      %select_n3A_2168 = arith.select %or3A_1748, %div3A_1787, %broadcast_in_dim3A_2167 : vector<16xi1>, vector<16xf32>
      %get3A_2169 = arith.constant 768 : index
      %get3A_2170 = tpu.vector_load %arg9[%get3A_2169] {strides = array<i32>} : memref<1024xf32, #tpu.memory_space<vmem>>, vector<16xf32>,
      %get3A_2171 = arith.constant 784 : index
      %get3A_2172 = tpu.vector_load %arg9[%get3A_2171] {strides = array<i32>} : memref<1024xf32, #tpu.memory_space<vmem>>, vector<16xf32>,
      %get3A_2173 = arith.constant 800 : index
      %get3A_2174 = tpu.vector_load %arg9[%get3A_2173] {strides = array<i32>} : memref<1024xf32, #tpu.memory_space<vmem>>, vector<16xf32>,
      %get3A_2175 = arith.constant 816 : index
      %get3A_2176 = tpu.vector_load %arg9[%get3A_2175] {strides = array<i32>} : memref<1024xf32, #tpu.memory_space<vmem>>, vector<16xf32>,
      %get3A_2177 = arith.constant 832 : index
      %get3A_2178 = tpu.vector_load %arg9[%get3A_2177] {strides = array<i32>} : memref<1024xf32, #tpu.memory_space<vmem>>, vector<16xf32>,
      %get3A_2179 = arith.constant 848 : index
      %get3A_2180 = tpu.vector_load %arg9[%get3A_2179] {strides = array<i32>} : memref<1024xf32, #tpu.memory_space<vmem>>, vector<16xf32>,
      %get3A_2181 = arith.constant 864 : index
      %get3A_2182 = tpu.vector_load %arg9[%get3A_2181] {strides = array<i32>} : memref<1024xf32, #tpu.memory_space<vmem>>, vector<16xf32>,
      %get3A_2183 = arith.constant 880 : index
      %get3A_2184 = tpu.vector_load %arg9[%get3A_2183] {strides = array<i32>} : memref<1024xf32, #tpu.memory_space<vmem>>, vector<16xf32>,
      %mul3A_2185 = arith.mulf %get3A_2170, %select_n3A_2168 : vector<16xf32>
      %mul3A_2186 = arith.mulf %get3A_2172, %select_n3A_2168 : vector<16xf32>
      %mul3A_2187 = arith.mulf %get3A_2174, %select_n3A_2168 : vector<16xf32>
      %mul3A_2188 = arith.mulf %get3A_2176, %select_n3A_2168 : vector<16xf32>
      %mul3A_2189 = arith.mulf %get3A_2178, %select_n3A_2168 : vector<16xf32>
      %mul3A_2190 = arith.mulf %get3A_2180, %select_n3A_2168 : vector<16xf32>
      %mul3A_2191 = arith.mulf %get3A_2182, %select_n3A_2168 : vector<16xf32>
      %mul3A_2192 = arith.mulf %get3A_2184, %select_n3A_2168 : vector<16xf32>
      %swap3A_2193 = arith.constant 48 : i32
      %swap3A_2194 = arith.index_cast %swap3A_2193 : i32 to index
      %swap3A_2195 = arith.index_cast %mul3A_24 : i32 to index
      %swap3A_2196 = tpu.vector_load %arg8[%swap3A_2194, %swap3A_2195] {strides = array<i32>} : memref<64x512xf32, #tpu.memory_space<vmem>>, vector<16xf32>,
      tpu.vector_store %arg8[%swap3A_2194, %swap3A_2195], %mul3A_2185 {strides = array<i32>} : memref<64x512xf32, #tpu.memory_space<vmem>>, vector<16xf32>,
      %swap3A_2197 = arith.constant 49 : i32
      %swap3A_2198 = arith.index_cast %swap3A_2197 : i32 to index
      %swap3A_2199 = arith.index_cast %mul3A_24 : i32 to index
      %swap3A_2200 = tpu.vector_load %arg8[%swap3A_2198, %swap3A_2199] {strides = array<i32>} : memref<64x512xf32, #tpu.memory_space<vmem>>, vector<16xf32>,
      tpu.vector_store %arg8[%swap3A_2198, %swap3A_2199], %mul3A_2186 {strides = array<i32>} : memref<64x512xf32, #tpu.memory_space<vmem>>, vector<16xf32>,
      %swap3A_2201 = arith.constant 50 : i32
      %swap3A_2202 = arith.index_cast %swap3A_2201 : i32 to index
      %swap3A_2203 = arith.index_cast %mul3A_24 : i32 to index
      %swap3A_2204 = tpu.vector_load %arg8[%swap3A_2202, %swap3A_2203] {strides = array<i32>} : memref<64x512xf32, #tpu.memory_space<vmem>>, vector<16xf32>,
      tpu.vector_store %arg8[%swap3A_2202, %swap3A_2203], %mul3A_2187 {strides = array<i32>} : memref<64x512xf32, #tpu.memory_space<vmem>>, vector<16xf32>,
      %swap3A_2205 = arith.constant 51 : i32
      %swap3A_2206 = arith.index_cast %swap3A_2205 : i32 to index
      %swap3A_2207 = arith.index_cast %mul3A_24 : i32 to index
      %swap3A_2208 = tpu.vector_load %arg8[%swap3A_2206, %swap3A_2207] {strides = array<i32>} : memref<64x512xf32, #tpu.memory_space<vmem>>, vector<16xf32>,
      tpu.vector_store %arg8[%swap3A_2206, %swap3A_2207], %mul3A_2188 {strides = array<i32>} : memref<64x512xf32, #tpu.memory_space<vmem>>, vector<16xf32>,
      %swap3A_2209 = arith.constant 52 : i32
      %swap3A_2210 = arith.index_cast %swap3A_2209 : i32 to index
      %swap3A_2211 = arith.index_cast %mul3A_24 : i32 to index
      %swap3A_2212 = tpu.vector_load %arg8[%swap3A_2210, %swap3A_2211] {strides = array<i32>} : memref<64x512xf32, #tpu.memory_space<vmem>>, vector<16xf32>,
      tpu.vector_store %arg8[%swap3A_2210, %swap3A_2211], %mul3A_2189 {strides = array<i32>} : memref<64x512xf32, #tpu.memory_space<vmem>>, vector<16xf32>,
      %swap3A_2213 = arith.constant 53 : i32
      %swap3A_2214 = arith.index_cast %swap3A_2213 : i32 to index
      %swap3A_2215 = arith.index_cast %mul3A_24 : i32 to index
      %swap3A_2216 = tpu.vector_load %arg8[%swap3A_2214, %swap3A_2215] {strides = array<i32>} : memref<64x512xf32, #tpu.memory_space<vmem>>, vector<16xf32>,
      tpu.vector_store %arg8[%swap3A_2214, %swap3A_2215], %mul3A_2190 {strides = array<i32>} : memref<64x512xf32, #tpu.memory_space<vmem>>, vector<16xf32>,
      %swap3A_2217 = arith.constant 54 : i32
      %swap3A_2218 = arith.index_cast %swap3A_2217 : i32 to index
      %swap3A_2219 = arith.index_cast %mul3A_24 : i32 to index
      %swap3A_2220 = tpu.vector_load %arg8[%swap3A_2218, %swap3A_2219] {strides = array<i32>} : memref<64x512xf32, #tpu.memory_space<vmem>>, vector<16xf32>,
      tpu.vector_store %arg8[%swap3A_2218, %swap3A_2219], %mul3A_2191 {strides = array<i32>} : memref<64x512xf32, #tpu.memory_space<vmem>>, vector<16xf32>,
      %swap3A_2221 = arith.constant 55 : i32
      %swap3A_2222 = arith.index_cast %swap3A_2221 : i32 to index
      %swap3A_2223 = arith.index_cast %mul3A_24 : i32 to index
      %swap3A_2224 = tpu.vector_load %arg8[%swap3A_2222, %swap3A_2223] {strides = array<i32>} : memref<64x512xf32, #tpu.memory_space<vmem>>, vector<16xf32>,
      tpu.vector_store %arg8[%swap3A_2222, %swap3A_2223], %mul3A_2192 {strides = array<i32>} : memref<64x512xf32, #tpu.memory_space<vmem>>, vector<16xf32>,
      %jit3A_2225 = arith.constant 0.000000e+00 : f32
      %broadcast_in_dim3A_2226 = vector.broadcast %jit3A_2225 : f32 to vector<16xf32>
      %select_n3A_2227 = arith.select %or3A_1753, %div3A_1787, %broadcast_in_dim3A_2226 : vector<16xi1>, vector<16xf32>
      %get3A_2228 = arith.constant 896 : index
      %get3A_2229 = tpu.vector_load %arg9[%get3A_2228] {strides = array<i32>} : memref<1024xf32, #tpu.memory_space<vmem>>, vector<16xf32>,
      %get3A_2230 = arith.constant 912 : index
      %get3A_2231 = tpu.vector_load %arg9[%get3A_2230] {strides = array<i32>} : memref<1024xf32, #tpu.memory_space<vmem>>, vector<16xf32>,
      %get3A_2232 = arith.constant 928 : index
      %get3A_2233 = tpu.vector_load %arg9[%get3A_2232] {strides = array<i32>} : memref<1024xf32, #tpu.memory_space<vmem>>, vector<16xf32>,
      %get3A_2234 = arith.constant 944 : index
      %get3A_2235 = tpu.vector_load %arg9[%get3A_2234] {strides = array<i32>} : memref<1024xf32, #tpu.memory_space<vmem>>, vector<16xf32>,
      %get3A_2236 = arith.constant 960 : index
      %get3A_2237 = tpu.vector_load %arg9[%get3A_2236] {strides = array<i32>} : memref<1024xf32, #tpu.memory_space<vmem>>, vector<16xf32>,
      %get3A_2238 = arith.constant 976 : index
      %get3A_2239 = tpu.vector_load %arg9[%get3A_2238] {strides = array<i32>} : memref<1024xf32, #tpu.memory_space<vmem>>, vector<16xf32>,
      %get3A_2240 = arith.constant 992 : index
      %get3A_2241 = tpu.vector_load %arg9[%get3A_2240] {strides = array<i32>} : memref<1024xf32, #tpu.memory_space<vmem>>, vector<16xf32>,
      %get3A_2242 = arith.constant 1008 : index
      %get3A_2243 = tpu.vector_load %arg9[%get3A_2242] {strides = array<i32>} : memref<1024xf32, #tpu.memory_space<vmem>>, vector<16xf32>,
      %mul3A_2244 = arith.mulf %get3A_2229, %select_n3A_2227 : vector<16xf32>
      %mul3A_2245 = arith.mulf %get3A_2231, %select_n3A_2227 : vector<16xf32>
      %mul3A_2246 = arith.mulf %get3A_2233, %select_n3A_2227 : vector<16xf32>
      %mul3A_2247 = arith.mulf %get3A_2235, %select_n3A_2227 : vector<16xf32>
      %mul3A_2248 = arith.mulf %get3A_2237, %select_n3A_2227 : vector<16xf32>
      %mul3A_2249 = arith.mulf %get3A_2239, %select_n3A_2227 : vector<16xf32>
      %mul3A_2250 = arith.mulf %get3A_2241, %select_n3A_2227 : vector<16xf32>
      %mul3A_2251 = arith.mulf %get3A_2243, %select_n3A_2227 : vector<16xf32>
      %swap3A_2252 = arith.constant 56 : i32
      %swap3A_2253 = arith.index_cast %swap3A_2252 : i32 to index
      %swap3A_2254 = arith.index_cast %mul3A_24 : i32 to index
      %swap3A_2255 = tpu.vector_load %arg8[%swap3A_2253, %swap3A_2254] {strides = array<i32>} : memref<64x512xf32, #tpu.memory_space<vmem>>, vector<16xf32>,
      tpu.vector_store %arg8[%swap3A_2253, %swap3A_2254], %mul3A_2244 {strides = array<i32>} : memref<64x512xf32, #tpu.memory_space<vmem>>, vector<16xf32>,
      %swap3A_2256 = arith.constant 57 : i32
      %swap3A_2257 = arith.index_cast %swap3A_2256 : i32 to index
      %swap3A_2258 = arith.index_cast %mul3A_24 : i32 to index
      %swap3A_2259 = tpu.vector_load %arg8[%swap3A_2257, %swap3A_2258] {strides = array<i32>} : memref<64x512xf32, #tpu.memory_space<vmem>>, vector<16xf32>,
      tpu.vector_store %arg8[%swap3A_2257, %swap3A_2258], %mul3A_2245 {strides = array<i32>} : memref<64x512xf32, #tpu.memory_space<vmem>>, vector<16xf32>,
      %swap3A_2260 = arith.constant 58 : i32
      %swap3A_2261 = arith.index_cast %swap3A_2260 : i32 to index
      %swap3A_2262 = arith.index_cast %mul3A_24 : i32 to index
      %swap3A_2263 = tpu.vector_load %arg8[%swap3A_2261, %swap3A_2262] {strides = array<i32>} : memref<64x512xf32, #tpu.memory_space<vmem>>, vector<16xf32>,
      tpu.vector_store %arg8[%swap3A_2261, %swap3A_2262], %mul3A_2246 {strides = array<i32>} : memref<64x512xf32, #tpu.memory_space<vmem>>, vector<16xf32>,
      %swap3A_2264 = arith.constant 59 : i32
      %swap3A_2265 = arith.index_cast %swap3A_2264 : i32 to index
      %swap3A_2266 = arith.index_cast %mul3A_24 : i32 to index
      %swap3A_2267 = tpu.vector_load %arg8[%swap3A_2265, %swap3A_2266] {strides = array<i32>} : memref<64x512xf32, #tpu.memory_space<vmem>>, vector<16xf32>,
      tpu.vector_store %arg8[%swap3A_2265, %swap3A_2266], %mul3A_2247 {strides = array<i32>} : memref<64x512xf32, #tpu.memory_space<vmem>>, vector<16xf32>,
      %swap3A_2268 = arith.constant 60 : i32
      %swap3A_2269 = arith.index_cast %swap3A_2268 : i32 to index
      %swap3A_2270 = arith.index_cast %mul3A_24 : i32 to index
      %swap3A_2271 = tpu.vector_load %arg8[%swap3A_2269, %swap3A_2270] {strides = array<i32>} : memref<64x512xf32, #tpu.memory_space<vmem>>, vector<16xf32>,
      tpu.vector_store %arg8[%swap3A_2269, %swap3A_2270], %mul3A_2248 {strides = array<i32>} : memref<64x512xf32, #tpu.memory_space<vmem>>, vector<16xf32>,
      %swap3A_2272 = arith.constant 61 : i32
      %swap3A_2273 = arith.index_cast %swap3A_2272 : i32 to index
      %swap3A_2274 = arith.index_cast %mul3A_24 : i32 to index
      %swap3A_2275 = tpu.vector_load %arg8[%swap3A_2273, %swap3A_2274] {strides = array<i32>} : memref<64x512xf32, #tpu.memory_space<vmem>>, vector<16xf32>,
      tpu.vector_store %arg8[%swap3A_2273, %swap3A_2274], %mul3A_2249 {strides = array<i32>} : memref<64x512xf32, #tpu.memory_space<vmem>>, vector<16xf32>,
      %swap3A_2276 = arith.constant 62 : i32
      %swap3A_2277 = arith.index_cast %swap3A_2276 : i32 to index
      %swap3A_2278 = arith.index_cast %mul3A_24 : i32 to index
      %swap3A_2279 = tpu.vector_load %arg8[%swap3A_2277, %swap3A_2278] {strides = array<i32>} : memref<64x512xf32, #tpu.memory_space<vmem>>, vector<16xf32>,
      tpu.vector_store %arg8[%swap3A_2277, %swap3A_2278], %mul3A_2250 {strides = array<i32>} : memref<64x512xf32, #tpu.memory_space<vmem>>, vector<16xf32>,
      %swap3A_2280 = arith.constant 63 : i32
      %swap3A_2281 = arith.index_cast %swap3A_2280 : i32 to index
      %swap3A_2282 = arith.index_cast %mul3A_24 : i32 to index
      %swap3A_2283 = tpu.vector_load %arg8[%swap3A_2281, %swap3A_2282] {strides = array<i32>} : memref<64x512xf32, #tpu.memory_space<vmem>>, vector<16xf32>,
      tpu.vector_store %arg8[%swap3A_2281, %swap3A_2282], %mul3A_2251 {strides = array<i32>} : memref<64x512xf32, #tpu.memory_space<vmem>>, vector<16xf32>,
      %broadcast_in_dim3A_2284 = arith.constant 0 : i32
      %broadcast_in_dim3A_2285 = vector.broadcast %broadcast_in_dim3A_2284 : i32 to vector<16xi32>
      %broadcast_in_dim3A_2286 = arith.constant 1 : i32
      %broadcast_in_dim3A_2287 = vector.broadcast %broadcast_in_dim3A_2286 : i32 to vector<16xi32>
      %broadcast_in_dim3A_2288 = arith.constant 2 : i32
      %broadcast_in_dim3A_2289 = vector.broadcast %broadcast_in_dim3A_2288 : i32 to vector<16xi32>
      %broadcast_in_dim3A_2290 = arith.constant 3 : i32
      %broadcast_in_dim3A_2291 = vector.broadcast %broadcast_in_dim3A_2290 : i32 to vector<16xi32>
      %broadcast_in_dim3A_2292 = arith.constant 4 : i32
      %broadcast_in_dim3A_2293 = vector.broadcast %broadcast_in_dim3A_2292 : i32 to vector<16xi32>
      %broadcast_in_dim3A_2294 = arith.constant 5 : i32
      %broadcast_in_dim3A_2295 = vector.broadcast %broadcast_in_dim3A_2294 : i32 to vector<16xi32>
      %broadcast_in_dim3A_2296 = arith.constant 6 : i32
      %broadcast_in_dim3A_2297 = vector.broadcast %broadcast_in_dim3A_2296 : i32 to vector<16xi32>
      %broadcast_in_dim3A_2298 = arith.constant 7 : i32
      %broadcast_in_dim3A_2299 = vector.broadcast %broadcast_in_dim3A_2298 : i32 to vector<16xi32>
      %ge3A_2300 = arith.cmpf oge, %select_n3A_1790, %select_n3A_1793 : vector<16xf32>
      %select_n3A_2301 = arith.select %ge3A_2300, %select_n3A_1790, %select_n3A_1793 : vector<16xi1>, vector<16xf32>
      %select_n3A_2302 = arith.select %ge3A_2300, %broadcast_in_dim3A_2285, %broadcast_in_dim3A_2287 : vector<16xi1>, vector<16xi32>
      %ge3A_2303 = arith.cmpf oge, %select_n3A_1796, %select_n3A_1799 : vector<16xf32>
      %select_n3A_2304 = arith.select %ge3A_2303, %select_n3A_1796, %select_n3A_1799 : vector<16xi1>, vector<16xf32>
      %select_n3A_2305 = arith.select %ge3A_2303, %broadcast_in_dim3A_2289, %broadcast_in_dim3A_2291 : vector<16xi1>, vector<16xi32>
      %ge3A_2306 = arith.cmpf oge, %select_n3A_1802, %select_n3A_1805 : vector<16xf32>
      %select_n3A_2307 = arith.select %ge3A_2306, %select_n3A_1802, %select_n3A_1805 : vector<16xi1>, vector<16xf32>
      %select_n3A_2308 = arith.select %ge3A_2306, %broadcast_in_dim3A_2293, %broadcast_in_dim3A_2295 : vector<16xi1>, vector<16xi32>
      %ge3A_2309 = arith.cmpf oge, %select_n3A_1808, %select_n3A_1811 : vector<16xf32>
      %select_n3A_2310 = arith.select %ge3A_2309, %select_n3A_1808, %select_n3A_1811 : vector<16xi1>, vector<16xf32>
      %select_n3A_2311 = arith.select %ge3A_2309, %broadcast_in_dim3A_2297, %broadcast_in_dim3A_2299 : vector<16xi1>, vector<16xi32>
      %ge3A_2312 = arith.cmpf oge, %select_n3A_2301, %select_n3A_2304 : vector<16xf32>
      %select_n3A_2313 = arith.select %ge3A_2312, %select_n3A_2301, %select_n3A_2304 : vector<16xi1>, vector<16xf32>
      %select_n3A_2314 = arith.select %ge3A_2312, %select_n3A_2302, %select_n3A_2305 : vector<16xi1>, vector<16xi32>
      %ge3A_2315 = arith.cmpf oge, %select_n3A_2307, %select_n3A_2310 : vector<16xf32>
      %select_n3A_2316 = arith.select %ge3A_2315, %select_n3A_2307, %select_n3A_2310 : vector<16xi1>, vector<16xf32>
      %select_n3A_2317 = arith.select %ge3A_2315, %select_n3A_2308, %select_n3A_2311 : vector<16xi1>, vector<16xi32>
      %ge3A_2318 = arith.cmpf oge, %select_n3A_2313, %select_n3A_2316 : vector<16xf32>
      %select_n3A_2319 = arith.select %ge3A_2318, %select_n3A_2313, %select_n3A_2316 : vector<16xi1>, vector<16xf32>
      %select_n3A_2320 = arith.select %ge3A_2318, %select_n3A_2314, %select_n3A_2317 : vector<16xi1>, vector<16xi32>
      %mul3A_2321 = arith.constant 128 : i32
      %mul3A_2322 = vector.broadcast %mul3A_2321 : i32 to vector<16xi32>
      %mul3A_2323 = arith.muli %select_n3A_2320, %mul3A_2322 : vector<16xi32>
      %add3A_2324 = arith.addi %mul3A_2323, %iota3A : vector<16xi32>
      %add3A_2325 = arith.constant 0 : i32
      %add3A_2326 = vector.broadcast %add3A_2325 : i32 to vector<16xi32>
      %add3A_2327 = arith.addi %add3A_2324, %add3A_2326 : vector<16xi32>
      %gather3A = tpu.vector_load_idx %arg9[%add3A_2327] : memref<1024xf32, #tpu.memory_space<vmem>>[vector<16xi32>], vector<16xf32>,
      %add3A_2328 = arith.constant 16 : i32
      %add3A_2329 = vector.broadcast %add3A_2328 : i32 to vector<16xi32>
      %add3A_2330 = arith.addi %add3A_2324, %add3A_2329 : vector<16xi32>
      %gather3A_2331 = tpu.vector_load_idx %arg9[%add3A_2330] : memref<1024xf32, #tpu.memory_space<vmem>>[vector<16xi32>], vector<16xf32>,
      %add3A_2332 = arith.constant 32 : i32
      %add3A_2333 = vector.broadcast %add3A_2332 : i32 to vector<16xi32>
      %add3A_2334 = arith.addi %add3A_2324, %add3A_2333 : vector<16xi32>
      %gather3A_2335 = tpu.vector_load_idx %arg9[%add3A_2334] : memref<1024xf32, #tpu.memory_space<vmem>>[vector<16xi32>], vector<16xf32>,
      %add3A_2336 = arith.constant 48 : i32
      %add3A_2337 = vector.broadcast %add3A_2336 : i32 to vector<16xi32>
      %add3A_2338 = arith.addi %add3A_2324, %add3A_2337 : vector<16xi32>
      %gather3A_2339 = tpu.vector_load_idx %arg9[%add3A_2338] : memref<1024xf32, #tpu.memory_space<vmem>>[vector<16xi32>], vector<16xf32>,
      %add3A_2340 = arith.constant 64 : i32
      %add3A_2341 = vector.broadcast %add3A_2340 : i32 to vector<16xi32>
      %add3A_2342 = arith.addi %add3A_2324, %add3A_2341 : vector<16xi32>
      %gather3A_2343 = tpu.vector_load_idx %arg9[%add3A_2342] : memref<1024xf32, #tpu.memory_space<vmem>>[vector<16xi32>], vector<16xf32>,
      %add3A_2344 = arith.constant 80 : i32
      %add3A_2345 = vector.broadcast %add3A_2344 : i32 to vector<16xi32>
      %add3A_2346 = arith.addi %add3A_2324, %add3A_2345 : vector<16xi32>
      %gather3A_2347 = tpu.vector_load_idx %arg9[%add3A_2346] : memref<1024xf32, #tpu.memory_space<vmem>>[vector<16xi32>], vector<16xf32>,
      %add3A_2348 = arith.constant 96 : i32
      %add3A_2349 = vector.broadcast %add3A_2348 : i32 to vector<16xi32>
      %add3A_2350 = arith.addi %add3A_2324, %add3A_2349 : vector<16xi32>
      %gather3A_2351 = tpu.vector_load_idx %arg9[%add3A_2350] : memref<1024xf32, #tpu.memory_space<vmem>>[vector<16xi32>], vector<16xf32>,
      %add3A_2352 = arith.constant 112 : i32
      %add3A_2353 = vector.broadcast %add3A_2352 : i32 to vector<16xi32>
      %add3A_2354 = arith.addi %add3A_2324, %add3A_2353 : vector<16xi32>
      %gather3A_2355 = tpu.vector_load_idx %arg9[%add3A_2354] : memref<1024xf32, #tpu.memory_space<vmem>>[vector<16xi32>], vector<16xf32>,
      %eq3A_2356 = arith.cmpf oeq, %gather3A, %select_n3A_2319 : vector<16xf32>
      %broadcast_in_dim3A_2357 = arith.constant 0 : i32
      %broadcast_in_dim3A_2358 = vector.broadcast %broadcast_in_dim3A_2357 : i32 to vector<16xi32>
      %select_n3A_2359 = arith.select %eq3A_2356, %broadcast_in_dim3A_2358, %broadcast_in_dim3A_9 : vector<16xi1>, vector<16xi32>
      %eq3A_2360 = arith.cmpf oeq, %gather3A_2331, %select_n3A_2319 : vector<16xf32>
      %broadcast_in_dim3A_2361 = arith.constant 1 : i32
      %broadcast_in_dim3A_2362 = vector.broadcast %broadcast_in_dim3A_2361 : i32 to vector<16xi32>
      %select_n3A_2363 = arith.select %eq3A_2360, %broadcast_in_dim3A_2362, %broadcast_in_dim3A_9 : vector<16xi1>, vector<16xi32>
      %eq3A_2364 = arith.cmpf oeq, %gather3A_2335, %select_n3A_2319 : vector<16xf32>
      %broadcast_in_dim3A_2365 = arith.constant 2 : i32
      %broadcast_in_dim3A_2366 = vector.broadcast %broadcast_in_dim3A_2365 : i32 to vector<16xi32>
      %select_n3A_2367 = arith.select %eq3A_2364, %broadcast_in_dim3A_2366, %broadcast_in_dim3A_9 : vector<16xi1>, vector<16xi32>
      %eq3A_2368 = arith.cmpf oeq, %gather3A_2339, %select_n3A_2319 : vector<16xf32>
      %broadcast_in_dim3A_2369 = arith.constant 3 : i32
      %broadcast_in_dim3A_2370 = vector.broadcast %broadcast_in_dim3A_2369 : i32 to vector<16xi32>
      %select_n3A_2371 = arith.select %eq3A_2368, %broadcast_in_dim3A_2370, %broadcast_in_dim3A_9 : vector<16xi1>, vector<16xi32>
      %eq3A_2372 = arith.cmpf oeq, %gather3A_2343, %select_n3A_2319 : vector<16xf32>
      %broadcast_in_dim3A_2373 = arith.constant 4 : i32
      %broadcast_in_dim3A_2374 = vector.broadcast %broadcast_in_dim3A_2373 : i32 to vector<16xi32>
      %select_n3A_2375 = arith.select %eq3A_2372, %broadcast_in_dim3A_2374, %broadcast_in_dim3A_9 : vector<16xi1>, vector<16xi32>
      %eq3A_2376 = arith.cmpf oeq, %gather3A_2347, %select_n3A_2319 : vector<16xf32>
      %broadcast_in_dim3A_2377 = arith.constant 5 : i32
      %broadcast_in_dim3A_2378 = vector.broadcast %broadcast_in_dim3A_2377 : i32 to vector<16xi32>
      %select_n3A_2379 = arith.select %eq3A_2376, %broadcast_in_dim3A_2378, %broadcast_in_dim3A_9 : vector<16xi1>, vector<16xi32>
      %eq3A_2380 = arith.cmpf oeq, %gather3A_2351, %select_n3A_2319 : vector<16xf32>
      %broadcast_in_dim3A_2381 = arith.constant 6 : i32
      %broadcast_in_dim3A_2382 = vector.broadcast %broadcast_in_dim3A_2381 : i32 to vector<16xi32>
      %select_n3A_2383 = arith.select %eq3A_2380, %broadcast_in_dim3A_2382, %broadcast_in_dim3A_9 : vector<16xi1>, vector<16xi32>
      %eq3A_2384 = arith.cmpf oeq, %gather3A_2355, %select_n3A_2319 : vector<16xf32>
      %broadcast_in_dim3A_2385 = arith.constant 7 : i32
      %broadcast_in_dim3A_2386 = vector.broadcast %broadcast_in_dim3A_2385 : i32 to vector<16xi32>
      %select_n3A_2387 = arith.select %eq3A_2384, %broadcast_in_dim3A_2386, %broadcast_in_dim3A_9 : vector<16xi1>, vector<16xi32>
      %min3A_2388 = arith.minsi %select_n3A_2359, %select_n3A_2363 : vector<16xi32>
      %min3A_2389 = arith.minsi %select_n3A_2367, %select_n3A_2371 : vector<16xi32>
      %min3A_2390 = arith.minsi %select_n3A_2375, %select_n3A_2379 : vector<16xi32>
      %min3A_2391 = arith.minsi %select_n3A_2383, %select_n3A_2387 : vector<16xi32>
      %min3A_2392 = arith.minsi %min3A_2388, %min3A_2389 : vector<16xi32>
      %min3A_2393 = arith.minsi %min3A_2390, %min3A_2391 : vector<16xi32>
      %min3A_2394 = arith.minsi %min3A_2392, %min3A_2393 : vector<16xi32>
      %mul3A_2395 = arith.constant 8 : i32
      %mul3A_2396 = vector.broadcast %mul3A_2395 : i32 to vector<16xi32>
      %mul3A_2397 = arith.muli %select_n3A_2320, %mul3A_2396 : vector<16xi32>
      %add3A_2398 = arith.addi %mul3A_2397, %min3A_2394 : vector<16xi32>
      %mul3A_2399 = arith.constant 16 : i32
      %mul3A_2400 = vector.broadcast %mul3A_2399 : i32 to vector<16xi32>
      %mul3A_2401 = arith.muli %min3A_2394, %mul3A_2400 : vector<16xi32>
      %add3A_2402 = arith.addi %add3A_2324, %mul3A_2401 : vector<16xi32>
      %gather3A_2403 = tpu.vector_load_idx %arg9[%add3A_2402] : memref<1024xf32, #tpu.memory_space<vmem>>[vector<16xi32>], vector<16xf32>,
      %gather3A_2404 = tpu.vector_load_idx %arg10[%add3A_2402] : memref<1024xf32, #tpu.memory_space<vmem>>[vector<16xi32>], vector<16xf32>,
      %sub3A = arith.subf %gather3A_2403, %gather3A_2404 : vector<16xf32>
      tpu.vector_store_idx %arg9[%add3A_2402], %broadcast_in_dim3A_5 : memref<1024xf32, #tpu.memory_space<vmem>>[vector<16xi32>], vector<16xf32>,
      %eq3A_2405 = arith.constant 0 : i32
      %eq3A_2406 = vector.broadcast %eq3A_2405 : i32 to vector<16xi32>
      %eq3A_2407 = arith.cmpi eq, %min3A_2394, %eq3A_2406 : vector<16xi32>
      %select_n3A_2408 = arith.select %eq3A_2407, %broadcast_in_dim3A_5, %gather3A : vector<16xi1>, vector<16xf32>
      %eq3A_2409 = arith.constant 1 : i32
      %eq3A_2410 = vector.broadcast %eq3A_2409 : i32 to vector<16xi32>
      %eq3A_2411 = arith.cmpi eq, %min3A_2394, %eq3A_2410 : vector<16xi32>
      %select_n3A_2412 = arith.select %eq3A_2411, %broadcast_in_dim3A_5, %gather3A_2331 : vector<16xi1>, vector<16xf32>
      %eq3A_2413 = arith.constant 2 : i32
      %eq3A_2414 = vector.broadcast %eq3A_2413 : i32 to vector<16xi32>
      %eq3A_2415 = arith.cmpi eq, %min3A_2394, %eq3A_2414 : vector<16xi32>
      %select_n3A_2416 = arith.select %eq3A_2415, %broadcast_in_dim3A_5, %gather3A_2335 : vector<16xi1>, vector<16xf32>
      %eq3A_2417 = arith.constant 3 : i32
      %eq3A_2418 = vector.broadcast %eq3A_2417 : i32 to vector<16xi32>
      %eq3A_2419 = arith.cmpi eq, %min3A_2394, %eq3A_2418 : vector<16xi32>
      %select_n3A_2420 = arith.select %eq3A_2419, %broadcast_in_dim3A_5, %gather3A_2339 : vector<16xi1>, vector<16xf32>
      %eq3A_2421 = arith.constant 4 : i32
      %eq3A_2422 = vector.broadcast %eq3A_2421 : i32 to vector<16xi32>
      %eq3A_2423 = arith.cmpi eq, %min3A_2394, %eq3A_2422 : vector<16xi32>
      %select_n3A_2424 = arith.select %eq3A_2423, %broadcast_in_dim3A_5, %gather3A_2343 : vector<16xi1>, vector<16xf32>
      %eq3A_2425 = arith.constant 5 : i32
      %eq3A_2426 = vector.broadcast %eq3A_2425 : i32 to vector<16xi32>
      %eq3A_2427 = arith.cmpi eq, %min3A_2394, %eq3A_2426 : vector<16xi32>
      %select_n3A_2428 = arith.select %eq3A_2427, %broadcast_in_dim3A_5, %gather3A_2347 : vector<16xi1>, vector<16xf32>
      %eq3A_2429 = arith.constant 6 : i32
      %eq3A_2430 = vector.broadcast %eq3A_2429 : i32 to vector<16xi32>
      %eq3A_2431 = arith.cmpi eq, %min3A_2394, %eq3A_2430 : vector<16xi32>
      %select_n3A_2432 = arith.select %eq3A_2431, %broadcast_in_dim3A_5, %gather3A_2351 : vector<16xi1>, vector<16xf32>
      %eq3A_2433 = arith.constant 7 : i32
      %eq3A_2434 = vector.broadcast %eq3A_2433 : i32 to vector<16xi32>
      %eq3A_2435 = arith.cmpi eq, %min3A_2394, %eq3A_2434 : vector<16xi32>
      %select_n3A_2436 = arith.select %eq3A_2435, %broadcast_in_dim3A_5, %gather3A_2355 : vector<16xi1>, vector<16xf32>
      %max3A_2437 = arith.maximumf %select_n3A_2408, %select_n3A_2412 : vector<16xf32>
      %max3A_2438 = arith.maximumf %select_n3A_2416, %select_n3A_2420 : vector<16xf32>
      %max3A_2439 = arith.maximumf %select_n3A_2424, %select_n3A_2428 : vector<16xf32>
      %max3A_2440 = arith.maximumf %select_n3A_2432, %select_n3A_2436 : vector<16xf32>
      %max3A_2441 = arith.maximumf %max3A_2437, %max3A_2438 : vector<16xf32>
      %max3A_2442 = arith.maximumf %max3A_2439, %max3A_2440 : vector<16xf32>
      %max3A_2443 = arith.maximumf %max3A_2441, %max3A_2442 : vector<16xf32>
      %eq3A_2444 = arith.constant 0 : i32
      %eq3A_2445 = vector.broadcast %eq3A_2444 : i32 to vector<16xi32>
      %eq3A_2446 = arith.cmpi eq, %select_n3A_2320, %eq3A_2445 : vector<16xi32>
      %select_n3A_2447 = arith.select %eq3A_2446, %max3A_2443, %select_n3A_1790 : vector<16xi1>, vector<16xf32>
      %eq3A_2448 = arith.constant 1 : i32
      %eq3A_2449 = vector.broadcast %eq3A_2448 : i32 to vector<16xi32>
      %eq3A_2450 = arith.cmpi eq, %select_n3A_2320, %eq3A_2449 : vector<16xi32>
      %select_n3A_2451 = arith.select %eq3A_2450, %max3A_2443, %select_n3A_1793 : vector<16xi1>, vector<16xf32>
      %eq3A_2452 = arith.constant 2 : i32
      %eq3A_2453 = vector.broadcast %eq3A_2452 : i32 to vector<16xi32>
      %eq3A_2454 = arith.cmpi eq, %select_n3A_2320, %eq3A_2453 : vector<16xi32>
      %select_n3A_2455 = arith.select %eq3A_2454, %max3A_2443, %select_n3A_1796 : vector<16xi1>, vector<16xf32>
      %eq3A_2456 = arith.constant 3 : i32
      %eq3A_2457 = vector.broadcast %eq3A_2456 : i32 to vector<16xi32>
      %eq3A_2458 = arith.cmpi eq, %select_n3A_2320, %eq3A_2457 : vector<16xi32>
      %select_n3A_2459 = arith.select %eq3A_2458, %max3A_2443, %select_n3A_1799 : vector<16xi1>, vector<16xf32>
      %eq3A_2460 = arith.constant 4 : i32
      %eq3A_2461 = vector.broadcast %eq3A_2460 : i32 to vector<16xi32>
      %eq3A_2462 = arith.cmpi eq, %select_n3A_2320, %eq3A_2461 : vector<16xi32>
      %select_n3A_2463 = arith.select %eq3A_2462, %max3A_2443, %select_n3A_1802 : vector<16xi1>, vector<16xf32>
      %eq3A_2464 = arith.constant 5 : i32
      %eq3A_2465 = vector.broadcast %eq3A_2464 : i32 to vector<16xi32>
      %eq3A_2466 = arith.cmpi eq, %select_n3A_2320, %eq3A_2465 : vector<16xi32>
      %select_n3A_2467 = arith.select %eq3A_2466, %max3A_2443, %select_n3A_1805 : vector<16xi1>, vector<16xf32>
      %eq3A_2468 = arith.constant 6 : i32
      %eq3A_2469 = vector.broadcast %eq3A_2468 : i32 to vector<16xi32>
      %eq3A_2470 = arith.cmpi eq, %select_n3A_2320, %eq3A_2469 : vector<16xi32>
      %select_n3A_2471 = arith.select %eq3A_2470, %max3A_2443, %select_n3A_1808 : vector<16xi1>, vector<16xf32>
      %eq3A_2472 = arith.constant 7 : i32
      %eq3A_2473 = vector.broadcast %eq3A_2472 : i32 to vector<16xi32>
      %eq3A_2474 = arith.cmpi eq, %select_n3A_2320, %eq3A_2473 : vector<16xi32>
      %select_n3A_2475 = arith.select %eq3A_2474, %max3A_2443, %select_n3A_1811 : vector<16xi1>, vector<16xf32>
      %swap3A_2476 = arith.constant 0 : i32
      %swap3A_2477 = arith.index_cast %swap3A_2476 : i32 to index
      %swap3A_2478 = arith.index_cast %mul3A_24 : i32 to index
      %swap3A_2479 = tpu.vector_load %arg11[%swap3A_2477, %swap3A_2478] {strides = array<i32>} : memref<8x512xi32, #tpu.memory_space<vmem>>, vector<16xi32>,
      tpu.vector_store %arg11[%swap3A_2477, %swap3A_2478], %add3A_2398 {strides = array<i32>} : memref<8x512xi32, #tpu.memory_space<vmem>>, vector<16xi32>,
      tpu.vector_store_idx %arg13[%add3A_2398], %broadcast_in_dim3A_3 {add = true} : memref<64xf32, #tpu.memory_space<vmem>>[vector<16xi32>], vector<16xf32>,
      %broadcast_in_dim3A_2480 = arith.constant 0 : i32
      %broadcast_in_dim3A_2481 = vector.broadcast %broadcast_in_dim3A_2480 : i32 to vector<16xi32>
      %broadcast_in_dim3A_2482 = arith.constant 1 : i32
      %broadcast_in_dim3A_2483 = vector.broadcast %broadcast_in_dim3A_2482 : i32 to vector<16xi32>
      %broadcast_in_dim3A_2484 = arith.constant 2 : i32
      %broadcast_in_dim3A_2485 = vector.broadcast %broadcast_in_dim3A_2484 : i32 to vector<16xi32>
      %broadcast_in_dim3A_2486 = arith.constant 3 : i32
      %broadcast_in_dim3A_2487 = vector.broadcast %broadcast_in_dim3A_2486 : i32 to vector<16xi32>
      %broadcast_in_dim3A_2488 = arith.constant 4 : i32
      %broadcast_in_dim3A_2489 = vector.broadcast %broadcast_in_dim3A_2488 : i32 to vector<16xi32>
      %broadcast_in_dim3A_2490 = arith.constant 5 : i32
      %broadcast_in_dim3A_2491 = vector.broadcast %broadcast_in_dim3A_2490 : i32 to vector<16xi32>
      %broadcast_in_dim3A_2492 = arith.constant 6 : i32
      %broadcast_in_dim3A_2493 = vector.broadcast %broadcast_in_dim3A_2492 : i32 to vector<16xi32>
      %broadcast_in_dim3A_2494 = arith.constant 7 : i32
      %broadcast_in_dim3A_2495 = vector.broadcast %broadcast_in_dim3A_2494 : i32 to vector<16xi32>
      %ge3A_2496 = arith.cmpf oge, %select_n3A_2447, %select_n3A_2451 : vector<16xf32>
      %select_n3A_2497 = arith.select %ge3A_2496, %select_n3A_2447, %select_n3A_2451 : vector<16xi1>, vector<16xf32>
      %select_n3A_2498 = arith.select %ge3A_2496, %broadcast_in_dim3A_2481, %broadcast_in_dim3A_2483 : vector<16xi1>, vector<16xi32>
      %ge3A_2499 = arith.cmpf oge, %select_n3A_2455, %select_n3A_2459 : vector<16xf32>
      %select_n3A_2500 = arith.select %ge3A_2499, %select_n3A_2455, %select_n3A_2459 : vector<16xi1>, vector<16xf32>
      %select_n3A_2501 = arith.select %ge3A_2499, %broadcast_in_dim3A_2485, %broadcast_in_dim3A_2487 : vector<16xi1>, vector<16xi32>
      %ge3A_2502 = arith.cmpf oge, %select_n3A_2463, %select_n3A_2467 : vector<16xf32>
      %select_n3A_2503 = arith.select %ge3A_2502, %select_n3A_2463, %select_n3A_2467 : vector<16xi1>, vector<16xf32>
      %select_n3A_2504 = arith.select %ge3A_2502, %broadcast_in_dim3A_2489, %broadcast_in_dim3A_2491 : vector<16xi1>, vector<16xi32>
      %ge3A_2505 = arith.cmpf oge, %select_n3A_2471, %select_n3A_2475 : vector<16xf32>
      %select_n3A_2506 = arith.select %ge3A_2505, %select_n3A_2471, %select_n3A_2475 : vector<16xi1>, vector<16xf32>
      %select_n3A_2507 = arith.select %ge3A_2505, %broadcast_in_dim3A_2493, %broadcast_in_dim3A_2495 : vector<16xi1>, vector<16xi32>
      %ge3A_2508 = arith.cmpf oge, %select_n3A_2497, %select_n3A_2500 : vector<16xf32>
      %select_n3A_2509 = arith.select %ge3A_2508, %select_n3A_2497, %select_n3A_2500 : vector<16xi1>, vector<16xf32>
      %select_n3A_2510 = arith.select %ge3A_2508, %select_n3A_2498, %select_n3A_2501 : vector<16xi1>, vector<16xi32>
      %ge3A_2511 = arith.cmpf oge, %select_n3A_2503, %select_n3A_2506 : vector<16xf32>
      %select_n3A_2512 = arith.select %ge3A_2511, %select_n3A_2503, %select_n3A_2506 : vector<16xi1>, vector<16xf32>
      %select_n3A_2513 = arith.select %ge3A_2511, %select_n3A_2504, %select_n3A_2507 : vector<16xi1>, vector<16xi32>
      %ge3A_2514 = arith.cmpf oge, %select_n3A_2509, %select_n3A_2512 : vector<16xf32>
      %select_n3A_2515 = arith.select %ge3A_2514, %select_n3A_2509, %select_n3A_2512 : vector<16xi1>, vector<16xf32>
      %select_n3A_2516 = arith.select %ge3A_2514, %select_n3A_2510, %select_n3A_2513 : vector<16xi1>, vector<16xi32>
      %mul3A_2517 = arith.constant 128 : i32
      %mul3A_2518 = vector.broadcast %mul3A_2517 : i32 to vector<16xi32>
      %mul3A_2519 = arith.muli %select_n3A_2516, %mul3A_2518 : vector<16xi32>
      %add3A_2520 = arith.addi %mul3A_2519, %iota3A : vector<16xi32>
      %add3A_2521 = arith.constant 0 : i32
      %add3A_2522 = vector.broadcast %add3A_2521 : i32 to vector<16xi32>
      %add3A_2523 = arith.addi %add3A_2520, %add3A_2522 : vector<16xi32>
      %gather3A_2524 = tpu.vector_load_idx %arg9[%add3A_2523] : memref<1024xf32, #tpu.memory_space<vmem>>[vector<16xi32>], vector<16xf32>,
      %add3A_2525 = arith.constant 16 : i32
      %add3A_2526 = vector.broadcast %add3A_2525 : i32 to vector<16xi32>
      %add3A_2527 = arith.addi %add3A_2520, %add3A_2526 : vector<16xi32>
      %gather3A_2528 = tpu.vector_load_idx %arg9[%add3A_2527] : memref<1024xf32, #tpu.memory_space<vmem>>[vector<16xi32>], vector<16xf32>,
      %add3A_2529 = arith.constant 32 : i32
      %add3A_2530 = vector.broadcast %add3A_2529 : i32 to vector<16xi32>
      %add3A_2531 = arith.addi %add3A_2520, %add3A_2530 : vector<16xi32>
      %gather3A_2532 = tpu.vector_load_idx %arg9[%add3A_2531] : memref<1024xf32, #tpu.memory_space<vmem>>[vector<16xi32>], vector<16xf32>,
      %add3A_2533 = arith.constant 48 : i32
      %add3A_2534 = vector.broadcast %add3A_2533 : i32 to vector<16xi32>
      %add3A_2535 = arith.addi %add3A_2520, %add3A_2534 : vector<16xi32>
      %gather3A_2536 = tpu.vector_load_idx %arg9[%add3A_2535] : memref<1024xf32, #tpu.memory_space<vmem>>[vector<16xi32>], vector<16xf32>,
      %add3A_2537 = arith.constant 64 : i32
      %add3A_2538 = vector.broadcast %add3A_2537 : i32 to vector<16xi32>
      %add3A_2539 = arith.addi %add3A_2520, %add3A_2538 : vector<16xi32>
      %gather3A_2540 = tpu.vector_load_idx %arg9[%add3A_2539] : memref<1024xf32, #tpu.memory_space<vmem>>[vector<16xi32>], vector<16xf32>,
      %add3A_2541 = arith.constant 80 : i32
      %add3A_2542 = vector.broadcast %add3A_2541 : i32 to vector<16xi32>
      %add3A_2543 = arith.addi %add3A_2520, %add3A_2542 : vector<16xi32>
      %gather3A_2544 = tpu.vector_load_idx %arg9[%add3A_2543] : memref<1024xf32, #tpu.memory_space<vmem>>[vector<16xi32>], vector<16xf32>,
      %add3A_2545 = arith.constant 96 : i32
      %add3A_2546 = vector.broadcast %add3A_2545 : i32 to vector<16xi32>
      %add3A_2547 = arith.addi %add3A_2520, %add3A_2546 : vector<16xi32>
      %gather3A_2548 = tpu.vector_load_idx %arg9[%add3A_2547] : memref<1024xf32, #tpu.memory_space<vmem>>[vector<16xi32>], vector<16xf32>,
      %add3A_2549 = arith.constant 112 : i32
      %add3A_2550 = vector.broadcast %add3A_2549 : i32 to vector<16xi32>
      %add3A_2551 = arith.addi %add3A_2520, %add3A_2550 : vector<16xi32>
      %gather3A_2552 = tpu.vector_load_idx %arg9[%add3A_2551] : memref<1024xf32, #tpu.memory_space<vmem>>[vector<16xi32>], vector<16xf32>,
      %eq3A_2553 = arith.cmpf oeq, %gather3A_2524, %select_n3A_2515 : vector<16xf32>
      %broadcast_in_dim3A_2554 = arith.constant 0 : i32
      %broadcast_in_dim3A_2555 = vector.broadcast %broadcast_in_dim3A_2554 : i32 to vector<16xi32>
      %select_n3A_2556 = arith.select %eq3A_2553, %broadcast_in_dim3A_2555, %broadcast_in_dim3A_9 : vector<16xi1>, vector<16xi32>
      %eq3A_2557 = arith.cmpf oeq, %gather3A_2528, %select_n3A_2515 : vector<16xf32>
      %broadcast_in_dim3A_2558 = arith.constant 1 : i32
      %broadcast_in_dim3A_2559 = vector.broadcast %broadcast_in_dim3A_2558 : i32 to vector<16xi32>
      %select_n3A_2560 = arith.select %eq3A_2557, %broadcast_in_dim3A_2559, %broadcast_in_dim3A_9 : vector<16xi1>, vector<16xi32>
      %eq3A_2561 = arith.cmpf oeq, %gather3A_2532, %select_n3A_2515 : vector<16xf32>
      %broadcast_in_dim3A_2562 = arith.constant 2 : i32
      %broadcast_in_dim3A_2563 = vector.broadcast %broadcast_in_dim3A_2562 : i32 to vector<16xi32>
      %select_n3A_2564 = arith.select %eq3A_2561, %broadcast_in_dim3A_2563, %broadcast_in_dim3A_9 : vector<16xi1>, vector<16xi32>
      %eq3A_2565 = arith.cmpf oeq, %gather3A_2536, %select_n3A_2515 : vector<16xf32>
      %broadcast_in_dim3A_2566 = arith.constant 3 : i32
      %broadcast_in_dim3A_2567 = vector.broadcast %broadcast_in_dim3A_2566 : i32 to vector<16xi32>
      %select_n3A_2568 = arith.select %eq3A_2565, %broadcast_in_dim3A_2567, %broadcast_in_dim3A_9 : vector<16xi1>, vector<16xi32>
      %eq3A_2569 = arith.cmpf oeq, %gather3A_2540, %select_n3A_2515 : vector<16xf32>
      %broadcast_in_dim3A_2570 = arith.constant 4 : i32
      %broadcast_in_dim3A_2571 = vector.broadcast %broadcast_in_dim3A_2570 : i32 to vector<16xi32>
      %select_n3A_2572 = arith.select %eq3A_2569, %broadcast_in_dim3A_2571, %broadcast_in_dim3A_9 : vector<16xi1>, vector<16xi32>
      %eq3A_2573 = arith.cmpf oeq, %gather3A_2544, %select_n3A_2515 : vector<16xf32>
      %broadcast_in_dim3A_2574 = arith.constant 5 : i32
      %broadcast_in_dim3A_2575 = vector.broadcast %broadcast_in_dim3A_2574 : i32 to vector<16xi32>
      %select_n3A_2576 = arith.select %eq3A_2573, %broadcast_in_dim3A_2575, %broadcast_in_dim3A_9 : vector<16xi1>, vector<16xi32>
      %eq3A_2577 = arith.cmpf oeq, %gather3A_2548, %select_n3A_2515 : vector<16xf32>
      %broadcast_in_dim3A_2578 = arith.constant 6 : i32
      %broadcast_in_dim3A_2579 = vector.broadcast %broadcast_in_dim3A_2578 : i32 to vector<16xi32>
      %select_n3A_2580 = arith.select %eq3A_2577, %broadcast_in_dim3A_2579, %broadcast_in_dim3A_9 : vector<16xi1>, vector<16xi32>
      %eq3A_2581 = arith.cmpf oeq, %gather3A_2552, %select_n3A_2515 : vector<16xf32>
      %broadcast_in_dim3A_2582 = arith.constant 7 : i32
      %broadcast_in_dim3A_2583 = vector.broadcast %broadcast_in_dim3A_2582 : i32 to vector<16xi32>
      %select_n3A_2584 = arith.select %eq3A_2581, %broadcast_in_dim3A_2583, %broadcast_in_dim3A_9 : vector<16xi1>, vector<16xi32>
      %min3A_2585 = arith.minsi %select_n3A_2556, %select_n3A_2560 : vector<16xi32>
      %min3A_2586 = arith.minsi %select_n3A_2564, %select_n3A_2568 : vector<16xi32>
      %min3A_2587 = arith.minsi %select_n3A_2572, %select_n3A_2576 : vector<16xi32>
      %min3A_2588 = arith.minsi %select_n3A_2580, %select_n3A_2584 : vector<16xi32>
      %min3A_2589 = arith.minsi %min3A_2585, %min3A_2586 : vector<16xi32>
      %min3A_2590 = arith.minsi %min3A_2587, %min3A_2588 : vector<16xi32>
      %min3A_2591 = arith.minsi %min3A_2589, %min3A_2590 : vector<16xi32>
      %mul3A_2592 = arith.constant 8 : i32
      %mul3A_2593 = vector.broadcast %mul3A_2592 : i32 to vector<16xi32>
      %mul3A_2594 = arith.muli %select_n3A_2516, %mul3A_2593 : vector<16xi32>
      %add3A_2595 = arith.addi %mul3A_2594, %min3A_2591 : vector<16xi32>
      %mul3A_2596 = arith.constant 16 : i32
      %mul3A_2597 = vector.broadcast %mul3A_2596 : i32 to vector<16xi32>
      %mul3A_2598 = arith.muli %min3A_2591, %mul3A_2597 : vector<16xi32>
      %add3A_2599 = arith.addi %add3A_2520, %mul3A_2598 : vector<16xi32>
      %gather3A_2600 = tpu.vector_load_idx %arg9[%add3A_2599] : memref<1024xf32, #tpu.memory_space<vmem>>[vector<16xi32>], vector<16xf32>,
      %gather3A_2601 = tpu.vector_load_idx %arg10[%add3A_2599] : memref<1024xf32, #tpu.memory_space<vmem>>[vector<16xi32>], vector<16xf32>,
      %sub3A_2602 = arith.subf %gather3A_2600, %gather3A_2601 : vector<16xf32>
      tpu.vector_store_idx %arg9[%add3A_2599], %broadcast_in_dim3A_5 : memref<1024xf32, #tpu.memory_space<vmem>>[vector<16xi32>], vector<16xf32>,
      %eq3A_2603 = arith.constant 0 : i32
      %eq3A_2604 = vector.broadcast %eq3A_2603 : i32 to vector<16xi32>
      %eq3A_2605 = arith.cmpi eq, %min3A_2591, %eq3A_2604 : vector<16xi32>
      %select_n3A_2606 = arith.select %eq3A_2605, %broadcast_in_dim3A_5, %gather3A_2524 : vector<16xi1>, vector<16xf32>
      %eq3A_2607 = arith.constant 1 : i32
      %eq3A_2608 = vector.broadcast %eq3A_2607 : i32 to vector<16xi32>
      %eq3A_2609 = arith.cmpi eq, %min3A_2591, %eq3A_2608 : vector<16xi32>
      %select_n3A_2610 = arith.select %eq3A_2609, %broadcast_in_dim3A_5, %gather3A_2528 : vector<16xi1>, vector<16xf32>
      %eq3A_2611 = arith.constant 2 : i32
      %eq3A_2612 = vector.broadcast %eq3A_2611 : i32 to vector<16xi32>
      %eq3A_2613 = arith.cmpi eq, %min3A_2591, %eq3A_2612 : vector<16xi32>
      %select_n3A_2614 = arith.select %eq3A_2613, %broadcast_in_dim3A_5, %gather3A_2532 : vector<16xi1>, vector<16xf32>
      %eq3A_2615 = arith.constant 3 : i32
      %eq3A_2616 = vector.broadcast %eq3A_2615 : i32 to vector<16xi32>
      %eq3A_2617 = arith.cmpi eq, %min3A_2591, %eq3A_2616 : vector<16xi32>
      %select_n3A_2618 = arith.select %eq3A_2617, %broadcast_in_dim3A_5, %gather3A_2536 : vector<16xi1>, vector<16xf32>
      %eq3A_2619 = arith.constant 4 : i32
      %eq3A_2620 = vector.broadcast %eq3A_2619 : i32 to vector<16xi32>
      %eq3A_2621 = arith.cmpi eq, %min3A_2591, %eq3A_2620 : vector<16xi32>
      %select_n3A_2622 = arith.select %eq3A_2621, %broadcast_in_dim3A_5, %gather3A_2540 : vector<16xi1>, vector<16xf32>
      %eq3A_2623 = arith.constant 5 : i32
      %eq3A_2624 = vector.broadcast %eq3A_2623 : i32 to vector<16xi32>
      %eq3A_2625 = arith.cmpi eq, %min3A_2591, %eq3A_2624 : vector<16xi32>
      %select_n3A_2626 = arith.select %eq3A_2625, %broadcast_in_dim3A_5, %gather3A_2544 : vector<16xi1>, vector<16xf32>
      %eq3A_2627 = arith.constant 6 : i32
      %eq3A_2628 = vector.broadcast %eq3A_2627 : i32 to vector<16xi32>
      %eq3A_2629 = arith.cmpi eq, %min3A_2591, %eq3A_2628 : vector<16xi32>
      %select_n3A_2630 = arith.select %eq3A_2629, %broadcast_in_dim3A_5, %gather3A_2548 : vector<16xi1>, vector<16xf32>
      %eq3A_2631 = arith.constant 7 : i32
      %eq3A_2632 = vector.broadcast %eq3A_2631 : i32 to vector<16xi32>
      %eq3A_2633 = arith.cmpi eq, %min3A_2591, %eq3A_2632 : vector<16xi32>
      %select_n3A_2634 = arith.select %eq3A_2633, %broadcast_in_dim3A_5, %gather3A_2552 : vector<16xi1>, vector<16xf32>
      %max3A_2635 = arith.maximumf %select_n3A_2606, %select_n3A_2610 : vector<16xf32>
      %max3A_2636 = arith.maximumf %select_n3A_2614, %select_n3A_2618 : vector<16xf32>
      %max3A_2637 = arith.maximumf %select_n3A_2622, %select_n3A_2626 : vector<16xf32>
      %max3A_2638 = arith.maximumf %select_n3A_2630, %select_n3A_2634 : vector<16xf32>
      %max3A_2639 = arith.maximumf %max3A_2635, %max3A_2636 : vector<16xf32>
      %max3A_2640 = arith.maximumf %max3A_2637, %max3A_2638 : vector<16xf32>
      %max3A_2641 = arith.maximumf %max3A_2639, %max3A_2640 : vector<16xf32>
      %eq3A_2642 = arith.constant 0 : i32
      %eq3A_2643 = vector.broadcast %eq3A_2642 : i32 to vector<16xi32>
      %eq3A_2644 = arith.cmpi eq, %select_n3A_2516, %eq3A_2643 : vector<16xi32>
      %select_n3A_2645 = arith.select %eq3A_2644, %max3A_2641, %select_n3A_2447 : vector<16xi1>, vector<16xf32>
      %eq3A_2646 = arith.constant 1 : i32
      %eq3A_2647 = vector.broadcast %eq3A_2646 : i32 to vector<16xi32>
      %eq3A_2648 = arith.cmpi eq, %select_n3A_2516, %eq3A_2647 : vector<16xi32>
      %select_n3A_2649 = arith.select %eq3A_2648, %max3A_2641, %select_n3A_2451 : vector<16xi1>, vector<16xf32>
      %eq3A_2650 = arith.constant 2 : i32
      %eq3A_2651 = vector.broadcast %eq3A_2650 : i32 to vector<16xi32>
      %eq3A_2652 = arith.cmpi eq, %select_n3A_2516, %eq3A_2651 : vector<16xi32>
      %select_n3A_2653 = arith.select %eq3A_2652, %max3A_2641, %select_n3A_2455 : vector<16xi1>, vector<16xf32>
      %eq3A_2654 = arith.constant 3 : i32
      %eq3A_2655 = vector.broadcast %eq3A_2654 : i32 to vector<16xi32>
      %eq3A_2656 = arith.cmpi eq, %select_n3A_2516, %eq3A_2655 : vector<16xi32>
      %select_n3A_2657 = arith.select %eq3A_2656, %max3A_2641, %select_n3A_2459 : vector<16xi1>, vector<16xf32>
      %eq3A_2658 = arith.constant 4 : i32
      %eq3A_2659 = vector.broadcast %eq3A_2658 : i32 to vector<16xi32>
      %eq3A_2660 = arith.cmpi eq, %select_n3A_2516, %eq3A_2659 : vector<16xi32>
      %select_n3A_2661 = arith.select %eq3A_2660, %max3A_2641, %select_n3A_2463 : vector<16xi1>, vector<16xf32>
      %eq3A_2662 = arith.constant 5 : i32
      %eq3A_2663 = vector.broadcast %eq3A_2662 : i32 to vector<16xi32>
      %eq3A_2664 = arith.cmpi eq, %select_n3A_2516, %eq3A_2663 : vector<16xi32>
      %select_n3A_2665 = arith.select %eq3A_2664, %max3A_2641, %select_n3A_2467 : vector<16xi1>, vector<16xf32>
      %eq3A_2666 = arith.constant 6 : i32
      %eq3A_2667 = vector.broadcast %eq3A_2666 : i32 to vector<16xi32>
      %eq3A_2668 = arith.cmpi eq, %select_n3A_2516, %eq3A_2667 : vector<16xi32>
      %select_n3A_2669 = arith.select %eq3A_2668, %max3A_2641, %select_n3A_2471 : vector<16xi1>, vector<16xf32>
      %eq3A_2670 = arith.constant 7 : i32
      %eq3A_2671 = vector.broadcast %eq3A_2670 : i32 to vector<16xi32>
      %eq3A_2672 = arith.cmpi eq, %select_n3A_2516, %eq3A_2671 : vector<16xi32>
      %select_n3A_2673 = arith.select %eq3A_2672, %max3A_2641, %select_n3A_2475 : vector<16xi1>, vector<16xf32>
      %swap3A_2674 = arith.constant 1 : i32
      %swap3A_2675 = arith.index_cast %swap3A_2674 : i32 to index
      %swap3A_2676 = arith.index_cast %mul3A_24 : i32 to index
      %swap3A_2677 = tpu.vector_load %arg11[%swap3A_2675, %swap3A_2676] {strides = array<i32>} : memref<8x512xi32, #tpu.memory_space<vmem>>, vector<16xi32>,
      tpu.vector_store %arg11[%swap3A_2675, %swap3A_2676], %add3A_2595 {strides = array<i32>} : memref<8x512xi32, #tpu.memory_space<vmem>>, vector<16xi32>,
      tpu.vector_store_idx %arg13[%add3A_2595], %broadcast_in_dim3A_3 {add = true} : memref<64xf32, #tpu.memory_space<vmem>>[vector<16xi32>], vector<16xf32>,
      %broadcast_in_dim3A_2678 = arith.constant 0 : i32
      %broadcast_in_dim3A_2679 = vector.broadcast %broadcast_in_dim3A_2678 : i32 to vector<16xi32>
      %broadcast_in_dim3A_2680 = arith.constant 1 : i32
      %broadcast_in_dim3A_2681 = vector.broadcast %broadcast_in_dim3A_2680 : i32 to vector<16xi32>
      %broadcast_in_dim3A_2682 = arith.constant 2 : i32
      %broadcast_in_dim3A_2683 = vector.broadcast %broadcast_in_dim3A_2682 : i32 to vector<16xi32>
      %broadcast_in_dim3A_2684 = arith.constant 3 : i32
      %broadcast_in_dim3A_2685 = vector.broadcast %broadcast_in_dim3A_2684 : i32 to vector<16xi32>
      %broadcast_in_dim3A_2686 = arith.constant 4 : i32
      %broadcast_in_dim3A_2687 = vector.broadcast %broadcast_in_dim3A_2686 : i32 to vector<16xi32>
      %broadcast_in_dim3A_2688 = arith.constant 5 : i32
      %broadcast_in_dim3A_2689 = vector.broadcast %broadcast_in_dim3A_2688 : i32 to vector<16xi32>
      %broadcast_in_dim3A_2690 = arith.constant 6 : i32
      %broadcast_in_dim3A_2691 = vector.broadcast %broadcast_in_dim3A_2690 : i32 to vector<16xi32>
      %broadcast_in_dim3A_2692 = arith.constant 7 : i32
      %broadcast_in_dim3A_2693 = vector.broadcast %broadcast_in_dim3A_2692 : i32 to vector<16xi32>
      %ge3A_2694 = arith.cmpf oge, %select_n3A_2645, %select_n3A_2649 : vector<16xf32>
      %select_n3A_2695 = arith.select %ge3A_2694, %select_n3A_2645, %select_n3A_2649 : vector<16xi1>, vector<16xf32>
      %select_n3A_2696 = arith.select %ge3A_2694, %broadcast_in_dim3A_2679, %broadcast_in_dim3A_2681 : vector<16xi1>, vector<16xi32>
      %ge3A_2697 = arith.cmpf oge, %select_n3A_2653, %select_n3A_2657 : vector<16xf32>
      %select_n3A_2698 = arith.select %ge3A_2697, %select_n3A_2653, %select_n3A_2657 : vector<16xi1>, vector<16xf32>
      %select_n3A_2699 = arith.select %ge3A_2697, %broadcast_in_dim3A_2683, %broadcast_in_dim3A_2685 : vector<16xi1>, vector<16xi32>
      %ge3A_2700 = arith.cmpf oge, %select_n3A_2661, %select_n3A_2665 : vector<16xf32>
      %select_n3A_2701 = arith.select %ge3A_2700, %select_n3A_2661, %select_n3A_2665 : vector<16xi1>, vector<16xf32>
      %select_n3A_2702 = arith.select %ge3A_2700, %broadcast_in_dim3A_2687, %broadcast_in_dim3A_2689 : vector<16xi1>, vector<16xi32>
      %ge3A_2703 = arith.cmpf oge, %select_n3A_2669, %select_n3A_2673 : vector<16xf32>
      %select_n3A_2704 = arith.select %ge3A_2703, %select_n3A_2669, %select_n3A_2673 : vector<16xi1>, vector<16xf32>
      %select_n3A_2705 = arith.select %ge3A_2703, %broadcast_in_dim3A_2691, %broadcast_in_dim3A_2693 : vector<16xi1>, vector<16xi32>
      %ge3A_2706 = arith.cmpf oge, %select_n3A_2695, %select_n3A_2698 : vector<16xf32>
      %select_n3A_2707 = arith.select %ge3A_2706, %select_n3A_2695, %select_n3A_2698 : vector<16xi1>, vector<16xf32>
      %select_n3A_2708 = arith.select %ge3A_2706, %select_n3A_2696, %select_n3A_2699 : vector<16xi1>, vector<16xi32>
      %ge3A_2709 = arith.cmpf oge, %select_n3A_2701, %select_n3A_2704 : vector<16xf32>
      %select_n3A_2710 = arith.select %ge3A_2709, %select_n3A_2701, %select_n3A_2704 : vector<16xi1>, vector<16xf32>
      %select_n3A_2711 = arith.select %ge3A_2709, %select_n3A_2702, %select_n3A_2705 : vector<16xi1>, vector<16xi32>
      %ge3A_2712 = arith.cmpf oge, %select_n3A_2707, %select_n3A_2710 : vector<16xf32>
      %select_n3A_2713 = arith.select %ge3A_2712, %select_n3A_2707, %select_n3A_2710 : vector<16xi1>, vector<16xf32>
      %select_n3A_2714 = arith.select %ge3A_2712, %select_n3A_2708, %select_n3A_2711 : vector<16xi1>, vector<16xi32>
      %mul3A_2715 = arith.constant 128 : i32
      %mul3A_2716 = vector.broadcast %mul3A_2715 : i32 to vector<16xi32>
      %mul3A_2717 = arith.muli %select_n3A_2714, %mul3A_2716 : vector<16xi32>
      %add3A_2718 = arith.addi %mul3A_2717, %iota3A : vector<16xi32>
      %add3A_2719 = arith.constant 0 : i32
      %add3A_2720 = vector.broadcast %add3A_2719 : i32 to vector<16xi32>
      %add3A_2721 = arith.addi %add3A_2718, %add3A_2720 : vector<16xi32>
      %gather3A_2722 = tpu.vector_load_idx %arg9[%add3A_2721] : memref<1024xf32, #tpu.memory_space<vmem>>[vector<16xi32>], vector<16xf32>,
      %add3A_2723 = arith.constant 16 : i32
      %add3A_2724 = vector.broadcast %add3A_2723 : i32 to vector<16xi32>
      %add3A_2725 = arith.addi %add3A_2718, %add3A_2724 : vector<16xi32>
      %gather3A_2726 = tpu.vector_load_idx %arg9[%add3A_2725] : memref<1024xf32, #tpu.memory_space<vmem>>[vector<16xi32>], vector<16xf32>,
      %add3A_2727 = arith.constant 32 : i32
      %add3A_2728 = vector.broadcast %add3A_2727 : i32 to vector<16xi32>
      %add3A_2729 = arith.addi %add3A_2718, %add3A_2728 : vector<16xi32>
      %gather3A_2730 = tpu.vector_load_idx %arg9[%add3A_2729] : memref<1024xf32, #tpu.memory_space<vmem>>[vector<16xi32>], vector<16xf32>,
      %add3A_2731 = arith.constant 48 : i32
      %add3A_2732 = vector.broadcast %add3A_2731 : i32 to vector<16xi32>
      %add3A_2733 = arith.addi %add3A_2718, %add3A_2732 : vector<16xi32>
      %gather3A_2734 = tpu.vector_load_idx %arg9[%add3A_2733] : memref<1024xf32, #tpu.memory_space<vmem>>[vector<16xi32>], vector<16xf32>,
      %add3A_2735 = arith.constant 64 : i32
      %add3A_2736 = vector.broadcast %add3A_2735 : i32 to vector<16xi32>
      %add3A_2737 = arith.addi %add3A_2718, %add3A_2736 : vector<16xi32>
      %gather3A_2738 = tpu.vector_load_idx %arg9[%add3A_2737] : memref<1024xf32, #tpu.memory_space<vmem>>[vector<16xi32>], vector<16xf32>,
      %add3A_2739 = arith.constant 80 : i32
      %add3A_2740 = vector.broadcast %add3A_2739 : i32 to vector<16xi32>
      %add3A_2741 = arith.addi %add3A_2718, %add3A_2740 : vector<16xi32>
      %gather3A_2742 = tpu.vector_load_idx %arg9[%add3A_2741] : memref<1024xf32, #tpu.memory_space<vmem>>[vector<16xi32>], vector<16xf32>,
      %add3A_2743 = arith.constant 96 : i32
      %add3A_2744 = vector.broadcast %add3A_2743 : i32 to vector<16xi32>
      %add3A_2745 = arith.addi %add3A_2718, %add3A_2744 : vector<16xi32>
      %gather3A_2746 = tpu.vector_load_idx %arg9[%add3A_2745] : memref<1024xf32, #tpu.memory_space<vmem>>[vector<16xi32>], vector<16xf32>,
      %add3A_2747 = arith.constant 112 : i32
      %add3A_2748 = vector.broadcast %add3A_2747 : i32 to vector<16xi32>
      %add3A_2749 = arith.addi %add3A_2718, %add3A_2748 : vector<16xi32>
      %gather3A_2750 = tpu.vector_load_idx %arg9[%add3A_2749] : memref<1024xf32, #tpu.memory_space<vmem>>[vector<16xi32>], vector<16xf32>,
      %eq3A_2751 = arith.cmpf oeq, %gather3A_2722, %select_n3A_2713 : vector<16xf32>
      %broadcast_in_dim3A_2752 = arith.constant 0 : i32
      %broadcast_in_dim3A_2753 = vector.broadcast %broadcast_in_dim3A_2752 : i32 to vector<16xi32>
      %select_n3A_2754 = arith.select %eq3A_2751, %broadcast_in_dim3A_2753, %broadcast_in_dim3A_9 : vector<16xi1>, vector<16xi32>
      %eq3A_2755 = arith.cmpf oeq, %gather3A_2726, %select_n3A_2713 : vector<16xf32>
      %broadcast_in_dim3A_2756 = arith.constant 1 : i32
      %broadcast_in_dim3A_2757 = vector.broadcast %broadcast_in_dim3A_2756 : i32 to vector<16xi32>
      %select_n3A_2758 = arith.select %eq3A_2755, %broadcast_in_dim3A_2757, %broadcast_in_dim3A_9 : vector<16xi1>, vector<16xi32>
      %eq3A_2759 = arith.cmpf oeq, %gather3A_2730, %select_n3A_2713 : vector<16xf32>
      %broadcast_in_dim3A_2760 = arith.constant 2 : i32
      %broadcast_in_dim3A_2761 = vector.broadcast %broadcast_in_dim3A_2760 : i32 to vector<16xi32>
      %select_n3A_2762 = arith.select %eq3A_2759, %broadcast_in_dim3A_2761, %broadcast_in_dim3A_9 : vector<16xi1>, vector<16xi32>
      %eq3A_2763 = arith.cmpf oeq, %gather3A_2734, %select_n3A_2713 : vector<16xf32>
      %broadcast_in_dim3A_2764 = arith.constant 3 : i32
      %broadcast_in_dim3A_2765 = vector.broadcast %broadcast_in_dim3A_2764 : i32 to vector<16xi32>
      %select_n3A_2766 = arith.select %eq3A_2763, %broadcast_in_dim3A_2765, %broadcast_in_dim3A_9 : vector<16xi1>, vector<16xi32>
      %eq3A_2767 = arith.cmpf oeq, %gather3A_2738, %select_n3A_2713 : vector<16xf32>
      %broadcast_in_dim3A_2768 = arith.constant 4 : i32
      %broadcast_in_dim3A_2769 = vector.broadcast %broadcast_in_dim3A_2768 : i32 to vector<16xi32>
      %select_n3A_2770 = arith.select %eq3A_2767, %broadcast_in_dim3A_2769, %broadcast_in_dim3A_9 : vector<16xi1>, vector<16xi32>
      %eq3A_2771 = arith.cmpf oeq, %gather3A_2742, %select_n3A_2713 : vector<16xf32>
      %broadcast_in_dim3A_2772 = arith.constant 5 : i32
      %broadcast_in_dim3A_2773 = vector.broadcast %broadcast_in_dim3A_2772 : i32 to vector<16xi32>
      %select_n3A_2774 = arith.select %eq3A_2771, %broadcast_in_dim3A_2773, %broadcast_in_dim3A_9 : vector<16xi1>, vector<16xi32>
      %eq3A_2775 = arith.cmpf oeq, %gather3A_2746, %select_n3A_2713 : vector<16xf32>
      %broadcast_in_dim3A_2776 = arith.constant 6 : i32
      %broadcast_in_dim3A_2777 = vector.broadcast %broadcast_in_dim3A_2776 : i32 to vector<16xi32>
      %select_n3A_2778 = arith.select %eq3A_2775, %broadcast_in_dim3A_2777, %broadcast_in_dim3A_9 : vector<16xi1>, vector<16xi32>
      %eq3A_2779 = arith.cmpf oeq, %gather3A_2750, %select_n3A_2713 : vector<16xf32>
      %broadcast_in_dim3A_2780 = arith.constant 7 : i32
      %broadcast_in_dim3A_2781 = vector.broadcast %broadcast_in_dim3A_2780 : i32 to vector<16xi32>
      %select_n3A_2782 = arith.select %eq3A_2779, %broadcast_in_dim3A_2781, %broadcast_in_dim3A_9 : vector<16xi1>, vector<16xi32>
      %min3A_2783 = arith.minsi %select_n3A_2754, %select_n3A_2758 : vector<16xi32>
      %min3A_2784 = arith.minsi %select_n3A_2762, %select_n3A_2766 : vector<16xi32>
      %min3A_2785 = arith.minsi %select_n3A_2770, %select_n3A_2774 : vector<16xi32>
      %min3A_2786 = arith.minsi %select_n3A_2778, %select_n3A_2782 : vector<16xi32>
      %min3A_2787 = arith.minsi %min3A_2783, %min3A_2784 : vector<16xi32>
      %min3A_2788 = arith.minsi %min3A_2785, %min3A_2786 : vector<16xi32>
      %min3A_2789 = arith.minsi %min3A_2787, %min3A_2788 : vector<16xi32>
      %mul3A_2790 = arith.constant 8 : i32
      %mul3A_2791 = vector.broadcast %mul3A_2790 : i32 to vector<16xi32>
      %mul3A_2792 = arith.muli %select_n3A_2714, %mul3A_2791 : vector<16xi32>
      %add3A_2793 = arith.addi %mul3A_2792, %min3A_2789 : vector<16xi32>
      %mul3A_2794 = arith.constant 16 : i32
      %mul3A_2795 = vector.broadcast %mul3A_2794 : i32 to vector<16xi32>
      %mul3A_2796 = arith.muli %min3A_2789, %mul3A_2795 : vector<16xi32>
      %add3A_2797 = arith.addi %add3A_2718, %mul3A_2796 : vector<16xi32>
      %gather3A_2798 = tpu.vector_load_idx %arg9[%add3A_2797] : memref<1024xf32, #tpu.memory_space<vmem>>[vector<16xi32>], vector<16xf32>,
      %gather3A_2799 = tpu.vector_load_idx %arg10[%add3A_2797] : memref<1024xf32, #tpu.memory_space<vmem>>[vector<16xi32>], vector<16xf32>,
      %sub3A_2800 = arith.subf %gather3A_2798, %gather3A_2799 : vector<16xf32>
      tpu.vector_store_idx %arg9[%add3A_2797], %broadcast_in_dim3A_5 : memref<1024xf32, #tpu.memory_space<vmem>>[vector<16xi32>], vector<16xf32>,
      %eq3A_2801 = arith.constant 0 : i32
      %eq3A_2802 = vector.broadcast %eq3A_2801 : i32 to vector<16xi32>
      %eq3A_2803 = arith.cmpi eq, %min3A_2789, %eq3A_2802 : vector<16xi32>
      %select_n3A_2804 = arith.select %eq3A_2803, %broadcast_in_dim3A_5, %gather3A_2722 : vector<16xi1>, vector<16xf32>
      %eq3A_2805 = arith.constant 1 : i32
      %eq3A_2806 = vector.broadcast %eq3A_2805 : i32 to vector<16xi32>
      %eq3A_2807 = arith.cmpi eq, %min3A_2789, %eq3A_2806 : vector<16xi32>
      %select_n3A_2808 = arith.select %eq3A_2807, %broadcast_in_dim3A_5, %gather3A_2726 : vector<16xi1>, vector<16xf32>
      %eq3A_2809 = arith.constant 2 : i32
      %eq3A_2810 = vector.broadcast %eq3A_2809 : i32 to vector<16xi32>
      %eq3A_2811 = arith.cmpi eq, %min3A_2789, %eq3A_2810 : vector<16xi32>
      %select_n3A_2812 = arith.select %eq3A_2811, %broadcast_in_dim3A_5, %gather3A_2730 : vector<16xi1>, vector<16xf32>
      %eq3A_2813 = arith.constant 3 : i32
      %eq3A_2814 = vector.broadcast %eq3A_2813 : i32 to vector<16xi32>
      %eq3A_2815 = arith.cmpi eq, %min3A_2789, %eq3A_2814 : vector<16xi32>
      %select_n3A_2816 = arith.select %eq3A_2815, %broadcast_in_dim3A_5, %gather3A_2734 : vector<16xi1>, vector<16xf32>
      %eq3A_2817 = arith.constant 4 : i32
      %eq3A_2818 = vector.broadcast %eq3A_2817 : i32 to vector<16xi32>
      %eq3A_2819 = arith.cmpi eq, %min3A_2789, %eq3A_2818 : vector<16xi32>
      %select_n3A_2820 = arith.select %eq3A_2819, %broadcast_in_dim3A_5, %gather3A_2738 : vector<16xi1>, vector<16xf32>
      %eq3A_2821 = arith.constant 5 : i32
      %eq3A_2822 = vector.broadcast %eq3A_2821 : i32 to vector<16xi32>
      %eq3A_2823 = arith.cmpi eq, %min3A_2789, %eq3A_2822 : vector<16xi32>
      %select_n3A_2824 = arith.select %eq3A_2823, %broadcast_in_dim3A_5, %gather3A_2742 : vector<16xi1>, vector<16xf32>
      %eq3A_2825 = arith.constant 6 : i32
      %eq3A_2826 = vector.broadcast %eq3A_2825 : i32 to vector<16xi32>
      %eq3A_2827 = arith.cmpi eq, %min3A_2789, %eq3A_2826 : vector<16xi32>
      %select_n3A_2828 = arith.select %eq3A_2827, %broadcast_in_dim3A_5, %gather3A_2746 : vector<16xi1>, vector<16xf32>
      %eq3A_2829 = arith.constant 7 : i32
      %eq3A_2830 = vector.broadcast %eq3A_2829 : i32 to vector<16xi32>
      %eq3A_2831 = arith.cmpi eq, %min3A_2789, %eq3A_2830 : vector<16xi32>
      %select_n3A_2832 = arith.select %eq3A_2831, %broadcast_in_dim3A_5, %gather3A_2750 : vector<16xi1>, vector<16xf32>
      %max3A_2833 = arith.maximumf %select_n3A_2804, %select_n3A_2808 : vector<16xf32>
      %max3A_2834 = arith.maximumf %select_n3A_2812, %select_n3A_2816 : vector<16xf32>
      %max3A_2835 = arith.maximumf %select_n3A_2820, %select_n3A_2824 : vector<16xf32>
      %max3A_2836 = arith.maximumf %select_n3A_2828, %select_n3A_2832 : vector<16xf32>
      %max3A_2837 = arith.maximumf %max3A_2833, %max3A_2834 : vector<16xf32>
      %max3A_2838 = arith.maximumf %max3A_2835, %max3A_2836 : vector<16xf32>
      %max3A_2839 = arith.maximumf %max3A_2837, %max3A_2838 : vector<16xf32>
      %eq3A_2840 = arith.constant 0 : i32
      %eq3A_2841 = vector.broadcast %eq3A_2840 : i32 to vector<16xi32>
      %eq3A_2842 = arith.cmpi eq, %select_n3A_2714, %eq3A_2841 : vector<16xi32>
      %select_n3A_2843 = arith.select %eq3A_2842, %max3A_2839, %select_n3A_2645 : vector<16xi1>, vector<16xf32>
      %eq3A_2844 = arith.constant 1 : i32
      %eq3A_2845 = vector.broadcast %eq3A_2844 : i32 to vector<16xi32>
      %eq3A_2846 = arith.cmpi eq, %select_n3A_2714, %eq3A_2845 : vector<16xi32>
      %select_n3A_2847 = arith.select %eq3A_2846, %max3A_2839, %select_n3A_2649 : vector<16xi1>, vector<16xf32>
      %eq3A_2848 = arith.constant 2 : i32
      %eq3A_2849 = vector.broadcast %eq3A_2848 : i32 to vector<16xi32>
      %eq3A_2850 = arith.cmpi eq, %select_n3A_2714, %eq3A_2849 : vector<16xi32>
      %select_n3A_2851 = arith.select %eq3A_2850, %max3A_2839, %select_n3A_2653 : vector<16xi1>, vector<16xf32>
      %eq3A_2852 = arith.constant 3 : i32
      %eq3A_2853 = vector.broadcast %eq3A_2852 : i32 to vector<16xi32>
      %eq3A_2854 = arith.cmpi eq, %select_n3A_2714, %eq3A_2853 : vector<16xi32>
      %select_n3A_2855 = arith.select %eq3A_2854, %max3A_2839, %select_n3A_2657 : vector<16xi1>, vector<16xf32>
      %eq3A_2856 = arith.constant 4 : i32
      %eq3A_2857 = vector.broadcast %eq3A_2856 : i32 to vector<16xi32>
      %eq3A_2858 = arith.cmpi eq, %select_n3A_2714, %eq3A_2857 : vector<16xi32>
      %select_n3A_2859 = arith.select %eq3A_2858, %max3A_2839, %select_n3A_2661 : vector<16xi1>, vector<16xf32>
      %eq3A_2860 = arith.constant 5 : i32
      %eq3A_2861 = vector.broadcast %eq3A_2860 : i32 to vector<16xi32>
      %eq3A_2862 = arith.cmpi eq, %select_n3A_2714, %eq3A_2861 : vector<16xi32>
      %select_n3A_2863 = arith.select %eq3A_2862, %max3A_2839, %select_n3A_2665 : vector<16xi1>, vector<16xf32>
      %eq3A_2864 = arith.constant 6 : i32
      %eq3A_2865 = vector.broadcast %eq3A_2864 : i32 to vector<16xi32>
      %eq3A_2866 = arith.cmpi eq, %select_n3A_2714, %eq3A_2865 : vector<16xi32>
      %select_n3A_2867 = arith.select %eq3A_2866, %max3A_2839, %select_n3A_2669 : vector<16xi1>, vector<16xf32>
      %eq3A_2868 = arith.constant 7 : i32
      %eq3A_2869 = vector.broadcast %eq3A_2868 : i32 to vector<16xi32>
      %eq3A_2870 = arith.cmpi eq, %select_n3A_2714, %eq3A_2869 : vector<16xi32>
      %select_n3A_2871 = arith.select %eq3A_2870, %max3A_2839, %select_n3A_2673 : vector<16xi1>, vector<16xf32>
      %swap3A_2872 = arith.constant 2 : i32
      %swap3A_2873 = arith.index_cast %swap3A_2872 : i32 to index
      %swap3A_2874 = arith.index_cast %mul3A_24 : i32 to index
      %swap3A_2875 = tpu.vector_load %arg11[%swap3A_2873, %swap3A_2874] {strides = array<i32>} : memref<8x512xi32, #tpu.memory_space<vmem>>, vector<16xi32>,
      tpu.vector_store %arg11[%swap3A_2873, %swap3A_2874], %add3A_2793 {strides = array<i32>} : memref<8x512xi32, #tpu.memory_space<vmem>>, vector<16xi32>,
      tpu.vector_store_idx %arg13[%add3A_2793], %broadcast_in_dim3A_3 {add = true} : memref<64xf32, #tpu.memory_space<vmem>>[vector<16xi32>], vector<16xf32>,
      %broadcast_in_dim3A_2876 = arith.constant 0 : i32
      %broadcast_in_dim3A_2877 = vector.broadcast %broadcast_in_dim3A_2876 : i32 to vector<16xi32>
      %broadcast_in_dim3A_2878 = arith.constant 1 : i32
      %broadcast_in_dim3A_2879 = vector.broadcast %broadcast_in_dim3A_2878 : i32 to vector<16xi32>
      %broadcast_in_dim3A_2880 = arith.constant 2 : i32
      %broadcast_in_dim3A_2881 = vector.broadcast %broadcast_in_dim3A_2880 : i32 to vector<16xi32>
      %broadcast_in_dim3A_2882 = arith.constant 3 : i32
      %broadcast_in_dim3A_2883 = vector.broadcast %broadcast_in_dim3A_2882 : i32 to vector<16xi32>
      %broadcast_in_dim3A_2884 = arith.constant 4 : i32
      %broadcast_in_dim3A_2885 = vector.broadcast %broadcast_in_dim3A_2884 : i32 to vector<16xi32>
      %broadcast_in_dim3A_2886 = arith.constant 5 : i32
      %broadcast_in_dim3A_2887 = vector.broadcast %broadcast_in_dim3A_2886 : i32 to vector<16xi32>
      %broadcast_in_dim3A_2888 = arith.constant 6 : i32
      %broadcast_in_dim3A_2889 = vector.broadcast %broadcast_in_dim3A_2888 : i32 to vector<16xi32>
      %broadcast_in_dim3A_2890 = arith.constant 7 : i32
      %broadcast_in_dim3A_2891 = vector.broadcast %broadcast_in_dim3A_2890 : i32 to vector<16xi32>
      %ge3A_2892 = arith.cmpf oge, %select_n3A_2843, %select_n3A_2847 : vector<16xf32>
      %select_n3A_2893 = arith.select %ge3A_2892, %select_n3A_2843, %select_n3A_2847 : vector<16xi1>, vector<16xf32>
      %select_n3A_2894 = arith.select %ge3A_2892, %broadcast_in_dim3A_2877, %broadcast_in_dim3A_2879 : vector<16xi1>, vector<16xi32>
      %ge3A_2895 = arith.cmpf oge, %select_n3A_2851, %select_n3A_2855 : vector<16xf32>
      %select_n3A_2896 = arith.select %ge3A_2895, %select_n3A_2851, %select_n3A_2855 : vector<16xi1>, vector<16xf32>
      %select_n3A_2897 = arith.select %ge3A_2895, %broadcast_in_dim3A_2881, %broadcast_in_dim3A_2883 : vector<16xi1>, vector<16xi32>
      %ge3A_2898 = arith.cmpf oge, %select_n3A_2859, %select_n3A_2863 : vector<16xf32>
      %select_n3A_2899 = arith.select %ge3A_2898, %select_n3A_2859, %select_n3A_2863 : vector<16xi1>, vector<16xf32>
      %select_n3A_2900 = arith.select %ge3A_2898, %broadcast_in_dim3A_2885, %broadcast_in_dim3A_2887 : vector<16xi1>, vector<16xi32>
      %ge3A_2901 = arith.cmpf oge, %select_n3A_2867, %select_n3A_2871 : vector<16xf32>
      %select_n3A_2902 = arith.select %ge3A_2901, %select_n3A_2867, %select_n3A_2871 : vector<16xi1>, vector<16xf32>
      %select_n3A_2903 = arith.select %ge3A_2901, %broadcast_in_dim3A_2889, %broadcast_in_dim3A_2891 : vector<16xi1>, vector<16xi32>
      %ge3A_2904 = arith.cmpf oge, %select_n3A_2893, %select_n3A_2896 : vector<16xf32>
      %select_n3A_2905 = arith.select %ge3A_2904, %select_n3A_2893, %select_n3A_2896 : vector<16xi1>, vector<16xf32>
      %select_n3A_2906 = arith.select %ge3A_2904, %select_n3A_2894, %select_n3A_2897 : vector<16xi1>, vector<16xi32>
      %ge3A_2907 = arith.cmpf oge, %select_n3A_2899, %select_n3A_2902 : vector<16xf32>
      %select_n3A_2908 = arith.select %ge3A_2907, %select_n3A_2899, %select_n3A_2902 : vector<16xi1>, vector<16xf32>
      %select_n3A_2909 = arith.select %ge3A_2907, %select_n3A_2900, %select_n3A_2903 : vector<16xi1>, vector<16xi32>
      %ge3A_2910 = arith.cmpf oge, %select_n3A_2905, %select_n3A_2908 : vector<16xf32>
      %select_n3A_2911 = arith.select %ge3A_2910, %select_n3A_2905, %select_n3A_2908 : vector<16xi1>, vector<16xf32>
      %select_n3A_2912 = arith.select %ge3A_2910, %select_n3A_2906, %select_n3A_2909 : vector<16xi1>, vector<16xi32>
      %mul3A_2913 = arith.constant 128 : i32
      %mul3A_2914 = vector.broadcast %mul3A_2913 : i32 to vector<16xi32>
      %mul3A_2915 = arith.muli %select_n3A_2912, %mul3A_2914 : vector<16xi32>
      %add3A_2916 = arith.addi %mul3A_2915, %iota3A : vector<16xi32>
      %add3A_2917 = arith.constant 0 : i32
      %add3A_2918 = vector.broadcast %add3A_2917 : i32 to vector<16xi32>
      %add3A_2919 = arith.addi %add3A_2916, %add3A_2918 : vector<16xi32>
      %gather3A_2920 = tpu.vector_load_idx %arg9[%add3A_2919] : memref<1024xf32, #tpu.memory_space<vmem>>[vector<16xi32>], vector<16xf32>,
      %add3A_2921 = arith.constant 16 : i32
      %add3A_2922 = vector.broadcast %add3A_2921 : i32 to vector<16xi32>
      %add3A_2923 = arith.addi %add3A_2916, %add3A_2922 : vector<16xi32>
      %gather3A_2924 = tpu.vector_load_idx %arg9[%add3A_2923] : memref<1024xf32, #tpu.memory_space<vmem>>[vector<16xi32>], vector<16xf32>,
      %add3A_2925 = arith.constant 32 : i32
      %add3A_2926 = vector.broadcast %add3A_2925 : i32 to vector<16xi32>
      %add3A_2927 = arith.addi %add3A_2916, %add3A_2926 : vector<16xi32>
      %gather3A_2928 = tpu.vector_load_idx %arg9[%add3A_2927] : memref<1024xf32, #tpu.memory_space<vmem>>[vector<16xi32>], vector<16xf32>,
      %add3A_2929 = arith.constant 48 : i32
      %add3A_2930 = vector.broadcast %add3A_2929 : i32 to vector<16xi32>
      %add3A_2931 = arith.addi %add3A_2916, %add3A_2930 : vector<16xi32>
      %gather3A_2932 = tpu.vector_load_idx %arg9[%add3A_2931] : memref<1024xf32, #tpu.memory_space<vmem>>[vector<16xi32>], vector<16xf32>,
      %add3A_2933 = arith.constant 64 : i32
      %add3A_2934 = vector.broadcast %add3A_2933 : i32 to vector<16xi32>
      %add3A_2935 = arith.addi %add3A_2916, %add3A_2934 : vector<16xi32>
      %gather3A_2936 = tpu.vector_load_idx %arg9[%add3A_2935] : memref<1024xf32, #tpu.memory_space<vmem>>[vector<16xi32>], vector<16xf32>,
      %add3A_2937 = arith.constant 80 : i32
      %add3A_2938 = vector.broadcast %add3A_2937 : i32 to vector<16xi32>
      %add3A_2939 = arith.addi %add3A_2916, %add3A_2938 : vector<16xi32>
      %gather3A_2940 = tpu.vector_load_idx %arg9[%add3A_2939] : memref<1024xf32, #tpu.memory_space<vmem>>[vector<16xi32>], vector<16xf32>,
      %add3A_2941 = arith.constant 96 : i32
      %add3A_2942 = vector.broadcast %add3A_2941 : i32 to vector<16xi32>
      %add3A_2943 = arith.addi %add3A_2916, %add3A_2942 : vector<16xi32>
      %gather3A_2944 = tpu.vector_load_idx %arg9[%add3A_2943] : memref<1024xf32, #tpu.memory_space<vmem>>[vector<16xi32>], vector<16xf32>,
      %add3A_2945 = arith.constant 112 : i32
      %add3A_2946 = vector.broadcast %add3A_2945 : i32 to vector<16xi32>
      %add3A_2947 = arith.addi %add3A_2916, %add3A_2946 : vector<16xi32>
      %gather3A_2948 = tpu.vector_load_idx %arg9[%add3A_2947] : memref<1024xf32, #tpu.memory_space<vmem>>[vector<16xi32>], vector<16xf32>,
      %eq3A_2949 = arith.cmpf oeq, %gather3A_2920, %select_n3A_2911 : vector<16xf32>
      %broadcast_in_dim3A_2950 = arith.constant 0 : i32
      %broadcast_in_dim3A_2951 = vector.broadcast %broadcast_in_dim3A_2950 : i32 to vector<16xi32>
      %select_n3A_2952 = arith.select %eq3A_2949, %broadcast_in_dim3A_2951, %broadcast_in_dim3A_9 : vector<16xi1>, vector<16xi32>
      %eq3A_2953 = arith.cmpf oeq, %gather3A_2924, %select_n3A_2911 : vector<16xf32>
      %broadcast_in_dim3A_2954 = arith.constant 1 : i32
      %broadcast_in_dim3A_2955 = vector.broadcast %broadcast_in_dim3A_2954 : i32 to vector<16xi32>
      %select_n3A_2956 = arith.select %eq3A_2953, %broadcast_in_dim3A_2955, %broadcast_in_dim3A_9 : vector<16xi1>, vector<16xi32>
      %eq3A_2957 = arith.cmpf oeq, %gather3A_2928, %select_n3A_2911 : vector<16xf32>
      %broadcast_in_dim3A_2958 = arith.constant 2 : i32
      %broadcast_in_dim3A_2959 = vector.broadcast %broadcast_in_dim3A_2958 : i32 to vector<16xi32>
      %select_n3A_2960 = arith.select %eq3A_2957, %broadcast_in_dim3A_2959, %broadcast_in_dim3A_9 : vector<16xi1>, vector<16xi32>
      %eq3A_2961 = arith.cmpf oeq, %gather3A_2932, %select_n3A_2911 : vector<16xf32>
      %broadcast_in_dim3A_2962 = arith.constant 3 : i32
      %broadcast_in_dim3A_2963 = vector.broadcast %broadcast_in_dim3A_2962 : i32 to vector<16xi32>
      %select_n3A_2964 = arith.select %eq3A_2961, %broadcast_in_dim3A_2963, %broadcast_in_dim3A_9 : vector<16xi1>, vector<16xi32>
      %eq3A_2965 = arith.cmpf oeq, %gather3A_2936, %select_n3A_2911 : vector<16xf32>
      %broadcast_in_dim3A_2966 = arith.constant 4 : i32
      %broadcast_in_dim3A_2967 = vector.broadcast %broadcast_in_dim3A_2966 : i32 to vector<16xi32>
      %select_n3A_2968 = arith.select %eq3A_2965, %broadcast_in_dim3A_2967, %broadcast_in_dim3A_9 : vector<16xi1>, vector<16xi32>
      %eq3A_2969 = arith.cmpf oeq, %gather3A_2940, %select_n3A_2911 : vector<16xf32>
      %broadcast_in_dim3A_2970 = arith.constant 5 : i32
      %broadcast_in_dim3A_2971 = vector.broadcast %broadcast_in_dim3A_2970 : i32 to vector<16xi32>
      %select_n3A_2972 = arith.select %eq3A_2969, %broadcast_in_dim3A_2971, %broadcast_in_dim3A_9 : vector<16xi1>, vector<16xi32>
      %eq3A_2973 = arith.cmpf oeq, %gather3A_2944, %select_n3A_2911 : vector<16xf32>
      %broadcast_in_dim3A_2974 = arith.constant 6 : i32
      %broadcast_in_dim3A_2975 = vector.broadcast %broadcast_in_dim3A_2974 : i32 to vector<16xi32>
      %select_n3A_2976 = arith.select %eq3A_2973, %broadcast_in_dim3A_2975, %broadcast_in_dim3A_9 : vector<16xi1>, vector<16xi32>
      %eq3A_2977 = arith.cmpf oeq, %gather3A_2948, %select_n3A_2911 : vector<16xf32>
      %broadcast_in_dim3A_2978 = arith.constant 7 : i32
      %broadcast_in_dim3A_2979 = vector.broadcast %broadcast_in_dim3A_2978 : i32 to vector<16xi32>
      %select_n3A_2980 = arith.select %eq3A_2977, %broadcast_in_dim3A_2979, %broadcast_in_dim3A_9 : vector<16xi1>, vector<16xi32>
      %min3A_2981 = arith.minsi %select_n3A_2952, %select_n3A_2956 : vector<16xi32>
      %min3A_2982 = arith.minsi %select_n3A_2960, %select_n3A_2964 : vector<16xi32>
      %min3A_2983 = arith.minsi %select_n3A_2968, %select_n3A_2972 : vector<16xi32>
      %min3A_2984 = arith.minsi %select_n3A_2976, %select_n3A_2980 : vector<16xi32>
      %min3A_2985 = arith.minsi %min3A_2981, %min3A_2982 : vector<16xi32>
      %min3A_2986 = arith.minsi %min3A_2983, %min3A_2984 : vector<16xi32>
      %min3A_2987 = arith.minsi %min3A_2985, %min3A_2986 : vector<16xi32>
      %mul3A_2988 = arith.constant 8 : i32
      %mul3A_2989 = vector.broadcast %mul3A_2988 : i32 to vector<16xi32>
      %mul3A_2990 = arith.muli %select_n3A_2912, %mul3A_2989 : vector<16xi32>
      %add3A_2991 = arith.addi %mul3A_2990, %min3A_2987 : vector<16xi32>
      %mul3A_2992 = arith.constant 16 : i32
      %mul3A_2993 = vector.broadcast %mul3A_2992 : i32 to vector<16xi32>
      %mul3A_2994 = arith.muli %min3A_2987, %mul3A_2993 : vector<16xi32>
      %add3A_2995 = arith.addi %add3A_2916, %mul3A_2994 : vector<16xi32>
      %gather3A_2996 = tpu.vector_load_idx %arg9[%add3A_2995] : memref<1024xf32, #tpu.memory_space<vmem>>[vector<16xi32>], vector<16xf32>,
      %gather3A_2997 = tpu.vector_load_idx %arg10[%add3A_2995] : memref<1024xf32, #tpu.memory_space<vmem>>[vector<16xi32>], vector<16xf32>,
      %sub3A_2998 = arith.subf %gather3A_2996, %gather3A_2997 : vector<16xf32>
      tpu.vector_store_idx %arg9[%add3A_2995], %broadcast_in_dim3A_5 : memref<1024xf32, #tpu.memory_space<vmem>>[vector<16xi32>], vector<16xf32>,
      %eq3A_2999 = arith.constant 0 : i32
      %eq3A_3000 = vector.broadcast %eq3A_2999 : i32 to vector<16xi32>
      %eq3A_3001 = arith.cmpi eq, %min3A_2987, %eq3A_3000 : vector<16xi32>
      %select_n3A_3002 = arith.select %eq3A_3001, %broadcast_in_dim3A_5, %gather3A_2920 : vector<16xi1>, vector<16xf32>
      %eq3A_3003 = arith.constant 1 : i32
      %eq3A_3004 = vector.broadcast %eq3A_3003 : i32 to vector<16xi32>
      %eq3A_3005 = arith.cmpi eq, %min3A_2987, %eq3A_3004 : vector<16xi32>
      %select_n3A_3006 = arith.select %eq3A_3005, %broadcast_in_dim3A_5, %gather3A_2924 : vector<16xi1>, vector<16xf32>
      %eq3A_3007 = arith.constant 2 : i32
      %eq3A_3008 = vector.broadcast %eq3A_3007 : i32 to vector<16xi32>
      %eq3A_3009 = arith.cmpi eq, %min3A_2987, %eq3A_3008 : vector<16xi32>
      %select_n3A_3010 = arith.select %eq3A_3009, %broadcast_in_dim3A_5, %gather3A_2928 : vector<16xi1>, vector<16xf32>
      %eq3A_3011 = arith.constant 3 : i32
      %eq3A_3012 = vector.broadcast %eq3A_3011 : i32 to vector<16xi32>
      %eq3A_3013 = arith.cmpi eq, %min3A_2987, %eq3A_3012 : vector<16xi32>
      %select_n3A_3014 = arith.select %eq3A_3013, %broadcast_in_dim3A_5, %gather3A_2932 : vector<16xi1>, vector<16xf32>
      %eq3A_3015 = arith.constant 4 : i32
      %eq3A_3016 = vector.broadcast %eq3A_3015 : i32 to vector<16xi32>
      %eq3A_3017 = arith.cmpi eq, %min3A_2987, %eq3A_3016 : vector<16xi32>
      %select_n3A_3018 = arith.select %eq3A_3017, %broadcast_in_dim3A_5, %gather3A_2936 : vector<16xi1>, vector<16xf32>
      %eq3A_3019 = arith.constant 5 : i32
      %eq3A_3020 = vector.broadcast %eq3A_3019 : i32 to vector<16xi32>
      %eq3A_3021 = arith.cmpi eq, %min3A_2987, %eq3A_3020 : vector<16xi32>
      %select_n3A_3022 = arith.select %eq3A_3021, %broadcast_in_dim3A_5, %gather3A_2940 : vector<16xi1>, vector<16xf32>
      %eq3A_3023 = arith.constant 6 : i32
      %eq3A_3024 = vector.broadcast %eq3A_3023 : i32 to vector<16xi32>
      %eq3A_3025 = arith.cmpi eq, %min3A_2987, %eq3A_3024 : vector<16xi32>
      %select_n3A_3026 = arith.select %eq3A_3025, %broadcast_in_dim3A_5, %gather3A_2944 : vector<16xi1>, vector<16xf32>
      %eq3A_3027 = arith.constant 7 : i32
      %eq3A_3028 = vector.broadcast %eq3A_3027 : i32 to vector<16xi32>
      %eq3A_3029 = arith.cmpi eq, %min3A_2987, %eq3A_3028 : vector<16xi32>
      %select_n3A_3030 = arith.select %eq3A_3029, %broadcast_in_dim3A_5, %gather3A_2948 : vector<16xi1>, vector<16xf32>
      %max3A_3031 = arith.maximumf %select_n3A_3002, %select_n3A_3006 : vector<16xf32>
      %max3A_3032 = arith.maximumf %select_n3A_3010, %select_n3A_3014 : vector<16xf32>
      %max3A_3033 = arith.maximumf %select_n3A_3018, %select_n3A_3022 : vector<16xf32>
      %max3A_3034 = arith.maximumf %select_n3A_3026, %select_n3A_3030 : vector<16xf32>
      %max3A_3035 = arith.maximumf %max3A_3031, %max3A_3032 : vector<16xf32>
      %max3A_3036 = arith.maximumf %max3A_3033, %max3A_3034 : vector<16xf32>
      %max3A_3037 = arith.maximumf %max3A_3035, %max3A_3036 : vector<16xf32>
      %eq3A_3038 = arith.constant 0 : i32
      %eq3A_3039 = vector.broadcast %eq3A_3038 : i32 to vector<16xi32>
      %eq3A_3040 = arith.cmpi eq, %select_n3A_2912, %eq3A_3039 : vector<16xi32>
      %select_n3A_3041 = arith.select %eq3A_3040, %max3A_3037, %select_n3A_2843 : vector<16xi1>, vector<16xf32>
      %eq3A_3042 = arith.constant 1 : i32
      %eq3A_3043 = vector.broadcast %eq3A_3042 : i32 to vector<16xi32>
      %eq3A_3044 = arith.cmpi eq, %select_n3A_2912, %eq3A_3043 : vector<16xi32>
      %select_n3A_3045 = arith.select %eq3A_3044, %max3A_3037, %select_n3A_2847 : vector<16xi1>, vector<16xf32>
      %eq3A_3046 = arith.constant 2 : i32
      %eq3A_3047 = vector.broadcast %eq3A_3046 : i32 to vector<16xi32>
      %eq3A_3048 = arith.cmpi eq, %select_n3A_2912, %eq3A_3047 : vector<16xi32>
      %select_n3A_3049 = arith.select %eq3A_3048, %max3A_3037, %select_n3A_2851 : vector<16xi1>, vector<16xf32>
      %eq3A_3050 = arith.constant 3 : i32
      %eq3A_3051 = vector.broadcast %eq3A_3050 : i32 to vector<16xi32>
      %eq3A_3052 = arith.cmpi eq, %select_n3A_2912, %eq3A_3051 : vector<16xi32>
      %select_n3A_3053 = arith.select %eq3A_3052, %max3A_3037, %select_n3A_2855 : vector<16xi1>, vector<16xf32>
      %eq3A_3054 = arith.constant 4 : i32
      %eq3A_3055 = vector.broadcast %eq3A_3054 : i32 to vector<16xi32>
      %eq3A_3056 = arith.cmpi eq, %select_n3A_2912, %eq3A_3055 : vector<16xi32>
      %select_n3A_3057 = arith.select %eq3A_3056, %max3A_3037, %select_n3A_2859 : vector<16xi1>, vector<16xf32>
      %eq3A_3058 = arith.constant 5 : i32
      %eq3A_3059 = vector.broadcast %eq3A_3058 : i32 to vector<16xi32>
      %eq3A_3060 = arith.cmpi eq, %select_n3A_2912, %eq3A_3059 : vector<16xi32>
      %select_n3A_3061 = arith.select %eq3A_3060, %max3A_3037, %select_n3A_2863 : vector<16xi1>, vector<16xf32>
      %eq3A_3062 = arith.constant 6 : i32
      %eq3A_3063 = vector.broadcast %eq3A_3062 : i32 to vector<16xi32>
      %eq3A_3064 = arith.cmpi eq, %select_n3A_2912, %eq3A_3063 : vector<16xi32>
      %select_n3A_3065 = arith.select %eq3A_3064, %max3A_3037, %select_n3A_2867 : vector<16xi1>, vector<16xf32>
      %eq3A_3066 = arith.constant 7 : i32
      %eq3A_3067 = vector.broadcast %eq3A_3066 : i32 to vector<16xi32>
      %eq3A_3068 = arith.cmpi eq, %select_n3A_2912, %eq3A_3067 : vector<16xi32>
      %select_n3A_3069 = arith.select %eq3A_3068, %max3A_3037, %select_n3A_2871 : vector<16xi1>, vector<16xf32>
      %swap3A_3070 = arith.constant 3 : i32
      %swap3A_3071 = arith.index_cast %swap3A_3070 : i32 to index
      %swap3A_3072 = arith.index_cast %mul3A_24 : i32 to index
      %swap3A_3073 = tpu.vector_load %arg11[%swap3A_3071, %swap3A_3072] {strides = array<i32>} : memref<8x512xi32, #tpu.memory_space<vmem>>, vector<16xi32>,
      tpu.vector_store %arg11[%swap3A_3071, %swap3A_3072], %add3A_2991 {strides = array<i32>} : memref<8x512xi32, #tpu.memory_space<vmem>>, vector<16xi32>,
      tpu.vector_store_idx %arg13[%add3A_2991], %broadcast_in_dim3A_3 {add = true} : memref<64xf32, #tpu.memory_space<vmem>>[vector<16xi32>], vector<16xf32>,
      %broadcast_in_dim3A_3074 = arith.constant 0 : i32
      %broadcast_in_dim3A_3075 = vector.broadcast %broadcast_in_dim3A_3074 : i32 to vector<16xi32>
      %broadcast_in_dim3A_3076 = arith.constant 1 : i32
      %broadcast_in_dim3A_3077 = vector.broadcast %broadcast_in_dim3A_3076 : i32 to vector<16xi32>
      %broadcast_in_dim3A_3078 = arith.constant 2 : i32
      %broadcast_in_dim3A_3079 = vector.broadcast %broadcast_in_dim3A_3078 : i32 to vector<16xi32>
      %broadcast_in_dim3A_3080 = arith.constant 3 : i32
      %broadcast_in_dim3A_3081 = vector.broadcast %broadcast_in_dim3A_3080 : i32 to vector<16xi32>
      %broadcast_in_dim3A_3082 = arith.constant 4 : i32
      %broadcast_in_dim3A_3083 = vector.broadcast %broadcast_in_dim3A_3082 : i32 to vector<16xi32>
      %broadcast_in_dim3A_3084 = arith.constant 5 : i32
      %broadcast_in_dim3A_3085 = vector.broadcast %broadcast_in_dim3A_3084 : i32 to vector<16xi32>
      %broadcast_in_dim3A_3086 = arith.constant 6 : i32
      %broadcast_in_dim3A_3087 = vector.broadcast %broadcast_in_dim3A_3086 : i32 to vector<16xi32>
      %broadcast_in_dim3A_3088 = arith.constant 7 : i32
      %broadcast_in_dim3A_3089 = vector.broadcast %broadcast_in_dim3A_3088 : i32 to vector<16xi32>
      %ge3A_3090 = arith.cmpf oge, %select_n3A_3041, %select_n3A_3045 : vector<16xf32>
      %select_n3A_3091 = arith.select %ge3A_3090, %select_n3A_3041, %select_n3A_3045 : vector<16xi1>, vector<16xf32>
      %select_n3A_3092 = arith.select %ge3A_3090, %broadcast_in_dim3A_3075, %broadcast_in_dim3A_3077 : vector<16xi1>, vector<16xi32>
      %ge3A_3093 = arith.cmpf oge, %select_n3A_3049, %select_n3A_3053 : vector<16xf32>
      %select_n3A_3094 = arith.select %ge3A_3093, %select_n3A_3049, %select_n3A_3053 : vector<16xi1>, vector<16xf32>
      %select_n3A_3095 = arith.select %ge3A_3093, %broadcast_in_dim3A_3079, %broadcast_in_dim3A_3081 : vector<16xi1>, vector<16xi32>
      %ge3A_3096 = arith.cmpf oge, %select_n3A_3057, %select_n3A_3061 : vector<16xf32>
      %select_n3A_3097 = arith.select %ge3A_3096, %select_n3A_3057, %select_n3A_3061 : vector<16xi1>, vector<16xf32>
      %select_n3A_3098 = arith.select %ge3A_3096, %broadcast_in_dim3A_3083, %broadcast_in_dim3A_3085 : vector<16xi1>, vector<16xi32>
      %ge3A_3099 = arith.cmpf oge, %select_n3A_3065, %select_n3A_3069 : vector<16xf32>
      %select_n3A_3100 = arith.select %ge3A_3099, %select_n3A_3065, %select_n3A_3069 : vector<16xi1>, vector<16xf32>
      %select_n3A_3101 = arith.select %ge3A_3099, %broadcast_in_dim3A_3087, %broadcast_in_dim3A_3089 : vector<16xi1>, vector<16xi32>
      %ge3A_3102 = arith.cmpf oge, %select_n3A_3091, %select_n3A_3094 : vector<16xf32>
      %select_n3A_3103 = arith.select %ge3A_3102, %select_n3A_3091, %select_n3A_3094 : vector<16xi1>, vector<16xf32>
      %select_n3A_3104 = arith.select %ge3A_3102, %select_n3A_3092, %select_n3A_3095 : vector<16xi1>, vector<16xi32>
      %ge3A_3105 = arith.cmpf oge, %select_n3A_3097, %select_n3A_3100 : vector<16xf32>
      %select_n3A_3106 = arith.select %ge3A_3105, %select_n3A_3097, %select_n3A_3100 : vector<16xi1>, vector<16xf32>
      %select_n3A_3107 = arith.select %ge3A_3105, %select_n3A_3098, %select_n3A_3101 : vector<16xi1>, vector<16xi32>
      %ge3A_3108 = arith.cmpf oge, %select_n3A_3103, %select_n3A_3106 : vector<16xf32>
      %select_n3A_3109 = arith.select %ge3A_3108, %select_n3A_3103, %select_n3A_3106 : vector<16xi1>, vector<16xf32>
      %select_n3A_3110 = arith.select %ge3A_3108, %select_n3A_3104, %select_n3A_3107 : vector<16xi1>, vector<16xi32>
      %mul3A_3111 = arith.constant 128 : i32
      %mul3A_3112 = vector.broadcast %mul3A_3111 : i32 to vector<16xi32>
      %mul3A_3113 = arith.muli %select_n3A_3110, %mul3A_3112 : vector<16xi32>
      %add3A_3114 = arith.addi %mul3A_3113, %iota3A : vector<16xi32>
      %add3A_3115 = arith.constant 0 : i32
      %add3A_3116 = vector.broadcast %add3A_3115 : i32 to vector<16xi32>
      %add3A_3117 = arith.addi %add3A_3114, %add3A_3116 : vector<16xi32>
      %gather3A_3118 = tpu.vector_load_idx %arg9[%add3A_3117] : memref<1024xf32, #tpu.memory_space<vmem>>[vector<16xi32>], vector<16xf32>,
      %add3A_3119 = arith.constant 16 : i32
      %add3A_3120 = vector.broadcast %add3A_3119 : i32 to vector<16xi32>
      %add3A_3121 = arith.addi %add3A_3114, %add3A_3120 : vector<16xi32>
      %gather3A_3122 = tpu.vector_load_idx %arg9[%add3A_3121] : memref<1024xf32, #tpu.memory_space<vmem>>[vector<16xi32>], vector<16xf32>,
      %add3A_3123 = arith.constant 32 : i32
      %add3A_3124 = vector.broadcast %add3A_3123 : i32 to vector<16xi32>
      %add3A_3125 = arith.addi %add3A_3114, %add3A_3124 : vector<16xi32>
      %gather3A_3126 = tpu.vector_load_idx %arg9[%add3A_3125] : memref<1024xf32, #tpu.memory_space<vmem>>[vector<16xi32>], vector<16xf32>,
      %add3A_3127 = arith.constant 48 : i32
      %add3A_3128 = vector.broadcast %add3A_3127 : i32 to vector<16xi32>
      %add3A_3129 = arith.addi %add3A_3114, %add3A_3128 : vector<16xi32>
      %gather3A_3130 = tpu.vector_load_idx %arg9[%add3A_3129] : memref<1024xf32, #tpu.memory_space<vmem>>[vector<16xi32>], vector<16xf32>,
      %add3A_3131 = arith.constant 64 : i32
      %add3A_3132 = vector.broadcast %add3A_3131 : i32 to vector<16xi32>
      %add3A_3133 = arith.addi %add3A_3114, %add3A_3132 : vector<16xi32>
      %gather3A_3134 = tpu.vector_load_idx %arg9[%add3A_3133] : memref<1024xf32, #tpu.memory_space<vmem>>[vector<16xi32>], vector<16xf32>,
      %add3A_3135 = arith.constant 80 : i32
      %add3A_3136 = vector.broadcast %add3A_3135 : i32 to vector<16xi32>
      %add3A_3137 = arith.addi %add3A_3114, %add3A_3136 : vector<16xi32>
      %gather3A_3138 = tpu.vector_load_idx %arg9[%add3A_3137] : memref<1024xf32, #tpu.memory_space<vmem>>[vector<16xi32>], vector<16xf32>,
      %add3A_3139 = arith.constant 96 : i32
      %add3A_3140 = vector.broadcast %add3A_3139 : i32 to vector<16xi32>
      %add3A_3141 = arith.addi %add3A_3114, %add3A_3140 : vector<16xi32>
      %gather3A_3142 = tpu.vector_load_idx %arg9[%add3A_3141] : memref<1024xf32, #tpu.memory_space<vmem>>[vector<16xi32>], vector<16xf32>,
      %add3A_3143 = arith.constant 112 : i32
      %add3A_3144 = vector.broadcast %add3A_3143 : i32 to vector<16xi32>
      %add3A_3145 = arith.addi %add3A_3114, %add3A_3144 : vector<16xi32>
      %gather3A_3146 = tpu.vector_load_idx %arg9[%add3A_3145] : memref<1024xf32, #tpu.memory_space<vmem>>[vector<16xi32>], vector<16xf32>,
      %eq3A_3147 = arith.cmpf oeq, %gather3A_3118, %select_n3A_3109 : vector<16xf32>
      %broadcast_in_dim3A_3148 = arith.constant 0 : i32
      %broadcast_in_dim3A_3149 = vector.broadcast %broadcast_in_dim3A_3148 : i32 to vector<16xi32>
      %select_n3A_3150 = arith.select %eq3A_3147, %broadcast_in_dim3A_3149, %broadcast_in_dim3A_9 : vector<16xi1>, vector<16xi32>
      %eq3A_3151 = arith.cmpf oeq, %gather3A_3122, %select_n3A_3109 : vector<16xf32>
      %broadcast_in_dim3A_3152 = arith.constant 1 : i32
      %broadcast_in_dim3A_3153 = vector.broadcast %broadcast_in_dim3A_3152 : i32 to vector<16xi32>
      %select_n3A_3154 = arith.select %eq3A_3151, %broadcast_in_dim3A_3153, %broadcast_in_dim3A_9 : vector<16xi1>, vector<16xi32>
      %eq3A_3155 = arith.cmpf oeq, %gather3A_3126, %select_n3A_3109 : vector<16xf32>
      %broadcast_in_dim3A_3156 = arith.constant 2 : i32
      %broadcast_in_dim3A_3157 = vector.broadcast %broadcast_in_dim3A_3156 : i32 to vector<16xi32>
      %select_n3A_3158 = arith.select %eq3A_3155, %broadcast_in_dim3A_3157, %broadcast_in_dim3A_9 : vector<16xi1>, vector<16xi32>
      %eq3A_3159 = arith.cmpf oeq, %gather3A_3130, %select_n3A_3109 : vector<16xf32>
      %broadcast_in_dim3A_3160 = arith.constant 3 : i32
      %broadcast_in_dim3A_3161 = vector.broadcast %broadcast_in_dim3A_3160 : i32 to vector<16xi32>
      %select_n3A_3162 = arith.select %eq3A_3159, %broadcast_in_dim3A_3161, %broadcast_in_dim3A_9 : vector<16xi1>, vector<16xi32>
      %eq3A_3163 = arith.cmpf oeq, %gather3A_3134, %select_n3A_3109 : vector<16xf32>
      %broadcast_in_dim3A_3164 = arith.constant 4 : i32
      %broadcast_in_dim3A_3165 = vector.broadcast %broadcast_in_dim3A_3164 : i32 to vector<16xi32>
      %select_n3A_3166 = arith.select %eq3A_3163, %broadcast_in_dim3A_3165, %broadcast_in_dim3A_9 : vector<16xi1>, vector<16xi32>
      %eq3A_3167 = arith.cmpf oeq, %gather3A_3138, %select_n3A_3109 : vector<16xf32>
      %broadcast_in_dim3A_3168 = arith.constant 5 : i32
      %broadcast_in_dim3A_3169 = vector.broadcast %broadcast_in_dim3A_3168 : i32 to vector<16xi32>
      %select_n3A_3170 = arith.select %eq3A_3167, %broadcast_in_dim3A_3169, %broadcast_in_dim3A_9 : vector<16xi1>, vector<16xi32>
      %eq3A_3171 = arith.cmpf oeq, %gather3A_3142, %select_n3A_3109 : vector<16xf32>
      %broadcast_in_dim3A_3172 = arith.constant 6 : i32
      %broadcast_in_dim3A_3173 = vector.broadcast %broadcast_in_dim3A_3172 : i32 to vector<16xi32>
      %select_n3A_3174 = arith.select %eq3A_3171, %broadcast_in_dim3A_3173, %broadcast_in_dim3A_9 : vector<16xi1>, vector<16xi32>
      %eq3A_3175 = arith.cmpf oeq, %gather3A_3146, %select_n3A_3109 : vector<16xf32>
      %broadcast_in_dim3A_3176 = arith.constant 7 : i32
      %broadcast_in_dim3A_3177 = vector.broadcast %broadcast_in_dim3A_3176 : i32 to vector<16xi32>
      %select_n3A_3178 = arith.select %eq3A_3175, %broadcast_in_dim3A_3177, %broadcast_in_dim3A_9 : vector<16xi1>, vector<16xi32>
      %min3A_3179 = arith.minsi %select_n3A_3150, %select_n3A_3154 : vector<16xi32>
      %min3A_3180 = arith.minsi %select_n3A_3158, %select_n3A_3162 : vector<16xi32>
      %min3A_3181 = arith.minsi %select_n3A_3166, %select_n3A_3170 : vector<16xi32>
      %min3A_3182 = arith.minsi %select_n3A_3174, %select_n3A_3178 : vector<16xi32>
      %min3A_3183 = arith.minsi %min3A_3179, %min3A_3180 : vector<16xi32>
      %min3A_3184 = arith.minsi %min3A_3181, %min3A_3182 : vector<16xi32>
      %min3A_3185 = arith.minsi %min3A_3183, %min3A_3184 : vector<16xi32>
      %mul3A_3186 = arith.constant 8 : i32
      %mul3A_3187 = vector.broadcast %mul3A_3186 : i32 to vector<16xi32>
      %mul3A_3188 = arith.muli %select_n3A_3110, %mul3A_3187 : vector<16xi32>
      %add3A_3189 = arith.addi %mul3A_3188, %min3A_3185 : vector<16xi32>
      %mul3A_3190 = arith.constant 16 : i32
      %mul3A_3191 = vector.broadcast %mul3A_3190 : i32 to vector<16xi32>
      %mul3A_3192 = arith.muli %min3A_3185, %mul3A_3191 : vector<16xi32>
      %add3A_3193 = arith.addi %add3A_3114, %mul3A_3192 : vector<16xi32>
      %gather3A_3194 = tpu.vector_load_idx %arg9[%add3A_3193] : memref<1024xf32, #tpu.memory_space<vmem>>[vector<16xi32>], vector<16xf32>,
      %gather3A_3195 = tpu.vector_load_idx %arg10[%add3A_3193] : memref<1024xf32, #tpu.memory_space<vmem>>[vector<16xi32>], vector<16xf32>,
      %sub3A_3196 = arith.subf %gather3A_3194, %gather3A_3195 : vector<16xf32>
      tpu.vector_store_idx %arg9[%add3A_3193], %broadcast_in_dim3A_5 : memref<1024xf32, #tpu.memory_space<vmem>>[vector<16xi32>], vector<16xf32>,
      %eq3A_3197 = arith.constant 0 : i32
      %eq3A_3198 = vector.broadcast %eq3A_3197 : i32 to vector<16xi32>
      %eq3A_3199 = arith.cmpi eq, %min3A_3185, %eq3A_3198 : vector<16xi32>
      %select_n3A_3200 = arith.select %eq3A_3199, %broadcast_in_dim3A_5, %gather3A_3118 : vector<16xi1>, vector<16xf32>
      %eq3A_3201 = arith.constant 1 : i32
      %eq3A_3202 = vector.broadcast %eq3A_3201 : i32 to vector<16xi32>
      %eq3A_3203 = arith.cmpi eq, %min3A_3185, %eq3A_3202 : vector<16xi32>
      %select_n3A_3204 = arith.select %eq3A_3203, %broadcast_in_dim3A_5, %gather3A_3122 : vector<16xi1>, vector<16xf32>
      %eq3A_3205 = arith.constant 2 : i32
      %eq3A_3206 = vector.broadcast %eq3A_3205 : i32 to vector<16xi32>
      %eq3A_3207 = arith.cmpi eq, %min3A_3185, %eq3A_3206 : vector<16xi32>
      %select_n3A_3208 = arith.select %eq3A_3207, %broadcast_in_dim3A_5, %gather3A_3126 : vector<16xi1>, vector<16xf32>
      %eq3A_3209 = arith.constant 3 : i32
      %eq3A_3210 = vector.broadcast %eq3A_3209 : i32 to vector<16xi32>
      %eq3A_3211 = arith.cmpi eq, %min3A_3185, %eq3A_3210 : vector<16xi32>
      %select_n3A_3212 = arith.select %eq3A_3211, %broadcast_in_dim3A_5, %gather3A_3130 : vector<16xi1>, vector<16xf32>
      %eq3A_3213 = arith.constant 4 : i32
      %eq3A_3214 = vector.broadcast %eq3A_3213 : i32 to vector<16xi32>
      %eq3A_3215 = arith.cmpi eq, %min3A_3185, %eq3A_3214 : vector<16xi32>
      %select_n3A_3216 = arith.select %eq3A_3215, %broadcast_in_dim3A_5, %gather3A_3134 : vector<16xi1>, vector<16xf32>
      %eq3A_3217 = arith.constant 5 : i32
      %eq3A_3218 = vector.broadcast %eq3A_3217 : i32 to vector<16xi32>
      %eq3A_3219 = arith.cmpi eq, %min3A_3185, %eq3A_3218 : vector<16xi32>
      %select_n3A_3220 = arith.select %eq3A_3219, %broadcast_in_dim3A_5, %gather3A_3138 : vector<16xi1>, vector<16xf32>
      %eq3A_3221 = arith.constant 6 : i32
      %eq3A_3222 = vector.broadcast %eq3A_3221 : i32 to vector<16xi32>
      %eq3A_3223 = arith.cmpi eq, %min3A_3185, %eq3A_3222 : vector<16xi32>
      %select_n3A_3224 = arith.select %eq3A_3223, %broadcast_in_dim3A_5, %gather3A_3142 : vector<16xi1>, vector<16xf32>
      %eq3A_3225 = arith.constant 7 : i32
      %eq3A_3226 = vector.broadcast %eq3A_3225 : i32 to vector<16xi32>
      %eq3A_3227 = arith.cmpi eq, %min3A_3185, %eq3A_3226 : vector<16xi32>
      %select_n3A_3228 = arith.select %eq3A_3227, %broadcast_in_dim3A_5, %gather3A_3146 : vector<16xi1>, vector<16xf32>
      %max3A_3229 = arith.maximumf %select_n3A_3200, %select_n3A_3204 : vector<16xf32>
      %max3A_3230 = arith.maximumf %select_n3A_3208, %select_n3A_3212 : vector<16xf32>
      %max3A_3231 = arith.maximumf %select_n3A_3216, %select_n3A_3220 : vector<16xf32>
      %max3A_3232 = arith.maximumf %select_n3A_3224, %select_n3A_3228 : vector<16xf32>
      %max3A_3233 = arith.maximumf %max3A_3229, %max3A_3230 : vector<16xf32>
      %max3A_3234 = arith.maximumf %max3A_3231, %max3A_3232 : vector<16xf32>
      %max3A_3235 = arith.maximumf %max3A_3233, %max3A_3234 : vector<16xf32>
      %eq3A_3236 = arith.constant 0 : i32
      %eq3A_3237 = vector.broadcast %eq3A_3236 : i32 to vector<16xi32>
      %eq3A_3238 = arith.cmpi eq, %select_n3A_3110, %eq3A_3237 : vector<16xi32>
      %select_n3A_3239 = arith.select %eq3A_3238, %max3A_3235, %select_n3A_3041 : vector<16xi1>, vector<16xf32>
      %eq3A_3240 = arith.constant 1 : i32
      %eq3A_3241 = vector.broadcast %eq3A_3240 : i32 to vector<16xi32>
      %eq3A_3242 = arith.cmpi eq, %select_n3A_3110, %eq3A_3241 : vector<16xi32>
      %select_n3A_3243 = arith.select %eq3A_3242, %max3A_3235, %select_n3A_3045 : vector<16xi1>, vector<16xf32>
      %eq3A_3244 = arith.constant 2 : i32
      %eq3A_3245 = vector.broadcast %eq3A_3244 : i32 to vector<16xi32>
      %eq3A_3246 = arith.cmpi eq, %select_n3A_3110, %eq3A_3245 : vector<16xi32>
      %select_n3A_3247 = arith.select %eq3A_3246, %max3A_3235, %select_n3A_3049 : vector<16xi1>, vector<16xf32>
      %eq3A_3248 = arith.constant 3 : i32
      %eq3A_3249 = vector.broadcast %eq3A_3248 : i32 to vector<16xi32>
      %eq3A_3250 = arith.cmpi eq, %select_n3A_3110, %eq3A_3249 : vector<16xi32>
      %select_n3A_3251 = arith.select %eq3A_3250, %max3A_3235, %select_n3A_3053 : vector<16xi1>, vector<16xf32>
      %eq3A_3252 = arith.constant 4 : i32
      %eq3A_3253 = vector.broadcast %eq3A_3252 : i32 to vector<16xi32>
      %eq3A_3254 = arith.cmpi eq, %select_n3A_3110, %eq3A_3253 : vector<16xi32>
      %select_n3A_3255 = arith.select %eq3A_3254, %max3A_3235, %select_n3A_3057 : vector<16xi1>, vector<16xf32>
      %eq3A_3256 = arith.constant 5 : i32
      %eq3A_3257 = vector.broadcast %eq3A_3256 : i32 to vector<16xi32>
      %eq3A_3258 = arith.cmpi eq, %select_n3A_3110, %eq3A_3257 : vector<16xi32>
      %select_n3A_3259 = arith.select %eq3A_3258, %max3A_3235, %select_n3A_3061 : vector<16xi1>, vector<16xf32>
      %eq3A_3260 = arith.constant 6 : i32
      %eq3A_3261 = vector.broadcast %eq3A_3260 : i32 to vector<16xi32>
      %eq3A_3262 = arith.cmpi eq, %select_n3A_3110, %eq3A_3261 : vector<16xi32>
      %select_n3A_3263 = arith.select %eq3A_3262, %max3A_3235, %select_n3A_3065 : vector<16xi1>, vector<16xf32>
      %eq3A_3264 = arith.constant 7 : i32
      %eq3A_3265 = vector.broadcast %eq3A_3264 : i32 to vector<16xi32>
      %eq3A_3266 = arith.cmpi eq, %select_n3A_3110, %eq3A_3265 : vector<16xi32>
      %select_n3A_3267 = arith.select %eq3A_3266, %max3A_3235, %select_n3A_3069 : vector<16xi1>, vector<16xf32>
      %swap3A_3268 = arith.constant 4 : i32
      %swap3A_3269 = arith.index_cast %swap3A_3268 : i32 to index
      %swap3A_3270 = arith.index_cast %mul3A_24 : i32 to index
      %swap3A_3271 = tpu.vector_load %arg11[%swap3A_3269, %swap3A_3270] {strides = array<i32>} : memref<8x512xi32, #tpu.memory_space<vmem>>, vector<16xi32>,
      tpu.vector_store %arg11[%swap3A_3269, %swap3A_3270], %add3A_3189 {strides = array<i32>} : memref<8x512xi32, #tpu.memory_space<vmem>>, vector<16xi32>,
      tpu.vector_store_idx %arg13[%add3A_3189], %broadcast_in_dim3A_3 {add = true} : memref<64xf32, #tpu.memory_space<vmem>>[vector<16xi32>], vector<16xf32>,
      %broadcast_in_dim3A_3272 = arith.constant 0 : i32
      %broadcast_in_dim3A_3273 = vector.broadcast %broadcast_in_dim3A_3272 : i32 to vector<16xi32>
      %broadcast_in_dim3A_3274 = arith.constant 1 : i32
      %broadcast_in_dim3A_3275 = vector.broadcast %broadcast_in_dim3A_3274 : i32 to vector<16xi32>
      %broadcast_in_dim3A_3276 = arith.constant 2 : i32
      %broadcast_in_dim3A_3277 = vector.broadcast %broadcast_in_dim3A_3276 : i32 to vector<16xi32>
      %broadcast_in_dim3A_3278 = arith.constant 3 : i32
      %broadcast_in_dim3A_3279 = vector.broadcast %broadcast_in_dim3A_3278 : i32 to vector<16xi32>
      %broadcast_in_dim3A_3280 = arith.constant 4 : i32
      %broadcast_in_dim3A_3281 = vector.broadcast %broadcast_in_dim3A_3280 : i32 to vector<16xi32>
      %broadcast_in_dim3A_3282 = arith.constant 5 : i32
      %broadcast_in_dim3A_3283 = vector.broadcast %broadcast_in_dim3A_3282 : i32 to vector<16xi32>
      %broadcast_in_dim3A_3284 = arith.constant 6 : i32
      %broadcast_in_dim3A_3285 = vector.broadcast %broadcast_in_dim3A_3284 : i32 to vector<16xi32>
      %broadcast_in_dim3A_3286 = arith.constant 7 : i32
      %broadcast_in_dim3A_3287 = vector.broadcast %broadcast_in_dim3A_3286 : i32 to vector<16xi32>
      %ge3A_3288 = arith.cmpf oge, %select_n3A_3239, %select_n3A_3243 : vector<16xf32>
      %select_n3A_3289 = arith.select %ge3A_3288, %select_n3A_3239, %select_n3A_3243 : vector<16xi1>, vector<16xf32>
      %select_n3A_3290 = arith.select %ge3A_3288, %broadcast_in_dim3A_3273, %broadcast_in_dim3A_3275 : vector<16xi1>, vector<16xi32>
      %ge3A_3291 = arith.cmpf oge, %select_n3A_3247, %select_n3A_3251 : vector<16xf32>
      %select_n3A_3292 = arith.select %ge3A_3291, %select_n3A_3247, %select_n3A_3251 : vector<16xi1>, vector<16xf32>
      %select_n3A_3293 = arith.select %ge3A_3291, %broadcast_in_dim3A_3277, %broadcast_in_dim3A_3279 : vector<16xi1>, vector<16xi32>
      %ge3A_3294 = arith.cmpf oge, %select_n3A_3255, %select_n3A_3259 : vector<16xf32>
      %select_n3A_3295 = arith.select %ge3A_3294, %select_n3A_3255, %select_n3A_3259 : vector<16xi1>, vector<16xf32>
      %select_n3A_3296 = arith.select %ge3A_3294, %broadcast_in_dim3A_3281, %broadcast_in_dim3A_3283 : vector<16xi1>, vector<16xi32>
      %ge3A_3297 = arith.cmpf oge, %select_n3A_3263, %select_n3A_3267 : vector<16xf32>
      %select_n3A_3298 = arith.select %ge3A_3297, %select_n3A_3263, %select_n3A_3267 : vector<16xi1>, vector<16xf32>
      %select_n3A_3299 = arith.select %ge3A_3297, %broadcast_in_dim3A_3285, %broadcast_in_dim3A_3287 : vector<16xi1>, vector<16xi32>
      %ge3A_3300 = arith.cmpf oge, %select_n3A_3289, %select_n3A_3292 : vector<16xf32>
      %select_n3A_3301 = arith.select %ge3A_3300, %select_n3A_3289, %select_n3A_3292 : vector<16xi1>, vector<16xf32>
      %select_n3A_3302 = arith.select %ge3A_3300, %select_n3A_3290, %select_n3A_3293 : vector<16xi1>, vector<16xi32>
      %ge3A_3303 = arith.cmpf oge, %select_n3A_3295, %select_n3A_3298 : vector<16xf32>
      %select_n3A_3304 = arith.select %ge3A_3303, %select_n3A_3295, %select_n3A_3298 : vector<16xi1>, vector<16xf32>
      %select_n3A_3305 = arith.select %ge3A_3303, %select_n3A_3296, %select_n3A_3299 : vector<16xi1>, vector<16xi32>
      %ge3A_3306 = arith.cmpf oge, %select_n3A_3301, %select_n3A_3304 : vector<16xf32>
      %select_n3A_3307 = arith.select %ge3A_3306, %select_n3A_3301, %select_n3A_3304 : vector<16xi1>, vector<16xf32>
      %select_n3A_3308 = arith.select %ge3A_3306, %select_n3A_3302, %select_n3A_3305 : vector<16xi1>, vector<16xi32>
      %mul3A_3309 = arith.constant 128 : i32
      %mul3A_3310 = vector.broadcast %mul3A_3309 : i32 to vector<16xi32>
      %mul3A_3311 = arith.muli %select_n3A_3308, %mul3A_3310 : vector<16xi32>
      %add3A_3312 = arith.addi %mul3A_3311, %iota3A : vector<16xi32>
      %add3A_3313 = arith.constant 0 : i32
      %add3A_3314 = vector.broadcast %add3A_3313 : i32 to vector<16xi32>
      %add3A_3315 = arith.addi %add3A_3312, %add3A_3314 : vector<16xi32>
      %gather3A_3316 = tpu.vector_load_idx %arg9[%add3A_3315] : memref<1024xf32, #tpu.memory_space<vmem>>[vector<16xi32>], vector<16xf32>,
      %add3A_3317 = arith.constant 16 : i32
      %add3A_3318 = vector.broadcast %add3A_3317 : i32 to vector<16xi32>
      %add3A_3319 = arith.addi %add3A_3312, %add3A_3318 : vector<16xi32>
      %gather3A_3320 = tpu.vector_load_idx %arg9[%add3A_3319] : memref<1024xf32, #tpu.memory_space<vmem>>[vector<16xi32>], vector<16xf32>,
      %add3A_3321 = arith.constant 32 : i32
      %add3A_3322 = vector.broadcast %add3A_3321 : i32 to vector<16xi32>
      %add3A_3323 = arith.addi %add3A_3312, %add3A_3322 : vector<16xi32>
      %gather3A_3324 = tpu.vector_load_idx %arg9[%add3A_3323] : memref<1024xf32, #tpu.memory_space<vmem>>[vector<16xi32>], vector<16xf32>,
      %add3A_3325 = arith.constant 48 : i32
      %add3A_3326 = vector.broadcast %add3A_3325 : i32 to vector<16xi32>
      %add3A_3327 = arith.addi %add3A_3312, %add3A_3326 : vector<16xi32>
      %gather3A_3328 = tpu.vector_load_idx %arg9[%add3A_3327] : memref<1024xf32, #tpu.memory_space<vmem>>[vector<16xi32>], vector<16xf32>,
      %add3A_3329 = arith.constant 64 : i32
      %add3A_3330 = vector.broadcast %add3A_3329 : i32 to vector<16xi32>
      %add3A_3331 = arith.addi %add3A_3312, %add3A_3330 : vector<16xi32>
      %gather3A_3332 = tpu.vector_load_idx %arg9[%add3A_3331] : memref<1024xf32, #tpu.memory_space<vmem>>[vector<16xi32>], vector<16xf32>,
      %add3A_3333 = arith.constant 80 : i32
      %add3A_3334 = vector.broadcast %add3A_3333 : i32 to vector<16xi32>
      %add3A_3335 = arith.addi %add3A_3312, %add3A_3334 : vector<16xi32>
      %gather3A_3336 = tpu.vector_load_idx %arg9[%add3A_3335] : memref<1024xf32, #tpu.memory_space<vmem>>[vector<16xi32>], vector<16xf32>,
      %add3A_3337 = arith.constant 96 : i32
      %add3A_3338 = vector.broadcast %add3A_3337 : i32 to vector<16xi32>
      %add3A_3339 = arith.addi %add3A_3312, %add3A_3338 : vector<16xi32>
      %gather3A_3340 = tpu.vector_load_idx %arg9[%add3A_3339] : memref<1024xf32, #tpu.memory_space<vmem>>[vector<16xi32>], vector<16xf32>,
      %add3A_3341 = arith.constant 112 : i32
      %add3A_3342 = vector.broadcast %add3A_3341 : i32 to vector<16xi32>
      %add3A_3343 = arith.addi %add3A_3312, %add3A_3342 : vector<16xi32>
      %gather3A_3344 = tpu.vector_load_idx %arg9[%add3A_3343] : memref<1024xf32, #tpu.memory_space<vmem>>[vector<16xi32>], vector<16xf32>,
      %eq3A_3345 = arith.cmpf oeq, %gather3A_3316, %select_n3A_3307 : vector<16xf32>
      %broadcast_in_dim3A_3346 = arith.constant 0 : i32
      %broadcast_in_dim3A_3347 = vector.broadcast %broadcast_in_dim3A_3346 : i32 to vector<16xi32>
      %select_n3A_3348 = arith.select %eq3A_3345, %broadcast_in_dim3A_3347, %broadcast_in_dim3A_9 : vector<16xi1>, vector<16xi32>
      %eq3A_3349 = arith.cmpf oeq, %gather3A_3320, %select_n3A_3307 : vector<16xf32>
      %broadcast_in_dim3A_3350 = arith.constant 1 : i32
      %broadcast_in_dim3A_3351 = vector.broadcast %broadcast_in_dim3A_3350 : i32 to vector<16xi32>
      %select_n3A_3352 = arith.select %eq3A_3349, %broadcast_in_dim3A_3351, %broadcast_in_dim3A_9 : vector<16xi1>, vector<16xi32>
      %eq3A_3353 = arith.cmpf oeq, %gather3A_3324, %select_n3A_3307 : vector<16xf32>
      %broadcast_in_dim3A_3354 = arith.constant 2 : i32
      %broadcast_in_dim3A_3355 = vector.broadcast %broadcast_in_dim3A_3354 : i32 to vector<16xi32>
      %select_n3A_3356 = arith.select %eq3A_3353, %broadcast_in_dim3A_3355, %broadcast_in_dim3A_9 : vector<16xi1>, vector<16xi32>
      %eq3A_3357 = arith.cmpf oeq, %gather3A_3328, %select_n3A_3307 : vector<16xf32>
      %broadcast_in_dim3A_3358 = arith.constant 3 : i32
      %broadcast_in_dim3A_3359 = vector.broadcast %broadcast_in_dim3A_3358 : i32 to vector<16xi32>
      %select_n3A_3360 = arith.select %eq3A_3357, %broadcast_in_dim3A_3359, %broadcast_in_dim3A_9 : vector<16xi1>, vector<16xi32>
      %eq3A_3361 = arith.cmpf oeq, %gather3A_3332, %select_n3A_3307 : vector<16xf32>
      %broadcast_in_dim3A_3362 = arith.constant 4 : i32
      %broadcast_in_dim3A_3363 = vector.broadcast %broadcast_in_dim3A_3362 : i32 to vector<16xi32>
      %select_n3A_3364 = arith.select %eq3A_3361, %broadcast_in_dim3A_3363, %broadcast_in_dim3A_9 : vector<16xi1>, vector<16xi32>
      %eq3A_3365 = arith.cmpf oeq, %gather3A_3336, %select_n3A_3307 : vector<16xf32>
      %broadcast_in_dim3A_3366 = arith.constant 5 : i32
      %broadcast_in_dim3A_3367 = vector.broadcast %broadcast_in_dim3A_3366 : i32 to vector<16xi32>
      %select_n3A_3368 = arith.select %eq3A_3365, %broadcast_in_dim3A_3367, %broadcast_in_dim3A_9 : vector<16xi1>, vector<16xi32>
      %eq3A_3369 = arith.cmpf oeq, %gather3A_3340, %select_n3A_3307 : vector<16xf32>
      %broadcast_in_dim3A_3370 = arith.constant 6 : i32
      %broadcast_in_dim3A_3371 = vector.broadcast %broadcast_in_dim3A_3370 : i32 to vector<16xi32>
      %select_n3A_3372 = arith.select %eq3A_3369, %broadcast_in_dim3A_3371, %broadcast_in_dim3A_9 : vector<16xi1>, vector<16xi32>
      %eq3A_3373 = arith.cmpf oeq, %gather3A_3344, %select_n3A_3307 : vector<16xf32>
      %broadcast_in_dim3A_3374 = arith.constant 7 : i32
      %broadcast_in_dim3A_3375 = vector.broadcast %broadcast_in_dim3A_3374 : i32 to vector<16xi32>
      %select_n3A_3376 = arith.select %eq3A_3373, %broadcast_in_dim3A_3375, %broadcast_in_dim3A_9 : vector<16xi1>, vector<16xi32>
      %min3A_3377 = arith.minsi %select_n3A_3348, %select_n3A_3352 : vector<16xi32>
      %min3A_3378 = arith.minsi %select_n3A_3356, %select_n3A_3360 : vector<16xi32>
      %min3A_3379 = arith.minsi %select_n3A_3364, %select_n3A_3368 : vector<16xi32>
      %min3A_3380 = arith.minsi %select_n3A_3372, %select_n3A_3376 : vector<16xi32>
      %min3A_3381 = arith.minsi %min3A_3377, %min3A_3378 : vector<16xi32>
      %min3A_3382 = arith.minsi %min3A_3379, %min3A_3380 : vector<16xi32>
      %min3A_3383 = arith.minsi %min3A_3381, %min3A_3382 : vector<16xi32>
      %mul3A_3384 = arith.constant 8 : i32
      %mul3A_3385 = vector.broadcast %mul3A_3384 : i32 to vector<16xi32>
      %mul3A_3386 = arith.muli %select_n3A_3308, %mul3A_3385 : vector<16xi32>
      %add3A_3387 = arith.addi %mul3A_3386, %min3A_3383 : vector<16xi32>
      %mul3A_3388 = arith.constant 16 : i32
      %mul3A_3389 = vector.broadcast %mul3A_3388 : i32 to vector<16xi32>
      %mul3A_3390 = arith.muli %min3A_3383, %mul3A_3389 : vector<16xi32>
      %add3A_3391 = arith.addi %add3A_3312, %mul3A_3390 : vector<16xi32>
      %gather3A_3392 = tpu.vector_load_idx %arg9[%add3A_3391] : memref<1024xf32, #tpu.memory_space<vmem>>[vector<16xi32>], vector<16xf32>,
      %gather3A_3393 = tpu.vector_load_idx %arg10[%add3A_3391] : memref<1024xf32, #tpu.memory_space<vmem>>[vector<16xi32>], vector<16xf32>,
      %sub3A_3394 = arith.subf %gather3A_3392, %gather3A_3393 : vector<16xf32>
      tpu.vector_store_idx %arg9[%add3A_3391], %broadcast_in_dim3A_5 : memref<1024xf32, #tpu.memory_space<vmem>>[vector<16xi32>], vector<16xf32>,
      %eq3A_3395 = arith.constant 0 : i32
      %eq3A_3396 = vector.broadcast %eq3A_3395 : i32 to vector<16xi32>
      %eq3A_3397 = arith.cmpi eq, %min3A_3383, %eq3A_3396 : vector<16xi32>
      %select_n3A_3398 = arith.select %eq3A_3397, %broadcast_in_dim3A_5, %gather3A_3316 : vector<16xi1>, vector<16xf32>
      %eq3A_3399 = arith.constant 1 : i32
      %eq3A_3400 = vector.broadcast %eq3A_3399 : i32 to vector<16xi32>
      %eq3A_3401 = arith.cmpi eq, %min3A_3383, %eq3A_3400 : vector<16xi32>
      %select_n3A_3402 = arith.select %eq3A_3401, %broadcast_in_dim3A_5, %gather3A_3320 : vector<16xi1>, vector<16xf32>
      %eq3A_3403 = arith.constant 2 : i32
      %eq3A_3404 = vector.broadcast %eq3A_3403 : i32 to vector<16xi32>
      %eq3A_3405 = arith.cmpi eq, %min3A_3383, %eq3A_3404 : vector<16xi32>
      %select_n3A_3406 = arith.select %eq3A_3405, %broadcast_in_dim3A_5, %gather3A_3324 : vector<16xi1>, vector<16xf32>
      %eq3A_3407 = arith.constant 3 : i32
      %eq3A_3408 = vector.broadcast %eq3A_3407 : i32 to vector<16xi32>
      %eq3A_3409 = arith.cmpi eq, %min3A_3383, %eq3A_3408 : vector<16xi32>
      %select_n3A_3410 = arith.select %eq3A_3409, %broadcast_in_dim3A_5, %gather3A_3328 : vector<16xi1>, vector<16xf32>
      %eq3A_3411 = arith.constant 4 : i32
      %eq3A_3412 = vector.broadcast %eq3A_3411 : i32 to vector<16xi32>
      %eq3A_3413 = arith.cmpi eq, %min3A_3383, %eq3A_3412 : vector<16xi32>
      %select_n3A_3414 = arith.select %eq3A_3413, %broadcast_in_dim3A_5, %gather3A_3332 : vector<16xi1>, vector<16xf32>
      %eq3A_3415 = arith.constant 5 : i32
      %eq3A_3416 = vector.broadcast %eq3A_3415 : i32 to vector<16xi32>
      %eq3A_3417 = arith.cmpi eq, %min3A_3383, %eq3A_3416 : vector<16xi32>
      %select_n3A_3418 = arith.select %eq3A_3417, %broadcast_in_dim3A_5, %gather3A_3336 : vector<16xi1>, vector<16xf32>
      %eq3A_3419 = arith.constant 6 : i32
      %eq3A_3420 = vector.broadcast %eq3A_3419 : i32 to vector<16xi32>
      %eq3A_3421 = arith.cmpi eq, %min3A_3383, %eq3A_3420 : vector<16xi32>
      %select_n3A_3422 = arith.select %eq3A_3421, %broadcast_in_dim3A_5, %gather3A_3340 : vector<16xi1>, vector<16xf32>
      %eq3A_3423 = arith.constant 7 : i32
      %eq3A_3424 = vector.broadcast %eq3A_3423 : i32 to vector<16xi32>
      %eq3A_3425 = arith.cmpi eq, %min3A_3383, %eq3A_3424 : vector<16xi32>
      %select_n3A_3426 = arith.select %eq3A_3425, %broadcast_in_dim3A_5, %gather3A_3344 : vector<16xi1>, vector<16xf32>
      %max3A_3427 = arith.maximumf %select_n3A_3398, %select_n3A_3402 : vector<16xf32>
      %max3A_3428 = arith.maximumf %select_n3A_3406, %select_n3A_3410 : vector<16xf32>
      %max3A_3429 = arith.maximumf %select_n3A_3414, %select_n3A_3418 : vector<16xf32>
      %max3A_3430 = arith.maximumf %select_n3A_3422, %select_n3A_3426 : vector<16xf32>
      %max3A_3431 = arith.maximumf %max3A_3427, %max3A_3428 : vector<16xf32>
      %max3A_3432 = arith.maximumf %max3A_3429, %max3A_3430 : vector<16xf32>
      %max3A_3433 = arith.maximumf %max3A_3431, %max3A_3432 : vector<16xf32>
      %eq3A_3434 = arith.constant 0 : i32
      %eq3A_3435 = vector.broadcast %eq3A_3434 : i32 to vector<16xi32>
      %eq3A_3436 = arith.cmpi eq, %select_n3A_3308, %eq3A_3435 : vector<16xi32>
      %select_n3A_3437 = arith.select %eq3A_3436, %max3A_3433, %select_n3A_3239 : vector<16xi1>, vector<16xf32>
      %eq3A_3438 = arith.constant 1 : i32
      %eq3A_3439 = vector.broadcast %eq3A_3438 : i32 to vector<16xi32>
      %eq3A_3440 = arith.cmpi eq, %select_n3A_3308, %eq3A_3439 : vector<16xi32>
      %select_n3A_3441 = arith.select %eq3A_3440, %max3A_3433, %select_n3A_3243 : vector<16xi1>, vector<16xf32>
      %eq3A_3442 = arith.constant 2 : i32
      %eq3A_3443 = vector.broadcast %eq3A_3442 : i32 to vector<16xi32>
      %eq3A_3444 = arith.cmpi eq, %select_n3A_3308, %eq3A_3443 : vector<16xi32>
      %select_n3A_3445 = arith.select %eq3A_3444, %max3A_3433, %select_n3A_3247 : vector<16xi1>, vector<16xf32>
      %eq3A_3446 = arith.constant 3 : i32
      %eq3A_3447 = vector.broadcast %eq3A_3446 : i32 to vector<16xi32>
      %eq3A_3448 = arith.cmpi eq, %select_n3A_3308, %eq3A_3447 : vector<16xi32>
      %select_n3A_3449 = arith.select %eq3A_3448, %max3A_3433, %select_n3A_3251 : vector<16xi1>, vector<16xf32>
      %eq3A_3450 = arith.constant 4 : i32
      %eq3A_3451 = vector.broadcast %eq3A_3450 : i32 to vector<16xi32>
      %eq3A_3452 = arith.cmpi eq, %select_n3A_3308, %eq3A_3451 : vector<16xi32>
      %select_n3A_3453 = arith.select %eq3A_3452, %max3A_3433, %select_n3A_3255 : vector<16xi1>, vector<16xf32>
      %eq3A_3454 = arith.constant 5 : i32
      %eq3A_3455 = vector.broadcast %eq3A_3454 : i32 to vector<16xi32>
      %eq3A_3456 = arith.cmpi eq, %select_n3A_3308, %eq3A_3455 : vector<16xi32>
      %select_n3A_3457 = arith.select %eq3A_3456, %max3A_3433, %select_n3A_3259 : vector<16xi1>, vector<16xf32>
      %eq3A_3458 = arith.constant 6 : i32
      %eq3A_3459 = vector.broadcast %eq3A_3458 : i32 to vector<16xi32>
      %eq3A_3460 = arith.cmpi eq, %select_n3A_3308, %eq3A_3459 : vector<16xi32>
      %select_n3A_3461 = arith.select %eq3A_3460, %max3A_3433, %select_n3A_3263 : vector<16xi1>, vector<16xf32>
      %eq3A_3462 = arith.constant 7 : i32
      %eq3A_3463 = vector.broadcast %eq3A_3462 : i32 to vector<16xi32>
      %eq3A_3464 = arith.cmpi eq, %select_n3A_3308, %eq3A_3463 : vector<16xi32>
      %select_n3A_3465 = arith.select %eq3A_3464, %max3A_3433, %select_n3A_3267 : vector<16xi1>, vector<16xf32>
      %swap3A_3466 = arith.constant 5 : i32
      %swap3A_3467 = arith.index_cast %swap3A_3466 : i32 to index
      %swap3A_3468 = arith.index_cast %mul3A_24 : i32 to index
      %swap3A_3469 = tpu.vector_load %arg11[%swap3A_3467, %swap3A_3468] {strides = array<i32>} : memref<8x512xi32, #tpu.memory_space<vmem>>, vector<16xi32>,
      tpu.vector_store %arg11[%swap3A_3467, %swap3A_3468], %add3A_3387 {strides = array<i32>} : memref<8x512xi32, #tpu.memory_space<vmem>>, vector<16xi32>,
      tpu.vector_store_idx %arg13[%add3A_3387], %broadcast_in_dim3A_3 {add = true} : memref<64xf32, #tpu.memory_space<vmem>>[vector<16xi32>], vector<16xf32>,
      %broadcast_in_dim3A_3470 = arith.constant 0 : i32
      %broadcast_in_dim3A_3471 = vector.broadcast %broadcast_in_dim3A_3470 : i32 to vector<16xi32>
      %broadcast_in_dim3A_3472 = arith.constant 1 : i32
      %broadcast_in_dim3A_3473 = vector.broadcast %broadcast_in_dim3A_3472 : i32 to vector<16xi32>
      %broadcast_in_dim3A_3474 = arith.constant 2 : i32
      %broadcast_in_dim3A_3475 = vector.broadcast %broadcast_in_dim3A_3474 : i32 to vector<16xi32>
      %broadcast_in_dim3A_3476 = arith.constant 3 : i32
      %broadcast_in_dim3A_3477 = vector.broadcast %broadcast_in_dim3A_3476 : i32 to vector<16xi32>
      %broadcast_in_dim3A_3478 = arith.constant 4 : i32
      %broadcast_in_dim3A_3479 = vector.broadcast %broadcast_in_dim3A_3478 : i32 to vector<16xi32>
      %broadcast_in_dim3A_3480 = arith.constant 5 : i32
      %broadcast_in_dim3A_3481 = vector.broadcast %broadcast_in_dim3A_3480 : i32 to vector<16xi32>
      %broadcast_in_dim3A_3482 = arith.constant 6 : i32
      %broadcast_in_dim3A_3483 = vector.broadcast %broadcast_in_dim3A_3482 : i32 to vector<16xi32>
      %broadcast_in_dim3A_3484 = arith.constant 7 : i32
      %broadcast_in_dim3A_3485 = vector.broadcast %broadcast_in_dim3A_3484 : i32 to vector<16xi32>
      %ge3A_3486 = arith.cmpf oge, %select_n3A_3437, %select_n3A_3441 : vector<16xf32>
      %select_n3A_3487 = arith.select %ge3A_3486, %select_n3A_3437, %select_n3A_3441 : vector<16xi1>, vector<16xf32>
      %select_n3A_3488 = arith.select %ge3A_3486, %broadcast_in_dim3A_3471, %broadcast_in_dim3A_3473 : vector<16xi1>, vector<16xi32>
      %ge3A_3489 = arith.cmpf oge, %select_n3A_3445, %select_n3A_3449 : vector<16xf32>
      %select_n3A_3490 = arith.select %ge3A_3489, %select_n3A_3445, %select_n3A_3449 : vector<16xi1>, vector<16xf32>
      %select_n3A_3491 = arith.select %ge3A_3489, %broadcast_in_dim3A_3475, %broadcast_in_dim3A_3477 : vector<16xi1>, vector<16xi32>
      %ge3A_3492 = arith.cmpf oge, %select_n3A_3453, %select_n3A_3457 : vector<16xf32>
      %select_n3A_3493 = arith.select %ge3A_3492, %select_n3A_3453, %select_n3A_3457 : vector<16xi1>, vector<16xf32>
      %select_n3A_3494 = arith.select %ge3A_3492, %broadcast_in_dim3A_3479, %broadcast_in_dim3A_3481 : vector<16xi1>, vector<16xi32>
      %ge3A_3495 = arith.cmpf oge, %select_n3A_3461, %select_n3A_3465 : vector<16xf32>
      %select_n3A_3496 = arith.select %ge3A_3495, %select_n3A_3461, %select_n3A_3465 : vector<16xi1>, vector<16xf32>
      %select_n3A_3497 = arith.select %ge3A_3495, %broadcast_in_dim3A_3483, %broadcast_in_dim3A_3485 : vector<16xi1>, vector<16xi32>
      %ge3A_3498 = arith.cmpf oge, %select_n3A_3487, %select_n3A_3490 : vector<16xf32>
      %select_n3A_3499 = arith.select %ge3A_3498, %select_n3A_3487, %select_n3A_3490 : vector<16xi1>, vector<16xf32>
      %select_n3A_3500 = arith.select %ge3A_3498, %select_n3A_3488, %select_n3A_3491 : vector<16xi1>, vector<16xi32>
      %ge3A_3501 = arith.cmpf oge, %select_n3A_3493, %select_n3A_3496 : vector<16xf32>
      %select_n3A_3502 = arith.select %ge3A_3501, %select_n3A_3493, %select_n3A_3496 : vector<16xi1>, vector<16xf32>
      %select_n3A_3503 = arith.select %ge3A_3501, %select_n3A_3494, %select_n3A_3497 : vector<16xi1>, vector<16xi32>
      %ge3A_3504 = arith.cmpf oge, %select_n3A_3499, %select_n3A_3502 : vector<16xf32>
      %select_n3A_3505 = arith.select %ge3A_3504, %select_n3A_3499, %select_n3A_3502 : vector<16xi1>, vector<16xf32>
      %select_n3A_3506 = arith.select %ge3A_3504, %select_n3A_3500, %select_n3A_3503 : vector<16xi1>, vector<16xi32>
      %mul3A_3507 = arith.constant 128 : i32
      %mul3A_3508 = vector.broadcast %mul3A_3507 : i32 to vector<16xi32>
      %mul3A_3509 = arith.muli %select_n3A_3506, %mul3A_3508 : vector<16xi32>
      %add3A_3510 = arith.addi %mul3A_3509, %iota3A : vector<16xi32>
      %add3A_3511 = arith.constant 0 : i32
      %add3A_3512 = vector.broadcast %add3A_3511 : i32 to vector<16xi32>
      %add3A_3513 = arith.addi %add3A_3510, %add3A_3512 : vector<16xi32>
      %gather3A_3514 = tpu.vector_load_idx %arg9[%add3A_3513] : memref<1024xf32, #tpu.memory_space<vmem>>[vector<16xi32>], vector<16xf32>,
      %add3A_3515 = arith.constant 16 : i32
      %add3A_3516 = vector.broadcast %add3A_3515 : i32 to vector<16xi32>
      %add3A_3517 = arith.addi %add3A_3510, %add3A_3516 : vector<16xi32>
      %gather3A_3518 = tpu.vector_load_idx %arg9[%add3A_3517] : memref<1024xf32, #tpu.memory_space<vmem>>[vector<16xi32>], vector<16xf32>,
      %add3A_3519 = arith.constant 32 : i32
      %add3A_3520 = vector.broadcast %add3A_3519 : i32 to vector<16xi32>
      %add3A_3521 = arith.addi %add3A_3510, %add3A_3520 : vector<16xi32>
      %gather3A_3522 = tpu.vector_load_idx %arg9[%add3A_3521] : memref<1024xf32, #tpu.memory_space<vmem>>[vector<16xi32>], vector<16xf32>,
      %add3A_3523 = arith.constant 48 : i32
      %add3A_3524 = vector.broadcast %add3A_3523 : i32 to vector<16xi32>
      %add3A_3525 = arith.addi %add3A_3510, %add3A_3524 : vector<16xi32>
      %gather3A_3526 = tpu.vector_load_idx %arg9[%add3A_3525] : memref<1024xf32, #tpu.memory_space<vmem>>[vector<16xi32>], vector<16xf32>,
      %add3A_3527 = arith.constant 64 : i32
      %add3A_3528 = vector.broadcast %add3A_3527 : i32 to vector<16xi32>
      %add3A_3529 = arith.addi %add3A_3510, %add3A_3528 : vector<16xi32>
      %gather3A_3530 = tpu.vector_load_idx %arg9[%add3A_3529] : memref<1024xf32, #tpu.memory_space<vmem>>[vector<16xi32>], vector<16xf32>,
      %add3A_3531 = arith.constant 80 : i32
      %add3A_3532 = vector.broadcast %add3A_3531 : i32 to vector<16xi32>
      %add3A_3533 = arith.addi %add3A_3510, %add3A_3532 : vector<16xi32>
      %gather3A_3534 = tpu.vector_load_idx %arg9[%add3A_3533] : memref<1024xf32, #tpu.memory_space<vmem>>[vector<16xi32>], vector<16xf32>,
      %add3A_3535 = arith.constant 96 : i32
      %add3A_3536 = vector.broadcast %add3A_3535 : i32 to vector<16xi32>
      %add3A_3537 = arith.addi %add3A_3510, %add3A_3536 : vector<16xi32>
      %gather3A_3538 = tpu.vector_load_idx %arg9[%add3A_3537] : memref<1024xf32, #tpu.memory_space<vmem>>[vector<16xi32>], vector<16xf32>,
      %add3A_3539 = arith.constant 112 : i32
      %add3A_3540 = vector.broadcast %add3A_3539 : i32 to vector<16xi32>
      %add3A_3541 = arith.addi %add3A_3510, %add3A_3540 : vector<16xi32>
      %gather3A_3542 = tpu.vector_load_idx %arg9[%add3A_3541] : memref<1024xf32, #tpu.memory_space<vmem>>[vector<16xi32>], vector<16xf32>,
      %eq3A_3543 = arith.cmpf oeq, %gather3A_3514, %select_n3A_3505 : vector<16xf32>
      %broadcast_in_dim3A_3544 = arith.constant 0 : i32
      %broadcast_in_dim3A_3545 = vector.broadcast %broadcast_in_dim3A_3544 : i32 to vector<16xi32>
      %select_n3A_3546 = arith.select %eq3A_3543, %broadcast_in_dim3A_3545, %broadcast_in_dim3A_9 : vector<16xi1>, vector<16xi32>
      %eq3A_3547 = arith.cmpf oeq, %gather3A_3518, %select_n3A_3505 : vector<16xf32>
      %broadcast_in_dim3A_3548 = arith.constant 1 : i32
      %broadcast_in_dim3A_3549 = vector.broadcast %broadcast_in_dim3A_3548 : i32 to vector<16xi32>
      %select_n3A_3550 = arith.select %eq3A_3547, %broadcast_in_dim3A_3549, %broadcast_in_dim3A_9 : vector<16xi1>, vector<16xi32>
      %eq3A_3551 = arith.cmpf oeq, %gather3A_3522, %select_n3A_3505 : vector<16xf32>
      %broadcast_in_dim3A_3552 = arith.constant 2 : i32
      %broadcast_in_dim3A_3553 = vector.broadcast %broadcast_in_dim3A_3552 : i32 to vector<16xi32>
      %select_n3A_3554 = arith.select %eq3A_3551, %broadcast_in_dim3A_3553, %broadcast_in_dim3A_9 : vector<16xi1>, vector<16xi32>
      %eq3A_3555 = arith.cmpf oeq, %gather3A_3526, %select_n3A_3505 : vector<16xf32>
      %broadcast_in_dim3A_3556 = arith.constant 3 : i32
      %broadcast_in_dim3A_3557 = vector.broadcast %broadcast_in_dim3A_3556 : i32 to vector<16xi32>
      %select_n3A_3558 = arith.select %eq3A_3555, %broadcast_in_dim3A_3557, %broadcast_in_dim3A_9 : vector<16xi1>, vector<16xi32>
      %eq3A_3559 = arith.cmpf oeq, %gather3A_3530, %select_n3A_3505 : vector<16xf32>
      %broadcast_in_dim3A_3560 = arith.constant 4 : i32
      %broadcast_in_dim3A_3561 = vector.broadcast %broadcast_in_dim3A_3560 : i32 to vector<16xi32>
      %select_n3A_3562 = arith.select %eq3A_3559, %broadcast_in_dim3A_3561, %broadcast_in_dim3A_9 : vector<16xi1>, vector<16xi32>
      %eq3A_3563 = arith.cmpf oeq, %gather3A_3534, %select_n3A_3505 : vector<16xf32>
      %broadcast_in_dim3A_3564 = arith.constant 5 : i32
      %broadcast_in_dim3A_3565 = vector.broadcast %broadcast_in_dim3A_3564 : i32 to vector<16xi32>
      %select_n3A_3566 = arith.select %eq3A_3563, %broadcast_in_dim3A_3565, %broadcast_in_dim3A_9 : vector<16xi1>, vector<16xi32>
      %eq3A_3567 = arith.cmpf oeq, %gather3A_3538, %select_n3A_3505 : vector<16xf32>
      %broadcast_in_dim3A_3568 = arith.constant 6 : i32
      %broadcast_in_dim3A_3569 = vector.broadcast %broadcast_in_dim3A_3568 : i32 to vector<16xi32>
      %select_n3A_3570 = arith.select %eq3A_3567, %broadcast_in_dim3A_3569, %broadcast_in_dim3A_9 : vector<16xi1>, vector<16xi32>
      %eq3A_3571 = arith.cmpf oeq, %gather3A_3542, %select_n3A_3505 : vector<16xf32>
      %broadcast_in_dim3A_3572 = arith.constant 7 : i32
      %broadcast_in_dim3A_3573 = vector.broadcast %broadcast_in_dim3A_3572 : i32 to vector<16xi32>
      %select_n3A_3574 = arith.select %eq3A_3571, %broadcast_in_dim3A_3573, %broadcast_in_dim3A_9 : vector<16xi1>, vector<16xi32>
      %min3A_3575 = arith.minsi %select_n3A_3546, %select_n3A_3550 : vector<16xi32>
      %min3A_3576 = arith.minsi %select_n3A_3554, %select_n3A_3558 : vector<16xi32>
      %min3A_3577 = arith.minsi %select_n3A_3562, %select_n3A_3566 : vector<16xi32>
      %min3A_3578 = arith.minsi %select_n3A_3570, %select_n3A_3574 : vector<16xi32>
      %min3A_3579 = arith.minsi %min3A_3575, %min3A_3576 : vector<16xi32>
      %min3A_3580 = arith.minsi %min3A_3577, %min3A_3578 : vector<16xi32>
      %min3A_3581 = arith.minsi %min3A_3579, %min3A_3580 : vector<16xi32>
      %mul3A_3582 = arith.constant 8 : i32
      %mul3A_3583 = vector.broadcast %mul3A_3582 : i32 to vector<16xi32>
      %mul3A_3584 = arith.muli %select_n3A_3506, %mul3A_3583 : vector<16xi32>
      %add3A_3585 = arith.addi %mul3A_3584, %min3A_3581 : vector<16xi32>
      %mul3A_3586 = arith.constant 16 : i32
      %mul3A_3587 = vector.broadcast %mul3A_3586 : i32 to vector<16xi32>
      %mul3A_3588 = arith.muli %min3A_3581, %mul3A_3587 : vector<16xi32>
      %add3A_3589 = arith.addi %add3A_3510, %mul3A_3588 : vector<16xi32>
      %gather3A_3590 = tpu.vector_load_idx %arg9[%add3A_3589] : memref<1024xf32, #tpu.memory_space<vmem>>[vector<16xi32>], vector<16xf32>,
      %gather3A_3591 = tpu.vector_load_idx %arg10[%add3A_3589] : memref<1024xf32, #tpu.memory_space<vmem>>[vector<16xi32>], vector<16xf32>,
      %sub3A_3592 = arith.subf %gather3A_3590, %gather3A_3591 : vector<16xf32>
      tpu.vector_store_idx %arg9[%add3A_3589], %broadcast_in_dim3A_5 : memref<1024xf32, #tpu.memory_space<vmem>>[vector<16xi32>], vector<16xf32>,
      %eq3A_3593 = arith.constant 0 : i32
      %eq3A_3594 = vector.broadcast %eq3A_3593 : i32 to vector<16xi32>
      %eq3A_3595 = arith.cmpi eq, %min3A_3581, %eq3A_3594 : vector<16xi32>
      %select_n3A_3596 = arith.select %eq3A_3595, %broadcast_in_dim3A_5, %gather3A_3514 : vector<16xi1>, vector<16xf32>
      %eq3A_3597 = arith.constant 1 : i32
      %eq3A_3598 = vector.broadcast %eq3A_3597 : i32 to vector<16xi32>
      %eq3A_3599 = arith.cmpi eq, %min3A_3581, %eq3A_3598 : vector<16xi32>
      %select_n3A_3600 = arith.select %eq3A_3599, %broadcast_in_dim3A_5, %gather3A_3518 : vector<16xi1>, vector<16xf32>
      %eq3A_3601 = arith.constant 2 : i32
      %eq3A_3602 = vector.broadcast %eq3A_3601 : i32 to vector<16xi32>
      %eq3A_3603 = arith.cmpi eq, %min3A_3581, %eq3A_3602 : vector<16xi32>
      %select_n3A_3604 = arith.select %eq3A_3603, %broadcast_in_dim3A_5, %gather3A_3522 : vector<16xi1>, vector<16xf32>
      %eq3A_3605 = arith.constant 3 : i32
      %eq3A_3606 = vector.broadcast %eq3A_3605 : i32 to vector<16xi32>
      %eq3A_3607 = arith.cmpi eq, %min3A_3581, %eq3A_3606 : vector<16xi32>
      %select_n3A_3608 = arith.select %eq3A_3607, %broadcast_in_dim3A_5, %gather3A_3526 : vector<16xi1>, vector<16xf32>
      %eq3A_3609 = arith.constant 4 : i32
      %eq3A_3610 = vector.broadcast %eq3A_3609 : i32 to vector<16xi32>
      %eq3A_3611 = arith.cmpi eq, %min3A_3581, %eq3A_3610 : vector<16xi32>
      %select_n3A_3612 = arith.select %eq3A_3611, %broadcast_in_dim3A_5, %gather3A_3530 : vector<16xi1>, vector<16xf32>
      %eq3A_3613 = arith.constant 5 : i32
      %eq3A_3614 = vector.broadcast %eq3A_3613 : i32 to vector<16xi32>
      %eq3A_3615 = arith.cmpi eq, %min3A_3581, %eq3A_3614 : vector<16xi32>
      %select_n3A_3616 = arith.select %eq3A_3615, %broadcast_in_dim3A_5, %gather3A_3534 : vector<16xi1>, vector<16xf32>
      %eq3A_3617 = arith.constant 6 : i32
      %eq3A_3618 = vector.broadcast %eq3A_3617 : i32 to vector<16xi32>
      %eq3A_3619 = arith.cmpi eq, %min3A_3581, %eq3A_3618 : vector<16xi32>
      %select_n3A_3620 = arith.select %eq3A_3619, %broadcast_in_dim3A_5, %gather3A_3538 : vector<16xi1>, vector<16xf32>
      %eq3A_3621 = arith.constant 7 : i32
      %eq3A_3622 = vector.broadcast %eq3A_3621 : i32 to vector<16xi32>
      %eq3A_3623 = arith.cmpi eq, %min3A_3581, %eq3A_3622 : vector<16xi32>
      %select_n3A_3624 = arith.select %eq3A_3623, %broadcast_in_dim3A_5, %gather3A_3542 : vector<16xi1>, vector<16xf32>
      %max3A_3625 = arith.maximumf %select_n3A_3596, %select_n3A_3600 : vector<16xf32>
      %max3A_3626 = arith.maximumf %select_n3A_3604, %select_n3A_3608 : vector<16xf32>
      %max3A_3627 = arith.maximumf %select_n3A_3612, %select_n3A_3616 : vector<16xf32>
      %max3A_3628 = arith.maximumf %select_n3A_3620, %select_n3A_3624 : vector<16xf32>
      %max3A_3629 = arith.maximumf %max3A_3625, %max3A_3626 : vector<16xf32>
      %max3A_3630 = arith.maximumf %max3A_3627, %max3A_3628 : vector<16xf32>
      %max3A_3631 = arith.maximumf %max3A_3629, %max3A_3630 : vector<16xf32>
      %eq3A_3632 = arith.constant 0 : i32
      %eq3A_3633 = vector.broadcast %eq3A_3632 : i32 to vector<16xi32>
      %eq3A_3634 = arith.cmpi eq, %select_n3A_3506, %eq3A_3633 : vector<16xi32>
      %select_n3A_3635 = arith.select %eq3A_3634, %max3A_3631, %select_n3A_3437 : vector<16xi1>, vector<16xf32>
      %eq3A_3636 = arith.constant 1 : i32
      %eq3A_3637 = vector.broadcast %eq3A_3636 : i32 to vector<16xi32>
      %eq3A_3638 = arith.cmpi eq, %select_n3A_3506, %eq3A_3637 : vector<16xi32>
      %select_n3A_3639 = arith.select %eq3A_3638, %max3A_3631, %select_n3A_3441 : vector<16xi1>, vector<16xf32>
      %eq3A_3640 = arith.constant 2 : i32
      %eq3A_3641 = vector.broadcast %eq3A_3640 : i32 to vector<16xi32>
      %eq3A_3642 = arith.cmpi eq, %select_n3A_3506, %eq3A_3641 : vector<16xi32>
      %select_n3A_3643 = arith.select %eq3A_3642, %max3A_3631, %select_n3A_3445 : vector<16xi1>, vector<16xf32>
      %eq3A_3644 = arith.constant 3 : i32
      %eq3A_3645 = vector.broadcast %eq3A_3644 : i32 to vector<16xi32>
      %eq3A_3646 = arith.cmpi eq, %select_n3A_3506, %eq3A_3645 : vector<16xi32>
      %select_n3A_3647 = arith.select %eq3A_3646, %max3A_3631, %select_n3A_3449 : vector<16xi1>, vector<16xf32>
      %eq3A_3648 = arith.constant 4 : i32
      %eq3A_3649 = vector.broadcast %eq3A_3648 : i32 to vector<16xi32>
      %eq3A_3650 = arith.cmpi eq, %select_n3A_3506, %eq3A_3649 : vector<16xi32>
      %select_n3A_3651 = arith.select %eq3A_3650, %max3A_3631, %select_n3A_3453 : vector<16xi1>, vector<16xf32>
      %eq3A_3652 = arith.constant 5 : i32
      %eq3A_3653 = vector.broadcast %eq3A_3652 : i32 to vector<16xi32>
      %eq3A_3654 = arith.cmpi eq, %select_n3A_3506, %eq3A_3653 : vector<16xi32>
      %select_n3A_3655 = arith.select %eq3A_3654, %max3A_3631, %select_n3A_3457 : vector<16xi1>, vector<16xf32>
      %eq3A_3656 = arith.constant 6 : i32
      %eq3A_3657 = vector.broadcast %eq3A_3656 : i32 to vector<16xi32>
      %eq3A_3658 = arith.cmpi eq, %select_n3A_3506, %eq3A_3657 : vector<16xi32>
      %select_n3A_3659 = arith.select %eq3A_3658, %max3A_3631, %select_n3A_3461 : vector<16xi1>, vector<16xf32>
      %eq3A_3660 = arith.constant 7 : i32
      %eq3A_3661 = vector.broadcast %eq3A_3660 : i32 to vector<16xi32>
      %eq3A_3662 = arith.cmpi eq, %select_n3A_3506, %eq3A_3661 : vector<16xi32>
      %select_n3A_3663 = arith.select %eq3A_3662, %max3A_3631, %select_n3A_3465 : vector<16xi1>, vector<16xf32>
      %swap3A_3664 = arith.constant 6 : i32
      %swap3A_3665 = arith.index_cast %swap3A_3664 : i32 to index
      %swap3A_3666 = arith.index_cast %mul3A_24 : i32 to index
      %swap3A_3667 = tpu.vector_load %arg11[%swap3A_3665, %swap3A_3666] {strides = array<i32>} : memref<8x512xi32, #tpu.memory_space<vmem>>, vector<16xi32>,
      tpu.vector_store %arg11[%swap3A_3665, %swap3A_3666], %add3A_3585 {strides = array<i32>} : memref<8x512xi32, #tpu.memory_space<vmem>>, vector<16xi32>,
      tpu.vector_store_idx %arg13[%add3A_3585], %broadcast_in_dim3A_3 {add = true} : memref<64xf32, #tpu.memory_space<vmem>>[vector<16xi32>], vector<16xf32>,
      %broadcast_in_dim3A_3668 = arith.constant 0 : i32
      %broadcast_in_dim3A_3669 = vector.broadcast %broadcast_in_dim3A_3668 : i32 to vector<16xi32>
      %broadcast_in_dim3A_3670 = arith.constant 1 : i32
      %broadcast_in_dim3A_3671 = vector.broadcast %broadcast_in_dim3A_3670 : i32 to vector<16xi32>
      %broadcast_in_dim3A_3672 = arith.constant 2 : i32
      %broadcast_in_dim3A_3673 = vector.broadcast %broadcast_in_dim3A_3672 : i32 to vector<16xi32>
      %broadcast_in_dim3A_3674 = arith.constant 3 : i32
      %broadcast_in_dim3A_3675 = vector.broadcast %broadcast_in_dim3A_3674 : i32 to vector<16xi32>
      %broadcast_in_dim3A_3676 = arith.constant 4 : i32
      %broadcast_in_dim3A_3677 = vector.broadcast %broadcast_in_dim3A_3676 : i32 to vector<16xi32>
      %broadcast_in_dim3A_3678 = arith.constant 5 : i32
      %broadcast_in_dim3A_3679 = vector.broadcast %broadcast_in_dim3A_3678 : i32 to vector<16xi32>
      %broadcast_in_dim3A_3680 = arith.constant 6 : i32
      %broadcast_in_dim3A_3681 = vector.broadcast %broadcast_in_dim3A_3680 : i32 to vector<16xi32>
      %broadcast_in_dim3A_3682 = arith.constant 7 : i32
      %broadcast_in_dim3A_3683 = vector.broadcast %broadcast_in_dim3A_3682 : i32 to vector<16xi32>
      %ge3A_3684 = arith.cmpf oge, %select_n3A_3635, %select_n3A_3639 : vector<16xf32>
      %select_n3A_3685 = arith.select %ge3A_3684, %select_n3A_3635, %select_n3A_3639 : vector<16xi1>, vector<16xf32>
      %select_n3A_3686 = arith.select %ge3A_3684, %broadcast_in_dim3A_3669, %broadcast_in_dim3A_3671 : vector<16xi1>, vector<16xi32>
      %ge3A_3687 = arith.cmpf oge, %select_n3A_3643, %select_n3A_3647 : vector<16xf32>
      %select_n3A_3688 = arith.select %ge3A_3687, %select_n3A_3643, %select_n3A_3647 : vector<16xi1>, vector<16xf32>
      %select_n3A_3689 = arith.select %ge3A_3687, %broadcast_in_dim3A_3673, %broadcast_in_dim3A_3675 : vector<16xi1>, vector<16xi32>
      %ge3A_3690 = arith.cmpf oge, %select_n3A_3651, %select_n3A_3655 : vector<16xf32>
      %select_n3A_3691 = arith.select %ge3A_3690, %select_n3A_3651, %select_n3A_3655 : vector<16xi1>, vector<16xf32>
      %select_n3A_3692 = arith.select %ge3A_3690, %broadcast_in_dim3A_3677, %broadcast_in_dim3A_3679 : vector<16xi1>, vector<16xi32>
      %ge3A_3693 = arith.cmpf oge, %select_n3A_3659, %select_n3A_3663 : vector<16xf32>
      %select_n3A_3694 = arith.select %ge3A_3693, %select_n3A_3659, %select_n3A_3663 : vector<16xi1>, vector<16xf32>
      %select_n3A_3695 = arith.select %ge3A_3693, %broadcast_in_dim3A_3681, %broadcast_in_dim3A_3683 : vector<16xi1>, vector<16xi32>
      %ge3A_3696 = arith.cmpf oge, %select_n3A_3685, %select_n3A_3688 : vector<16xf32>
      %select_n3A_3697 = arith.select %ge3A_3696, %select_n3A_3685, %select_n3A_3688 : vector<16xi1>, vector<16xf32>
      %select_n3A_3698 = arith.select %ge3A_3696, %select_n3A_3686, %select_n3A_3689 : vector<16xi1>, vector<16xi32>
      %ge3A_3699 = arith.cmpf oge, %select_n3A_3691, %select_n3A_3694 : vector<16xf32>
      %select_n3A_3700 = arith.select %ge3A_3699, %select_n3A_3691, %select_n3A_3694 : vector<16xi1>, vector<16xf32>
      %select_n3A_3701 = arith.select %ge3A_3699, %select_n3A_3692, %select_n3A_3695 : vector<16xi1>, vector<16xi32>
      %ge3A_3702 = arith.cmpf oge, %select_n3A_3697, %select_n3A_3700 : vector<16xf32>
      %select_n3A_3703 = arith.select %ge3A_3702, %select_n3A_3697, %select_n3A_3700 : vector<16xi1>, vector<16xf32>
      %select_n3A_3704 = arith.select %ge3A_3702, %select_n3A_3698, %select_n3A_3701 : vector<16xi1>, vector<16xi32>
      %mul3A_3705 = arith.constant 128 : i32
      %mul3A_3706 = vector.broadcast %mul3A_3705 : i32 to vector<16xi32>
      %mul3A_3707 = arith.muli %select_n3A_3704, %mul3A_3706 : vector<16xi32>
      %add3A_3708 = arith.addi %mul3A_3707, %iota3A : vector<16xi32>
      %add3A_3709 = arith.constant 0 : i32
      %add3A_3710 = vector.broadcast %add3A_3709 : i32 to vector<16xi32>
      %add3A_3711 = arith.addi %add3A_3708, %add3A_3710 : vector<16xi32>
      %gather3A_3712 = tpu.vector_load_idx %arg9[%add3A_3711] : memref<1024xf32, #tpu.memory_space<vmem>>[vector<16xi32>], vector<16xf32>,
      %add3A_3713 = arith.constant 16 : i32
      %add3A_3714 = vector.broadcast %add3A_3713 : i32 to vector<16xi32>
      %add3A_3715 = arith.addi %add3A_3708, %add3A_3714 : vector<16xi32>
      %gather3A_3716 = tpu.vector_load_idx %arg9[%add3A_3715] : memref<1024xf32, #tpu.memory_space<vmem>>[vector<16xi32>], vector<16xf32>,
      %add3A_3717 = arith.constant 32 : i32
      %add3A_3718 = vector.broadcast %add3A_3717 : i32 to vector<16xi32>
      %add3A_3719 = arith.addi %add3A_3708, %add3A_3718 : vector<16xi32>
      %gather3A_3720 = tpu.vector_load_idx %arg9[%add3A_3719] : memref<1024xf32, #tpu.memory_space<vmem>>[vector<16xi32>], vector<16xf32>,
      %add3A_3721 = arith.constant 48 : i32
      %add3A_3722 = vector.broadcast %add3A_3721 : i32 to vector<16xi32>
      %add3A_3723 = arith.addi %add3A_3708, %add3A_3722 : vector<16xi32>
      %gather3A_3724 = tpu.vector_load_idx %arg9[%add3A_3723] : memref<1024xf32, #tpu.memory_space<vmem>>[vector<16xi32>], vector<16xf32>,
      %add3A_3725 = arith.constant 64 : i32
      %add3A_3726 = vector.broadcast %add3A_3725 : i32 to vector<16xi32>
      %add3A_3727 = arith.addi %add3A_3708, %add3A_3726 : vector<16xi32>
      %gather3A_3728 = tpu.vector_load_idx %arg9[%add3A_3727] : memref<1024xf32, #tpu.memory_space<vmem>>[vector<16xi32>], vector<16xf32>,
      %add3A_3729 = arith.constant 80 : i32
      %add3A_3730 = vector.broadcast %add3A_3729 : i32 to vector<16xi32>
      %add3A_3731 = arith.addi %add3A_3708, %add3A_3730 : vector<16xi32>
      %gather3A_3732 = tpu.vector_load_idx %arg9[%add3A_3731] : memref<1024xf32, #tpu.memory_space<vmem>>[vector<16xi32>], vector<16xf32>,
      %add3A_3733 = arith.constant 96 : i32
      %add3A_3734 = vector.broadcast %add3A_3733 : i32 to vector<16xi32>
      %add3A_3735 = arith.addi %add3A_3708, %add3A_3734 : vector<16xi32>
      %gather3A_3736 = tpu.vector_load_idx %arg9[%add3A_3735] : memref<1024xf32, #tpu.memory_space<vmem>>[vector<16xi32>], vector<16xf32>,
      %add3A_3737 = arith.constant 112 : i32
      %add3A_3738 = vector.broadcast %add3A_3737 : i32 to vector<16xi32>
      %add3A_3739 = arith.addi %add3A_3708, %add3A_3738 : vector<16xi32>
      %gather3A_3740 = tpu.vector_load_idx %arg9[%add3A_3739] : memref<1024xf32, #tpu.memory_space<vmem>>[vector<16xi32>], vector<16xf32>,
      %eq3A_3741 = arith.cmpf oeq, %gather3A_3712, %select_n3A_3703 : vector<16xf32>
      %broadcast_in_dim3A_3742 = arith.constant 0 : i32
      %broadcast_in_dim3A_3743 = vector.broadcast %broadcast_in_dim3A_3742 : i32 to vector<16xi32>
      %select_n3A_3744 = arith.select %eq3A_3741, %broadcast_in_dim3A_3743, %broadcast_in_dim3A_9 : vector<16xi1>, vector<16xi32>
      %eq3A_3745 = arith.cmpf oeq, %gather3A_3716, %select_n3A_3703 : vector<16xf32>
      %broadcast_in_dim3A_3746 = arith.constant 1 : i32
      %broadcast_in_dim3A_3747 = vector.broadcast %broadcast_in_dim3A_3746 : i32 to vector<16xi32>
      %select_n3A_3748 = arith.select %eq3A_3745, %broadcast_in_dim3A_3747, %broadcast_in_dim3A_9 : vector<16xi1>, vector<16xi32>
      %eq3A_3749 = arith.cmpf oeq, %gather3A_3720, %select_n3A_3703 : vector<16xf32>
      %broadcast_in_dim3A_3750 = arith.constant 2 : i32
      %broadcast_in_dim3A_3751 = vector.broadcast %broadcast_in_dim3A_3750 : i32 to vector<16xi32>
      %select_n3A_3752 = arith.select %eq3A_3749, %broadcast_in_dim3A_3751, %broadcast_in_dim3A_9 : vector<16xi1>, vector<16xi32>
      %eq3A_3753 = arith.cmpf oeq, %gather3A_3724, %select_n3A_3703 : vector<16xf32>
      %broadcast_in_dim3A_3754 = arith.constant 3 : i32
      %broadcast_in_dim3A_3755 = vector.broadcast %broadcast_in_dim3A_3754 : i32 to vector<16xi32>
      %select_n3A_3756 = arith.select %eq3A_3753, %broadcast_in_dim3A_3755, %broadcast_in_dim3A_9 : vector<16xi1>, vector<16xi32>
      %eq3A_3757 = arith.cmpf oeq, %gather3A_3728, %select_n3A_3703 : vector<16xf32>
      %broadcast_in_dim3A_3758 = arith.constant 4 : i32
      %broadcast_in_dim3A_3759 = vector.broadcast %broadcast_in_dim3A_3758 : i32 to vector<16xi32>
      %select_n3A_3760 = arith.select %eq3A_3757, %broadcast_in_dim3A_3759, %broadcast_in_dim3A_9 : vector<16xi1>, vector<16xi32>
      %eq3A_3761 = arith.cmpf oeq, %gather3A_3732, %select_n3A_3703 : vector<16xf32>
      %broadcast_in_dim3A_3762 = arith.constant 5 : i32
      %broadcast_in_dim3A_3763 = vector.broadcast %broadcast_in_dim3A_3762 : i32 to vector<16xi32>
      %select_n3A_3764 = arith.select %eq3A_3761, %broadcast_in_dim3A_3763, %broadcast_in_dim3A_9 : vector<16xi1>, vector<16xi32>
      %eq3A_3765 = arith.cmpf oeq, %gather3A_3736, %select_n3A_3703 : vector<16xf32>
      %broadcast_in_dim3A_3766 = arith.constant 6 : i32
      %broadcast_in_dim3A_3767 = vector.broadcast %broadcast_in_dim3A_3766 : i32 to vector<16xi32>
      %select_n3A_3768 = arith.select %eq3A_3765, %broadcast_in_dim3A_3767, %broadcast_in_dim3A_9 : vector<16xi1>, vector<16xi32>
      %eq3A_3769 = arith.cmpf oeq, %gather3A_3740, %select_n3A_3703 : vector<16xf32>
      %broadcast_in_dim3A_3770 = arith.constant 7 : i32
      %broadcast_in_dim3A_3771 = vector.broadcast %broadcast_in_dim3A_3770 : i32 to vector<16xi32>
      %select_n3A_3772 = arith.select %eq3A_3769, %broadcast_in_dim3A_3771, %broadcast_in_dim3A_9 : vector<16xi1>, vector<16xi32>
      %min3A_3773 = arith.minsi %select_n3A_3744, %select_n3A_3748 : vector<16xi32>
      %min3A_3774 = arith.minsi %select_n3A_3752, %select_n3A_3756 : vector<16xi32>
      %min3A_3775 = arith.minsi %select_n3A_3760, %select_n3A_3764 : vector<16xi32>
      %min3A_3776 = arith.minsi %select_n3A_3768, %select_n3A_3772 : vector<16xi32>
      %min3A_3777 = arith.minsi %min3A_3773, %min3A_3774 : vector<16xi32>
      %min3A_3778 = arith.minsi %min3A_3775, %min3A_3776 : vector<16xi32>
      %min3A_3779 = arith.minsi %min3A_3777, %min3A_3778 : vector<16xi32>
      %mul3A_3780 = arith.constant 8 : i32
      %mul3A_3781 = vector.broadcast %mul3A_3780 : i32 to vector<16xi32>
      %mul3A_3782 = arith.muli %select_n3A_3704, %mul3A_3781 : vector<16xi32>
      %add3A_3783 = arith.addi %mul3A_3782, %min3A_3779 : vector<16xi32>
      %mul3A_3784 = arith.constant 16 : i32
      %mul3A_3785 = vector.broadcast %mul3A_3784 : i32 to vector<16xi32>
      %mul3A_3786 = arith.muli %min3A_3779, %mul3A_3785 : vector<16xi32>
      %add3A_3787 = arith.addi %add3A_3708, %mul3A_3786 : vector<16xi32>
      %gather3A_3788 = tpu.vector_load_idx %arg9[%add3A_3787] : memref<1024xf32, #tpu.memory_space<vmem>>[vector<16xi32>], vector<16xf32>,
      %gather3A_3789 = tpu.vector_load_idx %arg10[%add3A_3787] : memref<1024xf32, #tpu.memory_space<vmem>>[vector<16xi32>], vector<16xf32>,
      %sub3A_3790 = arith.subf %gather3A_3788, %gather3A_3789 : vector<16xf32>
      tpu.vector_store_idx %arg9[%add3A_3787], %broadcast_in_dim3A_5 : memref<1024xf32, #tpu.memory_space<vmem>>[vector<16xi32>], vector<16xf32>,
      %eq3A_3791 = arith.constant 0 : i32
      %eq3A_3792 = vector.broadcast %eq3A_3791 : i32 to vector<16xi32>
      %eq3A_3793 = arith.cmpi eq, %min3A_3779, %eq3A_3792 : vector<16xi32>
      %select_n3A_3794 = arith.select %eq3A_3793, %broadcast_in_dim3A_5, %gather3A_3712 : vector<16xi1>, vector<16xf32>
      %eq3A_3795 = arith.constant 1 : i32
      %eq3A_3796 = vector.broadcast %eq3A_3795 : i32 to vector<16xi32>
      %eq3A_3797 = arith.cmpi eq, %min3A_3779, %eq3A_3796 : vector<16xi32>
      %select_n3A_3798 = arith.select %eq3A_3797, %broadcast_in_dim3A_5, %gather3A_3716 : vector<16xi1>, vector<16xf32>
      %eq3A_3799 = arith.constant 2 : i32
      %eq3A_3800 = vector.broadcast %eq3A_3799 : i32 to vector<16xi32>
      %eq3A_3801 = arith.cmpi eq, %min3A_3779, %eq3A_3800 : vector<16xi32>
      %select_n3A_3802 = arith.select %eq3A_3801, %broadcast_in_dim3A_5, %gather3A_3720 : vector<16xi1>, vector<16xf32>
      %eq3A_3803 = arith.constant 3 : i32
      %eq3A_3804 = vector.broadcast %eq3A_3803 : i32 to vector<16xi32>
      %eq3A_3805 = arith.cmpi eq, %min3A_3779, %eq3A_3804 : vector<16xi32>
      %select_n3A_3806 = arith.select %eq3A_3805, %broadcast_in_dim3A_5, %gather3A_3724 : vector<16xi1>, vector<16xf32>
      %eq3A_3807 = arith.constant 4 : i32
      %eq3A_3808 = vector.broadcast %eq3A_3807 : i32 to vector<16xi32>
      %eq3A_3809 = arith.cmpi eq, %min3A_3779, %eq3A_3808 : vector<16xi32>
      %select_n3A_3810 = arith.select %eq3A_3809, %broadcast_in_dim3A_5, %gather3A_3728 : vector<16xi1>, vector<16xf32>
      %eq3A_3811 = arith.constant 5 : i32
      %eq3A_3812 = vector.broadcast %eq3A_3811 : i32 to vector<16xi32>
      %eq3A_3813 = arith.cmpi eq, %min3A_3779, %eq3A_3812 : vector<16xi32>
      %select_n3A_3814 = arith.select %eq3A_3813, %broadcast_in_dim3A_5, %gather3A_3732 : vector<16xi1>, vector<16xf32>
      %eq3A_3815 = arith.constant 6 : i32
      %eq3A_3816 = vector.broadcast %eq3A_3815 : i32 to vector<16xi32>
      %eq3A_3817 = arith.cmpi eq, %min3A_3779, %eq3A_3816 : vector<16xi32>
      %select_n3A_3818 = arith.select %eq3A_3817, %broadcast_in_dim3A_5, %gather3A_3736 : vector<16xi1>, vector<16xf32>
      %eq3A_3819 = arith.constant 7 : i32
      %eq3A_3820 = vector.broadcast %eq3A_3819 : i32 to vector<16xi32>
      %eq3A_3821 = arith.cmpi eq, %min3A_3779, %eq3A_3820 : vector<16xi32>
      %select_n3A_3822 = arith.select %eq3A_3821, %broadcast_in_dim3A_5, %gather3A_3740 : vector<16xi1>, vector<16xf32>
      %max3A_3823 = arith.maximumf %select_n3A_3794, %select_n3A_3798 : vector<16xf32>
      %max3A_3824 = arith.maximumf %select_n3A_3802, %select_n3A_3806 : vector<16xf32>
      %max3A_3825 = arith.maximumf %select_n3A_3810, %select_n3A_3814 : vector<16xf32>
      %max3A_3826 = arith.maximumf %select_n3A_3818, %select_n3A_3822 : vector<16xf32>
      %max3A_3827 = arith.maximumf %max3A_3823, %max3A_3824 : vector<16xf32>
      %max3A_3828 = arith.maximumf %max3A_3825, %max3A_3826 : vector<16xf32>
      %max3A_3829 = arith.maximumf %max3A_3827, %max3A_3828 : vector<16xf32>
      %eq3A_3830 = arith.constant 0 : i32
      %eq3A_3831 = vector.broadcast %eq3A_3830 : i32 to vector<16xi32>
      %eq3A_3832 = arith.cmpi eq, %select_n3A_3704, %eq3A_3831 : vector<16xi32>
      %select_n3A_3833 = arith.select %eq3A_3832, %max3A_3829, %select_n3A_3635 : vector<16xi1>, vector<16xf32>
      %eq3A_3834 = arith.constant 1 : i32
      %eq3A_3835 = vector.broadcast %eq3A_3834 : i32 to vector<16xi32>
      %eq3A_3836 = arith.cmpi eq, %select_n3A_3704, %eq3A_3835 : vector<16xi32>
      %select_n3A_3837 = arith.select %eq3A_3836, %max3A_3829, %select_n3A_3639 : vector<16xi1>, vector<16xf32>
      %eq3A_3838 = arith.constant 2 : i32
      %eq3A_3839 = vector.broadcast %eq3A_3838 : i32 to vector<16xi32>
      %eq3A_3840 = arith.cmpi eq, %select_n3A_3704, %eq3A_3839 : vector<16xi32>
      %select_n3A_3841 = arith.select %eq3A_3840, %max3A_3829, %select_n3A_3643 : vector<16xi1>, vector<16xf32>
      %eq3A_3842 = arith.constant 3 : i32
      %eq3A_3843 = vector.broadcast %eq3A_3842 : i32 to vector<16xi32>
      %eq3A_3844 = arith.cmpi eq, %select_n3A_3704, %eq3A_3843 : vector<16xi32>
      %select_n3A_3845 = arith.select %eq3A_3844, %max3A_3829, %select_n3A_3647 : vector<16xi1>, vector<16xf32>
      %eq3A_3846 = arith.constant 4 : i32
      %eq3A_3847 = vector.broadcast %eq3A_3846 : i32 to vector<16xi32>
      %eq3A_3848 = arith.cmpi eq, %select_n3A_3704, %eq3A_3847 : vector<16xi32>
      %select_n3A_3849 = arith.select %eq3A_3848, %max3A_3829, %select_n3A_3651 : vector<16xi1>, vector<16xf32>
      %eq3A_3850 = arith.constant 5 : i32
      %eq3A_3851 = vector.broadcast %eq3A_3850 : i32 to vector<16xi32>
      %eq3A_3852 = arith.cmpi eq, %select_n3A_3704, %eq3A_3851 : vector<16xi32>
      %select_n3A_3853 = arith.select %eq3A_3852, %max3A_3829, %select_n3A_3655 : vector<16xi1>, vector<16xf32>
      %eq3A_3854 = arith.constant 6 : i32
      %eq3A_3855 = vector.broadcast %eq3A_3854 : i32 to vector<16xi32>
      %eq3A_3856 = arith.cmpi eq, %select_n3A_3704, %eq3A_3855 : vector<16xi32>
      %select_n3A_3857 = arith.select %eq3A_3856, %max3A_3829, %select_n3A_3659 : vector<16xi1>, vector<16xf32>
      %eq3A_3858 = arith.constant 7 : i32
      %eq3A_3859 = vector.broadcast %eq3A_3858 : i32 to vector<16xi32>
      %eq3A_3860 = arith.cmpi eq, %select_n3A_3704, %eq3A_3859 : vector<16xi32>
      %select_n3A_3861 = arith.select %eq3A_3860, %max3A_3829, %select_n3A_3663 : vector<16xi1>, vector<16xf32>
      %swap3A_3862 = arith.constant 7 : i32
      %swap3A_3863 = arith.index_cast %swap3A_3862 : i32 to index
      %swap3A_3864 = arith.index_cast %mul3A_24 : i32 to index
      %swap3A_3865 = tpu.vector_load %arg11[%swap3A_3863, %swap3A_3864] {strides = array<i32>} : memref<8x512xi32, #tpu.memory_space<vmem>>, vector<16xi32>,
      tpu.vector_store %arg11[%swap3A_3863, %swap3A_3864], %add3A_3783 {strides = array<i32>} : memref<8x512xi32, #tpu.memory_space<vmem>>, vector<16xi32>,
      tpu.vector_store_idx %arg13[%add3A_3783], %broadcast_in_dim3A_3 {add = true} : memref<64xf32, #tpu.memory_space<vmem>>[vector<16xi32>], vector<16xf32>,
      %add3A_3866 = arith.addf %sub3A, %sub3A_2602 : vector<16xf32>
      %add3A_3867 = arith.addf %sub3A_2800, %sub3A_2998 : vector<16xf32>
      %add3A_3868 = arith.addf %sub3A_3196, %sub3A_3394 : vector<16xf32>
      %add3A_3869 = arith.addf %sub3A_3592, %sub3A_3790 : vector<16xf32>
      %add3A_3870 = arith.addf %add3A_3866, %add3A_3867 : vector<16xf32>
      %add3A_3871 = arith.addf %add3A_3868, %add3A_3869 : vector<16xf32>
      %add3A_3872 = arith.addf %add3A_3870, %add3A_3871 : vector<16xf32>
      %add3A_3873 = arith.constant 9.99999968E-21 : f32
      %add3A_3874 = vector.broadcast %add3A_3873 : f32 to vector<16xf32>
      %add3A_3875 = arith.addf %add3A_3872, %add3A_3874 : vector<16xf32>
      %div3A_3876 = arith.constant 2.500000e+00 : f32
      %div3A_3877 = vector.broadcast %div3A_3876 : f32 to vector<16xf32>
      %div3A_3878 = arith.divf %div3A_3877, %add3A_3875 : vector<16xf32>
      %mul3A_3879 = arith.mulf %sub3A, %div3A_3878 : vector<16xf32>
      %swap3A_3880 = arith.constant 0 : i32
      %swap3A_3881 = arith.index_cast %swap3A_3880 : i32 to index
      %swap3A_3882 = arith.index_cast %mul3A_24 : i32 to index
      %swap3A_3883 = tpu.vector_load %arg12[%swap3A_3881, %swap3A_3882] {strides = array<i32>} : memref<8x512xf32, #tpu.memory_space<vmem>>, vector<16xf32>,
      tpu.vector_store %arg12[%swap3A_3881, %swap3A_3882], %mul3A_3879 {strides = array<i32>} : memref<8x512xf32, #tpu.memory_space<vmem>>, vector<16xf32>,
      %mul3A_3884 = arith.mulf %sub3A_2602, %div3A_3878 : vector<16xf32>
      %swap3A_3885 = arith.constant 1 : i32
      %swap3A_3886 = arith.index_cast %swap3A_3885 : i32 to index
      %swap3A_3887 = arith.index_cast %mul3A_24 : i32 to index
      %swap3A_3888 = tpu.vector_load %arg12[%swap3A_3886, %swap3A_3887] {strides = array<i32>} : memref<8x512xf32, #tpu.memory_space<vmem>>, vector<16xf32>,
      tpu.vector_store %arg12[%swap3A_3886, %swap3A_3887], %mul3A_3884 {strides = array<i32>} : memref<8x512xf32, #tpu.memory_space<vmem>>, vector<16xf32>,
      %mul3A_3889 = arith.mulf %sub3A_2800, %div3A_3878 : vector<16xf32>
      %swap3A_3890 = arith.constant 2 : i32
      %swap3A_3891 = arith.index_cast %swap3A_3890 : i32 to index
      %swap3A_3892 = arith.index_cast %mul3A_24 : i32 to index
      %swap3A_3893 = tpu.vector_load %arg12[%swap3A_3891, %swap3A_3892] {strides = array<i32>} : memref<8x512xf32, #tpu.memory_space<vmem>>, vector<16xf32>,
      tpu.vector_store %arg12[%swap3A_3891, %swap3A_3892], %mul3A_3889 {strides = array<i32>} : memref<8x512xf32, #tpu.memory_space<vmem>>, vector<16xf32>,
      %mul3A_3894 = arith.mulf %sub3A_2998, %div3A_3878 : vector<16xf32>
      %swap3A_3895 = arith.constant 3 : i32
      %swap3A_3896 = arith.index_cast %swap3A_3895 : i32 to index
      %swap3A_3897 = arith.index_cast %mul3A_24 : i32 to index
      %swap3A_3898 = tpu.vector_load %arg12[%swap3A_3896, %swap3A_3897] {strides = array<i32>} : memref<8x512xf32, #tpu.memory_space<vmem>>, vector<16xf32>,
      tpu.vector_store %arg12[%swap3A_3896, %swap3A_3897], %mul3A_3894 {strides = array<i32>} : memref<8x512xf32, #tpu.memory_space<vmem>>, vector<16xf32>,
      %mul3A_3899 = arith.mulf %sub3A_3196, %div3A_3878 : vector<16xf32>
      %swap3A_3900 = arith.constant 4 : i32
      %swap3A_3901 = arith.index_cast %swap3A_3900 : i32 to index
      %swap3A_3902 = arith.index_cast %mul3A_24 : i32 to index
      %swap3A_3903 = tpu.vector_load %arg12[%swap3A_3901, %swap3A_3902] {strides = array<i32>} : memref<8x512xf32, #tpu.memory_space<vmem>>, vector<16xf32>,
      tpu.vector_store %arg12[%swap3A_3901, %swap3A_3902], %mul3A_3899 {strides = array<i32>} : memref<8x512xf32, #tpu.memory_space<vmem>>, vector<16xf32>,
      %mul3A_3904 = arith.mulf %sub3A_3394, %div3A_3878 : vector<16xf32>
      %swap3A_3905 = arith.constant 5 : i32
      %swap3A_3906 = arith.index_cast %swap3A_3905 : i32 to index
      %swap3A_3907 = arith.index_cast %mul3A_24 : i32 to index
      %swap3A_3908 = tpu.vector_load %arg12[%swap3A_3906, %swap3A_3907] {strides = array<i32>} : memref<8x512xf32, #tpu.memory_space<vmem>>, vector<16xf32>,
      tpu.vector_store %arg12[%swap3A_3906, %swap3A_3907], %mul3A_3904 {strides = array<i32>} : memref<8x512xf32, #tpu.memory_space<vmem>>, vector<16xf32>,
      %mul3A_3909 = arith.mulf %sub3A_3592, %div3A_3878 : vector<16xf32>
      %swap3A_3910 = arith.constant 6 : i32
      %swap3A_3911 = arith.index_cast %swap3A_3910 : i32 to index
      %swap3A_3912 = arith.index_cast %mul3A_24 : i32 to index
      %swap3A_3913 = tpu.vector_load %arg12[%swap3A_3911, %swap3A_3912] {strides = array<i32>} : memref<8x512xf32, #tpu.memory_space<vmem>>, vector<16xf32>,
      tpu.vector_store %arg12[%swap3A_3911, %swap3A_3912], %mul3A_3909 {strides = array<i32>} : memref<8x512xf32, #tpu.memory_space<vmem>>, vector<16xf32>,
      %mul3A_3914 = arith.mulf %sub3A_3790, %div3A_3878 : vector<16xf32>
      %swap3A_3915 = arith.constant 7 : i32
      %swap3A_3916 = arith.index_cast %swap3A_3915 : i32 to index
      %swap3A_3917 = arith.index_cast %mul3A_24 : i32 to index
      %swap3A_3918 = tpu.vector_load %arg12[%swap3A_3916, %swap3A_3917] {strides = array<i32>} : memref<8x512xf32, #tpu.memory_space<vmem>>, vector<16xf32>,
      tpu.vector_store %arg12[%swap3A_3916, %swap3A_3917], %mul3A_3914 {strides = array<i32>} : memref<8x512xf32, #tpu.memory_space<vmem>>, vector<16xf32>,
    }
    %scan3A_21 = arith.constant 32 : i32
    "tpu.region"() ({
      %run_scoped3A = tpu.sem_alloc : memref<!tpu.dma_semaphore, #tpu.memory_space<semaphore_mem>>
      %dma_start3A = arith.constant 0 : i32
      %dma_start3A_22 = arith.constant 0 : i32
      %dma_start3A_23 = tpu.memref_slice %arg4[%add3A, %dma_start3A, %dma_start3A_22] : memref<32x64x512xf32, #tpu.memory_space<hbm>> -> memref<1x64x512xf32, #tpu.memory_space<hbm>>
      %dma_start3A_24 = tpu.memref_squeeze %dma_start3A_23 : memref<1x64x512xf32, #tpu.memory_space<hbm>> -> memref<64x512xf32, #tpu.memory_space<hbm>>
      %dma_start3A_25 = arith.constant 0 : i32
      %dma_start3A_26 = arith.constant 0 : i32
      %dma_start3A_27 = tpu.memref_slice %arg4[%add3A, %dma_start3A_25, %dma_start3A_26] : memref<32x64x512xf32, #tpu.memory_space<hbm>> -> memref<1x64x512xf32, #tpu.memory_space<hbm>>
      %dma_start3A_28 = tpu.memref_squeeze %dma_start3A_27 : memref<1x64x512xf32, #tpu.memory_space<hbm>> -> memref<64x512xf32, #tpu.memory_space<hbm>>
      tpu.enqueue_dma source(%arg8 : memref<64x512xf32, #tpu.memory_space<vmem>>) target(%dma_start3A_28 : memref<64x512xf32, #tpu.memory_space<hbm>>) target_semaphore(%run_scoped3A : memref<!tpu.dma_semaphore, #tpu.memory_space<semaphore_mem>>)
      %dma_wait3A = arith.constant 0 : i32
      %dma_wait3A_29 = arith.constant 0 : i32
      %dma_wait3A_30 = tpu.memref_slice %arg4[%add3A, %dma_wait3A, %dma_wait3A_29] : memref<32x64x512xf32, #tpu.memory_space<hbm>> -> memref<1x64x512xf32, #tpu.memory_space<hbm>>
      %dma_wait3A_31 = tpu.memref_squeeze %dma_wait3A_30 : memref<1x64x512xf32, #tpu.memory_space<hbm>> -> memref<64x512xf32, #tpu.memory_space<hbm>>
      %dma_wait3A_32 = arith.constant 0 : i32
      %dma_wait3A_33 = arith.constant 0 : i32
      %dma_wait3A_34 = tpu.memref_slice %arg4[%add3A, %dma_wait3A_32, %dma_wait3A_33] : memref<32x64x512xf32, #tpu.memory_space<hbm>> -> memref<1x64x512xf32, #tpu.memory_space<hbm>>
      %dma_wait3A_35 = tpu.memref_squeeze %dma_wait3A_34 : memref<1x64x512xf32, #tpu.memory_space<hbm>> -> memref<64x512xf32, #tpu.memory_space<hbm>>
      tpu.wait_dma2 semaphore(%run_scoped3A : memref<!tpu.dma_semaphore, #tpu.memory_space<semaphore_mem>>) src(%arg8 : memref<64x512xf32, #tpu.memory_space<vmem>>) dst(%dma_wait3A_35 : memref<64x512xf32, #tpu.memory_space<hbm>>)
      tpu.yield
    }) : () -> ()
    "tpu.region"() ({
      %run_scoped3A = tpu.sem_alloc : memref<!tpu.dma_semaphore, #tpu.memory_space<semaphore_mem>>
      %dma_start3A = arith.constant 0 : i32
      %dma_start3A_22 = arith.constant 0 : i32
      %dma_start3A_23 = tpu.memref_slice %arg6[%add3A, %dma_start3A, %dma_start3A_22] : memref<32x8x512xi32, #tpu.memory_space<hbm>> -> memref<1x8x512xi32, #tpu.memory_space<hbm>>
      %dma_start3A_24 = tpu.memref_squeeze %dma_start3A_23 : memref<1x8x512xi32, #tpu.memory_space<hbm>> -> memref<8x512xi32, #tpu.memory_space<hbm>>
      %dma_start3A_25 = arith.constant 0 : i32
      %dma_start3A_26 = arith.constant 0 : i32
      %dma_start3A_27 = tpu.memref_slice %arg6[%add3A, %dma_start3A_25, %dma_start3A_26] : memref<32x8x512xi32, #tpu.memory_space<hbm>> -> memref<1x8x512xi32, #tpu.memory_space<hbm>>
      %dma_start3A_28 = tpu.memref_squeeze %dma_start3A_27 : memref<1x8x512xi32, #tpu.memory_space<hbm>> -> memref<8x512xi32, #tpu.memory_space<hbm>>
      tpu.enqueue_dma source(%arg11 : memref<8x512xi32, #tpu.memory_space<vmem>>) target(%dma_start3A_28 : memref<8x512xi32, #tpu.memory_space<hbm>>) target_semaphore(%run_scoped3A : memref<!tpu.dma_semaphore, #tpu.memory_space<semaphore_mem>>)
      %dma_wait3A = arith.constant 0 : i32
      %dma_wait3A_29 = arith.constant 0 : i32
      %dma_wait3A_30 = tpu.memref_slice %arg6[%add3A, %dma_wait3A, %dma_wait3A_29] : memref<32x8x512xi32, #tpu.memory_space<hbm>> -> memref<1x8x512xi32, #tpu.memory_space<hbm>>
      %dma_wait3A_31 = tpu.memref_squeeze %dma_wait3A_30 : memref<1x8x512xi32, #tpu.memory_space<hbm>> -> memref<8x512xi32, #tpu.memory_space<hbm>>
      %dma_wait3A_32 = arith.constant 0 : i32
      %dma_wait3A_33 = arith.constant 0 : i32
      %dma_wait3A_34 = tpu.memref_slice %arg6[%add3A, %dma_wait3A_32, %dma_wait3A_33] : memref<32x8x512xi32, #tpu.memory_space<hbm>> -> memref<1x8x512xi32, #tpu.memory_space<hbm>>
      %dma_wait3A_35 = tpu.memref_squeeze %dma_wait3A_34 : memref<1x8x512xi32, #tpu.memory_space<hbm>> -> memref<8x512xi32, #tpu.memory_space<hbm>>
      tpu.wait_dma2 semaphore(%run_scoped3A : memref<!tpu.dma_semaphore, #tpu.memory_space<semaphore_mem>>) src(%arg11 : memref<8x512xi32, #tpu.memory_space<vmem>>) dst(%dma_wait3A_35 : memref<8x512xi32, #tpu.memory_space<hbm>>)
      tpu.yield
    }) : () -> ()
    "tpu.region"() ({
      %run_scoped3A = tpu.sem_alloc : memref<!tpu.dma_semaphore, #tpu.memory_space<semaphore_mem>>
      %dma_start3A = arith.constant 0 : i32
      %dma_start3A_22 = arith.constant 0 : i32
      %dma_start3A_23 = tpu.memref_slice %arg5[%add3A, %dma_start3A, %dma_start3A_22] : memref<32x8x512xf32, #tpu.memory_space<hbm>> -> memref<1x8x512xf32, #tpu.memory_space<hbm>>
      %dma_start3A_24 = tpu.memref_squeeze %dma_start3A_23 : memref<1x8x512xf32, #tpu.memory_space<hbm>> -> memref<8x512xf32, #tpu.memory_space<hbm>>
      %dma_start3A_25 = arith.constant 0 : i32
      %dma_start3A_26 = arith.constant 0 : i32
      %dma_start3A_27 = tpu.memref_slice %arg5[%add3A, %dma_start3A_25, %dma_start3A_26] : memref<32x8x512xf32, #tpu.memory_space<hbm>> -> memref<1x8x512xf32, #tpu.memory_space<hbm>>
      %dma_start3A_28 = tpu.memref_squeeze %dma_start3A_27 : memref<1x8x512xf32, #tpu.memory_space<hbm>> -> memref<8x512xf32, #tpu.memory_space<hbm>>
      tpu.enqueue_dma source(%arg12 : memref<8x512xf32, #tpu.memory_space<vmem>>) target(%dma_start3A_28 : memref<8x512xf32, #tpu.memory_space<hbm>>) target_semaphore(%run_scoped3A : memref<!tpu.dma_semaphore, #tpu.memory_space<semaphore_mem>>)
      %dma_wait3A = arith.constant 0 : i32
      %dma_wait3A_29 = arith.constant 0 : i32
      %dma_wait3A_30 = tpu.memref_slice %arg5[%add3A, %dma_wait3A, %dma_wait3A_29] : memref<32x8x512xf32, #tpu.memory_space<hbm>> -> memref<1x8x512xf32, #tpu.memory_space<hbm>>
      %dma_wait3A_31 = tpu.memref_squeeze %dma_wait3A_30 : memref<1x8x512xf32, #tpu.memory_space<hbm>> -> memref<8x512xf32, #tpu.memory_space<hbm>>
      %dma_wait3A_32 = arith.constant 0 : i32
      %dma_wait3A_33 = arith.constant 0 : i32
      %dma_wait3A_34 = tpu.memref_slice %arg5[%add3A, %dma_wait3A_32, %dma_wait3A_33] : memref<32x8x512xf32, #tpu.memory_space<hbm>> -> memref<1x8x512xf32, #tpu.memory_space<hbm>>
      %dma_wait3A_35 = tpu.memref_squeeze %dma_wait3A_34 : memref<1x8x512xf32, #tpu.memory_space<hbm>> -> memref<8x512xf32, #tpu.memory_space<hbm>>
      tpu.wait_dma2 semaphore(%run_scoped3A : memref<!tpu.dma_semaphore, #tpu.memory_space<semaphore_mem>>) src(%arg12 : memref<8x512xf32, #tpu.memory_space<vmem>>) dst(%dma_wait3A_35 : memref<8x512xf32, #tpu.memory_space<hbm>>)
      tpu.yield
    }) : () -> ()
    "tpu.region"() ({
      %run_scoped3A = tpu.sem_alloc : memref<!tpu.dma_semaphore, #tpu.memory_space<semaphore_mem>>
      %dma_start3A = arith.constant 0 : i32
      %dma_start3A_22 = tpu.memref_slice %arg7[%add3A, %dma_start3A] : memref<32x64xf32, #tpu.memory_space<hbm>> -> memref<1x64xf32, #tpu.memory_space<hbm>>
      %dma_start3A_23 = tpu.memref_squeeze %dma_start3A_22 : memref<1x64xf32, #tpu.memory_space<hbm>> -> memref<64xf32, #tpu.memory_space<hbm>>
      %dma_start3A_24 = arith.constant 0 : i32
      %dma_start3A_25 = tpu.memref_slice %arg7[%add3A, %dma_start3A_24] : memref<32x64xf32, #tpu.memory_space<hbm>> -> memref<1x64xf32, #tpu.memory_space<hbm>>
      %dma_start3A_26 = tpu.memref_squeeze %dma_start3A_25 : memref<1x64xf32, #tpu.memory_space<hbm>> -> memref<64xf32, #tpu.memory_space<hbm>>
      tpu.enqueue_dma source(%arg13 : memref<64xf32, #tpu.memory_space<vmem>>) target(%dma_start3A_26 : memref<64xf32, #tpu.memory_space<hbm>>) target_semaphore(%run_scoped3A : memref<!tpu.dma_semaphore, #tpu.memory_space<semaphore_mem>>)
      %dma_wait3A = arith.constant 0 : i32
      %dma_wait3A_27 = tpu.memref_slice %arg7[%add3A, %dma_wait3A] : memref<32x64xf32, #tpu.memory_space<hbm>> -> memref<1x64xf32, #tpu.memory_space<hbm>>
      %dma_wait3A_28 = tpu.memref_squeeze %dma_wait3A_27 : memref<1x64xf32, #tpu.memory_space<hbm>> -> memref<64xf32, #tpu.memory_space<hbm>>
      %dma_wait3A_29 = arith.constant 0 : i32
      %dma_wait3A_30 = tpu.memref_slice %arg7[%add3A, %dma_wait3A_29] : memref<32x64xf32, #tpu.memory_space<hbm>> -> memref<1x64xf32, #tpu.memory_space<hbm>>
      %dma_wait3A_31 = tpu.memref_squeeze %dma_wait3A_30 : memref<1x64xf32, #tpu.memory_space<hbm>> -> memref<64xf32, #tpu.memory_space<hbm>>
      tpu.wait_dma2 semaphore(%run_scoped3A : memref<!tpu.dma_semaphore, #tpu.memory_space<semaphore_mem>>) src(%arg13 : memref<64xf32, #tpu.memory_space<vmem>>) dst(%dma_wait3A_31 : memref<64xf32, #tpu.memory_space<hbm>>)
      tpu.yield
    }) : () -> ()
    return
  }
}

</mosaic_0001>

<sc_bundles>
// kernel: kernel.3.cloned.1.call-start
scs
__scs_entry_jumppad:
0x0: {  	(pc) =	sbr.rel $0x88, $3  }
0x1: {  	(tag) =	ssettag $0x0;
	lr =	simm.s32 $0x1  }
0x2: {  	[smem:$0x3F9F] =	sst lr;
	_ =	strace $0xD0000000  }
0x3: {  	_ = 	snop  }
0x4: {  	_ = 	snop  }
0x5: {  	_ = 	snop  }
0x6: {  	_ = 	snop  }
0x7: {  	_ = 	snop  }
__scs_overlays_trampoline_lowered:
0x8: {  	[smem:$0x3FAE] =	sst s0  }
0x9: {  	[smem:$0x3FAF] =	sst s1  }
0xa: {  	[smem:$0x3FB0] =	sst s2  }
0xb: {  	[smem:$0x3FB1] =	sst s3  }
0xc: {  	[smem:$0x3FB2] =	sst s4  }
0xd: {  	[smem:$0x3FB3] =	sst s5  }
0xe: {  	[smem:$0x3FB4] =	sst s6  }
0xf: {  	[smem:$0x3FB5] =	sst s7  }
0x10: {  	[smem:$0x3FB6] =	sst s8  }
0x11: {  	[smem:$0x3FB7] =	sst s9;
	s0 =	simm.s32 @!p0 $0x0  }
0x12: {  	s1 =	sld [smem:$0x3F9D];
	s0 =	simm.s32 @p0 $0x1  }
0x13: {  	[smem:$0x3FB8] =	sst s0;
	s0 =	simm.s32 @!p1 $0x0  }
0x14: {  	s2 =	sld [smem:$0x3F9C];
	s0 =	simm.s32 @p1 $0x1  }
0x15: {  	[smem:$0x3FB9] =	sst s0;
	s0 =	simm.s32 @!p2 $0x0  }
0x16: {  	s3 =	sld [smem:$0x3FDB];
	s0 =	simm.s32 @p2 $0x1  }
0x17: {  	s4 =	simm.s32 $0x1BF5;
	[smem:$0x3FBB] =	sst s0  }
0x18: {  	s0 =	sld [smem:$0x3F9E];
	_ =	swait.ge [sflag:s4], $0x0  }
0x19: {  	s7 =	sld [smem:$0x3F9F]  }
0x1a: {  	s8 =	sadd.s32 $0xFFFFE003, lr  }
0x1b: {  	s9 =	sadd.s32 $0xFFFFFEF7, lr;
	s5 =	simm.s32 $0xFFFFFFFF;
	p2 =	slt.u32 s8, $0xFFFFF086  }
0x1c: {  	p1 =	slt.u32 s9, $0xF7A;
	s5 =	simm.s32 @!p2 $0x0  }
0x1d: {  	s5 =	simm.s32 @p1 $0x1;
	p0 =	seq.s32 s7, s2  }
0x1e: {  	s7 =	smul.u32 @!p0 $0xF7A, s2;
	p2 =	seq.s32 @!p0 s5, $0x0  }
0x1f: {  	s9 =	smul.u32 $0xF7A, s1;
	s8 =	simm.s32 @!p0 $0x1BF5;
	p2 =	por !p2, p0  }
0x20: {  	[sflag:s8] =	ssyncset.s32 @!p0 $0xFFFFF086;
	s6 =	sadd.s32 @!p0 s3, s7;
	s7 =	simm.s32 @!p0 $0x108  }
0x21: {  	s3 =	sadd.s32 s3, s9;
	s6 =	sadd.s32 @!p0 $0x88, s6;
	s7 =	simm.s32 @p2 $0x1082  }
0x22: {  	[simem:s7], [sflag:s8] =	dma.local @!p0 [hbm:s6], $0xF7A  }
0x23: {  	s9 =	sor.u32 $0xD0000000, s2;
	s6 =	simm.s32 $0x108;
	_ =	swait.ge @!p0 [sflag:s8], $0x0  }
0x24: {  	s3 =	sadd.s32 $0x88, s3;
	s6 =	simm.s32 @!p1 $0x1082;
	[sflag:s4] =	ssyncset.s32 $0xFFFFF086  }
0x25: {  	[simem:s6], [sflag:s4] =	dma.local [hbm:s3], $0xF7A  }
0x26: {  	[smem:$0x3F9F] =	sst s1;
	(tag) =	ssettag s2;
	_ =	strace s9  }
0x27: {  	s1 =	sld [smem:$0x3FAF]  }
0x28: {  	s2 =	sld [smem:$0x3FB0]  }
0x29: {  	s4 =	sld [smem:$0x3FB2]  }
0x2a: {  	p0 =	seq.s32 s5, $0x0;
	s5 =	sld [smem:$0x3FB3]  }
0x2b: {  	s6 =	sld [smem:$0x3FB4]  }
0x2c: {  	s7 =	sld [smem:$0x3FB5]  }
0x2d: {  	s3 =	simm.s32 $0x108;
	s8 =	sld [smem:$0x3FB6]  }
0x2e: {  	s3 =	simm.s32 @!p0 $0x1082;
	s9 =	sld [smem:$0x3FB7]  }
0x2f: {  	lr =	sadd.s32 s0, s3;
	s0 =	sld [smem:$0x3FAE]  }
0x30: {  	s3 =	sld [smem:$0x3FB1]  }
0x31: {  	[smem:$0x3FBA] =	sst s10  }
0x32: {  	s10 =	sld [smem:$0x3FB8];
	_ =	sdelay $0x3  }
0x33: {  	p0 =	seq.s32 s10, $0x1;
	s10 =	sld [smem:$0x3FBA];
	_ =	sdelay $0x3  }
0x34: {  	[smem:$0x3FBA] =	sst s10  }
0x35: {  	s10 =	sld [smem:$0x3FB9];
	_ =	sdelay $0x3  }
0x36: {  	p1 =	seq.s32 s10, $0x1;
	s10 =	sld [smem:$0x3FBA];
	_ =	sdelay $0x3  }
0x37: {  	[smem:$0x3FBA] =	sst s10  }
0x38: {  	s10 =	sld [smem:$0x3FBB]  }
0x39: {  	_ = 	snop;
	(pc) =	sbr.ind lr, $3  }
0x3a: {  	_ = 	snop  }
0x3b: {  	_ = 	snop  }
0x3c: {  	p2 =	seq.s32 s10, $0x1;
	s10 =	sld [smem:$0x3FBA]  }
0x3d: {  	_ =	shalt  }
0x3e: {  	_ =	shalt  }
0x3f: {  	_ =	shalt  }
0x40: {  	_ =	shalt  }
0x41: {  	_ =	shalt  }
0x42: {  	_ =	shalt  }
0x43: {  	_ =	shalt  }
0x44: {  	_ =	shalt  }
0x45: {  	_ =	shalt  }
0x46: {  	_ =	shalt  }
0x47: {  	_ =	shalt  }
0x48: {  	_ =	shalt  }
0x49: {  	_ =	shalt  }
0x4a: {  	_ =	shalt  }
0x4b: {  	_ =	shalt  }
0x4c: {  	_ =	shalt  }
0x4d: {  	_ =	shalt  }
0x4e: {  	_ =	shalt  }
0x4f: {  	_ =	shalt  }
0x50: {  	_ =	shalt  }
0x51: {  	_ =	shalt  }
0x52: {  	_ =	shalt  }
0x53: {  	_ =	shalt  }
0x54: {  	_ =	shalt  }
0x55: {  	_ =	shalt  }
0x56: {  	_ =	shalt  }
0x57: {  	_ =	shalt  }
0x58: {  	_ =	shalt  }
0x59: {  	_ =	shalt  }
0x5a: {  	_ =	shalt  }
0x5b: {  	_ =	shalt  }
0x5c: {  	_ =	shalt  }
0x5d: {  	_ =	shalt  }
0x5e: {  	_ =	shalt  }
0x5f: {  	_ =	shalt  }
0x60: {  	_ =	shalt  }
0x61: {  	_ =	shalt  }
0x62: {  	_ =	shalt  }
0x63: {  	_ =	shalt  }
0x64: {  	_ =	shalt  }
0x65: {  	_ =	shalt  }
0x66: {  	_ =	shalt  }
0x67: {  	_ =	shalt  }
0x68: {  	_ =	shalt  }
0x69: {  	_ =	shalt  }
0x6a: {  	_ =	shalt  }
0x6b: {  	_ =	shalt  }
0x6c: {  	_ =	shalt  }
0x6d: {  	_ =	shalt  }
0x6e: {  	_ =	shalt  }
0x6f: {  	_ =	shalt  }
0x70: {  	_ =	shalt  }
0x71: {  	_ =	shalt  }
0x72: {  	_ =	shalt  }
0x73: {  	_ =	shalt  }
0x74: {  	_ =	shalt  }
0x75: {  	_ =	shalt  }
0x76: {  	_ =	shalt  }
0x77: {  	_ =	shalt  }
0x78: {  	_ =	shalt  }
0x79: {  	_ =	shalt  }
0x7a: {  	_ =	shalt  }
0x7b: {  	_ =	shalt  }
0x7c: {  	_ =	shalt  }
0x7d: {  	_ =	shalt  }
0x7e: {  	_ =	shalt  }
0x7f: {  	_ =	shalt  }
0x80: {  	_ =	shalt  }
0x81: {  	_ =	shalt  }
0x82: {  	_ =	shalt  }
0x83: {  	_ =	shalt  }
0x84: {  	_ =	shalt  }
0x85: {  	_ =	shalt  }
0x86: {  	_ =	shalt  }
0x87: {  	_ =	shalt  }
.Lfunc_end0:
.L_simem_size_0:
called_computation_lowered:
.L_overlay_start_0:
0x88: {  	s2 =	sld [smem:$0x3FD9]  }
0x89: {  	s3 =	sld [smem:$0x3FFE];
	_ =	sdelay $0x1  }
0x8a: {  	s1 =	srdreg.scid  }
0x8b: {  	s0 =	sand.u32 $0x1, s1  }
0x8c: {  	s14 =	sshll.u32 s0, $0xA;
	s2 =	sadd.s32 s3, s2  }
0x8d: {  	s2 =	sadd.s32 s2, s14  }
0x8e: {  	[smem:$0x3FC6] =	sst s2  }
0x8f: {  	_ = 	snop  }
0x90: {  	s2 =	sld [smem:$0x3FD0];
	_ =	sdelay $0x2  }
0x91: {  	s15 =	simm.s32 $0xA;
	s4 =	simm.s32 $0x10  }
0x92: {  	[smem:s4], [sflag:s15] =	dma.local [hbm:s2], $0x1  }
0x93: {  	_ =	swait.eq [sflag:s15], $0x1  }
0x94: {  	s16 =	sld [smem:$0x10]  }
0x95: {  	s17 =	sld [smem:$0x11];
	[sflag:s15] =	ssyncset.done $0x0  }
0x96: {  	s5 =	sld [smem:$0x12];
	[sflag:s15] =	ssyncadd.s32 $0xFFFFFFFF  }
0x97: {  	s18 =	sld [smem:$0x13];
	(tm) =	ssettm $0x1  }
0x98: {  	s6 =	sld [smem:$0x3FFB];
	_ =	sdelay $0x3  }
0x99: {  	_ =	strace s6  }
0x9a: {  	s6 =	sld [smem:$0x3FFC];
	_ =	sdelay $0x3  }
0x9b: {  	_ =	strace s6  }
0x9c: {  	s6 =	sld [smem:$0x3FFD];
	_ =	sdelay $0x3  }
0x9d: {  	_ =	strace s6  }
0x9e: {  	_ =	strace $0x8FFFFFFF  }
0x9f: {  	s19 =	sld [smem:$0x3FDB];
	_ =	sdelay $0x1  }
0xa0: {  	s7 =	simm.s32 $_scs_section_size  }
0xa1: {  	s8 =	simm.s32 $_size__tile_overlayer_lowered;
	s9 =	simm.s32 $_tile_overlayer_lowered  }
0xa2: {  	s22 =	simm.s32 $0x1BFF;
	s21 =	sshll.u32 s9, $0x1;
	s6 =	sadd.s32 s7, s19  }
0xa3: {  	s10 =	simm.s32 $0x0;
	s20 =	sshll.u32 s8, $0x1;
	s8 =	sadd.s32 s21, s6  }
0xa4: {  	[timem:s10], [sflag:s22] =	dma.local [hbm:s8], s20  }
0xa5: {  	_ =	swait.ge [sflag:s22], s20  }
0xa6: {  	s7 =	ssub.s32 $0x0, s20;
	[sflag:s22] =	ssyncset.done $0x0  }
0xa7: {  	[sflag:s22] =	ssyncadd.s32 s7;
	_ =	sdelay $0x1  }
0xa8: {  	s23 =	simm.s32 $0x1B8B  }
0xa9: {  	_ =	swait.ge [sflag:s23], $0x1  }
0xaa: {  	[sflag:s23] =	ssyncset.done $0x0  }
0xab: {  	s25 =	simm.s32 $0x1B8E;
	s24 =	sld [smem:$0x3FFE];
	[sflag:s23] =	ssyncadd.s32 $0xFFFFFFFF  }
0xac: {  	s26 =	simm.s32 $execute0_lowered;
	[smem:$0x3FD2] =	sst s25  }
0xad: {  	s8 =	sshll.u32 s26, $0x1;
	_ =	strace $0x80000046;
	[dreg:$0x1] =	wrdreg $0xFFFFFFFF  }
0xae: {  	s28 =	simm.s32 $_size_execute0_lowered;
	s6 =	sadd.s32 s6, s8;
	[dreg:$0x0] =	wrdreg $0x0  }
0xaf: {  	s8 =	sshll.u32 s28, $0x1;
	[dreg:$0x2] =	wrdreg s6  }
0xb0: {  	[dreg:$0x3] =	wrdreg s8  }
0xb1: {  	[dreg:$0x4] =	wrdreg $0xC0  }
0xb2: {  	_ =	task [dreg:s10], $0x5FFFF  }
0xb3: {  	[dreg:$0x1] =	wrdreg $0xFFFFFFFF  }
0xb4: {  	[dreg:$0x0] =	wrdreg $0x60  }
0xb5: {  	[dreg:$0x2] =	wrdreg s17  }
0xb6: {  	[dreg:$0x3] =	wrdreg s24  }
0xb7: {  	[dreg:$0x4] =	wrdreg s16  }
0xb8: {  	[dreg:$0x5] =	wrdreg s5  }
0xb9: {  	[dreg:$0x6] =	wrdreg s18  }
0xba: {  	[dreg:$0x7] =	wrdreg $0x9  }
0xbb: {  	_ =	task.clear_ibuf [dreg:s10], $0x8FFFF;
	_ =	strace $0x90000046  }
0xbc: {  	s29 =	simm.s32 $0x9;
	_ =	strace $0x80000048  }
0xbd: {  	_ =	swait.ge [sflag:s29], $0x1  }
0xbe: {  	[sflag:s29] =	ssyncadd.s32 $0xFFFFFFFF  }
0xbf: {  	_ =	strace $0x90000048  }
0xc0: {  	_ =	sfence  }
0xc1: {  	s30 =	sld [smem:$0x0];
	_ =	sdelay $0x2  }
0xc2: {  	s31 =	sshll.u32 s1, $0xD;
	s1 =	sshrl.u32 s1, $0x2  }
0xc3: {  	s3 =	sand.u32 $0x4000, s31;
	s1 =	sadd.s32 s1, s30  }
0xc4: {  	s0 =	sor.u32 s3, s0;
	s1 =	sshll.u32 s1, $0x11  }
0xc5: {  	s0 =	sor.u32 s1, s0  }
0xc6: {  	s0 =	sadd.s32 $0x8F2B, s0  }
0xc7: {  	[sflag:s0] =	ssyncadd.remote.s32 $0x1  }
0xc8: {  	_ =	sfence.sel $0xFFFF  }
0xc9: {  	[dreg:$0x0] =	wrdreg $0xFFFFFFFF;
	(pc) =	sbr.abs _section_cstart, $3  }
0xca: {  	[dreg:$0x1] =	wrdreg $0xFFFFFFFF  }
0xcb: {  	_ =	task.clear_ibuf [dreg:s10], $0x2FFFF;
	_ =	strace $0x9FFFFFFF  }
0xcc: {  	(tm) =	ssettm $0x7FFFFFFF  }
0xcd: {  	_ =	shalt  }
tec
execute0_lowered:
.L_overlay_start_1:
0x0: {  	(tag) =	ssettag $0x1  }
0x1: {  	s4 =	rddreg [dreg:$0x0]  }
0x2: {  	s5 =	rddreg [dreg:$0x1]  }
0x3: {  	s6 =	rddreg [dreg:$0x2]  }
0x4: {  	s7 =	rddreg [dreg:$0x3]  }
0x5: {  	s8 =	rddreg [dreg:$0x4]  }
0x6: {  	s0 =	rddreg [dreg:$0x5];
	s2 =	simm.s32 $0x0;
	v0 =	vlaneseq.u32  }
0x7: {  	[smem:$0x7FF] =	sst s2;
	v51 =	vand.u32 $0x7, v0  }
0x8: {  	s3 =	srdreg.scid;
	s1 =	stileid.u32;
	v45 =	vor.u32 $0x10, v0;
	_ =	strace $0x80000047;
	[tilespmem:$0x1FF70] =	vst v51  }
0x9: {  	s13 =	simm.s32 $0xA800;
	s14 =	simm.s32 $0x8800;
	s15 =	simm.s32 $0x9800;
	v48 =	vor.u32 $0x20, v0;
	[tilespmem:$0x1FF90] =	vst v45  }
0xa: {  	s16 =	simm.s32 $0x0;
	s9 =	sand.u32 $0x1, s3;
	s30 =	sshll.u32 s1, $0x1;
	v40 =	vor.u32 $0x30, v0;
	[tilespmem:$0x1FFA0] =	vst v48  }
0xb: {  	s3 =	sadd.s32 $0xE00, s5;
	v41 =	vor.u32 $0x40, v0;
	s10 =	sor.u32 s9, s30;
	s9 =	ssub.s32 $0x2, s9;
	[tilespmem:$0x1FFB0] =	vst v40  }
0xc: {  	v42 =	vor.u32 $0x50, v0;
	[tilespmem:$0x1FFC0] =	vst v41;
	s11 =	sshll.u32 s10, $0x3;
	s31 =	sshrl.u32 s9, $0x1;
	s12 =	sshll.u32 s10, $0xC  }
0xd: {  	v43 =	vor.u32 $0x60, v0;
	[tilespmem:$0x1FFD0] =	vst v42;
	s10 =	sshll.u32 s10, $0x9;
	s11 =	sadd.s32 s11, s5;
	s9 =	ssub.s32 s9, s31  }
0xe: {  	v44 =	vor.u32 $0x70, v0;
	[tilespmem:$0x1FFE0] =	vst v43;
	s4 =	sadd.s32 s4, s12;
	s5 =	sadd.s32 s6, s12;
	s6 =	sadd.s32 s8, s10  }
0xf: {  	v37 =	vor.u32 $0x388, v51;
	[tilespmem:$0x1FFF0] =	vst v44;
	s7 =	sadd.s32 s7, s10;
	s10 =	simm.s32 $0x1;
	s12 =	simm.s32 $0x8000  }
0x10: {  	[tilespmem:$0x1FF80] =	vst v37;
	s8 =	sadd.s32 $0x1000, s11;
	s9 =	smax.u32 s9, $0x1;
	s11 =	simm.s32 $0x8400  }
.LBB2_1:
0x11: {  	[tilespmem:s2], [sflag:$0x1] =	stream.linear.gather [hbm4b:s4+s2], $0x8000, $0x38;
	[tilespmem:$0xA840] =	vst v63  }
0x12: {  	_ =	swait.ge [sflag:s10], $0x8000  }
0x13: {  	[sflag:s10] =	ssyncset.done $0x0  }
0x14: {  	[sflag:s10] =	ssyncadd.s32 $0xFFFF8000  }
0x15: {  	[tilespmem:s11], [sflag:$0x1] =	stream.linear.gather [hbm4b:s3+s2], $0x400, $0x38;
	[tilespmem:$0xA840] =	vst v63  }
0x16: {  	_ =	swait.ge [sflag:s10], $0x400  }
0x17: {  	[sflag:s10] =	ssyncset.done $0x0  }
0x18: {  	v0 =	vimm.f32 $0.0e+00;
	[sflag:s10] =	ssyncadd.s32 $0xFFFFFC00  }
0x19: {  	[tilespmem:$0xA800] =	vst v0  }
0x1a: {  	[tilespmem:$0xA810] =	vst v0  }
0x1b: {  	[tilespmem:$0xA820] =	vst v0  }
0x1c: {  	s17 =	simm.s32 $0x0;
	[tilespmem:$0xA830] =	vst v0  }
.LBB2_2:
0x1d: {  	s18 =	sshra.s32 s17, $0x2  }
0x1e: {  	v0 =	vld [tilespmem:s18+$0x0]  }
0x1f: {  	v1 =	vld [tilespmem:s18+$0x200]  }
0x20: {  	v2 =	vld [tilespmem:s18+$0x400]  }
0x21: {  	v3 =	vld [tilespmem:s18+$0x600]  }
0x22: {  	v4 =	vld [tilespmem:s18+$0x800]  }
0x23: {  	v5 =	vld [tilespmem:s18+$0xA00];
	v0 =	vsub.f32 $0.0e+00, v0  }
0x24: {  	v6 =	vld [tilespmem:s18+$0xC00];
	v1 =	vsub.f32 $0.0e+00, v1  }
0x25: {  	v7 =	vld [tilespmem:s18+$0xE00];
	v2 =	vsub.f32 $0.0e+00, v2;
	v0 =	vmul.f32 $1.442695020e+00, v0  }
0x26: {  	v3 =	vsub.f32 $0.0e+00, v3;
	v1 =	vmul.f32 $1.442695020e+00, v1  }
0x27: {  	v41 =	vsub.f32 $0.0e+00, v4;
	v40 =	vmul.f32 $1.442695020e+00, v2;
	(erf) = vpow2.f32 v0  }
0x28: {  	v43 =	vsub.f32 $0.0e+00, v5;
	v42 =	vmul.f32 $1.442695020e+00, v3;
	(erf) = vpow2.f32 v1  }
0x29: {  	v45 =	vsub.f32 $0.0e+00, v6;
	v44 =	vmul.f32 $1.442695020e+00, v41;
	(erf) = vpow2.f32 v40  }
0x2a: {  	v47 =	vsub.f32 $0.0e+00, v7;
	v46 =	vmul.f32 $1.442695020e+00, v43;
	(erf) = vpow2.f32 v42  }
0x2b: {  	v48 =	vmul.f32 $1.442695020e+00, v45;
	(erf) = vpow2.f32 v44  }
0x2c: {  	v49 =	vmul.f32 $1.442695020e+00, v47;
	(erf) = vpow2.f32 v46  }
0x2d: {  	(erf) = vpow2.f32 v48  }
0x2e: {  	(erf) = vpow2.f32 v49;
	_ =	sdelay $0x1  }
0x2f: {  	v50 =	vpop (erf)  }
0x30: {  	v51 =	vpop (erf);
	v0 =	vadd.f32 $1.000000000e+00, v50  }
0x31: {  	v52 =	vpop (erf);
	v1 =	vadd.f32 $1.000000000e+00, v51  }
0x32: {  	v53 =	vpop (erf);
	v2 =	vadd.f32 $1.000000000e+00, v52;
	(erf) = vrcp.f32 v0  }
0x33: {  	v54 =	vpop (erf);
	v3 =	vadd.f32 $1.000000000e+00, v53;
	(erf) = vrcp.f32 v1  }
0x34: {  	v55 =	vpop (erf);
	v0 =	vadd.f32 $1.000000000e+00, v54;
	(erf) = vrcp.f32 v2  }
0x35: {  	v56 =	vpop (erf);
	v1 =	vadd.f32 $1.000000000e+00, v55;
	(erf) = vrcp.f32 v3  }
0x36: {  	v57 =	vpop (erf);
	v2 =	vadd.f32 $1.000000000e+00, v56;
	(erf) = vrcp.f32 v0  }
0x37: {  	v58 =	vld [tilespmem:$0x8400];
	v3 =	vadd.f32 $1.000000000e+00, v57;
	(erf) = vrcp.f32 v1  }
0x38: {  	v59 =	vld [tilespmem:$0x8410];
	(erf) = vrcp.f32 v2  }
0x39: {  	v60 =	vld [tilespmem:$0x8420];
	(erf) = vrcp.f32 v3  }
0x3a: {  	v61 =	vld [tilespmem:$0x8430]  }
0x3b: {  	v62 =	vld [tilespmem:$0x8440];
	v63 =	vpop (erf)  }
0x3c: {  	v9 =	vld [tilespmem:$0x8450];
	v10 =	vpop (erf);
	v22 =	vadd.f32 v63, v58  }
0x3d: {  	v11 =	vld [tilespmem:$0x8460];
	v12 =	vpop (erf);
	v23 =	vadd.f32 v10, v59  }
0x3e: {  	v13 =	vld [tilespmem:$0x8470];
	v14 =	vpop (erf);
	v16 =	vadd.f32 v12, v60;
	[tilespmem:$0x8000] =	vst v22  }
0x3f: {  	v20 =	vpop (erf);
	v17 =	vadd.f32 v14, v61;
	[tilespmem:$0x8010] =	vst v23  }
0x40: {  	v21 =	vpop (erf);
	v18 =	vadd.f32 v20, v62;
	[tilespmem:$0x8020] =	vst v16  }
0x41: {  	v24 =	vpop (erf);
	v19 =	vadd.f32 v21, v9;
	[tilespmem:$0x8030] =	vst v17  }
0x42: {  	v25 =	vpop (erf);
	v20 =	vadd.f32 v24, v11;
	[tilespmem:$0x8040] =	vst v18  }
0x43: {  	v21 =	vadd.f32 v25, v13;
	[tilespmem:$0x8050] =	vst v19  }
0x44: {  	[tilespmem:$0x8060] =	vst v20  }
0x45: {  	[tilespmem:$0x8070] =	vst v21  }
0x46: {  	v26 =	vld [tilespmem:s18+$0x1000]  }
0x47: {  	v27 =	vld [tilespmem:s18+$0x1200]  }
0x48: {  	v28 =	vld [tilespmem:s18+$0x1400]  }
0x49: {  	v29 =	vld [tilespmem:s18+$0x1600]  }
0x4a: {  	v30 =	vld [tilespmem:s18+$0x1800]  }
0x4b: {  	v31 =	vld [tilespmem:s18+$0x1A00];
	v0 =	vsub.f32 $0.0e+00, v26  }
0x4c: {  	v32 =	vld [tilespmem:s18+$0x1C00];
	v1 =	vsub.f32 $0.0e+00, v27  }
0x4d: {  	v33 =	vld [tilespmem:s18+$0x1E00];
	v2 =	vsub.f32 $0.0e+00, v28;
	v0 =	vmul.f32 $1.442695020e+00, v0  }
0x4e: {  	v3 =	vsub.f32 $0.0e+00, v29;
	v1 =	vmul.f32 $1.442695020e+00, v1  }
0x4f: {  	v35 =	vsub.f32 $0.0e+00, v30;
	v34 =	vmul.f32 $1.442695020e+00, v2;
	(erf) = vpow2.f32 v0  }
0x50: {  	v37 =	vsub.f32 $0.0e+00, v31;
	v36 =	vmul.f32 $1.442695020e+00, v3;
	(erf) = vpow2.f32 v1  }
0x51: {  	v39 =	vsub.f32 $0.0e+00, v32;
	v38 =	vmul.f32 $1.442695020e+00, v35;
	(erf) = vpow2.f32 v34  }
0x52: {  	v41 =	vsub.f32 $0.0e+00, v33;
	v40 =	vmul.f32 $1.442695020e+00, v37;
	(erf) = vpow2.f32 v36  }
0x53: {  	v42 =	vmul.f32 $1.442695020e+00, v39;
	(erf) = vpow2.f32 v38  }
0x54: {  	v43 =	vmul.f32 $1.442695020e+00, v41;
	(erf) = vpow2.f32 v40  }
0x55: {  	(erf) = vpow2.f32 v42  }
0x56: {  	(erf) = vpow2.f32 v43;
	_ =	sdelay $0x1  }
0x57: {  	v44 =	vpop (erf)  }
0x58: {  	v45 =	vpop (erf);
	v0 =	vadd.f32 $1.000000000e+00, v44  }
0x59: {  	v46 =	vpop (erf);
	v1 =	vadd.f32 $1.000000000e+00, v45  }
0x5a: {  	v47 =	vpop (erf);
	v2 =	vadd.f32 $1.000000000e+00, v46;
	(erf) = vrcp.f32 v0  }
0x5b: {  	v48 =	vpop (erf);
	v3 =	vadd.f32 $1.000000000e+00, v47;
	(erf) = vrcp.f32 v1  }
0x5c: {  	v49 =	vpop (erf);
	v0 =	vadd.f32 $1.000000000e+00, v48;
	(erf) = vrcp.f32 v2  }
0x5d: {  	v50 =	vpop (erf);
	v1 =	vadd.f32 $1.000000000e+00, v49;
	(erf) = vrcp.f32 v3  }
0x5e: {  	v51 =	vpop (erf);
	v2 =	vadd.f32 $1.000000000e+00, v50;
	(erf) = vrcp.f32 v0  }
0x5f: {  	v52 =	vld [tilespmem:$0x8480];
	v3 =	vadd.f32 $1.000000000e+00, v51;
	(erf) = vrcp.f32 v1  }
0x60: {  	v53 =	vld [tilespmem:$0x8490];
	(erf) = vrcp.f32 v2  }
0x61: {  	v54 =	vld [tilespmem:$0x84A0];
	(erf) = vrcp.f32 v3  }
0x62: {  	v55 =	vld [tilespmem:$0x84B0]  }
0x63: {  	v56 =	vld [tilespmem:$0x84C0];
	v57 =	vpop (erf)  }
0x64: {  	v58 =	vld [tilespmem:$0x84D0];
	v59 =	vpop (erf);
	v24 =	vadd.f32 v57, v52  }
0x65: {  	v60 =	vld [tilespmem:$0x84E0];
	v61 =	vpop (erf);
	v25 =	vadd.f32 v59, v53  }
0x66: {  	v62 =	vld [tilespmem:$0x84F0];
	v63 =	vpop (erf);
	v26 =	vadd.f32 v61, v54;
	[tilespmem:$0x8080] =	vst v24  }
0x67: {  	v9 =	vpop (erf);
	v27 =	vadd.f32 v63, v55;
	[tilespmem:$0x8090] =	vst v25  }
0x68: {  	v10 =	vpop (erf);
	v28 =	vadd.f32 v9, v56;
	[tilespmem:$0x80A0] =	vst v26  }
0x69: {  	v11 =	vpop (erf);
	v29 =	vadd.f32 v10, v58;
	[tilespmem:$0x80B0] =	vst v27  }
0x6a: {  	v12 =	vpop (erf);
	v30 =	vadd.f32 v11, v60;
	[tilespmem:$0x80C0] =	vst v28  }
0x6b: {  	v31 =	vadd.f32 v12, v62;
	[tilespmem:$0x80D0] =	vst v29  }
0x6c: {  	[tilespmem:$0x80E0] =	vst v30  }
0x6d: {  	[tilespmem:$0x80F0] =	vst v31  }
0x6e: {  	v13 =	vld [tilespmem:s18+$0x2000]  }
0x6f: {  	v14 =	vld [tilespmem:s18+$0x2200]  }
0x70: {  	v15 =	vld [tilespmem:s18+$0x2400]  }
0x71: {  	v32 =	vld [tilespmem:s18+$0x2600]  }
0x72: {  	v33 =	vld [tilespmem:s18+$0x2800]  }
0x73: {  	v34 =	vld [tilespmem:s18+$0x2A00];
	v0 =	vsub.f32 $0.0e+00, v13  }
0x74: {  	v35 =	vld [tilespmem:s18+$0x2C00];
	v1 =	vsub.f32 $0.0e+00, v14  }
0x75: {  	v36 =	vld [tilespmem:s18+$0x2E00];
	v2 =	vsub.f32 $0.0e+00, v15;
	v0 =	vmul.f32 $1.442695020e+00, v0  }
0x76: {  	v3 =	vsub.f32 $0.0e+00, v32;
	v1 =	vmul.f32 $1.442695020e+00, v1  }
0x77: {  	v38 =	vsub.f32 $0.0e+00, v33;
	v37 =	vmul.f32 $1.442695020e+00, v2;
	(erf) = vpow2.f32 v0  }
0x78: {  	v40 =	vsub.f32 $0.0e+00, v34;
	v39 =	vmul.f32 $1.442695020e+00, v3;
	(erf) = vpow2.f32 v1  }
0x79: {  	v42 =	vsub.f32 $0.0e+00, v35;
	v41 =	vmul.f32 $1.442695020e+00, v38;
	(erf) = vpow2.f32 v37  }
0x7a: {  	v44 =	vsub.f32 $0.0e+00, v36;
	v43 =	vmul.f32 $1.442695020e+00, v40;
	(erf) = vpow2.f32 v39  }
0x7b: {  	v45 =	vmul.f32 $1.442695020e+00, v42;
	(erf) = vpow2.f32 v41  }
0x7c: {  	v46 =	vmul.f32 $1.442695020e+00, v44;
	(erf) = vpow2.f32 v43  }
0x7d: {  	(erf) = vpow2.f32 v45  }
0x7e: {  	(erf) = vpow2.f32 v46;
	_ =	sdelay $0x1  }
0x7f: {  	v47 =	vpop (erf)  }
0x80: {  	v48 =	vpop (erf);
	v0 =	vadd.f32 $1.000000000e+00, v47  }
0x81: {  	v49 =	vpop (erf);
	v1 =	vadd.f32 $1.000000000e+00, v48  }
0x82: {  	v50 =	vpop (erf);
	v2 =	vadd.f32 $1.000000000e+00, v49;
	(erf) = vrcp.f32 v0  }
0x83: {  	v51 =	vpop (erf);
	v3 =	vadd.f32 $1.000000000e+00, v50;
	(erf) = vrcp.f32 v1  }
0x84: {  	v52 =	vpop (erf);
	v0 =	vadd.f32 $1.000000000e+00, v51;
	(erf) = vrcp.f32 v2  }
0x85: {  	v53 =	vpop (erf);
	v1 =	vadd.f32 $1.000000000e+00, v52;
	(erf) = vrcp.f32 v3  }
0x86: {  	v54 =	vpop (erf);
	v2 =	vadd.f32 $1.000000000e+00, v53;
	(erf) = vrcp.f32 v0  }
0x87: {  	v55 =	vld [tilespmem:$0x8500];
	v3 =	vadd.f32 $1.000000000e+00, v54;
	(erf) = vrcp.f32 v1  }
0x88: {  	v56 =	vld [tilespmem:$0x8510];
	(erf) = vrcp.f32 v2  }
0x89: {  	v57 =	vld [tilespmem:$0x8520];
	(erf) = vrcp.f32 v3  }
0x8a: {  	v58 =	vld [tilespmem:$0x8530]  }
0x8b: {  	v59 =	vld [tilespmem:$0x8540];
	v60 =	vpop (erf)  }
0x8c: {  	v61 =	vld [tilespmem:$0x8550];
	v62 =	vpop (erf);
	v37 =	vadd.f32 v60, v55  }
0x8d: {  	v63 =	vld [tilespmem:$0x8560];
	v9 =	vpop (erf);
	v40 =	vadd.f32 v62, v56  }
0x8e: {  	v10 =	vld [tilespmem:$0x8570];
	v11 =	vpop (erf);
	v41 =	vadd.f32 v9, v57;
	[tilespmem:$0x8100] =	vst v37  }
0x8f: {  	v12 =	vpop (erf);
	v42 =	vadd.f32 v11, v58;
	[tilespmem:$0x8110] =	vst v40  }
0x90: {  	v13 =	vpop (erf);
	v43 =	vadd.f32 v12, v59;
	[tilespmem:$0x8120] =	vst v41  }
0x91: {  	v14 =	vpop (erf);
	v44 =	vadd.f32 v13, v61;
	[tilespmem:$0x8130] =	vst v42  }
0x92: {  	v15 =	vpop (erf);
	v45 =	vadd.f32 v14, v63;
	[tilespmem:$0x8140] =	vst v43  }
0x93: {  	v46 =	vadd.f32 v15, v10;
	[tilespmem:$0x8150] =	vst v44  }
0x94: {  	[tilespmem:$0x8160] =	vst v45  }
0x95: {  	[tilespmem:$0x8170] =	vst v46  }
0x96: {  	v34 =	vld [tilespmem:s18+$0x3000]  }
0x97: {  	v8 =	vld [tilespmem:s18+$0x3200]  }
0x98: {  	v9 =	vld [tilespmem:s18+$0x3400]  }
0x99: {  	v10 =	vld [tilespmem:s18+$0x3600]  }
0x9a: {  	v11 =	vld [tilespmem:s18+$0x3800]  }
0x9b: {  	v12 =	vld [tilespmem:s18+$0x3A00];
	v7 =	vsub.f32 $0.0e+00, v34  }
0x9c: {  	v13 =	vld [tilespmem:s18+$0x3C00];
	v8 =	vsub.f32 $0.0e+00, v8  }
0x9d: {  	v14 =	vld [tilespmem:s18+$0x3E00];
	v9 =	vsub.f32 $0.0e+00, v9;
	v7 =	vmul.f32 $1.442695020e+00, v7  }
0x9e: {  	v10 =	vsub.f32 $0.0e+00, v10;
	v8 =	vmul.f32 $1.442695020e+00, v8  }
0x9f: {  	v36 =	vsub.f32 $0.0e+00, v11;
	v35 =	vmul.f32 $1.442695020e+00, v9;
	(erf) = vpow2.f32 v7  }
0xa0: {  	v39 =	vsub.f32 $0.0e+00, v12;
	v38 =	vmul.f32 $1.442695020e+00, v10;
	(erf) = vpow2.f32 v8  }
0xa1: {  	v48 =	vsub.f32 $0.0e+00, v13;
	v47 =	vmul.f32 $1.442695020e+00, v36;
	(erf) = vpow2.f32 v35  }
0xa2: {  	v50 =	vsub.f32 $0.0e+00, v14;
	v49 =	vmul.f32 $1.442695020e+00, v39;
	(erf) = vpow2.f32 v38  }
0xa3: {  	v51 =	vmul.f32 $1.442695020e+00, v48;
	(erf) = vpow2.f32 v47  }
0xa4: {  	v52 =	vmul.f32 $1.442695020e+00, v50;
	(erf) = vpow2.f32 v49  }
0xa5: {  	(erf) = vpow2.f32 v51  }
0xa6: {  	(erf) = vpow2.f32 v52;
	_ =	sdelay $0x1  }
0xa7: {  	v53 =	vpop (erf)  }
0xa8: {  	v54 =	vpop (erf);
	v7 =	vadd.f32 $1.000000000e+00, v53  }
0xa9: {  	v55 =	vpop (erf);
	v8 =	vadd.f32 $1.000000000e+00, v54  }
0xaa: {  	v56 =	vpop (erf);
	v9 =	vadd.f32 $1.000000000e+00, v55;
	(erf) = vrcp.f32 v7  }
0xab: {  	v57 =	vpop (erf);
	v10 =	vadd.f32 $1.000000000e+00, v56;
	(erf) = vrcp.f32 v8  }
0xac: {  	v58 =	vpop (erf);
	v7 =	vadd.f32 $1.000000000e+00, v57;
	(erf) = vrcp.f32 v9  }
0xad: {  	v59 =	vpop (erf);
	v8 =	vadd.f32 $1.000000000e+00, v58;
	(erf) = vrcp.f32 v10  }
0xae: {  	v60 =	vpop (erf);
	v9 =	vadd.f32 $1.000000000e+00, v59;
	(erf) = vrcp.f32 v7  }
0xaf: {  	v3 =	vld [tilespmem:$0x8580];
	v61 =	vadd.f32 $1.000000000e+00, v60;
	(erf) = vrcp.f32 v8  }
0xb0: {  	v2 =	vld [tilespmem:$0x8590];
	(erf) = vrcp.f32 v9  }
0xb1: {  	v5 =	vld [tilespmem:$0x85A0];
	(erf) = vrcp.f32 v61  }
0xb2: {  	v32 =	vld [tilespmem:$0x85B0]  }
0xb3: {  	v33 =	vld [tilespmem:$0x85C0];
	v62 =	vpop (erf)  }
0xb4: {  	v4 =	vld [tilespmem:$0x85D0];
	v63 =	vpop (erf);
	v14 =	vadd.f32 v62, v3  }
0xb5: {  	v6 =	vld [tilespmem:$0x85E0];
	v11 =	vpop (erf);
	v36 =	vadd.f32 v63, v2  }
0xb6: {  	v15 =	vld [tilespmem:$0x85F0];
	v12 =	vpop (erf);
	v48 =	vadd.f32 v11, v5;
	[tilespmem:$0x8180] =	vst v14  }
0xb7: {  	v13 =	vpop (erf);
	v49 =	vadd.f32 v12, v32;
	[tilespmem:$0x8190] =	vst v36  }
0xb8: {  	v32 =	vpop (erf);
	v50 =	vadd.f32 v13, v33;
	[tilespmem:$0x81A0] =	vst v48  }
0xb9: {  	v33 =	vpop (erf);
	v51 =	vadd.f32 v32, v4;
	[tilespmem:$0x81B0] =	vst v49  }
0xba: {  	v34 =	vpop (erf);
	v52 =	vadd.f32 v33, v6;
	[tilespmem:$0x81C0] =	vst v50  }
0xbb: {  	v15 =	vadd.f32 v34, v15;
	[tilespmem:$0x81D0] =	vst v51  }
0xbc: {  	[tilespmem:$0x81E0] =	vst v52  }
0xbd: {  	[tilespmem:$0x81F0] =	vst v15  }
0xbe: {  	v35 =	vld [tilespmem:s18+$0x4000]  }
0xbf: {  	v38 =	vld [tilespmem:s18+$0x4200]  }
0xc0: {  	v39 =	vld [tilespmem:s18+$0x4400]  }
0xc1: {  	v47 =	vld [tilespmem:s18+$0x4600]  }
0xc2: {  	v53 =	vld [tilespmem:s18+$0x4800]  }
0xc3: {  	v54 =	vld [tilespmem:s18+$0x4A00];
	v0 =	vsub.f32 $0.0e+00, v35  }
0xc4: {  	v55 =	vld [tilespmem:s18+$0x4C00];
	v1 =	vsub.f32 $0.0e+00, v38  }
0xc5: {  	v56 =	vld [tilespmem:s18+$0x4E00];
	v2 =	vsub.f32 $0.0e+00, v39;
	v0 =	vmul.f32 $1.442695020e+00, v0  }
0xc6: {  	v3 =	vsub.f32 $0.0e+00, v47;
	v1 =	vmul.f32 $1.442695020e+00, v1  }
0xc7: {  	v58 =	vsub.f32 $0.0e+00, v53;
	v57 =	vmul.f32 $1.442695020e+00, v2;
	(erf) = vpow2.f32 v0  }
0xc8: {  	v60 =	vsub.f32 $0.0e+00, v54;
	v59 =	vmul.f32 $1.442695020e+00, v3;
	(erf) = vpow2.f32 v1  }
0xc9: {  	v62 =	vsub.f32 $0.0e+00, v55;
	v61 =	vmul.f32 $1.442695020e+00, v58;
	(erf) = vpow2.f32 v57  }
0xca: {  	v6 =	vsub.f32 $0.0e+00, v56;
	v63 =	vmul.f32 $1.442695020e+00, v60;
	(erf) = vpow2.f32 v59  }
0xcb: {  	v7 =	vmul.f32 $1.442695020e+00, v62;
	(erf) = vpow2.f32 v61  }
0xcc: {  	v8 =	vmul.f32 $1.442695020e+00, v6;
	(erf) = vpow2.f32 v63  }
0xcd: {  	(erf) = vpow2.f32 v7  }
0xce: {  	(erf) = vpow2.f32 v8;
	_ =	sdelay $0x1  }
0xcf: {  	v9 =	vpop (erf)  }
0xd0: {  	v10 =	vpop (erf);
	v0 =	vadd.f32 $1.000000000e+00, v9  }
0xd1: {  	v11 =	vpop (erf);
	v1 =	vadd.f32 $1.000000000e+00, v10  }
0xd2: {  	v12 =	vpop (erf);
	v2 =	vadd.f32 $1.000000000e+00, v11;
	(erf) = vrcp.f32 v0  }
0xd3: {  	v13 =	vpop (erf);
	v3 =	vadd.f32 $1.000000000e+00, v12;
	(erf) = vrcp.f32 v1  }
0xd4: {  	v32 =	vpop (erf);
	v0 =	vadd.f32 $1.000000000e+00, v13;
	(erf) = vrcp.f32 v2  }
0xd5: {  	v33 =	vpop (erf);
	v1 =	vadd.f32 $1.000000000e+00, v32;
	(erf) = vrcp.f32 v3  }
0xd6: {  	v34 =	vpop (erf);
	v2 =	vadd.f32 $1.000000000e+00, v33;
	(erf) = vrcp.f32 v0  }
0xd7: {  	v35 =	vld [tilespmem:$0x8600];
	v3 =	vadd.f32 $1.000000000e+00, v34;
	(erf) = vrcp.f32 v1  }
0xd8: {  	v38 =	vld [tilespmem:$0x8610];
	(erf) = vrcp.f32 v2  }
0xd9: {  	v39 =	vld [tilespmem:$0x8620];
	(erf) = vrcp.f32 v3  }
0xda: {  	v47 =	vld [tilespmem:$0x8630]  }
0xdb: {  	v53 =	vld [tilespmem:$0x8640];
	v54 =	vpop (erf)  }
0xdc: {  	v55 =	vld [tilespmem:$0x8650];
	v56 =	vpop (erf);
	v33 =	vadd.f32 v54, v35  }
0xdd: {  	v57 =	vld [tilespmem:$0x8660];
	v58 =	vpop (erf);
	v34 =	vadd.f32 v56, v38  }
0xde: {  	v59 =	vld [tilespmem:$0x8670];
	v60 =	vpop (erf);
	v35 =	vadd.f32 v58, v39;
	[tilespmem:$0x8200] =	vst v33  }
0xdf: {  	v61 =	vpop (erf);
	v38 =	vadd.f32 v60, v47;
	[tilespmem:$0x8210] =	vst v34  }
0xe0: {  	v62 =	vpop (erf);
	v39 =	vadd.f32 v61, v53;
	[tilespmem:$0x8220] =	vst v35  }
0xe1: {  	v63 =	vpop (erf);
	v47 =	vadd.f32 v62, v55;
	[tilespmem:$0x8230] =	vst v38  }
0xe2: {  	v7 =	vpop (erf);
	v53 =	vadd.f32 v63, v57;
	[tilespmem:$0x8240] =	vst v39  }
0xe3: {  	v54 =	vadd.f32 v7, v59;
	[tilespmem:$0x8250] =	vst v47  }
0xe4: {  	[tilespmem:$0x8260] =	vst v53  }
0xe5: {  	[tilespmem:$0x8270] =	vst v54  }
0xe6: {  	v8 =	vld [tilespmem:s18+$0x5000]  }
0xe7: {  	v9 =	vld [tilespmem:s18+$0x5200]  }
0xe8: {  	v10 =	vld [tilespmem:s18+$0x5400]  }
0xe9: {  	v11 =	vld [tilespmem:s18+$0x5600]  }
0xea: {  	v12 =	vld [tilespmem:s18+$0x5800]  }
0xeb: {  	v13 =	vld [tilespmem:s18+$0x5A00];
	v0 =	vsub.f32 $0.0e+00, v8  }
0xec: {  	v32 =	vld [tilespmem:s18+$0x5C00];
	v1 =	vsub.f32 $0.0e+00, v9  }
0xed: {  	v55 =	vld [tilespmem:s18+$0x5E00];
	v2 =	vsub.f32 $0.0e+00, v10;
	v0 =	vmul.f32 $1.442695020e+00, v0  }
0xee: {  	v3 =	vsub.f32 $0.0e+00, v11;
	v1 =	vmul.f32 $1.442695020e+00, v1  }
0xef: {  	v57 =	vsub.f32 $0.0e+00, v12;
	v56 =	vmul.f32 $1.442695020e+00, v2;
	(erf) = vpow2.f32 v0  }
0xf0: {  	v59 =	vsub.f32 $0.0e+00, v13;
	v58 =	vmul.f32 $1.442695020e+00, v3;
	(erf) = vpow2.f32 v1  }
0xf1: {  	v61 =	vsub.f32 $0.0e+00, v32;
	v60 =	vmul.f32 $1.442695020e+00, v57;
	(erf) = vpow2.f32 v56  }
0xf2: {  	v63 =	vsub.f32 $0.0e+00, v55;
	v62 =	vmul.f32 $1.442695020e+00, v59;
	(erf) = vpow2.f32 v58  }
0xf3: {  	v6 =	vmul.f32 $1.442695020e+00, v61;
	(erf) = vpow2.f32 v60  }
0xf4: {  	v7 =	vmul.f32 $1.442695020e+00, v63;
	(erf) = vpow2.f32 v62  }
0xf5: {  	(erf) = vpow2.f32 v6  }
0xf6: {  	(erf) = vpow2.f32 v7;
	_ =	sdelay $0x1  }
0xf7: {  	v8 =	vpop (erf)  }
0xf8: {  	v9 =	vpop (erf);
	v0 =	vadd.f32 $1.000000000e+00, v8  }
0xf9: {  	v10 =	vpop (erf);
	v1 =	vadd.f32 $1.000000000e+00, v9  }
0xfa: {  	v11 =	vpop (erf);
	v2 =	vadd.f32 $1.000000000e+00, v10;
	(erf) = vrcp.f32 v0  }
0xfb: {  	v12 =	vpop (erf);
	v3 =	vadd.f32 $1.000000000e+00, v11;
	(erf) = vrcp.f32 v1  }
0xfc: {  	v13 =	vpop (erf);
	v0 =	vadd.f32 $1.000000000e+00, v12;
	(erf) = vrcp.f32 v2  }
0xfd: {  	v32 =	vpop (erf);
	v1 =	vadd.f32 $1.000000000e+00, v13;
	(erf) = vrcp.f32 v3  }
0xfe: {  	v55 =	vpop (erf);
	v2 =	vadd.f32 $1.000000000e+00, v32;
	(erf) = vrcp.f32 v0  }
0xff: {  	v56 =	vld [tilespmem:$0x8680];
	v3 =	vadd.f32 $1.000000000e+00, v55;
	(erf) = vrcp.f32 v1  }
0x100: {  	v57 =	vld [tilespmem:$0x8690];
	(erf) = vrcp.f32 v2  }
0x101: {  	v58 =	vld [tilespmem:$0x86A0];
	(erf) = vrcp.f32 v3  }
0x102: {  	v59 =	vld [tilespmem:$0x86B0]  }
0x103: {  	v4 =	vld [tilespmem:$0x86C0];
	v63 =	vpop (erf)  }
0x104: {  	v9 =	vld [tilespmem:$0x86D0];
	v10 =	vpop (erf);
	v62 =	vadd.f32 v63, v56  }
0x105: {  	v11 =	vld [tilespmem:$0x86E0];
	v12 =	vpop (erf);
	v63 =	vadd.f32 v10, v57  }
0x106: {  	v13 =	vld [tilespmem:$0x86F0];
	v32 =	vpop (erf);
	v60 =	vadd.f32 v12, v58;
	[tilespmem:$0x8280] =	vst v62  }
0x107: {  	v55 =	vpop (erf);
	v59 =	vadd.f32 v32, v59;
	[tilespmem:$0x8290] =	vst v63  }
0x108: {  	v61 =	vpop (erf);
	v58 =	vadd.f32 v55, v4;
	[tilespmem:$0x82A0] =	vst v60  }
0x109: {  	v7 =	vpop (erf);
	v57 =	vadd.f32 v61, v9;
	[tilespmem:$0x82B0] =	vst v59  }
0x10a: {  	v8 =	vpop (erf);
	v56 =	vadd.f32 v7, v11;
	[tilespmem:$0x82C0] =	vst v58  }
0x10b: {  	v55 =	vadd.f32 v8, v13;
	[tilespmem:$0x82D0] =	vst v57  }
0x10c: {  	[tilespmem:$0x82E0] =	vst v56  }
0x10d: {  	[tilespmem:$0x82F0] =	vst v55  }
0x10e: {  	v9 =	vld [tilespmem:s18+$0x6000]  }
0x10f: {  	v10 =	vld [tilespmem:s18+$0x6200]  }
0x110: {  	v11 =	vld [tilespmem:s18+$0x6400]  }
0x111: {  	v32 =	vld [tilespmem:s18+$0x6600]  }
0x112: {  	v61 =	vld [tilespmem:s18+$0x6800]  }
0x113: {  	v12 =	vld [tilespmem:s18+$0x6A00];
	_ =	sdelay $0x1  }
0x114: {  	v13 =	vld [tilespmem:s18+$0x6C00];
	v0 =	vsub.f32 $0.0e+00, v9  }
0x115: {  	v1 =	vsub.f32 $0.0e+00, v10;
	v2 =	vsub.f32 $0.0e+00, v11  }
0x116: {  	v3 =	vsub.f32 $0.0e+00, v32;
	v61 =	vsub.f32 $0.0e+00, v61  }
0x117: {  	v7 =	vld [tilespmem:s18+$0x6E00];
	v10 =	vsub.f32 $0.0e+00, v12;
	v0 =	vmul.f32 $1.442695020e+00, v0;
	v1 =	vmul.f32 $1.442695020e+00, v1  }
0x118: {  	v8 =	vmax.f32 v22, v23;
	v32 =	vmul.f32 $1.442695020e+00, v2;
	v9 =	vmul.f32 $1.442695020e+00, v3  }
0x119: {  	v12 =	vsub.f32 $0.0e+00, v13;
	v11 =	vmul.f32 $1.442695020e+00, v61;
	v13 =	vmul.f32 $1.442695020e+00, v10  }
0x11a: {  	[tilespmem:$0x1FD10] =	vst v17;
	v61 =	vmax.f32 v16, v17;
	v10 =	vmax.f32 v18, v19;
	(erf) = vpow2.f32 v0  }
0x11b: {  	[tilespmem:$0x1FD30] =	vst v19;
	v17 =	vmin.f32 v16, v17;
	v19 =	vmin.f32 v18, v19;
	(erf) = vpow2.f32 v1  }
0x11c: {  	v4 =	vmax.f32 v8, v61;
	(erf) = vpow2.f32 v32;
	v32 =	vsub.f32 $0.0e+00, v7  }
0x11d: {  	(erf) = vpow2.f32 v9;
	v9 =	vmul.f32 $1.442695020e+00, v12;
	v12 =	vmax.f32 v20, v21  }
0x11e: {  	[tilespmem:$0x1FD50] =	vst v21;
	v21 =	vmin.f32 v20, v21;
	(erf) = vpow2.f32 v11;
	v11 =	vmul.f32 $1.442695020e+00, v32  }
0x11f: {  	[tilespmem:$0x1FD00] =	vst v22;
	v2 =	vmin.f32 v10, v12;
	v1 =	vmax.f32 v19, v21;
	v19 =	vmax.f32 v26, v27  }
0x120: {  	[tilespmem:$0x1FCF0] =	vst v23;
	v21 =	vmax.f32 v28, v29;
	(erf) = vpow2.f32 v13;
	v13 =	vmin.f32 v22, v23  }
0x121: {  	[tilespmem:$0x1FD20] =	vst v16;
	v22 =	vmin.f32 v8, v61;
	v23 =	vmax.f32 v10, v12;
	v1 =	vmax.f32 v2, v1  }
0x122: {  	[tilespmem:$0x1FD70] =	vst v25;
	(erf) = vpow2.f32 v9;
	v0 =	vmax.f32 v13, v17;
	v32 =	vmax.f32 v4, v23  }
0x123: {  	[tilespmem:$0x1FDA0] =	vst v26;
	v4 =	vmin.f32 v4, v23;
	v17 =	vmax.f32 v24, v25;
	v23 =	vmin.f32 v24, v25  }
0x124: {  	[tilespmem:$0x1FDC0] =	vst v28;
	v25 =	vmin.f32 v26, v27;
	v26 =	vmin.f32 v28, v29;
	(erf) = vpow2.f32 v11  }
0x125: {  	[tilespmem:$0x1FDB0] =	vst v29;
	v28 =	vmax.f32 v37, v40;
	v29 =	vmax.f32 v41, v42;
	v0 =	vmax.f32 v22, v0;
	v61 =	vpop (erf)  }
0x126: {  	[tilespmem:$0x1FDD0] =	vst v31;
	v22 =	vmax.f32 v30, v31;
	v31 =	vmin.f32 v30, v31;
	v0 =	vmax.f32 v0, v1;
	v9 =	vpop (erf)  }
0x127: {  	[tilespmem:$0x1FD40] =	vst v18;
	v0 =	vmax.f32 v4, v0;
	v10 =	vadd.f32 $1.000000000e+00, v61;
	v61 =	vmax.f32 v17, v19;
	v11 =	vpop (erf)  }
0x128: {  	[tilespmem:$0x1FD60] =	vst v20;
	v3 =	vadd.f32 $1.000000000e+00, v9;
	v9 =	vmax.f32 v14, v36;
	v2 =	vadd.f32 $1.000000000e+00, v11  }
0x129: {  	[tilespmem:$0x1FD80] =	vst v24;
	v12 =	vpop (erf);
	(erf) = vrcp.f32 v10;
	v10 =	vmax.f32 v48, v49;
	v11 =	vmin.f32 v14, v36  }
0x12a: {  	[tilespmem:$0x1FD90] =	vst v27;
	v13 =	vpop (erf);
	v5 =	vadd.f32 $1.000000000e+00, v12;
	(erf) = vrcp.f32 v3;
	v12 =	vmin.f32 v48, v49  }
0x12b: {  	[tilespmem:$0x1FDE0] =	vst v30;
	v7 =	vmax.f32 v9, v10;
	v16 =	vpop (erf);
	v1 =	vadd.f32 $1.000000000e+00, v13;
	(erf) = vrcp.f32 v2  }
0x12c: {  	[tilespmem:$0x1FCD0] =	vst v0;
	v2 =	vmin.f32 v17, v19;
	v18 =	vpop (erf);
	v0 =	vadd.f32 $1.000000000e+00, v16;
	(erf) = vrcp.f32 v5  }
0x12d: {  	[tilespmem:$0x1FE10] =	vst v37;
	v16 =	vmin.f32 v21, v22;
	v20 =	vpop (erf);
	v3 =	vadd.f32 $1.000000000e+00, v18;
	(erf) = vrcp.f32 v1  }
0x12e: {  	[tilespmem:$0x1FE00] =	vst v40;
	v6 =	vld [tilespmem:$0x8700];
	v5 =	vadd.f32 $1.000000000e+00, v20;
	(erf) = vrcp.f32 v0;
	v0 =	vmax.f32 v21, v22  }
0x12f: {  	[tilespmem:$0x1FE30] =	vst v41;
	v24 =	vld [tilespmem:$0x8710];
	(erf) = vrcp.f32 v3;
	v3 =	vmax.f32 v23, v25;
	v20 =	vmin.f32 v61, v0  }
0x130: {  	[tilespmem:$0x1FE20] =	vst v42;
	v27 =	vld [tilespmem:$0x8720];
	v61 =	vmax.f32 v61, v0;
	(erf) = vrcp.f32 v5;
	v5 =	vmax.f32 v26, v31  }
0x131: {  	[tilespmem:$0x1FE40] =	vst v46;
	v4 =	vld [tilespmem:$0x8730];
	v2 =	vmax.f32 v2, v3;
	v26 =	vmin.f32 v28, v29;
	v18 =	vmax.f32 v16, v5  }
0x132: {  	[tilespmem:$0x1FE70] =	vst v48;
	v13 =	vld [tilespmem:$0x8740];
	v5 =	vmax.f32 v28, v29;
	v29 =	vmax.f32 v43, v44;
	v17 =	vpop (erf);
	v1 =	vmax.f32 v2, v18  }
0x133: {  	[tilespmem:$0x1FE60] =	vst v49;
	v3 =	vld [tilespmem:$0x8750];
	v18 =	vmin.f32 v41, v42;
	v19 =	vpop (erf);
	v31 =	vadd.f32 v17, v6;
	v22 =	vmax.f32 v20, v1  }
0x134: {  	v2 =	vld [tilespmem:$0x8760];
	v42 =	vmov v44;
	v41 =	vmov v45;
	v21 =	vpop (erf);
	[tilespmem:$0x1FCE0] =	vst v22;
	v30 =	vadd.f32 v19, v24  }
0x135: {  	v0 =	vld [tilespmem:$0x8770];
	v44 =	vmin.f32 v43, v44;
	v17 =	vmin.f32 v37, v40;
	v23 =	vpop (erf);
	v25 =	vadd.f32 v21, v27;
	[tilespmem:$0x8300] =	vst v31  }
0x136: {  	v40 =	vmov v43;
	v37 =	vmax.f32 v45, v46;
	v16 =	vpop (erf);
	v24 =	vadd.f32 v23, v4;
	[tilespmem:$0x8310] =	vst v30  }
0x137: {  	v45 =	vmin.f32 v45, v46;
	v43 =	vmov v14;
	v19 =	vpop (erf);
	v23 =	vadd.f32 v16, v13;
	[tilespmem:$0x8320] =	vst v25  }
0x138: {  	v14 =	vmax.f32 v50, v51;
	v1 =	vmax.f32 v17, v18;
	v27 =	vpop (erf);
	v21 =	vadd.f32 v19, v3;
	[tilespmem:$0x8330] =	vst v24  }
0x139: {  	v46 =	vmax.f32 v29, v37;
	v8 =	vmax.f32 v44, v45;
	v28 =	vpop (erf);
	v22 =	vadd.f32 v27, v2;
	[tilespmem:$0x8340] =	vst v23  }
0x13a: {  	v45 =	vmin.f32 v50, v51;
	v17 =	vmin.f32 v33, v34;
	v20 =	vadd.f32 v28, v0;
	[tilespmem:$0x8350] =	vst v21  }
0x13b: {  	v18 =	vmin.f32 v35, v38;
	v1 =	vmax.f32 v26, v1;
	v44 =	vmov v36;
	[tilespmem:$0x8360] =	vst v22  }
0x13c: {  	v36 =	vmax.f32 v52, v15;
	v13 =	vmax.f32 v11, v12;
	v2 =	vmin.f32 v5, v46;
	[tilespmem:$0x8370] =	vst v20  }
0x13d: {  	v48 =	vmovc v50;
	v0 =	vmin.f32 v29, v37;
	v37 =	vmax.f32 v5, v46;
	v46 =	vmin.f32 v52, v15;
	v4 =	vld [tilespmem:s18+$0x7000]  }
0x13e: {  	v50 =	vmovc v52;
	v52 =	vmin.f32 v14, v36;
	v5 =	vmax.f32 v14, v36;
	v0 =	vmax.f32 v0, v8;
	v49 =	vld [tilespmem:s18+$0x7200]  }
0x13f: {  	[tilespmem:$0x1FE80] =	vst v51;
	v51 =	vmax.f32 v45, v46;
	v36 =	vmax.f32 v7, v5;
	v0 =	vmax.f32 v1, v0;
	v11 =	vld [tilespmem:s18+$0x7400]  }
0x140: {  	v1 =	vmin.f32 v9, v10;
	v3 =	vmax.f32 v52, v51;
	v10 =	vmax.f32 v33, v34;
	v14 =	vld [tilespmem:s18+$0x7600]  }
0x141: {  	v1 =	vmax.f32 v1, v13;
	v29 =	vmax.f32 v2, v0;
	v13 =	vmin.f32 v7, v5  }
0x142: {  	v19 =	vld [tilespmem:s18+$0x7800];
	v12 =	vmax.f32 v1, v3;
	v3 =	vmax.f32 v17, v18;
	v17 =	vmax.f32 v39, v47  }
0x143: {  	v9 =	vld [tilespmem:s18+$0x7A00];
	v18 =	vmax.f32 v53, v54;
	v28 =	vmax.f32 v13, v12;
	v4 =	vsub.f32 $0.0e+00, v4  }
0x144: {  	v13 =	vld [tilespmem:s18+$0x7C00];
	v16 =	vsub.f32 $0.0e+00, v49;
	v49 =	vsub.f32 $0.0e+00, v11;
	v11 =	vmax.f32 v35, v38  }
0x145: {  	v5 =	vmin.f32 v17, v18;
	v2 =	vsub.f32 $0.0e+00, v14;
	v12 =	vmin.f32 v10, v11  }
0x146: {  	[tilespmem:$0x1FE90] =	vst v15;
	v6 =	vmax.f32 v10, v11;
	v10 =	vmin.f32 v39, v47;
	v15 =	vmul.f32 $1.442695020e+00, v4  }
0x147: {  	v11 =	vmin.f32 v53, v54;
	v1 =	vmul.f32 $1.442695020e+00, v16;
	v0 =	vmul.f32 $1.442695020e+00, v49  }
0x148: {  	v14 =	vld [tilespmem:s18+$0x7E00];
	v3 =	vmax.f32 v12, v3;
	v16 =	vsub.f32 $0.0e+00, v19;
	v4 =	vsub.f32 $0.0e+00, v9  }
0x149: {  	v19 =	vmax.f32 v17, v18;
	v9 =	vsub.f32 $0.0e+00, v13;
	(erf) = vpow2.f32 v15  }
0x14a: {  	v7 =	vmax.f32 v10, v11;
	v18 =	vmax.f32 v62, v63;
	(erf) = vpow2.f32 v1  }
0x14b: {  	v10 =	vmax.f32 v58, v57;
	v11 =	vmax.f32 v56, v55;
	v15 =	vmul.f32 $1.442695020e+00, v2  }
0x14c: {  	v13 =	vmax.f32 v5, v7;
	v49 =	vmul.f32 $1.442695020e+00, v16;
	(erf) = vpow2.f32 v0  }
0x14d: {  	v51 =	vmul.f32 $1.442695020e+00, v4;
	v1 =	vsub.f32 $0.0e+00, v14;
	(erf) = vpow2.f32 v15  }
0x14e: {  	v46 =	vmax.f32 v6, v19;
	v12 =	vmul.f32 $1.442695020e+00, v9;
	(erf) = vpow2.f32 v49  }
0x14f: {  	v45 =	vmovc v34;
	v34 =	vmovc v38;
	v5 =	vmin.f32 v10, v11;
	v1 =	vmul.f32 $1.442695020e+00, v1;
	(erf) = vpow2.f32 v51  }
0x150: {  	v52 =	vmovc v33;
	v33 =	vmovc v35;
	v14 =	vmax.f32 v3, v13;
	v15 =	vmin.f32 v6, v19;
	(erf) = vpow2.f32 v12  }
0x151: {  	v35 =	vmovc v47;
	v38 =	vmovc v39;
	v19 =	vmax.f32 v60, v59;
	v17 =	vmax.f32 v15, v14;
	(erf) = vpow2.f32 v1  }
0x152: {  	v4 =	vmax.f32 v18, v19;
	v49 =	vmin.f32 v62, v63;
	v15 =	vmin.f32 v58, v57;
	v16 =	vpop (erf)  }
0x153: {  	v51 =	vmin.f32 v60, v59;
	v12 =	vmax.f32 v10, v11;
	v0 =	vadd.f32 $1.000000000e+00, v16;
	v26 =	vpop (erf)  }
0x154: {  	v47 =	vmovc v54;
	v39 =	vmovc v53;
	v1 =	vmin.f32 v18, v19;
	v16 =	vmin.f32 v56, v55;
	v27 =	vadd.f32 $1.000000000e+00, v26  }
0x155: {  	v53 =	vpop (erf);
	v6 =	vmax.f32 v15, v16;
	v16 =	vmax.f32 v22, v20;
	(erf) = vrcp.f32 v0  }
0x156: {  	v0 =	vmax.f32 v49, v51;
	v54 =	vadd.f32 $1.000000000e+00, v53;
	v9 =	vpop (erf);
	v5 =	vmax.f32 v5, v6  }
0x157: {  	v49 =	vmax.f32 v4, v12;
	(erf) = vrcp.f32 v27;
	v3 =	vadd.f32 $1.000000000e+00, v9;
	v13 =	vpop (erf)  }
0x158: {  	v0 =	vmax.f32 v1, v0;
	(erf) = vrcp.f32 v54;
	v2 =	vadd.f32 $1.000000000e+00, v13;
	v14 =	vpop (erf)  }
0x159: {  	v1 =	vmin.f32 v4, v12;
	(erf) = vrcp.f32 v3;
	v3 =	vadd.f32 $1.000000000e+00, v14;
	v18 =	vpop (erf)  }
0x15a: {  	v0 =	vmax.f32 v0, v5;
	(erf) = vrcp.f32 v2;
	v19 =	vadd.f32 $1.000000000e+00, v18;
	v51 =	vpop (erf)  }
0x15b: {  	v27 =	vld [tilespmem:$0x8780];
	v54 =	vmax.f32 v25, v24;
	(erf) = vrcp.f32 v3;
	v53 =	vadd.f32 $1.000000000e+00, v51  }
0x15c: {  	v12 =	vld [tilespmem:$0x87B0];
	v15 =	vmax.f32 v1, v0;
	v18 =	vmin.f32 v31, v30;
	(erf) = vrcp.f32 v19  }
0x15d: {  	v14 =	vld [tilespmem:$0x8790];
	v3 =	vmax.f32 v31, v30;
	v19 =	vmin.f32 v25, v24;
	(erf) = vrcp.f32 v53  }
0x15e: {  	v13 =	vld [tilespmem:$0x87A0];
	v51 =	vmax.f32 v18, v19;
	v53 =	vmin.f32 v3, v54;
	v3 =	vmax.f32 v3, v54  }
0x15f: {  	v8 =	vld [tilespmem:$0x87E0];
	v54 =	vmax.f32 v23, v21;
	v18 =	vmin.f32 v23, v21;
	v19 =	vmin.f32 v22, v20;
	v7 =	vpop (erf)  }
0x160: {  	v11 =	vld [tilespmem:$0x87C0];
	v9 =	vmax.f32 v53, v51;
	v0 =	vmin.f32 v54, v16;
	v2 =	vmax.f32 v18, v19;
	v6 =	vpop (erf)  }
0x161: {  	v10 =	vld [tilespmem:$0x87D0];
	v51 =	vmax.f32 v54, v16;
	v0 =	vmax.f32 v0, v2;
	v19 =	vadd.f32 v7, v27;
	v5 =	vpop (erf)  }
0x162: {  	v26 =	vld [tilespmem:$0x87F0];
	v27 =	vmax.f32 v3, v51;
	v3 =	vmin.f32 v3, v51;
	v18 =	vadd.f32 v6, v14;
	v53 =	vpop (erf)  }
0x163: {  	v0 =	vmax.f32 v9, v0;
	v16 =	vadd.f32 v5, v13;
	v54 =	vpop (erf);
	v7 =	vadd.f32 v53, v12  }
0x164: {  	v15 =	vadd.f32 v15, v49;
	v9 =	vmax.f32 v3, v0;
	v0 =	vmax.f32 v19, v18;
	v51 =	vpop (erf)  }
0x165: {  	v2 =	vmin.f32 v19, v18;
	v5 =	vadd.f32 v54, v11;
	v53 =	vpop (erf);
	v1 =	vmax.f32 v16, v7  }
0x166: {  	v4 =	vadd.f32 v51, v10;
	v14 =	vadd.f32 v53, v8;
	v54 =	vpop (erf);
	v12 =	vmax.f32 v0, v1  }
0x167: {  	v6 =	vmin.f32 v0, v1;
	v3 =	vadd.f32 v54, v26;
	v26 =	vmin.f32 v16, v7  }
0x168: {  	v10 =	vmax.f32 v5, v4;
	v53 =	vmin.f32 v5, v4;
	v8 =	vmax.f32 v2, v26  }
0x169: {  	v51 =	vmax.f32 v14, v3;
	v26 =	vmin.f32 v14, v3;
	v8 =	vmax.f32 v6, v8  }
0x16a: {  	v54 =	vmax.f32 v10, v51;
	v10 =	vmin.f32 v10, v51;
	v51 =	vmax.f32 v53, v26;
	v53 =	vld [tilespmem:$0x1FCD0]  }
0x16b: {  	v10 =	vmax.f32 v10, v51;
	v6 =	vmax.f32 v12, v54;
	v0 =	vmin.f32 v12, v54;
	v54 =	vld [tilespmem:$0x1FCE0]  }
0x16c: {  	[tilespmem:$0x1FF60] =	vst v49;
	v49 =	vimm.s32 $0x3;
	v13 =	vadd.f32 v28, v36;
	v8 =	vmax.f32 v8, v10  }
0x16d: {  	v10 =	vadd.f32 v29, v37;
	v0 =	vmax.f32 v0, v8;
	v8 =	vadd.f32 v17, v46  }
0x16e: {  	[tilespmem:$0x1FF30] =	vst v37;
	v9 =	vadd.f32 v9, v27;
	v37 =	vimm.s32 $0x0;
	v0 =	vadd.f32 v0, v6  }
0x16f: {  	vm1 =	vge.f32 v10, v13;
	v11 =	vadd.f32 v53, v32;
	vm2 =	vge.f32 v8, v15  }
0x170: {  	v1 =	vsel vm1, v10, v13;
	v51 =	vsel vm1, $0x2, v49;
	v12 =	vadd.f32 v54, v61  }
0x171: {  	v53 =	vimm.s32 $0x5;
	v49 =	vimm.s32 $0x0;
	vm3 =	vge.f32 v9, v0  }
0x172: {  	[tilespmem:$0x1FF40] =	vst v36;
	v2 =	vsel vm2, v8, v15;
	v36 =	vsel vm3, v9, v0;
	vm0 =	vge.f32 v11, v12  }
0x173: {  	v54 =	vsel vm2, $0x4, v53;
	vm5 =	vge.f32 v2, v36;
	vm0 =	vmneg vm0  }
0x174: {  	[tilespmem:$0x1FF20] =	vst v32;
	v32 =	vmovc v61;
	v53 =	vimm.s32 $0x0;
	v26 =	vsel vm5, v2, v36;
	v61 =	vsel vm0, v12, v11  }
0x175: {  	[tilespmem:$0x1FF50] =	vst v46;
	v36 =	vimm.s32 $0x0;
	v46 =	vsel vm0, $0x1, v37;
	vm4 =	vge.f32 v61, v1  }
0x176: {  	v37 =	vimm.s32 $0x0;
	v17 =	vsel vm4, v61, v1;
	v61 =	vimm.s32 $0x7  }
0x177: {  	v28 =	vsel vm4, v46, v51;
	v46 =	vimm.s32 $0x0;
	v2 =	vsel vm3, $0x6, v61  }
0x178: {  	v51 =	vimm.s32 $0x0;
	vm12 =	vge.f32 v17, v26;
	v29 =	vsel vm5, v54, v2  }
0x179: {  	v54 =	vimm.s32 $0x0;
	v17 =	vsel vm12, v28, v29;
	v29 =	vimm.s32 $0x0  }
0x17a: {  	vm10 =	veq.s32 v17, $0x0;
	vm6 =	veq.s32 v17, $0x1;
	vm13 =	veq.s32 v17, $0x2  }
0x17b: {  	vm14 =	veq.s32 v17, $0x3;
	vm15 =	veq.s32 v17, $0x4;
	vm7 =	veq.s32 v17, $0x5  }
0x17c: {  	vm0 =	veq.s32 v17, $0x6;
	vm8 =	veq.s32 v17, $0x7;
	v1 =	vsel vm6, $0xFFFFFFFF, v36  }
0x17d: {  	v11 =	vsel vm10, $0xFF800000, v11;
	v12 =	vsel vm6, $0xFF800000, v12;
	v10 =	vsel vm13, $0xFF800000, v10  }
0x17e: {  	v13 =	vsel vm14, $0xFF800000, v13;
	v8 =	vsel vm15, $0xFF800000, v8;
	v15 =	vsel vm7, $0xFF800000, v15  }
0x17f: {  	v9 =	vsel vm0, $0xFF800000, v9;
	v0 =	vsel vm8, $0xFF800000, v0;
	[tilespmem:$0x1FDF0] =	vst v1;
	v1 =	vsel vm13, $0xFFFFFFFF, v37  }
0x180: {  	vm9 =	vge.f32 v11, v12;
	vm11 =	vge.f32 v10, v13;
	vm2 =	vge.f32 v8, v15  }
0x181: {  	vm12 =	vge.f32 v9, v0;
	v37 =	vimm.s32 $0x0;
	[tilespmem:$0x1FE50] =	vst v1;
	v1 =	vsel vm14, $0xFFFFFFFF, v46  }
0x182: {  	v2 =	vsel vm2, v8, v15;
	v36 =	vsel vm12, v9, v0;
	[tilespmem:$0x1FEA0] =	vst v1;
	v1 =	vsel vm15, $0xFFFFFFFF, v49  }
0x183: {  	vm14 =	vge.f32 v2, v36;
	v49 =	vimm.s32 $0x3;
	[tilespmem:$0x1FEB0] =	vst v1;
	v1 =	vsel vm7, $0xFFFFFFFF, v51  }
0x184: {  	v26 =	vsel vm14, v2, v36;
	v51 =	vsel vm11, $0x2, v49;
	[tilespmem:$0x1FED0] =	vst v1;
	v1 =	vsel vm0, $0xFFFFFFFF, v53  }
0x185: {  	v36 =	vimm.s32 $0x0;
	vm0 =	vmneg vm9;
	[tilespmem:$0x1FEF0] =	vst v1;
	v1 =	vsel vm8, $0xFFFFFFFF, v54  }
0x186: {  	v49 =	vimm.s32 $0x3;
	v61 =	vsel vm0, v12, v11;
	[tilespmem:$0x1FF10] =	vst v1;
	v1 =	vsel vm11, v10, v13  }
0x187: {  	v53 =	vimm.s32 $0x5;
	v46 =	vsel vm0, $0x1, v37;
	vm13 =	vge.f32 v61, v1  }
0x188: {  	v54 =	vsel vm2, $0x4, v53;
	v17 =	vsel vm13, v61, v1;
	v61 =	vimm.s32 $0x7  }
0x189: {  	v37 =	vimm.s32 $0x0;
	v2 =	vsel vm13, v46, v51;
	v1 =	vsel vm12, $0x6, v61  }
0x18a: {  	v46 =	vimm.s32 $0x0;
	vm15 =	vge.f32 v17, v26;
	v28 =	vsel vm14, v54, v1  }
0x18b: {  	v61 =	vimm.s32 $0x5;
	v54 =	vimm.s32 $0x7;
	v17 =	vsel vm15, v2, v28  }
0x18c: {  	vm7 =	veq.s32 v17, $0x0;
	vm8 =	veq.s32 v17, $0x1;
	vm14 =	veq.s32 v17, $0x2  }
0x18d: {  	vm12 =	veq.s32 v17, $0x3;
	vm11 =	veq.s32 v17, $0x4;
	vm5 =	veq.s32 v17, $0x5  }
0x18e: {  	vm6 =	veq.s32 v17, $0x6;
	vm9 =	veq.s32 v17, $0x7;
	v11 =	vsel vm7, $0xFF800000, v11  }
0x18f: {  	v12 =	vsel vm8, $0xFF800000, v12;
	v1 =	vsel vm5, $0xFFFFFFFF, v29;
	v10 =	vsel vm14, $0xFF800000, v10  }
0x190: {  	v13 =	vsel vm12, $0xFF800000, v13;
	v8 =	vsel vm11, $0xFF800000, v8;
	v15 =	vsel vm5, $0xFF800000, v15  }
0x191: {  	v9 =	vsel vm6, $0xFF800000, v9;
	v2 =	vsel vm9, $0xFF800000, v0;
	vm4 =	vge.f32 v11, v12  }
0x192: {  	[tilespmem:$0x1FEC0] =	vst v1;
	v1 =	vsel vm6, $0xFFFFFFFF, v36;
	vm13 =	vge.f32 v10, v13;
	vm15 =	vge.f32 v8, v15  }
0x193: {  	vm0 =	vmneg vm4;
	[tilespmem:$0x1FEE0] =	vst v1;
	v1 =	vsel vm9, $0xFFFFFFFF, v46;
	v17 =	vsel vm13, v10, v13  }
0x194: {  	vm4 =	vge.f32 v9, v2;
	v29 =	vsel vm13, $0x2, v49;
	v51 =	vsel vm15, v8, v15  }
0x195: {  	v46 =	vsel vm15, $0x4, v61;
	v26 =	vsel vm0, v12, v11;
	v53 =	vsel vm4, v9, v2  }
0x196: {  	v28 =	vsel vm0, $0x1, v37;
	vm5 =	vge.f32 v26, v17;
	vm6 =	vge.f32 v51, v53  }
0x197: {  	v0 =	vsel vm4, $0x6, v54;
	v17 =	vsel vm5, v26, v17;
	v61 =	vsel vm6, v51, v53  }
0x198: {  	v28 =	vsel vm5, v28, v29;
	v0 =	vsel vm6, v46, v0;
	vm9 =	vge.f32 v17, v61  }
0x199: {  	v36 =	vimm.s32 $0x0;
	v0 =	vsel vm9, v28, v0  }
0x19a: {  	v54 =	vimm.s32 $0x5;
	vm3 =	veq.s32 v0, $0x0;
	vm4 =	veq.s32 v0, $0x1  }
0x19b: {  	vm2 =	veq.s32 v0, $0x2;
	vm5 =	veq.s32 v0, $0x4;
	vm9 =	veq.s32 v0, $0x5  }
0x19c: {  	vm6 =	veq.s32 v0, $0x3;
	v8 =	vsel vm5, $0xFF800000, v8;
	v46 =	vsel vm9, $0xFF800000, v15  }
0x19d: {  	v26 =	vsel vm3, $0xFF800000, v11;
	v28 =	vsel vm4, $0xFF800000, v12;
	vm0 =	vge.f32 v8, v46  }
0x19e: {  	v10 =	vsel vm2, $0xFF800000, v10;
	v29 =	vsel vm6, $0xFF800000, v13;
	v11 =	vsel vm0, $0x4, v54;
	v54 =	vld [tilespmem:$0x1FD10]  }
0x19f: {  	vm13 =	vge.f32 v26, v28;
	vm1 =	vge.f32 v10, v29;
	v8 =	vsel vm0, v8, v46;
	v46 =	vld [tilespmem:$0x1FD20]  }
0x1a0: {  	vm15 =	vmneg vm13;
	v10 =	vsel vm1, v10, v29;
	vm13 =	veq.s32 v0, $0x7;
	v29 =	vld [tilespmem:$0x1FD30]  }
0x1a1: {  	[tilespmem:$0x1FF00] =	vst v1;
	v1 =	vsel vm15, v28, v26;
	v12 =	vsel vm15, $0x1, v36;
	vm15 =	veq.s32 v0, $0x6;
	v28 =	vld [tilespmem:$0x1FD50]  }
0x1a2: {  	v53 =	vimm.s32 $0x3;
	v2 =	vsel vm13, $0xFF800000, v2;
	v36 =	vld [tilespmem:$0x1FD60];
	v49 =	vsel vm15, $0xFF800000, v9  }
0x1a3: {  	v61 =	vimm.s32 $0x7;
	v9 =	vsel vm1, $0x2, v53;
	v53 =	vld [tilespmem:$0x1FD40];
	vm1 =	vge.f32 v49, v2  }
0x1a4: {  	v0 =	vsel vm1, v49, v2;
	v2 =	vsel vm1, $0x6, v61;
	v61 =	vld [tilespmem:$0x1FCF0]  }
0x1a5: {  	v49 =	vld [tilespmem:$0x1FD00];
	_ =	sdelay $0x1  }
0x1a6: {  	vm0 =	vge.f32 v1, v10  }
0x1a7: {  	v1 =	vsel vm0, v1, v10;
	v9 =	vsel vm0, v12, v9  }
0x1a8: {  	vm1 =	vge.f32 v8, v0;
	v26 =	vadd.f32 v28, v36;
	v17 =	vadd.f32 v29, v53  }
0x1a9: {  	v12 =	vld [tilespmem:$0x1FD70];
	v15 =	vadd.f32 v54, v46;
	v0 =	vsel vm1, v8, v0;
	v13 =	vadd.f32 v61, v49  }
0x1aa: {  	vm0 =	vge.f32 v1, v0;
	v1 =	vadd.f32 v26, v17;
	v17 =	vld [tilespmem:$0x1FDA0]  }
0x1ab: {  	v8 =	vadd.f32 v15, v13;
	v13 =	vld [tilespmem:$0x1FD80]  }
0x1ac: {  	v15 =	vld [tilespmem:$0x1FD90];
	_ =	sdelay $0x2  }
0x1ad: {  	v2 =	vsel vm1, v11, v2;
	v26 =	vld [tilespmem:$0x1FDB0]  }
0x1ae: {  	v0 =	vsel vm0, v9, v2;
	v2 =	vadd.f32 v12, v13;
	v12 =	vld [tilespmem:$0x1FDC0]  }
0x1af: {  	v1 =	vadd.f32 v1, v8;
	v8 =	vadd.f32 v15, v17;
	v17 =	vld [tilespmem:$0x1FDF0];
	_ =	sdelay $0x2  }
0x1b0: {  	vm0 =	veq.s32 v0, $0x0  }
0x1b1: {  	vm0 =	vmor vm7, vm0;
	v9 =	vadd.f32 v26, v12;
	v26 =	vld [tilespmem:$0x1FE00]  }
0x1b2: {  	vm0 =	vmor vm10, vm0;
	vm10 =	vnez.u8 v17;
	v17 =	vld [tilespmem:$0x1FE10];
	_ =	sdelay $0x4  }
0x1b3: {  	v11 =	vadd.f32 v26, v17;
	v26 =	vld [tilespmem:$0x1FE20]  }
0x1b4: {  	v17 =	vld [tilespmem:$0x1FE30];
	_ =	sdelay $0x2  }
0x1b5: {  	v13 =	vld [tilespmem:$0x1FDD0]  }
0x1b6: {  	v15 =	vld [tilespmem:$0x1FDE0]  }
0x1b7: {  	v12 =	vadd.f32 v26, v17;
	v26 =	vadd.f32 v42, v40;
	v40 =	vld [tilespmem:$0x1FE40]  }
0x1b8: {  	v17 =	vld [tilespmem:$0x1FE50];
	_ =	sdelay $0x2  }
0x1b9: {  	vm7 =	veq.s32 v0, $0x1  }
0x1ba: {  	vm3 =	vmor vm3, vm0;
	v10 =	vadd.f32 v13, v15;
	v15 =	vadd.f32 v40, v41  }
0x1bb: {  	vm0 =	vmor vm8, vm7;
	v2 =	vadd.f32 v8, v2;
	vm7 =	vnez.u8 v17;
	v17 =	vld [tilespmem:$0x1FE70]  }
0x1bc: {  	v8 =	vadd.f32 v10, v9;
	v10 =	vadd.f32 v15, v26;
	v26 =	vld [tilespmem:$0x1FE60];
	_ =	sdelay $0x4  }
0x1bd: {  	v9 =	vadd.f32 v12, v11;
	v12 =	vadd.f32 v26, v17;
	v26 =	vld [tilespmem:$0x1FE80];
	_ =	sdelay $0x1  }
0x1be: {  	v21 =	vadd.f32 v21, v23;
	vm0 =	vmor vm10, vm0;
	v11 =	vadd.f32 v44, v43  }
0x1bf: {  	vm8 =	vmor vm4, vm0;
	v2 =	vadd.f32 v8, v2;
	v8 =	vadd.f32 v10, v9  }
0x1c0: {  	vm4 =	veq.s32 v0, $0x2;
	v9 =	vadd.f32 v12, v11;
	v12 =	vadd.f32 v63, v62;
	v63 =	vld [tilespmem:$0x1FEC0]  }
0x1c1: {  	v20 =	vadd.f32 v20, v22;
	vm0 =	vmor vm14, vm4;
	v13 =	vadd.f32 v26, v48;
	v48 =	vld [tilespmem:$0x1FE90]  }
0x1c2: {  	v1 =	vnsel vm3, $0x0, v1;
	v2 =	vnsel vm8, $0x0, v2;
	vm0 =	vmor vm7, vm0  }
0x1c3: {  	vm10 =	veq.s32 v0, $0x3;
	v1 =	vadd.f32 v2, v1;
	vm14 =	vmor vm2, vm0  }
0x1c4: {  	vm0 =	vmor vm12, vm10;
	v10 =	vadd.f32 v35, v38;
	v62 =	vadd.f32 v55, v56  }
0x1c5: {  	v55 =	vadd.f32 v18, v19;
	vm10 =	vnez.u8 v63;
	v63 =	vadd.f32 v20, v21  }
0x1c6: {  	v26 =	vld [tilespmem:$0x1FEA0];
	v15 =	vadd.f32 v48, v50;
	v48 =	vadd.f32 v45, v52  }
0x1c7: {  	vm4 =	veq.s32 v0, $0x4;
	v50 =	vadd.f32 v34, v33;
	v52 =	vadd.f32 v59, v60  }
0x1c8: {  	vm1 =	vmor vm11, vm4;
	v60 =	vadd.f32 v57, v58;
	v57 =	vadd.f32 v7, v16  }
0x1c9: {  	vm7 =	veq.s32 v0, $0x5;
	v58 =	vadd.f32 v4, v5;
	v17 =	vadd.f32 v15, v13  }
0x1ca: {  	v8 =	vnsel vm14, $0x0, v8;
	v59 =	vld [tilespmem:$0x1FEB0];
	v13 =	vadd.f32 v47, v39;
	v11 =	vadd.f32 v50, v48  }
0x1cb: {  	v56 =	vld [tilespmem:$0x1FEF0];
	vm12 =	vnez.u8 v26;
	v12 =	vadd.f32 v52, v12;
	v35 =	vadd.f32 v62, v60  }
0x1cc: {  	vm0 =	vmor vm12, vm0;
	v39 =	vld [tilespmem:$0x1FED0];
	v47 =	vadd.f32 v30, v31;
	v50 =	vadd.f32 v24, v25  }
0x1cd: {  	vm12 =	veq.s32 v0, $0x6;
	v52 =	vld [tilespmem:$0x1FEE0];
	v30 =	vadd.f32 v57, v55;
	v9 =	vadd.f32 v17, v9  }
0x1ce: {  	vm0 =	vmor vm6, vm0;
	v10 =	vadd.f32 v13, v10;
	v62 =	vadd.f32 v50, v47  }
0x1cf: {  	v60 =	vld [tilespmem:$0x1FF00];
	v35 =	vadd.f32 v35, v12;
	vm6 =	vnez.u8 v59;
	v59 =	vadd.f32 v3, v14  }
0x1d0: {  	v26 =	vld [tilespmem:$0x1FF10];
	vm1 =	vmor vm6, vm1;
	v10 =	vadd.f32 v10, v11;
	v9 =	vnsel vm0, $0x0, v9  }
0x1d1: {  	vm4 =	vmor vm5, vm1;
	vm1 =	vmor vm10, vm7;
	vm11 =	vnez.u8 v39  }
0x1d2: {  	vm6 =	vnez.u8 v52;
	vm7 =	vnez.u8 v56;
	vm1 =	vmor vm11, vm1  }
0x1d3: {  	vm10 =	veq.s32 v0, $0x7;
	vm5 =	vmor vm9, vm1;
	vm1 =	vmor vm6, vm12  }
0x1d4: {  	v31 =	vadd.f32 v59, v58;
	vm11 =	vnez.u8 v60;
	vm1 =	vmor vm7, vm1  }
0x1d5: {  	vm12 =	vnez.u8 v26;
	vm9 =	vmor vm15, vm1;
	vm1 =	vmor vm11, vm10  }
0x1d6: {  	v0 =	vadd.f32 v63, v62;
	v39 =	vadd.f32 v31, v30;
	vm1 =	vmor vm12, vm1  }
0x1d7: {  	v47 =	vadd.f32 v9, v8;
	v10 =	vnsel vm4, $0x0, v10;
	vm13 =	vmor vm13, vm1  }
0x1d8: {  	v11 =	vnsel vm5, $0x0, v35;
	v0 =	vnsel vm9, $0x0, v0;
	v12 =	vnsel vm13, $0x0, v39  }
0x1d9: {  	v50 =	vadd.f32 v11, v10;
	v0 =	vadd.f32 v12, v0;
	_ =	sdelay $0x1  }
0x1da: {  	v1 =	vadd.f32 v47, v1;
	v0 =	vadd.f32 v0, v50;
	_ =	sdelay $0x1  }
0x1db: {  	v0 =	vadd.f32 v0, v1;
	_ =	sdelay $0x1  }
0x1dc: {  	(erf) = vrcp.f32 v0;
	_ =	sdelay $0x4  }
0x1dd: {  	[tilespmem:$0x8380] =	vst v19  }
0x1de: {  	[tilespmem:$0x8390] =	vst v18  }
0x1df: {  	[tilespmem:$0x83A0] =	vst v16  }
0x1e0: {  	[tilespmem:$0x83B0] =	vst v7  }
0x1e1: {  	[tilespmem:$0x83C0] =	vst v5;
	v1 =	vpop (erf)  }
0x1e2: {  	[tilespmem:$0x83D0] =	vst v4;
	v52 =	vnsel vm3, $0x0, v1  }
0x1e3: {  	[tilespmem:$0x83E0] =	vst v14;
	v55 =	vmul.f32 v52, v49  }
0x1e4: {  	[tilespmem:$0x83F0] =	vst v3;
	v56 =	vmul.f32 v52, v61  }
0x1e5: {  	v57 =	vmul.f32 v52, v46;
	[tilespmem:s18+$0x0] =	vst v55  }
0x1e6: {  	v58 =	vmul.f32 v52, v54;
	[tilespmem:s18+$0x200] =	vst v56  }
0x1e7: {  	v59 =	vmul.f32 v52, v53;
	[tilespmem:s18+$0x400] =	vst v57  }
0x1e8: {  	v60 =	vmul.f32 v52, v29;
	[tilespmem:s18+$0x600] =	vst v58  }
0x1e9: {  	v61 =	vmul.f32 v52, v36;
	[tilespmem:s18+$0x800] =	vst v59  }
0x1ea: {  	v0 =	vmul.f32 v52, v28;
	[tilespmem:s18+$0xA00] =	vst v60  }
0x1eb: {  	[tilespmem:s18+$0xC00] =	vst v61  }
0x1ec: {  	[tilespmem:s18+$0xE00] =	vst v0  }
0x1ed: {  	v0 =	vld [tilespmem:$0x8080]  }
0x1ee: {  	v2 =	vld [tilespmem:$0x8090]  }
0x1ef: {  	v3 =	vld [tilespmem:$0x80A0]  }
0x1f0: {  	v4 =	vld [tilespmem:$0x80B0]  }
0x1f1: {  	v63 =	vnsel vm8, $0x0, v1;
	v62 =	vld [tilespmem:$0x80C0]  }
0x1f2: {  	v12 =	vld [tilespmem:$0x80D0];
	v0 =	vmul.f32 v63, v0  }
0x1f3: {  	v13 =	vld [tilespmem:$0x80E0];
	v2 =	vmul.f32 v63, v2  }
0x1f4: {  	v14 =	vld [tilespmem:$0x80F0];
	v3 =	vmul.f32 v63, v3;
	[tilespmem:s18+$0x1000] =	vst v0  }
0x1f5: {  	v15 =	vmul.f32 v63, v4;
	[tilespmem:s18+$0x1200] =	vst v2  }
0x1f6: {  	v16 =	vmul.f32 v63, v62;
	[tilespmem:s18+$0x1400] =	vst v3  }
0x1f7: {  	v17 =	vmul.f32 v63, v12;
	[tilespmem:s18+$0x1600] =	vst v15  }
0x1f8: {  	v18 =	vmul.f32 v63, v13;
	[tilespmem:s18+$0x1800] =	vst v16  }
0x1f9: {  	v19 =	vmul.f32 v63, v14;
	[tilespmem:s18+$0x1A00] =	vst v17  }
0x1fa: {  	[tilespmem:s18+$0x1C00] =	vst v18  }
0x1fb: {  	[tilespmem:s18+$0x1E00] =	vst v19  }
0x1fc: {  	v0 =	vld [tilespmem:$0x8100]  }
0x1fd: {  	v2 =	vld [tilespmem:$0x8110]  }
0x1fe: {  	v3 =	vld [tilespmem:$0x8120]  }
0x1ff: {  	v20 =	vld [tilespmem:$0x8130]  }
0x200: {  	v22 =	vnsel vm14, $0x0, v1;
	v21 =	vld [tilespmem:$0x8140]  }
0x201: {  	v23 =	vld [tilespmem:$0x8150];
	v0 =	vmul.f32 v22, v0  }
0x202: {  	v24 =	vld [tilespmem:$0x8160];
	v2 =	vmul.f32 v22, v2  }
0x203: {  	v25 =	vld [tilespmem:$0x8170];
	v3 =	vmul.f32 v22, v3;
	[tilespmem:s18+$0x2000] =	vst v0  }
0x204: {  	v26 =	vmul.f32 v22, v20;
	[tilespmem:s18+$0x2200] =	vst v2  }
0x205: {  	v28 =	vmul.f32 v22, v21;
	[tilespmem:s18+$0x2400] =	vst v3  }
0x206: {  	v29 =	vmul.f32 v22, v23;
	[tilespmem:s18+$0x2600] =	vst v26  }
0x207: {  	v30 =	vmul.f32 v22, v24;
	[tilespmem:s18+$0x2800] =	vst v28  }
0x208: {  	v31 =	vmul.f32 v22, v25;
	[tilespmem:s18+$0x2A00] =	vst v29  }
0x209: {  	[tilespmem:s18+$0x2C00] =	vst v30  }
0x20a: {  	[tilespmem:s18+$0x2E00] =	vst v31  }
0x20b: {  	v0 =	vld [tilespmem:$0x8180]  }
0x20c: {  	v2 =	vld [tilespmem:$0x8190]  }
0x20d: {  	v3 =	vld [tilespmem:$0x81A0]  }
0x20e: {  	v35 =	vld [tilespmem:$0x81B0]  }
0x20f: {  	v39 =	vnsel vm0, $0x0, v1;
	v36 =	vld [tilespmem:$0x81C0]  }
0x210: {  	v46 =	vld [tilespmem:$0x81D0];
	v0 =	vmul.f32 v39, v0  }
0x211: {  	v47 =	vld [tilespmem:$0x81E0];
	v2 =	vmul.f32 v39, v2  }
0x212: {  	v49 =	vld [tilespmem:$0x81F0];
	v3 =	vmul.f32 v39, v3;
	[tilespmem:s18+$0x3000] =	vst v0  }
0x213: {  	v50 =	vmul.f32 v39, v35;
	[tilespmem:s18+$0x3200] =	vst v2  }
0x214: {  	v52 =	vmul.f32 v36, v39;
	[tilespmem:s18+$0x3400] =	vst v3  }
0x215: {  	v53 =	vmul.f32 v46, v39;
	[tilespmem:s18+$0x3600] =	vst v50  }
0x216: {  	v54 =	vmul.f32 v47, v39;
	[tilespmem:s18+$0x3800] =	vst v52  }
0x217: {  	v55 =	vmul.f32 v49, v39;
	[tilespmem:s18+$0x3A00] =	vst v53  }
0x218: {  	[tilespmem:s18+$0x3C00] =	vst v54  }
0x219: {  	[tilespmem:s18+$0x3E00] =	vst v55  }
0x21a: {  	v0 =	vld [tilespmem:$0x8200]  }
0x21b: {  	v2 =	vld [tilespmem:$0x8210]  }
0x21c: {  	v3 =	vld [tilespmem:$0x8220]  }
0x21d: {  	v56 =	vld [tilespmem:$0x8230]  }
0x21e: {  	v58 =	vnsel vm4, $0x0, v1;
	v57 =	vld [tilespmem:$0x8240]  }
0x21f: {  	v59 =	vld [tilespmem:$0x8250];
	v0 =	vmul.f32 v0, v58  }
0x220: {  	v60 =	vld [tilespmem:$0x8260];
	v2 =	vmul.f32 v2, v58  }
0x221: {  	v61 =	vld [tilespmem:$0x8270];
	v3 =	vmul.f32 v3, v58;
	[tilespmem:s18+$0x4000] =	vst v0  }
0x222: {  	v62 =	vmul.f32 v56, v58;
	[tilespmem:s18+$0x4200] =	vst v2  }
0x223: {  	v63 =	vmul.f32 v57, v58;
	[tilespmem:s18+$0x4400] =	vst v3  }
0x224: {  	v11 =	vmul.f32 v59, v58;
	[tilespmem:s18+$0x4600] =	vst v62  }
0x225: {  	v12 =	vmul.f32 v60, v58;
	[tilespmem:s18+$0x4800] =	vst v63  }
0x226: {  	v13 =	vmul.f32 v61, v58;
	[tilespmem:s18+$0x4A00] =	vst v11  }
0x227: {  	[tilespmem:s18+$0x4C00] =	vst v12  }
0x228: {  	[tilespmem:s18+$0x4E00] =	vst v13  }
0x229: {  	v0 =	vld [tilespmem:$0x8280]  }
0x22a: {  	v2 =	vld [tilespmem:$0x8290]  }
0x22b: {  	v3 =	vld [tilespmem:$0x82A0]  }
0x22c: {  	v14 =	vld [tilespmem:$0x82B0]  }
0x22d: {  	v16 =	vnsel vm5, $0x0, v1;
	v15 =	vld [tilespmem:$0x82C0]  }
0x22e: {  	v17 =	vld [tilespmem:$0x82D0];
	v0 =	vmul.f32 v0, v16  }
0x22f: {  	v18 =	vld [tilespmem:$0x82E0];
	v2 =	vmul.f32 v2, v16  }
0x230: {  	v19 =	vld [tilespmem:$0x82F0];
	v3 =	vmul.f32 v3, v16;
	[tilespmem:s18+$0x5000] =	vst v0  }
0x231: {  	v20 =	vmul.f32 v14, v16;
	[tilespmem:s18+$0x5200] =	vst v2  }
0x232: {  	v21 =	vmul.f32 v15, v16;
	[tilespmem:s18+$0x5400] =	vst v3  }
0x233: {  	v22 =	vmul.f32 v17, v16;
	[tilespmem:s18+$0x5600] =	vst v20  }
0x234: {  	v23 =	vmul.f32 v18, v16;
	[tilespmem:s18+$0x5800] =	vst v21  }
0x235: {  	v49 =	vld [tilespmem:$0x1FF20];
	v24 =	vmul.f32 v19, v16;
	[tilespmem:s18+$0x5A00] =	vst v22  }
0x236: {  	v50 =	vld [tilespmem:$0x1FF30];
	[tilespmem:s18+$0x5C00] =	vst v23  }
0x237: {  	v52 =	vld [tilespmem:$0x1FF40];
	[tilespmem:s18+$0x5E00] =	vst v24  }
0x238: {  	v0 =	vld [tilespmem:$0x8300]  }
0x239: {  	v2 =	vld [tilespmem:$0x8310]  }
0x23a: {  	v3 =	vld [tilespmem:$0x8320]  }
0x23b: {  	v25 =	vld [tilespmem:$0x8330]  }
0x23c: {  	v28 =	vnsel vm9, $0x0, v1;
	v26 =	vld [tilespmem:$0x8340]  }
0x23d: {  	v29 =	vld [tilespmem:$0x8350];
	v0 =	vmul.f32 v0, v28  }
0x23e: {  	v30 =	vld [tilespmem:$0x8360];
	v2 =	vmul.f32 v2, v28  }
0x23f: {  	v31 =	vld [tilespmem:$0x8370];
	v3 =	vmul.f32 v3, v28;
	[tilespmem:s18+$0x6000] =	vst v0  }
0x240: {  	v53 =	vld [tilespmem:$0x1FF50];
	v35 =	vmul.f32 v25, v28;
	[tilespmem:s18+$0x6200] =	vst v2  }
0x241: {  	v54 =	vld [tilespmem:$0x1FF60];
	v36 =	vmul.f32 v26, v28;
	[tilespmem:s18+$0x6400] =	vst v3  }
0x242: {  	v5 =	vnsel vm8, $0x0, v32;
	v6 =	vnsel vm13, $0x0, v6;
	v39 =	vmul.f32 v29, v28;
	[tilespmem:s18+$0x6600] =	vst v35  }
0x243: {  	v1 =	vnsel vm13, $0x0, v1;
	v4 =	vnsel vm3, $0x0, v49;
	v46 =	vmul.f32 v30, v28;
	[tilespmem:s18+$0x6800] =	vst v36  }
0x244: {  	v42 =	vld [tilespmem:$0x1FFD0];
	vm15 =	vge.f32 v4, v5;
	v7 =	vnsel vm14, $0x0, v50;
	v47 =	vmul.f32 v31, v28;
	[tilespmem:s18+$0x6A00] =	vst v39  }
0x245: {  	v44 =	vld [tilespmem:$0x1FFF0];
	v8 =	vnsel vm0, $0x0, v52;
	v9 =	vnsel vm4, $0x0, v53;
	vm0 =	vmneg vm15;
	[tilespmem:s18+$0x6C00] =	vst v46  }
0x246: {  	v43 =	vld [tilespmem:$0x1FFE0];
	v10 =	vnsel vm5, $0x0, v54;
	v56 =	vsel vm0, v5, v4;
	v11 =	vnsel vm9, $0x0, v27;
	[tilespmem:s18+$0x6E00] =	vst v47  }
0x247: {  	vm4 =	vge.f32 v7, v8;
	vm5 =	vge.f32 v9, v10;
	vm6 =	vge.f32 v11, v6;
	v0 =	vld [tilespmem:$0x8380]  }
0x248: {  	v59 =	vsel vm4, v7, v8;
	v62 =	vsel vm5, v9, v10;
	v63 =	vsel vm6, v11, v6;
	v2 =	vld [tilespmem:$0x8390]  }
0x249: {  	v57 =	vimm.s32 $0x0;
	vm7 =	vge.f32 v56, v59;
	vm8 =	vge.f32 v62, v63;
	v3 =	vld [tilespmem:$0x83A0]  }
0x24a: {  	v61 =	vimm.s32 $0x3;
	v13 =	vsel vm7, v56, v59;
	v32 =	vsel vm8, v62, v63;
	v55 =	vld [tilespmem:$0x83B0]  }
0x24b: {  	vm9 =	vge.f32 v13, v32;
	v14 =	vsel vm0, $0x1, v57;
	v18 =	vsel vm4, $0x2, v61;
	v58 =	vld [tilespmem:$0x83C0]  }
0x24c: {  	v29 =	vimm.s32 $0x5;
	v31 =	vimm.s32 $0x7;
	v60 =	vld [tilespmem:$0x83D0];
	v0 =	vmul.f32 v0, v1  }
0x24d: {  	v22 =	vsel vm5, $0x4, v29;
	v24 =	vsel vm6, $0x6, v31;
	v28 =	vld [tilespmem:$0x83E0];
	v2 =	vmul.f32 v2, v1  }
0x24e: {  	v35 =	vsel vm7, v14, v18;
	v36 =	vsel vm8, v22, v24;
	v30 =	vld [tilespmem:$0x83F0];
	v3 =	vmul.f32 v3, v1;
	[tilespmem:s18+$0x7000] =	vst v0  }
0x24f: {  	v41 =	vld [tilespmem:$0x1FFC0];
	v12 =	vmul.f32 v55, v1;
	[tilespmem:s18+$0x7200] =	vst v2;
	v0 =	vsel vm9, v35, v36  }
0x250: {  	v40 =	vld [tilespmem:$0x1FFB0];
	v39 =	vmul.f32 v58, v1;
	[tilespmem:s18+$0x7400] =	vst v3;
	v46 =	vshll.u32 v0, $0x7  }
0x251: {  	v48 =	vld [tilespmem:$0x1FFA0];
	v47 =	vmul.f32 v60, v1;
	[tilespmem:s18+$0x7600] =	vst v12;
	v49 =	vor.u32 v44, v46  }
0x252: {  	v45 =	vld [tilespmem:$0x1FF90];
	v50 =	vmul.f32 v28, v1;
	[tilespmem:s18+$0x7800] =	vst v39;
	v52 =	vor.u32 v43, v46  }
0x253: {  	v1 =	vmul.f32 v30, v1;
	[tilespmem:s18+$0x7A00] =	vst v47;
	v53 =	vor.u32 v42, v46  }
0x254: {  	v37 =	vld [tilespmem:$0x1FF80];
	[tilespmem:s18+$0x7C00] =	vst v50;
	v54 =	vor.u32 v41, v46  }
0x255: {  	[tilespmem:s18+$0x7E00] =	vst v1;
	v55 =	vor.u32 v40, v46  }
0x256: {  	v56 =	vor.u32 v48, v46;
	v12 =	vld.idx.msk [tilespmem:v49+s12+$0x0], $0xffff  }
0x257: {  	v38 =	vlaneseq.u32;
	v3 =	vor.u32 v45, v46;
	v2 =	vld.idx.msk [tilespmem:v52+s12+$0x0], $0xffff  }
0x258: {  	v57 =	vor.u32 v38, v46;
	v14 =	vld.idx.msk [tilespmem:v53+s12+$0x0], $0xffff  }
0x259: {  	v58 =	vand.u32 v37, v57;
	v15 =	vld.idx.msk [tilespmem:v54+s12+$0x0], $0xffff  }
0x25a: {  	v1 =	vld.idx.msk [tilespmem:v55+s12+$0x0], $0xffff  }
0x25b: {  	v59 =	vld.idx.msk [tilespmem:v56+s12+$0x0], $0xffff  }
0x25c: {  	v3 =	vld.idx.msk [tilespmem:v3+s12+$0x0], $0xffff  }
0x25d: {  	v13 =	vsel vm9, v13, v32;
	v29 =	vimm.s32 $0x0;
	v31 =	vimm.s32 $0x3  }
0x25e: {  	v22 =	vimm.s32 $0x8;
	v36 =	vimm.s32 $0x5;
	v39 =	vimm.s32 $0x7;
	v19 =	vld.idx.msk [tilespmem:v58+s12+$0x0], $0xffff  }
0x25f: {  	vm0 =	veq.f32 v12, v13;
	vm10 =	veq.f32 v2, v13;
	vm11 =	veq.f32 v14, v13  }
0x260: {  	vm12 =	veq.f32 v15, v13;
	vm13 =	veq.f32 v1, v13;
	v60 =	vsel vm0, $0x7, v22  }
0x261: {  	vm14 =	veq.f32 v59, v13;
	vm15 =	veq.f32 v3, v13;
	v17 =	vsel vm10, $0x6, v60  }
0x262: {  	v23 =	vmax.f32 v59, v1;
	v24 =	vmax.f32 v15, v14;
	v17 =	vsel vm11, $0x5, v17  }
0x263: {  	v25 =	vmax.f32 v2, v12;
	vm4 =	vne.f32 v19, v13;
	v17 =	vsel vm12, $0x4, v17  }
0x264: {  	v63 =	vmax.f32 v19, v3;
	vm0 =	vmand vm4, vm15;
	v17 =	vsel vm13, $0x3, v17  }
0x265: {  	v21 =	vsel vm0, v19, v63;
	vm11 =	veq.s32 v0, $0x0;
	v17 =	vsel vm14, $0x2, v17  }
0x266: {  	v3 =	vsel vm4, v21, v3;
	vm12 =	veq.s32 v0, $0x1;
	v61 =	vsel vm15, $0x1, v17  }
0x267: {  	vm13 =	veq.s32 v0, $0x2;
	vm14 =	veq.s32 v0, $0x3;
	v13 =	vnsel vm4, $0x0, v61  }
0x268: {  	vm15 =	veq.s32 v0, $0x4;
	vm4 =	veq.s32 v0, $0x5;
	v62 =	vshll.u32 v13, $0x4  }
0x269: {  	vm5 =	veq.s32 v13, $0x2;
	vm6 =	veq.s32 v13, $0x3;
	vm7 =	veq.s32 v13, $0x5  }
0x26a: {  	v51 =	vld [tilespmem:$0x1FF70];
	vm8 =	veq.s32 v13, $0x7;
	vm9 =	veq.s32 v13, $0x4;
	vm10 =	veq.s32 v13, $0x6  }
0x26b: {  	v16 =	vsel vm6, v59, v23;
	v15 =	vsel vm7, v15, v24;
	v2 =	vsel vm8, v2, v25  }
0x26c: {  	v1 =	vsel vm5, v1, v16;
	v14 =	vsel vm9, v14, v15;
	v2 =	vsel vm10, v12, v2  }
0x26d: {  	v17 =	vadd.s32 v57, v62;
	v1 =	vmax.f32 v3, v1;
	v2 =	vmax.f32 v14, v2  }
0x26e: {  	vm6 =	veq.s32 v0, $0x7;
	v26 =	vand.u32 $0x7FFFFFF8, v17;
	v1 =	vmax.f32 v1, v2  }
0x26f: {  	vm5 =	veq.s32 v0, $0x6;
	v27 =	vor.u32 v51, v26;
	v2 =	vsel vm11, v1, v4  }
0x270: {  	v4 =	vsel vm12, v1, v5;
	v5 =	vsel vm13, v1, v7;
	v7 =	vsel vm14, v1, v8  }
0x271: {  	v8 =	vsel vm15, v1, v9;
	v9 =	vsel vm4, v1, v10;
	v10 =	vsel vm5, v1, v11  }
0x272: {  	v1 =	vsel vm6, v1, v6;
	vm7 =	vge.f32 v2, v4;
	vm9 =	vge.f32 v5, v7  }
0x273: {  	vm10 =	vge.f32 v8, v9;
	vm11 =	vge.f32 v10, v1;
	vm8 =	vmneg vm7  }
0x274: {  	v30 =	vsel vm9, v5, v7;
	v14 =	vsel vm9, $0x2, v31;
	v32 =	vsel vm10, v8, v9  }
0x275: {  	v35 =	vsel vm11, v10, v1;
	v17 =	vsel vm10, $0x4, v36;
	v28 =	vsel vm8, v4, v2  }
0x276: {  	v18 =	vsel vm11, $0x6, v39;
	vm13 =	vge.f32 v32, v35;
	vm12 =	vge.f32 v28, v30  }
0x277: {  	v11 =	vsel vm8, $0x1, v29;
	v46 =	vsel vm13, v32, v35;
	v6 =	vsel vm12, v28, v30  }
0x278: {  	v47 =	vsel vm13, v17, v18;
	v11 =	vsel vm12, v11, v14;
	vm14 =	vge.f32 v6, v46  }
0x279: {  	v0 =	vshll.u32 v0, $0x3;
	v11 =	vsel vm14, v11, v47  }
0x27a: {  	v0 =	vadd.s32 v0, v13;
	v49 =	vshll.u32 v11, $0x7  }
0x27b: {  	v50 =	vor.u32 v44, v49  }
0x27c: {  	v34 =	vimm.f32 $-Inf;
	v19 =	vld.idx.msk [tilespmem:v27+s11+$0x0], $0xffff;
	v52 =	vor.u32 v43, v49  }
0x27d: {  	v18 =	vld.idx.msk [tilespmem:v27+s12+$0x0], $0xffff;
	[tilespmem:v27+s12+$0x0] =	vst.idx.msk $0xffff, v34;
	v53 =	vor.u32 v42, v49  }
0x27e: {  	v33 =	vimm.f32 $1.000000000e+00;
	[tilespmem:s18+$0x8800] =	vst v0;
	v54 =	vor.u32 v41, v49  }
0x27f: {  	[tilespmem:v0+s13+$0x0] =	vst.idx.add.f32.msk $0xffff, v33;
	v55 =	vor.u32 v40, v49  }
0x280: {  	v56 =	vor.u32 v48, v49;
	v14 =	vld.idx.msk [tilespmem:v50+s12+$0x0], $0xffff  }
0x281: {  	v13 =	vor.u32 v45, v49;
	v15 =	vld.idx.msk [tilespmem:v52+s12+$0x0], $0xffff  }
0x282: {  	v57 =	vor.u32 v38, v49;
	v3 =	vld.idx.msk [tilespmem:v53+s12+$0x0], $0xffff  }
0x283: {  	v58 =	vand.u32 v37, v57;
	v16 =	vld.idx.msk [tilespmem:v54+s12+$0x0], $0xffff  }
0x284: {  	v0 =	vld.idx.msk [tilespmem:v55+s12+$0x0], $0xffff  }
0x285: {  	v59 =	vld.idx.msk [tilespmem:v56+s12+$0x0], $0xffff  }
0x286: {  	v13 =	vld.idx.msk [tilespmem:v13+s12+$0x0], $0xffff  }
0x287: {  	v39 =	vimm.s32 $0x3;
	v32 =	vimm.s32 $0x0  }
0x288: {  	v6 =	vsel vm14, v6, v46;
	v49 =	vimm.s32 $0x5;
	v50 =	vimm.s32 $0x7;
	v21 =	vld.idx.msk [tilespmem:v58+s12+$0x0], $0xffff  }
0x289: {  	vm0 =	veq.f32 v14, v6;
	vm15 =	veq.f32 v15, v6;
	vm4 =	veq.f32 v3, v6  }
0x28a: {  	vm5 =	veq.f32 v16, v6;
	vm6 =	veq.f32 v0, v6;
	v60 =	vsel vm0, $0x7, v22  }
0x28b: {  	vm7 =	veq.f32 v59, v6;
	vm8 =	veq.f32 v13, v6;
	v17 =	vsel vm15, $0x6, v60  }
0x28c: {  	v25 =	vmax.f32 v59, v0;
	v26 =	vmax.f32 v16, v3;
	v17 =	vsel vm4, $0x5, v17  }
0x28d: {  	v27 =	vmax.f32 v15, v14;
	vm9 =	vne.f32 v21, v6;
	v17 =	vsel vm5, $0x4, v17  }
0x28e: {  	v63 =	vmax.f32 v21, v13;
	vm0 =	vmand vm9, vm8;
	v17 =	vsel vm6, $0x3, v17  }
0x28f: {  	v24 =	vsel vm0, v21, v63;
	vm4 =	veq.s32 v11, $0x0;
	v17 =	vsel vm7, $0x2, v17  }
0x290: {  	v13 =	vsel vm9, v24, v13;
	vm5 =	veq.s32 v11, $0x1;
	v61 =	vsel vm8, $0x1, v17  }
0x291: {  	vm6 =	veq.s32 v11, $0x2;
	vm7 =	veq.s32 v11, $0x3;
	v6 =	vnsel vm9, $0x0, v61  }
0x292: {  	vm8 =	veq.s32 v11, $0x4;
	vm9 =	veq.s32 v11, $0x5;
	v62 =	vshll.u32 v6, $0x4  }
0x293: {  	vm10 =	veq.s32 v6, $0x2;
	vm11 =	veq.s32 v6, $0x3;
	vm12 =	veq.s32 v6, $0x5  }
0x294: {  	vm13 =	veq.s32 v6, $0x7;
	vm14 =	veq.s32 v6, $0x4;
	vm15 =	veq.s32 v6, $0x6  }
0x295: {  	v12 =	vsel vm11, v59, v25;
	v16 =	vsel vm12, v16, v26;
	v15 =	vsel vm13, v15, v27  }
0x296: {  	v0 =	vsel vm10, v0, v12;
	v3 =	vsel vm14, v3, v16;
	v28 =	vsel vm15, v14, v15  }
0x297: {  	v17 =	vadd.s32 v57, v62;
	v0 =	vmax.f32 v13, v0;
	v3 =	vmax.f32 v3, v28  }
0x298: {  	vm11 =	veq.s32 v11, $0x7;
	v29 =	vand.u32 $0x7FFFFFF8, v17;
	v0 =	vmax.f32 v0, v3  }
0x299: {  	vm10 =	veq.s32 v11, $0x6;
	v30 =	vor.u32 v51, v29;
	v2 =	vsel vm4, v0, v2  }
0x29a: {  	v3 =	vsel vm5, v0, v4;
	v4 =	vsel vm6, v0, v5;
	v5 =	vsel vm7, v0, v7  }
0x29b: {  	v7 =	vsel vm8, v0, v8;
	v8 =	vsel vm9, v0, v9;
	v9 =	vsel vm10, v0, v10  }
0x29c: {  	v0 =	vsel vm11, v0, v1;
	vm12 =	vge.f32 v2, v3;
	vm14 =	vge.f32 v4, v5  }
0x29d: {  	vm15 =	vge.f32 v7, v8;
	vm4 =	vge.f32 v9, v0;
	vm13 =	vmneg vm12  }
0x29e: {  	v36 =	vsel vm14, v4, v5;
	v14 =	vsel vm14, $0x2, v39;
	v46 =	vsel vm15, v7, v8  }
0x29f: {  	v47 =	vsel vm4, v9, v0;
	v17 =	vsel vm15, $0x4, v49;
	v31 =	vsel vm13, v3, v2  }
0x2a0: {  	v20 =	vsel vm4, $0x6, v50;
	vm6 =	vge.f32 v46, v47;
	vm5 =	vge.f32 v31, v36  }
0x2a1: {  	v10 =	vsel vm13, $0x1, v32;
	v52 =	vsel vm6, v46, v47;
	v1 =	vsel vm5, v31, v36  }
0x2a2: {  	v53 =	vsel vm6, v17, v20;
	v10 =	vsel vm5, v10, v14;
	vm7 =	vge.f32 v1, v52  }
0x2a3: {  	v11 =	vshll.u32 v11, $0x3;
	v10 =	vsel vm7, v10, v53  }
0x2a4: {  	v6 =	vadd.s32 v11, v6;
	v54 =	vshll.u32 v10, $0x7  }
0x2a5: {  	v55 =	vor.u32 v44, v54  }
0x2a6: {  	v21 =	vld.idx.msk [tilespmem:v30+s11+$0x0], $0xffff;
	v56 =	vor.u32 v43, v54  }
0x2a7: {  	v20 =	vld.idx.msk [tilespmem:v30+s12+$0x0], $0xffff;
	[tilespmem:v30+s12+$0x0] =	vst.idx.msk $0xffff, v34;
	v57 =	vor.u32 v42, v54  }
0x2a8: {  	[tilespmem:s18+$0x8A00] =	vst v6;
	v58 =	vor.u32 v41, v54  }
0x2a9: {  	[tilespmem:v6+s13+$0x0] =	vst.idx.add.f32.msk $0xffff, v33;
	v59 =	vor.u32 v40, v54  }
0x2aa: {  	v60 =	vor.u32 v48, v54;
	v14 =	vld.idx.msk [tilespmem:v55+s12+$0x0], $0xffff  }
0x2ab: {  	v11 =	vor.u32 v45, v54;
	v15 =	vld.idx.msk [tilespmem:v56+s12+$0x0], $0xffff  }
0x2ac: {  	v61 =	vor.u32 v38, v54;
	v12 =	vld.idx.msk [tilespmem:v57+s12+$0x0], $0xffff  }
0x2ad: {  	v62 =	vand.u32 v37, v61;
	v16 =	vld.idx.msk [tilespmem:v58+s12+$0x0], $0xffff  }
0x2ae: {  	v6 =	vld.idx.msk [tilespmem:v59+s12+$0x0], $0xffff  }
0x2af: {  	v63 =	vld.idx.msk [tilespmem:v60+s12+$0x0], $0xffff  }
0x2b0: {  	v11 =	vld.idx.msk [tilespmem:v11+s12+$0x0], $0xffff  }
0x2b1: {  	v35 =	vimm.s32 $0x8;
	v1 =	vsel vm7, v1, v52;
	v54 =	vimm.s32 $0x0  }
0x2b2: {  	v56 =	vimm.s32 $0x3;
	v59 =	vimm.s32 $0x5;
	v60 =	vimm.s32 $0x7;
	v23 =	vld.idx.msk [tilespmem:v62+s12+$0x0], $0xffff  }
0x2b3: {  	vm0 =	veq.f32 v14, v1;
	vm8 =	veq.f32 v15, v1;
	vm9 =	veq.f32 v12, v1  }
0x2b4: {  	vm10 =	veq.f32 v16, v1;
	vm11 =	veq.f32 v6, v1;
	v28 =	vsel vm0, $0x7, v35  }
0x2b5: {  	vm12 =	veq.f32 v63, v1;
	vm13 =	veq.f32 v11, v1;
	v17 =	vsel vm8, $0x6, v28  }
0x2b6: {  	v36 =	vmax.f32 v63, v6;
	v39 =	vmax.f32 v16, v12;
	v17 =	vsel vm9, $0x5, v17  }
0x2b7: {  	v46 =	vmax.f32 v15, v14;
	vm14 =	vne.f32 v23, v1;
	v17 =	vsel vm10, $0x4, v17  }
0x2b8: {  	v31 =	vmax.f32 v23, v11;
	vm0 =	vmand vm14, vm13;
	v17 =	vsel vm11, $0x3, v17  }
0x2b9: {  	v32 =	vsel vm0, v23, v31;
	vm9 =	veq.s32 v10, $0x0;
	v17 =	vsel vm12, $0x2, v17  }
0x2ba: {  	v11 =	vsel vm14, v32, v11;
	vm10 =	veq.s32 v10, $0x1;
	v29 =	vsel vm13, $0x1, v17  }
0x2bb: {  	vm11 =	veq.s32 v10, $0x2;
	vm12 =	veq.s32 v10, $0x3;
	v1 =	vnsel vm14, $0x0, v29  }
0x2bc: {  	vm13 =	veq.s32 v10, $0x4;
	vm14 =	veq.s32 v10, $0x5;
	v30 =	vshll.u32 v1, $0x4  }
0x2bd: {  	vm15 =	veq.s32 v1, $0x2;
	vm4 =	veq.s32 v1, $0x3;
	vm5 =	veq.s32 v1, $0x5  }
0x2be: {  	vm6 =	veq.s32 v1, $0x7;
	vm7 =	veq.s32 v1, $0x4;
	vm8 =	veq.s32 v1, $0x6  }
0x2bf: {  	v13 =	vsel vm4, v63, v36;
	v16 =	vsel vm5, v16, v39;
	v15 =	vsel vm6, v15, v46  }
0x2c0: {  	v6 =	vsel vm15, v6, v13;
	v12 =	vsel vm7, v12, v16;
	v47 =	vsel vm8, v14, v15  }
0x2c1: {  	v17 =	vadd.s32 v61, v30;
	v6 =	vmax.f32 v11, v6;
	v50 =	vmax.f32 v12, v47  }
0x2c2: {  	vm4 =	veq.s32 v10, $0x7;
	v49 =	vand.u32 $0x7FFFFFF8, v17;
	v6 =	vmax.f32 v6, v50  }
0x2c3: {  	vm15 =	veq.s32 v10, $0x6;
	v52 =	vor.u32 v51, v49;
	v2 =	vsel vm9, v6, v2  }
0x2c4: {  	v3 =	vsel vm10, v6, v3;
	v4 =	vsel vm11, v6, v4;
	v5 =	vsel vm12, v6, v5  }
0x2c5: {  	v7 =	vsel vm13, v6, v7;
	v8 =	vsel vm14, v6, v8;
	v9 =	vsel vm15, v6, v9  }
0x2c6: {  	v6 =	vsel vm4, v6, v0;
	vm5 =	vge.f32 v2, v3;
	vm7 =	vge.f32 v4, v5  }
0x2c7: {  	vm8 =	vge.f32 v7, v8;
	vm9 =	vge.f32 v9, v6;
	vm6 =	vmneg vm5  }
0x2c8: {  	v55 =	vsel vm7, v4, v5;
	v14 =	vsel vm7, $0x2, v56;
	v57 =	vsel vm8, v7, v8  }
0x2c9: {  	v58 =	vsel vm9, v9, v6;
	v17 =	vsel vm8, $0x4, v59;
	v53 =	vsel vm6, v3, v2  }
0x2ca: {  	v22 =	vsel vm9, $0x6, v60;
	vm11 =	vge.f32 v57, v58;
	vm10 =	vge.f32 v53, v55  }
0x2cb: {  	v11 =	vsel vm6, $0x1, v54;
	v15 =	vsel vm11, v57, v58;
	v13 =	vsel vm10, v53, v55  }
0x2cc: {  	v62 =	vsel vm11, v17, v22;
	v61 =	vsel vm10, v11, v14;
	vm12 =	vge.f32 v13, v15  }
0x2cd: {  	v10 =	vshll.u32 v10, $0x3;
	v11 =	vsel vm12, v61, v62  }
0x2ce: {  	v10 =	vadd.s32 v10, v1;
	v63 =	vshll.u32 v11, $0x7  }
0x2cf: {  	v27 =	vor.u32 v44, v63  }
0x2d0: {  	v0 =	vld.idx.msk [tilespmem:v52+s12+$0x0], $0xffff;
	v28 =	vor.u32 v43, v63  }
0x2d1: {  	v1 =	vld.idx.msk [tilespmem:v52+s11+$0x0], $0xffff;
	[tilespmem:v52+s12+$0x0] =	vst.idx.msk $0xffff, v34;
	v29 =	vor.u32 v42, v63  }
0x2d2: {  	[tilespmem:s18+$0x8C00] =	vst v10;
	v30 =	vor.u32 v41, v63  }
0x2d3: {  	[tilespmem:v10+s13+$0x0] =	vst.idx.add.f32.msk $0xffff, v33;
	v31 =	vor.u32 v40, v63  }
0x2d4: {  	v32 =	vor.u32 v48, v63;
	v16 =	vld.idx.msk [tilespmem:v27+s12+$0x0], $0xffff  }
0x2d5: {  	v14 =	vor.u32 v45, v63;
	v17 =	vld.idx.msk [tilespmem:v28+s12+$0x0], $0xffff  }
0x2d6: {  	v36 =	vor.u32 v38, v63;
	v12 =	vld.idx.msk [tilespmem:v29+s12+$0x0], $0xffff  }
0x2d7: {  	v39 =	vand.u32 v37, v36;
	v22 =	vld.idx.msk [tilespmem:v30+s12+$0x0], $0xffff  }
0x2d8: {  	v10 =	vld.idx.msk [tilespmem:v31+s12+$0x0], $0xffff  }
0x2d9: {  	v46 =	vld.idx.msk [tilespmem:v32+s12+$0x0], $0xffff  }
0x2da: {  	v14 =	vld.idx.msk [tilespmem:v14+s12+$0x0], $0xffff  }
0x2db: {  	v60 =	vimm.s32 $0x0;
	v13 =	vsel vm12, v13, v15  }
0x2dc: {  	v62 =	vimm.s32 $0x3;
	v29 =	vimm.s32 $0x5;
	v30 =	vimm.s32 $0x7;
	v25 =	vld.idx.msk [tilespmem:v39+s12+$0x0], $0xffff  }
0x2dd: {  	vm0 =	veq.f32 v16, v13;
	vm13 =	veq.f32 v17, v13;
	vm14 =	veq.f32 v12, v13  }
0x2de: {  	vm15 =	veq.f32 v22, v13;
	vm4 =	veq.f32 v10, v13;
	v47 =	vsel vm0, $0x7, v35  }
0x2df: {  	vm5 =	veq.f32 v46, v13;
	vm6 =	veq.f32 v14, v13;
	v23 =	vsel vm13, $0x6, v47  }
0x2e0: {  	v54 =	vmax.f32 v46, v10;
	v55 =	vmax.f32 v22, v12;
	v23 =	vsel vm14, $0x5, v23  }
0x2e1: {  	v56 =	vmax.f32 v17, v16;
	vm7 =	vne.f32 v25, v13;
	v23 =	vsel vm15, $0x4, v23  }
0x2e2: {  	v52 =	vmax.f32 v25, v14;
	vm0 =	vmand vm7, vm6;
	v23 =	vsel vm4, $0x3, v23  }
0x2e3: {  	v53 =	vsel vm0, v25, v52;
	vm14 =	veq.s32 v11, $0x0;
	v23 =	vsel vm5, $0x2, v23  }
0x2e4: {  	v14 =	vsel vm7, v53, v14;
	vm15 =	veq.s32 v11, $0x1;
	v49 =	vsel vm6, $0x1, v23  }
0x2e5: {  	vm4 =	veq.s32 v11, $0x2;
	vm5 =	veq.s32 v11, $0x3;
	v13 =	vnsel vm7, $0x0, v49  }
0x2e6: {  	vm6 =	veq.s32 v11, $0x4;
	vm7 =	veq.s32 v11, $0x5;
	v50 =	vshll.u32 v13, $0x4  }
0x2e7: {  	vm8 =	veq.s32 v13, $0x2;
	vm9 =	veq.s32 v13, $0x3;
	vm10 =	veq.s32 v13, $0x5  }
0x2e8: {  	vm11 =	veq.s32 v13, $0x7;
	vm12 =	veq.s32 v13, $0x4;
	vm13 =	veq.s32 v13, $0x6  }
0x2e9: {  	v15 =	vsel vm9, v46, v54;
	v22 =	vsel vm10, v22, v55;
	v17 =	vsel vm11, v17, v56  }
0x2ea: {  	v10 =	vsel vm8, v10, v15;
	v12 =	vsel vm12, v12, v22;
	v57 =	vsel vm13, v16, v17  }
0x2eb: {  	v23 =	vadd.s32 v36, v50;
	v10 =	vmax.f32 v14, v10;
	v12 =	vmax.f32 v12, v57  }
0x2ec: {  	vm9 =	veq.s32 v11, $0x7;
	v58 =	vand.u32 $0x7FFFFFF8, v23;
	v10 =	vmax.f32 v10, v12  }
0x2ed: {  	vm8 =	veq.s32 v11, $0x6;
	v59 =	vor.u32 v51, v58;
	v12 =	vsel vm14, v10, v2  }
0x2ee: {  	v15 =	vsel vm15, v10, v3;
	v4 =	vsel vm4, v10, v4;
	v5 =	vsel vm5, v10, v5  }
0x2ef: {  	v7 =	vsel vm6, v10, v7;
	v8 =	vsel vm7, v10, v8;
	v9 =	vsel vm8, v10, v9  }
0x2f0: {  	v6 =	vsel vm9, v10, v6;
	vm10 =	vge.f32 v12, v15;
	vm12 =	vge.f32 v4, v5  }
0x2f1: {  	vm13 =	vge.f32 v7, v8;
	vm14 =	vge.f32 v9, v6;
	vm11 =	vmneg vm10  }
0x2f2: {  	v61 =	vsel vm12, v4, v5;
	v16 =	vsel vm12, $0x2, v62;
	v63 =	vsel vm13, v7, v8  }
0x2f3: {  	v28 =	vsel vm14, v9, v6;
	v23 =	vsel vm13, $0x4, v29;
	v2 =	vsel vm11, v15, v12  }
0x2f4: {  	v24 =	vsel vm14, $0x6, v30;
	vm4 =	vge.f32 v63, v28;
	vm15 =	vge.f32 v2, v61  }
0x2f5: {  	v3 =	vsel vm11, $0x1, v60;
	v17 =	vsel vm4, v63, v28;
	v10 =	vsel vm15, v2, v61  }
0x2f6: {  	v32 =	vsel vm4, v23, v24;
	v31 =	vsel vm15, v3, v16;
	vm5 =	vge.f32 v10, v17  }
0x2f7: {  	v11 =	vshll.u32 v11, $0x3;
	v16 =	vsel vm5, v31, v32  }
0x2f8: {  	v11 =	vadd.s32 v11, v13;
	v36 =	vshll.u32 v16, $0x7  }
0x2f9: {  	v39 =	vor.u32 v44, v36  }
0x2fa: {  	v2 =	vld.idx.msk [tilespmem:v59+s12+$0x0], $0xffff;
	v46 =	vor.u32 v43, v36  }
0x2fb: {  	v3 =	vld.idx.msk [tilespmem:v59+s11+$0x0], $0xffff;
	[tilespmem:v59+s12+$0x0] =	vst.idx.msk $0xffff, v34;
	v47 =	vor.u32 v42, v36  }
0x2fc: {  	[tilespmem:s18+$0x8E00] =	vst v11;
	v49 =	vor.u32 v41, v36  }
0x2fd: {  	[tilespmem:v11+s13+$0x0] =	vst.idx.add.f32.msk $0xffff, v33;
	v50 =	vor.u32 v40, v36  }
0x2fe: {  	v52 =	vor.u32 v48, v36;
	v22 =	vld.idx.msk [tilespmem:v39+s12+$0x0], $0xffff  }
0x2ff: {  	v13 =	vor.u32 v45, v36;
	v23 =	vld.idx.msk [tilespmem:v46+s12+$0x0], $0xffff  }
0x300: {  	v53 =	vor.u32 v38, v36;
	v14 =	vld.idx.msk [tilespmem:v47+s12+$0x0], $0xffff  }
0x301: {  	v54 =	vand.u32 v37, v53;
	v24 =	vld.idx.msk [tilespmem:v49+s12+$0x0], $0xffff  }
0x302: {  	v11 =	vld.idx.msk [tilespmem:v50+s12+$0x0], $0xffff  }
0x303: {  	v55 =	vld.idx.msk [tilespmem:v52+s12+$0x0], $0xffff  }
0x304: {  	v13 =	vld.idx.msk [tilespmem:v13+s12+$0x0], $0xffff  }
0x305: {  	v10 =	vsel vm5, v10, v17;
	v32 =	vimm.s32 $0x0  }
0x306: {  	v39 =	vimm.s32 $0x3;
	v49 =	vimm.s32 $0x5;
	v50 =	vimm.s32 $0x7;
	v27 =	vld.idx.msk [tilespmem:v54+s12+$0x0], $0xffff  }
0x307: {  	vm0 =	veq.f32 v22, v10;
	vm6 =	veq.f32 v23, v10;
	vm7 =	veq.f32 v14, v10  }
0x308: {  	vm8 =	veq.f32 v24, v10;
	vm9 =	veq.f32 v11, v10;
	v56 =	vsel vm0, $0x7, v35  }
0x309: {  	vm10 =	veq.f32 v55, v10;
	vm11 =	veq.f32 v13, v10;
	v25 =	vsel vm6, $0x6, v56  }
0x30a: {  	v61 =	vmax.f32 v55, v11;
	v62 =	vmax.f32 v24, v14;
	v25 =	vsel vm7, $0x5, v25  }
0x30b: {  	v63 =	vmax.f32 v23, v22;
	vm12 =	vne.f32 v27, v10;
	v25 =	vsel vm8, $0x4, v25  }
0x30c: {  	v59 =	vmax.f32 v27, v13;
	vm0 =	vmand vm12, vm11;
	v25 =	vsel vm9, $0x3, v25  }
0x30d: {  	v60 =	vsel vm0, v27, v59;
	vm7 =	veq.s32 v16, $0x0;
	v25 =	vsel vm10, $0x2, v25  }
0x30e: {  	v13 =	vsel vm12, v60, v13;
	vm8 =	veq.s32 v16, $0x1;
	v57 =	vsel vm11, $0x1, v25  }
0x30f: {  	vm9 =	veq.s32 v16, $0x2;
	vm10 =	veq.s32 v16, $0x3;
	v10 =	vnsel vm12, $0x0, v57  }
0x310: {  	vm11 =	veq.s32 v16, $0x4;
	vm12 =	veq.s32 v16, $0x5;
	v58 =	vshll.u32 v10, $0x4  }
0x311: {  	vm13 =	veq.s32 v10, $0x2;
	vm14 =	veq.s32 v10, $0x3;
	vm15 =	veq.s32 v10, $0x5  }
0x312: {  	vm4 =	veq.s32 v10, $0x7;
	vm5 =	veq.s32 v10, $0x4;
	vm6 =	veq.s32 v10, $0x6  }
0x313: {  	v17 =	vsel vm14, v55, v61;
	v24 =	vsel vm15, v24, v62;
	v23 =	vsel vm4, v23, v63  }
0x314: {  	v11 =	vsel vm13, v11, v17;
	v14 =	vsel vm5, v14, v24;
	v27 =	vsel vm6, v22, v23  }
0x315: {  	v25 =	vadd.s32 v53, v58;
	v11 =	vmax.f32 v13, v11;
	v29 =	vmax.f32 v14, v27  }
0x316: {  	vm14 =	veq.s32 v16, $0x7;
	v28 =	vand.u32 $0x7FFFFFF8, v25;
	v11 =	vmax.f32 v11, v29  }
0x317: {  	vm13 =	veq.s32 v16, $0x6;
	v30 =	vor.u32 v51, v28;
	v12 =	vsel vm7, v11, v12  }
0x318: {  	v13 =	vsel vm8, v11, v15;
	v15 =	vsel vm9, v11, v4;
	v17 =	vsel vm10, v11, v5  }
0x319: {  	v7 =	vsel vm11, v11, v7;
	v8 =	vsel vm12, v11, v8;
	v9 =	vsel vm13, v11, v9  }
0x31a: {  	v6 =	vsel vm14, v11, v6;
	vm15 =	vge.f32 v12, v13;
	vm5 =	vge.f32 v15, v17  }
0x31b: {  	vm6 =	vge.f32 v7, v8;
	vm7 =	vge.f32 v9, v6;
	vm4 =	vmneg vm15  }
0x31c: {  	v36 =	vsel vm5, v15, v17;
	v22 =	vsel vm5, $0x2, v39;
	v46 =	vsel vm6, v7, v8  }
0x31d: {  	v47 =	vsel vm7, v9, v6;
	v25 =	vsel vm6, $0x4, v49;
	v31 =	vsel vm4, v13, v12  }
0x31e: {  	v26 =	vsel vm7, $0x6, v50;
	vm9 =	vge.f32 v46, v47;
	vm8 =	vge.f32 v31, v36  }
0x31f: {  	v5 =	vsel vm4, $0x1, v32;
	v23 =	vsel vm9, v46, v47;
	v11 =	vsel vm8, v31, v36  }
0x320: {  	v53 =	vsel vm9, v25, v26;
	v52 =	vsel vm8, v5, v22;
	vm10 =	vge.f32 v11, v23  }
0x321: {  	v16 =	vshll.u32 v16, $0x3;
	v22 =	vsel vm10, v52, v53  }
0x322: {  	v10 =	vadd.s32 v16, v10;
	v54 =	vshll.u32 v22, $0x7  }
0x323: {  	v55 =	vor.u32 v44, v54  }
0x324: {  	v4 =	vld.idx.msk [tilespmem:v30+s12+$0x0], $0xffff;
	v56 =	vor.u32 v43, v54  }
0x325: {  	v5 =	vld.idx.msk [tilespmem:v30+s11+$0x0], $0xffff;
	[tilespmem:v30+s12+$0x0] =	vst.idx.msk $0xffff, v34;
	v57 =	vor.u32 v42, v54  }
0x326: {  	[tilespmem:s18+$0x9000] =	vst v10;
	v58 =	vor.u32 v41, v54  }
0x327: {  	[tilespmem:v10+s13+$0x0] =	vst.idx.add.f32.msk $0xffff, v33;
	v59 =	vor.u32 v40, v54  }
0x328: {  	v60 =	vor.u32 v48, v54;
	v24 =	vld.idx.msk [tilespmem:v55+s12+$0x0], $0xffff  }
0x329: {  	v61 =	vor.u32 v38, v54;
	v16 =	vor.u32 v45, v54;
	v25 =	vld.idx.msk [tilespmem:v56+s12+$0x0], $0xffff  }
0x32a: {  	v62 =	vand.u32 v37, v61;
	v14 =	vld.idx.msk [tilespmem:v57+s12+$0x0], $0xffff  }
0x32b: {  	v26 =	vld.idx.msk [tilespmem:v58+s12+$0x0], $0xffff  }
0x32c: {  	v10 =	vld.idx.msk [tilespmem:v59+s12+$0x0], $0xffff  }
0x32d: {  	v63 =	vld.idx.msk [tilespmem:v60+s12+$0x0], $0xffff  }
0x32e: {  	v16 =	vld.idx.msk [tilespmem:v16+s12+$0x0], $0xffff  }
0x32f: {  	v11 =	vsel vm10, v11, v23;
	v57 =	vimm.s32 $0x0;
	v29 =	vld.idx.msk [tilespmem:v62+s12+$0x0], $0xffff  }
0x330: {  	v59 =	vimm.s32 $0x3;
	v62 =	vimm.s32 $0x5;
	vm0 =	veq.f32 v24, v11  }
0x331: {  	vm11 =	veq.f32 v25, v11;
	vm12 =	veq.f32 v14, v11;
	vm13 =	veq.f32 v26, v11  }
0x332: {  	vm14 =	veq.f32 v10, v11;
	vm15 =	veq.f32 v63, v11;
	v32 =	vsel vm0, $0x7, v35  }
0x333: {  	vm4 =	veq.f32 v16, v11;
	v49 =	vmax.f32 v63, v10;
	v27 =	vsel vm11, $0x6, v32  }
0x334: {  	v50 =	vmax.f32 v26, v14;
	vm5 =	vne.f32 v29, v11;
	v27 =	vsel vm12, $0x5, v27  }
0x335: {  	v46 =	vmax.f32 v29, v16;
	vm0 =	vmand vm5, vm4;
	v27 =	vsel vm13, $0x4, v27  }
0x336: {  	v52 =	vmax.f32 v25, v24;
	v47 =	vsel vm0, v29, v46;
	v27 =	vsel vm14, $0x3, v27  }
0x337: {  	vm12 =	veq.s32 v22, $0x0;
	v16 =	vsel vm5, v47, v16;
	v27 =	vsel vm15, $0x2, v27  }
0x338: {  	vm13 =	veq.s32 v22, $0x1;
	vm14 =	veq.s32 v22, $0x2;
	v36 =	vsel vm4, $0x1, v27  }
0x339: {  	vm15 =	veq.s32 v22, $0x3;
	vm4 =	veq.s32 v22, $0x4;
	v11 =	vnsel vm5, $0x0, v36  }
0x33a: {  	vm5 =	veq.s32 v22, $0x5;
	v39 =	vshll.u32 v11, $0x4;
	vm6 =	veq.s32 v11, $0x2  }
0x33b: {  	vm7 =	veq.s32 v11, $0x3;
	vm8 =	veq.s32 v11, $0x5;
	vm9 =	veq.s32 v11, $0x7  }
0x33c: {  	vm10 =	veq.s32 v11, $0x4;
	vm11 =	veq.s32 v11, $0x6;
	v27 =	vadd.s32 v61, v39  }
0x33d: {  	v23 =	vsel vm7, v63, v49;
	v26 =	vsel vm8, v26, v50;
	v25 =	vsel vm9, v25, v52  }
0x33e: {  	v10 =	vsel vm6, v10, v23;
	v14 =	vsel vm10, v14, v26;
	v53 =	vsel vm11, v24, v25  }
0x33f: {  	vm7 =	veq.s32 v22, $0x7;
	v10 =	vmax.f32 v16, v10;
	v14 =	vmax.f32 v14, v53  }
0x340: {  	v63 =	vimm.s32 $0x7;
	v54 =	vand.u32 $0x7FFFFFF8, v27;
	v10 =	vmax.f32 v10, v14  }
0x341: {  	vm6 =	veq.s32 v22, $0x6;
	v55 =	vor.u32 v51, v54;
	v12 =	vsel vm12, v10, v12  }
0x342: {  	v13 =	vsel vm13, v10, v13;
	v14 =	vsel vm14, v10, v15;
	v15 =	vsel vm15, v10, v17  }
0x343: {  	v17 =	vsel vm4, v10, v7;
	v8 =	vsel vm5, v10, v8;
	v9 =	vsel vm6, v10, v9  }
0x344: {  	v10 =	vsel vm7, v10, v6;
	vm8 =	vge.f32 v12, v13;
	vm10 =	vge.f32 v14, v15  }
0x345: {  	vm11 =	vge.f32 v17, v8;
	vm12 =	vge.f32 v9, v10;
	vm9 =	vmneg vm8  }
0x346: {  	v58 =	vsel vm10, v14, v15;
	v24 =	vsel vm10, $0x2, v59;
	v60 =	vsel vm11, v17, v8  }
0x347: {  	v61 =	vsel vm12, v9, v10;
	v27 =	vsel vm11, $0x4, v62;
	v56 =	vsel vm9, v13, v12  }
0x348: {  	v28 =	vsel vm12, $0x6, v63;
	vm14 =	vge.f32 v60, v61;
	vm13 =	vge.f32 v56, v58  }
0x349: {  	v7 =	vsel vm9, $0x1, v57;
	v25 =	vsel vm14, v60, v61;
	v23 =	vsel vm13, v56, v58  }
0x34a: {  	v32 =	vsel vm14, v27, v28;
	v31 =	vsel vm13, v7, v24;
	vm15 =	vge.f32 v23, v25  }
0x34b: {  	v22 =	vshll.u32 v22, $0x3;
	v24 =	vsel vm15, v31, v32  }
0x34c: {  	v11 =	vadd.s32 v22, v11;
	v36 =	vshll.u32 v24, $0x7  }
0x34d: {  	v39 =	vor.u32 v44, v36  }
0x34e: {  	v6 =	vld.idx.msk [tilespmem:v55+s12+$0x0], $0xffff;
	v46 =	vor.u32 v43, v36  }
0x34f: {  	v7 =	vld.idx.msk [tilespmem:v55+s11+$0x0], $0xffff;
	[tilespmem:v55+s12+$0x0] =	vst.idx.msk $0xffff, v34;
	v47 =	vor.u32 v42, v36  }
0x350: {  	[tilespmem:s18+$0x9200] =	vst v11;
	v49 =	vor.u32 v41, v36  }
0x351: {  	[tilespmem:v11+s13+$0x0] =	vst.idx.add.f32.msk $0xffff, v33;
	v50 =	vor.u32 v40, v36  }
0x352: {  	v52 =	vor.u32 v48, v36;
	v26 =	vld.idx.msk [tilespmem:v39+s12+$0x0], $0xffff  }
0x353: {  	v22 =	vor.u32 v45, v36;
	v27 =	vld.idx.msk [tilespmem:v46+s12+$0x0], $0xffff  }
0x354: {  	v53 =	vor.u32 v38, v36;
	v16 =	vld.idx.msk [tilespmem:v47+s12+$0x0], $0xffff  }
0x355: {  	v54 =	vand.u32 v37, v53;
	v28 =	vld.idx.msk [tilespmem:v49+s12+$0x0], $0xffff  }
0x356: {  	v11 =	vld.idx.msk [tilespmem:v50+s12+$0x0], $0xffff  }
0x357: {  	v55 =	vld.idx.msk [tilespmem:v52+s12+$0x0], $0xffff  }
0x358: {  	v22 =	vld.idx.msk [tilespmem:v22+s12+$0x0], $0xffff;
	_ =	sdelay $0x1  }
0x359: {  	v23 =	vsel vm15, v23, v25;
	v47 =	vimm.s32 $0x3;
	v31 =	vld.idx.msk [tilespmem:v54+s12+$0x0], $0xffff  }
0x35a: {  	v49 =	vimm.s32 $0x0;
	vm0 =	veq.f32 v26, v23;
	vm4 =	veq.f32 v27, v23  }
0x35b: {  	vm5 =	veq.f32 v16, v23;
	vm6 =	veq.f32 v28, v23;
	vm7 =	veq.f32 v11, v23  }
0x35c: {  	vm8 =	veq.f32 v55, v23;
	vm9 =	veq.f32 v22, v23;
	v56 =	vsel vm0, $0x7, v35  }
0x35d: {  	v61 =	vmax.f32 v55, v11;
	v62 =	vmax.f32 v28, v16;
	v29 =	vsel vm4, $0x6, v56  }
0x35e: {  	v63 =	vmax.f32 v27, v26;
	vm10 =	vne.f32 v31, v23;
	v29 =	vsel vm5, $0x5, v29  }
0x35f: {  	v59 =	vmax.f32 v31, v22;
	vm0 =	vmand vm10, vm9;
	v29 =	vsel vm6, $0x4, v29  }
0x360: {  	v56 =	vimm.s32 $0x5;
	v60 =	vsel vm0, v31, v59;
	v29 =	vsel vm7, $0x3, v29  }
0x361: {  	vm5 =	veq.s32 v24, $0x0;
	v22 =	vsel vm10, v60, v22;
	v29 =	vsel vm8, $0x2, v29  }
0x362: {  	vm6 =	veq.s32 v24, $0x1;
	vm7 =	veq.s32 v24, $0x2;
	v57 =	vsel vm9, $0x1, v29  }
0x363: {  	vm8 =	veq.s32 v24, $0x3;
	vm9 =	veq.s32 v24, $0x4;
	v23 =	vnsel vm10, $0x0, v57  }
0x364: {  	vm10 =	veq.s32 v24, $0x5;
	v58 =	vshll.u32 v23, $0x4;
	vm11 =	veq.s32 v23, $0x2  }
0x365: {  	vm12 =	veq.s32 v23, $0x3;
	vm13 =	veq.s32 v23, $0x5;
	vm14 =	veq.s32 v23, $0x7  }
0x366: {  	vm15 =	veq.s32 v23, $0x4;
	vm4 =	veq.s32 v23, $0x6;
	v29 =	vadd.s32 v53, v58  }
0x367: {  	v25 =	vsel vm12, v55, v61;
	v28 =	vsel vm13, v28, v62;
	v27 =	vsel vm14, v27, v63  }
0x368: {  	v11 =	vsel vm11, v11, v25;
	v16 =	vsel vm15, v16, v28;
	v36 =	vsel vm4, v26, v27  }
0x369: {  	vm12 =	veq.s32 v24, $0x7;
	v11 =	vmax.f32 v22, v11;
	v16 =	vmax.f32 v16, v36  }
0x36a: {  	v55 =	vimm.s32 $0x7;
	v39 =	vand.u32 $0x7FFFFFF8, v29;
	v11 =	vmax.f32 v11, v16  }
0x36b: {  	vm11 =	veq.s32 v24, $0x6;
	v46 =	vor.u32 v51, v39;
	v12 =	vsel vm5, v11, v12  }
0x36c: {  	v13 =	vsel vm6, v11, v13;
	v14 =	vsel vm7, v11, v14;
	v15 =	vsel vm8, v11, v15  }
0x36d: {  	v16 =	vsel vm9, v11, v17;
	v8 =	vsel vm10, v11, v8;
	v9 =	vsel vm11, v11, v9  }
0x36e: {  	v10 =	vsel vm12, v11, v10;
	vm13 =	vge.f32 v12, v13;
	vm15 =	vge.f32 v14, v15  }
0x36f: {  	vm4 =	vge.f32 v16, v8;
	vm5 =	vge.f32 v9, v10;
	vm14 =	vmneg vm13  }
0x370: {  	v53 =	vsel vm15, v14, v15;
	v54 =	vsel vm15, $0x2, v47;
	v8 =	vsel vm4, v16, v8  }
0x371: {  	v9 =	vsel vm5, v9, v10;
	v57 =	vsel vm4, $0x4, v56;
	v50 =	vsel vm14, v13, v12  }
0x372: {  	v58 =	vsel vm5, $0x6, v55;
	vm7 =	vge.f32 v8, v9;
	vm6 =	vge.f32 v50, v53  }
0x373: {  	v52 =	vsel vm14, $0x1, v49;
	v8 =	vsel vm7, v8, v9;
	v11 =	vsel vm6, v50, v53  }
0x374: {  	v10 =	vsel vm7, v57, v58;
	v59 =	vsel vm6, v52, v54;
	vm8 =	vge.f32 v11, v8  }
0x375: {  	v60 =	vshll.u32 v24, $0x3;
	v9 =	vsel vm8, v59, v10  }
0x376: {  	v61 =	vadd.s32 v60, v23;
	v62 =	vshll.u32 v9, $0x7  }
0x377: {  	v27 =	vor.u32 v44, v62  }
0x378: {  	v63 =	vld.idx.msk [tilespmem:v46+s12+$0x0], $0xffff;
	v29 =	vor.u32 v43, v62  }
0x379: {  	v28 =	vld.idx.msk [tilespmem:v46+s11+$0x0], $0xffff;
	[tilespmem:v46+s12+$0x0] =	vst.idx.msk $0xffff, v34;
	v30 =	vor.u32 v42, v62  }
0x37a: {  	[tilespmem:s18+$0x9400] =	vst v61;
	v31 =	vor.u32 v41, v62  }
0x37b: {  	[tilespmem:v61+s13+$0x0] =	vst.idx.add.f32.msk $0xffff, v33;
	v32 =	vor.u32 v40, v62  }
0x37c: {  	v36 =	vor.u32 v48, v62;
	v14 =	vld.idx.msk [tilespmem:v27+s12+$0x0], $0xffff  }
0x37d: {  	v39 =	vor.u32 v38, v62;
	v12 =	vor.u32 v45, v62;
	v16 =	vld.idx.msk [tilespmem:v29+s12+$0x0], $0xffff  }
0x37e: {  	v40 =	vand.u32 v37, v39;
	v17 =	vld.idx.msk [tilespmem:v30+s12+$0x0], $0xffff  }
0x37f: {  	v22 =	vld.idx.msk [tilespmem:v31+s12+$0x0], $0xffff  }
0x380: {  	v8 =	vsel vm8, v11, v8;
	v10 =	vld.idx.msk [tilespmem:v32+s12+$0x0], $0xffff  }
0x381: {  	v41 =	vld.idx.msk [tilespmem:v36+s12+$0x0], $0xffff;
	vm0 =	veq.f32 v14, v8  }
0x382: {  	v12 =	vld.idx.msk [tilespmem:v12+s12+$0x0], $0xffff;
	vm9 =	veq.f32 v16, v8;
	v14 =	vsel vm0, $0x7, v35  }
0x383: {  	v42 =	vld.idx.msk [tilespmem:v40+s12+$0x0], $0xffff;
	vm10 =	veq.f32 v17, v8;
	v14 =	vsel vm9, $0x6, v14  }
0x384: {  	vm11 =	veq.f32 v22, v8;
	v14 =	vsel vm10, $0x5, v14  }
0x385: {  	vm12 =	veq.f32 v10, v8;
	v14 =	vsel vm11, $0x4, v14  }
0x386: {  	vm13 =	veq.f32 v41, v8;
	v10 =	vsel vm12, $0x3, v14  }
0x387: {  	vm14 =	veq.f32 v12, v8;
	v10 =	vsel vm13, $0x2, v10  }
0x388: {  	vm15 =	veq.f32 v42, v8;
	v10 =	vsel vm14, $0x1, v10  }
0x389: {  	v8 =	vsel vm15, $0x0, v10  }
0x38a: {  	v10 =	vshll.u32 v8, $0x4  }
0x38b: {  	v10 =	vadd.s32 v39, v10  }
0x38c: {  	v10 =	vand.u32 $0x7FFFFFF8, v10  }
0x38d: {  	v10 =	vor.u32 v51, v10;
	_ =	sdelay $0x4  }
0x38e: {  	v43 =	vld.idx.msk [tilespmem:v10+s12+$0x0], $0xffff  }
0x38f: {  	v44 =	vld.idx.msk [tilespmem:v10+s11+$0x0], $0xffff;
	_ =	sdelay $0x1  }
0x390: {  	v0 =	vsub.f32 v0, v1;
	v47 =	vsub.f32 v2, v3  }
0x391: {  	v46 =	vsub.f32 v20, v21;
	v49 =	vsub.f32 v6, v7  }
0x392: {  	v50 =	vsub.f32 v63, v28;
	v45 =	vsub.f32 v18, v19  }
0x393: {  	v48 =	vsub.f32 v4, v5;
	v51 =	vsub.f32 v43, v44  }
0x394: {  	v53 =	vadd.f32 v47, v0;
	v52 =	vadd.f32 v46, v45  }
0x395: {  	v54 =	vadd.f32 v49, v48;
	v12 =	vadd.f32 v51, v50;
	_ =	sdelay $0x1  }
0x396: {  	v6 =	vadd.f32 v53, v52;
	v55 =	vadd.f32 v12, v54;
	_ =	sdelay $0x1  }
0x397: {  	v6 =	vadd.f32 v55, v6;
	_ =	sdelay $0x1  }
0x398: {  	v6 =	vadd.f32 $9.999999680e-21, v6;
	_ =	sdelay $0x1  }
0x399: {  	(erf) = vrcp.f32 v6;
	_ =	sdelay $0x6  }
0x39a: {  	v56 =	vshll.u32 v9, $0x3  }
0x39b: {  	v6 =	vadd.s32 v56, v8  }
0x39c: {  	v57 =	vpop (erf)  }
0x39d: {  	v7 =	vmul.f32 $2.500000000e+00, v57  }
0x39e: {  	[tilespmem:v10+s12+$0x0] =	vst.idx.msk $0xffff, v34  }
0x39f: {  	[tilespmem:s18+$0x9600] =	vst v6;
	v58 =	vmul.f32 v7, v45  }
0x3a0: {  	[tilespmem:v6+s13+$0x0] =	vst.idx.add.f32.msk $0xffff, v33;
	v59 =	vmul.f32 v7, v46  }
0x3a1: {  	v0 =	vmul.f32 v7, v0;
	[tilespmem:s18+$0x9800] =	vst v58  }
0x3a2: {  	v1 =	vmul.f32 v7, v47;
	[tilespmem:s18+$0x9A00] =	vst v59  }
0x3a3: {  	p0 =	sne.s32 s17, $0x7C0;
	v60 =	vmul.f32 v7, v48;
	[tilespmem:s18+$0x9C00] =	vst v0  }
.Ltmp0:
0x3a4: {  	v61 =	vmul.f32 v7, v49;
	[tilespmem:s18+$0x9E00] =	vst v1;
	(pc) =	sbr.rel @p0 .LBB2_2-.Ltmp0, $4  }
0x3a5: {  	v62 =	vmul.f32 v7, v50;
	[tilespmem:s18+$0xA000] =	vst v60  }
0x3a6: {  	v63 =	vmul.f32 v7, v51;
	[tilespmem:s18+$0xA200] =	vst v61  }
0x3a7: {  	[tilespmem:s18+$0xA400] =	vst v62  }
0x3a8: {  	s17 =	sadd.s32 $0x40, s17;
	[tilespmem:s18+$0xA600] =	vst v63  }
0x3a9: {  	[hbm4b:s5+s2] =	stream.linear.scatter [tilespmem:s2], [sflag:$0x1], $0x8000, $0x38;
	[tilespmem:$0xA840] =	vst v63  }
0x3aa: {  	_ =	swait.ge [sflag:s10], $0x8000  }
0x3ab: {  	[sflag:s10] =	ssyncset.done $0x0  }
0x3ac: {  	[sflag:s10] =	ssyncadd.s32 $0xFFFF8000  }
0x3ad: {  	[hbm4b:s6+s2] =	stream.linear.scatter [tilespmem:s14], [sflag:$0x1], $0x1000, $0x38;
	[tilespmem:$0xA840] =	vst v63  }
0x3ae: {  	_ =	swait.ge [sflag:s10], $0x1000  }
0x3af: {  	[sflag:s10] =	ssyncset.done $0x0  }
0x3b0: {  	[sflag:s10] =	ssyncadd.s32 $0xFFFFF000  }
0x3b1: {  	[hbm4b:s7+s2] =	stream.linear.scatter [tilespmem:s15], [sflag:$0x1], $0x1000, $0x38;
	[tilespmem:$0xA840] =	vst v63  }
0x3b2: {  	s16 =	sadd.s32 $0x1, s16;
	_ =	swait.ge [sflag:s10], $0x1000  }
0x3b3: {  	p0 =	sne.s32 s16, s9;
	[sflag:s10] =	ssyncset.done $0x0  }
.Ltmp1:
0x3b4: {  	[sflag:s10] =	ssyncadd.s32 $0xFFFFF000;
	(pc) =	sbr.rel @p0 .LBB2_1-.Ltmp1, $4  }
0x3b5: {  	[hbm4b:s8+s2] =	stream.linear.scatter [tilespmem:s13], [sflag:$0x1], $0x40, $0x38;
	[tilespmem:$0xA840] =	vst v63  }
0x3b6: {  	_ =	swait.ge [sflag:s10], $0x40  }
0x3b7: {  	[sflag:s10] =	ssyncset.done $0x0  }
0x3b8: {  	[sflag:s10] =	ssyncadd.s32 $0xFFFFFFC0  }
0x3b9: {  	_ =	sfence.sel $0x180000  }
0x3ba: {  	[bflag:$0x0] =	sbarrier.arrive $0xFFFF  }
0x3bb: {  	p0 =	sne.s32 s1, $0x0;
	_ =	strace $0x90000047  }
0x3bc: {  	s0 =	sadd.s32 @!p0 $0x100000, s0;
	[bflag:$0x2] =	sbarrier.arrive $0xFFFF  }
0x3bd: {  	[sflag:s0] =	ssyncadd.tile.s32 @!p0 $0x1;
	_ =	shalt  }
.Lfunc_end2:
_tile_overlayer_lowered:
.L_overlay_start_2:
0x3be: {  	(tag) =	ssettag $0x2  }
0x3bf: {  	s0 =	rddreg [dreg:$0x0];
	s2 =	stileid.u32  }
0x3c0: {  	s1 =	rddreg [dreg:$0x1];
	p0 =	sne.s32 s2, $0x0  }
0x3c1: {  	s3 =	rddreg [dreg:$0x2];
	[bflag:$0x3] =	sbarrier.arrive $0xFFFF;
	s2 =	simm.s32 @!p0 $0x1C01  }
0x3c2: {  	[timem:s3], [sflag:s2] =	dma.local @!p0 [hbm:s0], s1  }
0x3c3: {  	s0 =	simm.s32 @!p0 $0x1  }
0x3c4: {  	_ =	swait.ge @!p0 [sflag:s0], s1  }
0x3c5: {  	s1 =	ssub.s32 @!p0 $0x0, s1;
	[sflag:s0] =	ssyncset.done @!p0 $0x0  }
0x3c6: {  	[sflag:s0] =	ssyncadd.s32 @!p0 s1  }
0x3c7: {  	[bflag:$0x3] =	sbarrier.arrive $0xFFFF  }
0x3c8: {  	_ =	shalt  }

</sc_bundles>
